<compile_context>
chip_gen: v7x
topology: tpu7x:2x2x1
jax: 0.10.2.dev20260603
libtpu: 0.0.44.dev20260713+nightly
codegen_flags: <defaults>
</compile_context>

<pallas_src>
import functools

import jax
import jax.numpy as jnp
from jax import lax
from jax.experimental import pallas as pl
from jax.experimental.pallas import tpu as pltpu
from jax.experimental.pallas import tpu_sc as plsc

P = 262144
D = 64
NB = 3
NCLS = 5
NC = 2
NS = 16
L = 16
NW = NC * NS
PW = P // NW
C = 128
NCH = PW // C
G = C // L


def _sc_body(u_hbm, v_hbm, ui_hbm, vi_hbm, w_hbm, ws_hbm, out_hbm,
             ui_v, vi_v, u_rows, v_rows, wtmp_v, ws_v,
             b0_v, b1_v, b2_v, out_v, su, sv, so):
    wid = lax.axis_index("s") * NC + lax.axis_index("c")
    base = wid * PW

    pltpu.sync_copy(ui_hbm.at[pl.ds(base, PW)], ui_v)
    pltpu.sync_copy(vi_hbm.at[pl.ds(base, PW)], vi_v)

    pltpu.sync_copy(w_hbm, wtmp_v.at[pl.ds(0, NB * D)])
    pltpu.sync_copy(ws_hbm, wtmp_v.at[pl.ds(NB * D, L)])
    vec = wtmp_v[pl.ds(NB * D, L)]
    for j in range(NB * NCLS):
        ws_v[j] = vec[j]
    wv = [
        [wtmp_v[pl.ds(i * D + k * L, L)] for k in range(D // L)]
        for i in range(NB)
    ]

    lane = lax.iota(jnp.int32, L)
    zero = jnp.zeros((L,), jnp.int32)
    m15 = lane == (L - 1)
    colbufs = (b0_v, b1_v, b2_v)

    def start_in(g, b):
        pltpu.async_copy(
            u_hbm.at[ui_v.at[pl.ds(g * C, C)]], u_rows.at[b], su.at[b]
        )
        pltpu.async_copy(
            v_hbm.at[vi_v.at[pl.ds(g * C, C)]], v_rows.at[b], sv.at[b]
        )

    def wait_in(b):
        pltpu.make_async_copy(
            u_hbm.at[ui_v.at[pl.ds(0, C)]], u_rows.at[b], su.at[b]
        ).wait()
        pltpu.make_async_copy(
            v_hbm.at[vi_v.at[pl.ds(0, C)]], v_rows.at[b], sv.at[b]
        ).wait()

    def wait_out(b):
        pltpu.make_async_copy(
            out_v.at[b], out_hbm.at[:, pl.ds(base, C)], so.at[b]
        ).wait()

    def compute(gb, b):
        @plsc.parallel_loop(0, C, unroll=8)
        def pair_body(p):
            e = [
                u_rows[b, p, pl.ds(k * L, L)] * v_rows[b, p, pl.ds(k * L, L)]
                for k in range(D // L)
            ]
            pidx = zero + p
            for i in range(NB):
                t = e[0] * wv[i][0]
                for k in range(1, D // L):
                    t = t + e[k] * wv[i][k]
                s = plsc.cumsum(t)
                plsc.store_scatter(colbufs[i], [pidx], s, mask=m15)

        def grp_body(gr):
            acc = [colbufs[i][pl.ds(gr * L, L)] for i in range(NB)]
            logits = []
            for c in range(NCLS):
                lg = acc[0] * ws_v[c]
                for i in range(1, NB):
                    lg = lg + acc[i] * ws_v[i * NCLS + c]
                logits.append(lg)
            m = logits[0]
            for c in range(1, NCLS):
                m = jnp.maximum(m, logits[c])
            ex = [jnp.exp(lg - m) for lg in logits]
            s = ex[0]
            for c in range(1, NCLS):
                s = s + ex[c]
            inv = 1.0 / s
            for c in range(NCLS):
                out_v[b, c, pl.ds(gr * L, L)] = ex[c] * inv

        for gr in range(G):
            grp_body(gr)

    start_in(0, 0)

    def chunk2_body(g2, _):
        for b in (0, 1):
            gb = g2 * 2 + b

            @pl.when(gb + 1 < NCH)
            def _():
                start_in(gb + 1, 1 - b)

            wait_in(b)

            @pl.when(gb >= 2)
            def _():
                wait_out(b)

            compute(gb, b)
            pltpu.async_copy(
                out_v.at[b], out_hbm.at[:, pl.ds(base + gb * C, C)], so.at[b]
            )
        return _

    lax.fori_loop(0, NCH // 2, chunk2_body, None)
    wait_out(0)
    wait_out(1)


def kernel(u_features, v_features, u_indices, v_indices, weights, weights_scalars):
    w_flat = weights.reshape(-1)
    ws_flat = jnp.concatenate(
        [weights_scalars.reshape(-1), jnp.zeros((1,), jnp.float32)]
    )
    mesh = plsc.VectorSubcoreMesh(core_axis_name="c", subcore_axis_name="s")
    f = functools.partial(
        pl.kernel,
        mesh=mesh,
        out_type=jax.ShapeDtypeStruct((NCLS, P), jnp.float32),
        compiler_params=pltpu.CompilerParams(
            use_tc_tiling_on_sc=False, needs_layout_passes=False
        ),
        scratch_types=[
            pltpu.VMEM((PW,), jnp.int32),
            pltpu.VMEM((PW,), jnp.int32),
            pltpu.VMEM((2, C, D), jnp.float32),
            pltpu.VMEM((2, C, D), jnp.float32),
            pltpu.VMEM((NB * D + L,), jnp.float32),
            pltpu.SMEM((NB * NCLS,), jnp.float32),
            pltpu.VMEM((C,), jnp.float32),
            pltpu.VMEM((C,), jnp.float32),
            pltpu.VMEM((C,), jnp.float32),
            pltpu.VMEM((2, NCLS, C), jnp.float32),
            pltpu.SemaphoreType.DMA((2,)),
            pltpu.SemaphoreType.DMA((2,)),
            pltpu.SemaphoreType.DMA((2,)),
        ],
    )(_sc_body)
    out5 = f(u_features, v_features, u_indices, v_indices, w_flat, ws_flat)
    return out5.T

# --- scband reference (transcript-rebuilt; emitter-appended) ---
"""Pipeline reference for scband-bilinear-mixture-11424613008076 (READ-ONLY COPY).

The authoritative reference and input builder live on the scoring server;
editing this copy changes nothing except your own understanding.
"""

import jax, jax.numpy as jnp
import numpy as np

NUM_USERS = 100000
NUM_ITEMS = 100000
INPUT_DIM = 64
N_PAIRS = 262144
NUM_WEIGHTS = 3
NUM_CLASSES = 5


def setup_inputs(seed: int = 0) -> dict:
    key = jax.random.key(seed)
    k1, k2, k3, k4, k5, k6 = jax.random.split(key, 6)
    u_features = jax.random.normal(k1, (NUM_USERS, INPUT_DIM), dtype=jnp.float32)
    v_features = jax.random.normal(k2, (NUM_ITEMS, INPUT_DIM), dtype=jnp.float32)
    u_indices = jax.random.randint(k3, (N_PAIRS,), 0, NUM_USERS, dtype=jnp.int32)
    v_indices = jax.random.randint(k4, (N_PAIRS,), 0, NUM_ITEMS, dtype=jnp.int32)
    # weight_variable_random_uniform: uniform init scaled like glorot for [1, input_dim]
    init_range = np.sqrt(6.0 / (1 + INPUT_DIM))
    weights = jax.random.uniform(k5, (NUM_WEIGHTS, INPUT_DIM), minval=-init_range, maxval=init_range, dtype=jnp.float32)
    sc_range = np.sqrt(6.0 / (NUM_WEIGHTS + NUM_CLASSES))
    weights_scalars = jax.random.uniform(k6, (NUM_WEIGHTS, NUM_CLASSES), minval=-sc_range, maxval=sc_range, dtype=jnp.float32)
    return {
        'u_features': u_features,
        'v_features': v_features,
        'u_indices': u_indices,
        'v_indices': v_indices,
        'weights': weights,
        'weights_scalars': weights_scalars,
    }


def reference(u_features, v_features, u_indices, v_indices, weights, weights_scalars):
    # dropout = 0.0 -> identity
    u = jnp.take(u_features, u_indices, axis=0)  # [P, D] gather
    v = jnp.take(v_features, v_indices, axis=0)  # [P, D] gather
    basis_outputs = []
    for i in range(weights.shape[0]):
        # diagonal=True -> elementwise multiply with per-basis diagonal weight [1, D]
        u_w = u * weights[i][None, :]
        x = jnp.sum(u_w * v, axis=1)  # [P]
        basis_outputs.append(x)
    basis = jnp.stack(basis_outputs, axis=1)  # [P, num_weights]
    outputs = basis @ weights_scalars  # [P, num_classes]
    return jax.nn.softmax(outputs, axis=-1)

if __name__ == "__main__":
    import jax
    _d = setup_inputs()
    print(jax.jit(kernel)(*tuple(_d.values())))

</pallas_src>

<mosaic_0001>
#map = affine_map<(d0, d1) -> (0, 0)>
#map1 = affine_map<(d0, d1) -> (0)>
module attributes {stable_mosaic.version = 14 : i64} {
  func.func @_sc_body(%arg0: i32, %arg1: i32, %arg2: memref<100000x64xf32, #tpu.memory_space<hbm>>, %arg3: memref<100000x64xf32, #tpu.memory_space<hbm>>, %arg4: memref<262144xi32, #tpu.memory_space<hbm>>, %arg5: memref<262144xi32, #tpu.memory_space<hbm>>, %arg6: memref<192xf32, #tpu.memory_space<hbm>>, %arg7: memref<16xf32, #tpu.memory_space<hbm>>, %arg8: memref<5x262144xf32, #tpu.memory_space<hbm>>, %arg9: memref<8192xi32, #tpu.memory_space<vmem>>, %arg10: memref<8192xi32, #tpu.memory_space<vmem>>, %arg11: memref<2x128x64xf32, #tpu.memory_space<vmem>>, %arg12: memref<2x128x64xf32, #tpu.memory_space<vmem>>, %arg13: memref<208xf32, #tpu.memory_space<vmem>>, %arg14: memref<15xf32, #tpu.memory_space<smem>>, %arg15: memref<128xf32, #tpu.memory_space<vmem>>, %arg16: memref<128xf32, #tpu.memory_space<vmem>>, %arg17: memref<128xf32, #tpu.memory_space<vmem>>, %arg18: memref<2x5x128xf32, #tpu.memory_space<vmem>>, %arg19: memref<2x!tpu.dma_semaphore, #tpu.memory_space<semaphore_mem>>, %arg20: memref<2x!tpu.dma_semaphore, #tpu.memory_space<semaphore_mem>>, %arg21: memref<2x!tpu.dma_semaphore, #tpu.memory_space<semaphore_mem>>) attributes {dimension_semantics = [#tpu.dimension_semantics<core_parallel>, #tpu.dimension_semantics<subcore_parallel>], iteration_bounds = array<i64: 2, 16>, scalar_prefetch = 0 : i64, scratch_operands = 13 : i64, tpu.core_type = #tpu.core_type<sc_vector_subcore>, window_params = [{transform_indices = #map}, {transform_indices = #map}, {transform_indices = #map1}, {transform_indices = #map1}, {transform_indices = #map1}, {transform_indices = #map1}, {transform_indices = #map}]} {
    %mul3A = arith.constant 2 : i32
    %mul3A_0 = arith.muli %arg1, %mul3A : i32
    %add3A = arith.addi %mul3A_0, %arg0 : i32
    %mul3A_1 = arith.constant 8192 : i32
    %mul3A_2 = arith.muli %add3A, %mul3A_1 : i32
    "tpu.region"() ({
      %run_scoped3A = tpu.sem_alloc : memref<!tpu.dma_semaphore, #tpu.memory_space<semaphore_mem>>
      %dma_start3A_163 = tpu.memref_slice %arg4[%mul3A_2] : memref<262144xi32, #tpu.memory_space<hbm>> -> memref<8192xi32, #tpu.memory_space<hbm>>
      %dma_start3A_164 = tpu.memref_slice %arg4[%mul3A_2] : memref<262144xi32, #tpu.memory_space<hbm>> -> memref<8192xi32, #tpu.memory_space<hbm>>
      tpu.enqueue_dma source(%dma_start3A_164 : memref<8192xi32, #tpu.memory_space<hbm>>) target(%arg9 : memref<8192xi32, #tpu.memory_space<vmem>>) target_semaphore(%run_scoped3A : memref<!tpu.dma_semaphore, #tpu.memory_space<semaphore_mem>>)
      %dma_wait3A_165 = tpu.memref_slice %arg4[%mul3A_2] : memref<262144xi32, #tpu.memory_space<hbm>> -> memref<8192xi32, #tpu.memory_space<hbm>>
      %dma_wait3A_166 = tpu.memref_slice %arg4[%mul3A_2] : memref<262144xi32, #tpu.memory_space<hbm>> -> memref<8192xi32, #tpu.memory_space<hbm>>
      tpu.wait_dma2 semaphore(%run_scoped3A : memref<!tpu.dma_semaphore, #tpu.memory_space<semaphore_mem>>) src(%dma_wait3A_166 : memref<8192xi32, #tpu.memory_space<hbm>>) dst(%arg9 : memref<8192xi32, #tpu.memory_space<vmem>>)
      tpu.yield
    }) : () -> ()
    "tpu.region"() ({
      %run_scoped3A = tpu.sem_alloc : memref<!tpu.dma_semaphore, #tpu.memory_space<semaphore_mem>>
      %dma_start3A_163 = tpu.memref_slice %arg5[%mul3A_2] : memref<262144xi32, #tpu.memory_space<hbm>> -> memref<8192xi32, #tpu.memory_space<hbm>>
      %dma_start3A_164 = tpu.memref_slice %arg5[%mul3A_2] : memref<262144xi32, #tpu.memory_space<hbm>> -> memref<8192xi32, #tpu.memory_space<hbm>>
      tpu.enqueue_dma source(%dma_start3A_164 : memref<8192xi32, #tpu.memory_space<hbm>>) target(%arg10 : memref<8192xi32, #tpu.memory_space<vmem>>) target_semaphore(%run_scoped3A : memref<!tpu.dma_semaphore, #tpu.memory_space<semaphore_mem>>)
      %dma_wait3A_165 = tpu.memref_slice %arg5[%mul3A_2] : memref<262144xi32, #tpu.memory_space<hbm>> -> memref<8192xi32, #tpu.memory_space<hbm>>
      %dma_wait3A_166 = tpu.memref_slice %arg5[%mul3A_2] : memref<262144xi32, #tpu.memory_space<hbm>> -> memref<8192xi32, #tpu.memory_space<hbm>>
      tpu.wait_dma2 semaphore(%run_scoped3A : memref<!tpu.dma_semaphore, #tpu.memory_space<semaphore_mem>>) src(%dma_wait3A_166 : memref<8192xi32, #tpu.memory_space<hbm>>) dst(%arg10 : memref<8192xi32, #tpu.memory_space<vmem>>)
      tpu.yield
    }) : () -> ()
    "tpu.region"() ({
      %run_scoped3A = tpu.sem_alloc : memref<!tpu.dma_semaphore, #tpu.memory_space<semaphore_mem>>
      %dma_start3A_163 = arith.constant 0 : i32
      %dma_start3A_164 = tpu.memref_slice %arg13[%dma_start3A_163] : memref<208xf32, #tpu.memory_space<vmem>> -> memref<192xf32, #tpu.memory_space<vmem>>
      %dma_start3A_165 = arith.constant 0 : i32
      %dma_start3A_166 = tpu.memref_slice %arg13[%dma_start3A_165] : memref<208xf32, #tpu.memory_space<vmem>> -> memref<192xf32, #tpu.memory_space<vmem>>
      tpu.enqueue_dma source(%arg6 : memref<192xf32, #tpu.memory_space<hbm>>) target(%dma_start3A_166 : memref<192xf32, #tpu.memory_space<vmem>>) target_semaphore(%run_scoped3A : memref<!tpu.dma_semaphore, #tpu.memory_space<semaphore_mem>>)
      %dma_wait3A_167 = arith.constant 0 : i32
      %dma_wait3A_168 = tpu.memref_slice %arg13[%dma_wait3A_167] : memref<208xf32, #tpu.memory_space<vmem>> -> memref<192xf32, #tpu.memory_space<vmem>>
      %dma_wait3A_169 = arith.constant 0 : i32
      %dma_wait3A_170 = tpu.memref_slice %arg13[%dma_wait3A_169] : memref<208xf32, #tpu.memory_space<vmem>> -> memref<192xf32, #tpu.memory_space<vmem>>
      tpu.wait_dma2 semaphore(%run_scoped3A : memref<!tpu.dma_semaphore, #tpu.memory_space<semaphore_mem>>) src(%arg6 : memref<192xf32, #tpu.memory_space<hbm>>) dst(%dma_wait3A_170 : memref<192xf32, #tpu.memory_space<vmem>>)
      tpu.yield
    }) : () -> ()
    "tpu.region"() ({
      %run_scoped3A = tpu.sem_alloc : memref<!tpu.dma_semaphore, #tpu.memory_space<semaphore_mem>>
      %dma_start3A_163 = arith.constant 192 : i32
      %dma_start3A_164 = tpu.memref_slice %arg13[%dma_start3A_163] : memref<208xf32, #tpu.memory_space<vmem>> -> memref<16xf32, #tpu.memory_space<vmem>>
      %dma_start3A_165 = arith.constant 192 : i32
      %dma_start3A_166 = tpu.memref_slice %arg13[%dma_start3A_165] : memref<208xf32, #tpu.memory_space<vmem>> -> memref<16xf32, #tpu.memory_space<vmem>>
      tpu.enqueue_dma source(%arg7 : memref<16xf32, #tpu.memory_space<hbm>>) target(%dma_start3A_166 : memref<16xf32, #tpu.memory_space<vmem>>) target_semaphore(%run_scoped3A : memref<!tpu.dma_semaphore, #tpu.memory_space<semaphore_mem>>)
      %dma_wait3A_167 = arith.constant 192 : i32
      %dma_wait3A_168 = tpu.memref_slice %arg13[%dma_wait3A_167] : memref<208xf32, #tpu.memory_space<vmem>> -> memref<16xf32, #tpu.memory_space<vmem>>
      %dma_wait3A_169 = arith.constant 192 : i32
      %dma_wait3A_170 = tpu.memref_slice %arg13[%dma_wait3A_169] : memref<208xf32, #tpu.memory_space<vmem>> -> memref<16xf32, #tpu.memory_space<vmem>>
      tpu.wait_dma2 semaphore(%run_scoped3A : memref<!tpu.dma_semaphore, #tpu.memory_space<semaphore_mem>>) src(%arg7 : memref<16xf32, #tpu.memory_space<hbm>>) dst(%dma_wait3A_170 : memref<16xf32, #tpu.memory_space<vmem>>)
      tpu.yield
    }) : () -> ()
    %get3A = arith.constant 192 : index
    %get3A_3 = tpu.vector_load %arg13[%get3A] {strides = array<i32>} : memref<208xf32, #tpu.memory_space<vmem>>, vector<16xf32>,
    %slice3A = vector.extract_strided_slice %get3A_3 {offsets = [0], sizes = [1], strides = [1]} : vector<16xf32> to vector<1xf32>
    %squeeze3A = vector.extract %slice3A[0] : f32 from vector<1xf32>
    %swap3A = arith.constant 0 : i32
    %swap3A_4 = arith.index_cast %swap3A : i32 to index
    %swap3A_5 = memref.load %arg14[%swap3A_4] : memref<15xf32, #tpu.memory_space<smem>>
    memref.store %squeeze3A, %arg14[%swap3A_4] : memref<15xf32, #tpu.memory_space<smem>>
    %slice3A_6 = vector.extract_strided_slice %get3A_3 {offsets = [1], sizes = [1], strides = [1]} : vector<16xf32> to vector<1xf32>
    %squeeze3A_7 = vector.extract %slice3A_6[0] : f32 from vector<1xf32>
    %swap3A_8 = arith.constant 1 : i32
    %swap3A_9 = arith.index_cast %swap3A_8 : i32 to index
    %swap3A_10 = memref.load %arg14[%swap3A_9] : memref<15xf32, #tpu.memory_space<smem>>
    memref.store %squeeze3A_7, %arg14[%swap3A_9] : memref<15xf32, #tpu.memory_space<smem>>
    %slice3A_11 = vector.extract_strided_slice %get3A_3 {offsets = [2], sizes = [1], strides = [1]} : vector<16xf32> to vector<1xf32>
    %squeeze3A_12 = vector.extract %slice3A_11[0] : f32 from vector<1xf32>
    %swap3A_13 = arith.constant 2 : i32
    %swap3A_14 = arith.index_cast %swap3A_13 : i32 to index
    %swap3A_15 = memref.load %arg14[%swap3A_14] : memref<15xf32, #tpu.memory_space<smem>>
    memref.store %squeeze3A_12, %arg14[%swap3A_14] : memref<15xf32, #tpu.memory_space<smem>>
    %slice3A_16 = vector.extract_strided_slice %get3A_3 {offsets = [3], sizes = [1], strides = [1]} : vector<16xf32> to vector<1xf32>
    %squeeze3A_17 = vector.extract %slice3A_16[0] : f32 from vector<1xf32>
    %swap3A_18 = arith.constant 3 : i32
    %swap3A_19 = arith.index_cast %swap3A_18 : i32 to index
    %swap3A_20 = memref.load %arg14[%swap3A_19] : memref<15xf32, #tpu.memory_space<smem>>
    memref.store %squeeze3A_17, %arg14[%swap3A_19] : memref<15xf32, #tpu.memory_space<smem>>
    %slice3A_21 = vector.extract_strided_slice %get3A_3 {offsets = [4], sizes = [1], strides = [1]} : vector<16xf32> to vector<1xf32>
    %squeeze3A_22 = vector.extract %slice3A_21[0] : f32 from vector<1xf32>
    %swap3A_23 = arith.constant 4 : i32
    %swap3A_24 = arith.index_cast %swap3A_23 : i32 to index
    %swap3A_25 = memref.load %arg14[%swap3A_24] : memref<15xf32, #tpu.memory_space<smem>>
    memref.store %squeeze3A_22, %arg14[%swap3A_24] : memref<15xf32, #tpu.memory_space<smem>>
    %slice3A_26 = vector.extract_strided_slice %get3A_3 {offsets = [5], sizes = [1], strides = [1]} : vector<16xf32> to vector<1xf32>
    %squeeze3A_27 = vector.extract %slice3A_26[0] : f32 from vector<1xf32>
    %swap3A_28 = arith.constant 5 : i32
    %swap3A_29 = arith.index_cast %swap3A_28 : i32 to index
    %swap3A_30 = memref.load %arg14[%swap3A_29] : memref<15xf32, #tpu.memory_space<smem>>
    memref.store %squeeze3A_27, %arg14[%swap3A_29] : memref<15xf32, #tpu.memory_space<smem>>
    %slice3A_31 = vector.extract_strided_slice %get3A_3 {offsets = [6], sizes = [1], strides = [1]} : vector<16xf32> to vector<1xf32>
    %squeeze3A_32 = vector.extract %slice3A_31[0] : f32 from vector<1xf32>
    %swap3A_33 = arith.constant 6 : i32
    %swap3A_34 = arith.index_cast %swap3A_33 : i32 to index
    %swap3A_35 = memref.load %arg14[%swap3A_34] : memref<15xf32, #tpu.memory_space<smem>>
    memref.store %squeeze3A_32, %arg14[%swap3A_34] : memref<15xf32, #tpu.memory_space<smem>>
    %slice3A_36 = vector.extract_strided_slice %get3A_3 {offsets = [7], sizes = [1], strides = [1]} : vector<16xf32> to vector<1xf32>
    %squeeze3A_37 = vector.extract %slice3A_36[0] : f32 from vector<1xf32>
    %swap3A_38 = arith.constant 7 : i32
    %swap3A_39 = arith.index_cast %swap3A_38 : i32 to index
    %swap3A_40 = memref.load %arg14[%swap3A_39] : memref<15xf32, #tpu.memory_space<smem>>
    memref.store %squeeze3A_37, %arg14[%swap3A_39] : memref<15xf32, #tpu.memory_space<smem>>
    %slice3A_41 = vector.extract_strided_slice %get3A_3 {offsets = [8], sizes = [1], strides = [1]} : vector<16xf32> to vector<1xf32>
    %squeeze3A_42 = vector.extract %slice3A_41[0] : f32 from vector<1xf32>
    %swap3A_43 = arith.constant 8 : i32
    %swap3A_44 = arith.index_cast %swap3A_43 : i32 to index
    %swap3A_45 = memref.load %arg14[%swap3A_44] : memref<15xf32, #tpu.memory_space<smem>>
    memref.store %squeeze3A_42, %arg14[%swap3A_44] : memref<15xf32, #tpu.memory_space<smem>>
    %slice3A_46 = vector.extract_strided_slice %get3A_3 {offsets = [9], sizes = [1], strides = [1]} : vector<16xf32> to vector<1xf32>
    %squeeze3A_47 = vector.extract %slice3A_46[0] : f32 from vector<1xf32>
    %swap3A_48 = arith.constant 9 : i32
    %swap3A_49 = arith.index_cast %swap3A_48 : i32 to index
    %swap3A_50 = memref.load %arg14[%swap3A_49] : memref<15xf32, #tpu.memory_space<smem>>
    memref.store %squeeze3A_47, %arg14[%swap3A_49] : memref<15xf32, #tpu.memory_space<smem>>
    %slice3A_51 = vector.extract_strided_slice %get3A_3 {offsets = [10], sizes = [1], strides = [1]} : vector<16xf32> to vector<1xf32>
    %squeeze3A_52 = vector.extract %slice3A_51[0] : f32 from vector<1xf32>
    %swap3A_53 = arith.constant 10 : i32
    %swap3A_54 = arith.index_cast %swap3A_53 : i32 to index
    %swap3A_55 = memref.load %arg14[%swap3A_54] : memref<15xf32, #tpu.memory_space<smem>>
    memref.store %squeeze3A_52, %arg14[%swap3A_54] : memref<15xf32, #tpu.memory_space<smem>>
    %slice3A_56 = vector.extract_strided_slice %get3A_3 {offsets = [11], sizes = [1], strides = [1]} : vector<16xf32> to vector<1xf32>
    %squeeze3A_57 = vector.extract %slice3A_56[0] : f32 from vector<1xf32>
    %swap3A_58 = arith.constant 11 : i32
    %swap3A_59 = arith.index_cast %swap3A_58 : i32 to index
    %swap3A_60 = memref.load %arg14[%swap3A_59] : memref<15xf32, #tpu.memory_space<smem>>
    memref.store %squeeze3A_57, %arg14[%swap3A_59] : memref<15xf32, #tpu.memory_space<smem>>
    %slice3A_61 = vector.extract_strided_slice %get3A_3 {offsets = [12], sizes = [1], strides = [1]} : vector<16xf32> to vector<1xf32>
    %squeeze3A_62 = vector.extract %slice3A_61[0] : f32 from vector<1xf32>
    %swap3A_63 = arith.constant 12 : i32
    %swap3A_64 = arith.index_cast %swap3A_63 : i32 to index
    %swap3A_65 = memref.load %arg14[%swap3A_64] : memref<15xf32, #tpu.memory_space<smem>>
    memref.store %squeeze3A_62, %arg14[%swap3A_64] : memref<15xf32, #tpu.memory_space<smem>>
    %slice3A_66 = vector.extract_strided_slice %get3A_3 {offsets = [13], sizes = [1], strides = [1]} : vector<16xf32> to vector<1xf32>
    %squeeze3A_67 = vector.extract %slice3A_66[0] : f32 from vector<1xf32>
    %swap3A_68 = arith.constant 13 : i32
    %swap3A_69 = arith.index_cast %swap3A_68 : i32 to index
    %swap3A_70 = memref.load %arg14[%swap3A_69] : memref<15xf32, #tpu.memory_space<smem>>
    memref.store %squeeze3A_67, %arg14[%swap3A_69] : memref<15xf32, #tpu.memory_space<smem>>
    %slice3A_71 = vector.extract_strided_slice %get3A_3 {offsets = [14], sizes = [1], strides = [1]} : vector<16xf32> to vector<1xf32>
    %squeeze3A_72 = vector.extract %slice3A_71[0] : f32 from vector<1xf32>
    %swap3A_73 = arith.constant 14 : i32
    %swap3A_74 = arith.index_cast %swap3A_73 : i32 to index
    %swap3A_75 = memref.load %arg14[%swap3A_74] : memref<15xf32, #tpu.memory_space<smem>>
    memref.store %squeeze3A_72, %arg14[%swap3A_74] : memref<15xf32, #tpu.memory_space<smem>>
    %get3A_76 = arith.constant 0 : index
    %get3A_77 = tpu.vector_load %arg13[%get3A_76] {strides = array<i32>} : memref<208xf32, #tpu.memory_space<vmem>>, vector<16xf32>,
    %get3A_78 = arith.constant 16 : index
    %get3A_79 = tpu.vector_load %arg13[%get3A_78] {strides = array<i32>} : memref<208xf32, #tpu.memory_space<vmem>>, vector<16xf32>,
    %get3A_80 = arith.constant 32 : index
    %get3A_81 = tpu.vector_load %arg13[%get3A_80] {strides = array<i32>} : memref<208xf32, #tpu.memory_space<vmem>>, vector<16xf32>,
    %get3A_82 = arith.constant 48 : index
    %get3A_83 = tpu.vector_load %arg13[%get3A_82] {strides = array<i32>} : memref<208xf32, #tpu.memory_space<vmem>>, vector<16xf32>,
    %get3A_84 = arith.constant 64 : index
    %get3A_85 = tpu.vector_load %arg13[%get3A_84] {strides = array<i32>} : memref<208xf32, #tpu.memory_space<vmem>>, vector<16xf32>,
    %get3A_86 = arith.constant 80 : index
    %get3A_87 = tpu.vector_load %arg13[%get3A_86] {strides = array<i32>} : memref<208xf32, #tpu.memory_space<vmem>>, vector<16xf32>,
    %get3A_88 = arith.constant 96 : index
    %get3A_89 = tpu.vector_load %arg13[%get3A_88] {strides = array<i32>} : memref<208xf32, #tpu.memory_space<vmem>>, vector<16xf32>,
    %get3A_90 = arith.constant 112 : index
    %get3A_91 = tpu.vector_load %arg13[%get3A_90] {strides = array<i32>} : memref<208xf32, #tpu.memory_space<vmem>>, vector<16xf32>,
    %get3A_92 = arith.constant 128 : index
    %get3A_93 = tpu.vector_load %arg13[%get3A_92] {strides = array<i32>} : memref<208xf32, #tpu.memory_space<vmem>>, vector<16xf32>,
    %get3A_94 = arith.constant 144 : index
    %get3A_95 = tpu.vector_load %arg13[%get3A_94] {strides = array<i32>} : memref<208xf32, #tpu.memory_space<vmem>>, vector<16xf32>,
    %get3A_96 = arith.constant 160 : index
    %get3A_97 = tpu.vector_load %arg13[%get3A_96] {strides = array<i32>} : memref<208xf32, #tpu.memory_space<vmem>>, vector<16xf32>,
    %get3A_98 = arith.constant 176 : index
    %get3A_99 = tpu.vector_load %arg13[%get3A_98] {strides = array<i32>} : memref<208xf32, #tpu.memory_space<vmem>>, vector<16xf32>,
    %iota3A = tpu.iota {dimensions = array<i32: 0>} : vector<16xi32>
    %broadcast_in_dim3A = arith.constant 0 : i32
    %broadcast_in_dim3A_100 = vector.broadcast %broadcast_in_dim3A : i32 to vector<16xi32>
    %eq3A = arith.constant 15 : i32
    %eq3A_101 = vector.broadcast %eq3A : i32 to vector<16xi32>
    %eq3A_102 = arith.cmpi eq, %iota3A, %eq3A_101 : vector<16xi32>
    %dma_start3A = arith.constant 0 : i32
    %dma_start3A_103 = arith.constant 0 : i32
    %dma_start3A_104 = arith.constant 0 : i32
    %dma_start3A_105 = arith.constant 0 : i32
    %dma_start3A_106 = tpu.memref_slice %arg11[%dma_start3A, %dma_start3A_104, %dma_start3A_105] : memref<2x128x64xf32, #tpu.memory_space<vmem>> -> memref<1x128x64xf32, #tpu.memory_space<vmem>>
    %dma_start3A_107 = tpu.memref_squeeze %dma_start3A_106 : memref<1x128x64xf32, #tpu.memory_space<vmem>> -> memref<128x64xf32, #tpu.memory_space<vmem>>
    %dma_start3A_108 = arith.constant 0 : i32
    %dma_start3A_109 = tpu.memref_slice %arg9[%dma_start3A_108] : memref<8192xi32, #tpu.memory_space<vmem>> -> memref<128xi32, #tpu.memory_space<vmem>>
    %dma_start3A_110 = arith.constant 0 : i32
    %dma_start3A_111 = arith.constant 0 : i32
    %dma_start3A_112 = tpu.memref_slice %arg2[%dma_start3A_110, %dma_start3A_111] : memref<100000x64xf32, #tpu.memory_space<hbm>> -> memref<100000x64xf32, #tpu.memory_space<hbm>>
    %dma_start3A_113 = tpu.memref_slice %arg19[%dma_start3A_103] : memref<2x!tpu.dma_semaphore, #tpu.memory_space<semaphore_mem>> -> memref<1x!tpu.dma_semaphore, #tpu.memory_space<semaphore_mem>>
    %dma_start3A_114 = tpu.memref_squeeze %dma_start3A_113 : memref<1x!tpu.dma_semaphore, #tpu.memory_space<semaphore_mem>> -> memref<!tpu.dma_semaphore, #tpu.memory_space<semaphore_mem>>
    tpu.enqueue_indirect_dma source(%dma_start3A_112 : memref<100000x64xf32, #tpu.memory_space<hbm>>) target(%dma_start3A_107 : memref<128x64xf32, #tpu.memory_space<vmem>>) offsets(%dma_start3A_109 : memref<128xi32, #tpu.memory_space<vmem>>) semaphore(%dma_start3A_114 : memref<!tpu.dma_semaphore, #tpu.memory_space<semaphore_mem>>)
    %dma_start3A_115 = arith.constant 0 : i32
    %dma_start3A_116 = arith.constant 0 : i32
    %dma_start3A_117 = arith.constant 0 : i32
    %dma_start3A_118 = arith.constant 0 : i32
    %dma_start3A_119 = tpu.memref_slice %arg12[%dma_start3A_115, %dma_start3A_117, %dma_start3A_118] : memref<2x128x64xf32, #tpu.memory_space<vmem>> -> memref<1x128x64xf32, #tpu.memory_space<vmem>>
    %dma_start3A_120 = tpu.memref_squeeze %dma_start3A_119 : memref<1x128x64xf32, #tpu.memory_space<vmem>> -> memref<128x64xf32, #tpu.memory_space<vmem>>
    %dma_start3A_121 = arith.constant 0 : i32
    %dma_start3A_122 = tpu.memref_slice %arg10[%dma_start3A_121] : memref<8192xi32, #tpu.memory_space<vmem>> -> memref<128xi32, #tpu.memory_space<vmem>>
    %dma_start3A_123 = arith.constant 0 : i32
    %dma_start3A_124 = arith.constant 0 : i32
    %dma_start3A_125 = tpu.memref_slice %arg3[%dma_start3A_123, %dma_start3A_124] : memref<100000x64xf32, #tpu.memory_space<hbm>> -> memref<100000x64xf32, #tpu.memory_space<hbm>>
    %dma_start3A_126 = tpu.memref_slice %arg20[%dma_start3A_116] : memref<2x!tpu.dma_semaphore, #tpu.memory_space<semaphore_mem>> -> memref<1x!tpu.dma_semaphore, #tpu.memory_space<semaphore_mem>>
    %dma_start3A_127 = tpu.memref_squeeze %dma_start3A_126 : memref<1x!tpu.dma_semaphore, #tpu.memory_space<semaphore_mem>> -> memref<!tpu.dma_semaphore, #tpu.memory_space<semaphore_mem>>
    tpu.enqueue_indirect_dma source(%dma_start3A_125 : memref<100000x64xf32, #tpu.memory_space<hbm>>) target(%dma_start3A_120 : memref<128x64xf32, #tpu.memory_space<vmem>>) offsets(%dma_start3A_122 : memref<128xi32, #tpu.memory_space<vmem>>) semaphore(%dma_start3A_127 : memref<!tpu.dma_semaphore, #tpu.memory_space<semaphore_mem>>)
    %scan3A = arith.constant 0 : i32
    %scan3A_128 = arith.constant 32 : i32
    %scan3A_129 = arith.addi %scan3A, %scan3A_128 : i32
    %scan3A_130 = arith.constant 1 : i32
    scf.for %scan3A_163 = %scan3A to %scan3A_129 step %scan3A_130  : i32 {
      %mul3A_164 = arith.constant 2 : i32
      %mul3A_165 = arith.muli %scan3A_163, %mul3A_164 : i32
      %add3A_166 = arith.constant 0 : i32
      %add3A_167 = arith.addi %mul3A_165, %add3A_166 : i32
      %add3A_168 = arith.constant 1 : i32
      %add3A_169 = arith.addi %add3A_167, %add3A_168 : i32
      %lt3A = arith.constant 64 : i32
      %lt3A_170 = arith.cmpi slt, %add3A_169, %lt3A : i32
      %convert_element_type3A = arith.extui %lt3A_170 : i1 to i32
      %cond3A = arith.constant 0 : i32
      %cond3A_171 = arith.cmpi ne, %convert_element_type3A, %cond3A : i32
      scf.if %cond3A_171 {
        %add3A_2635 = arith.constant 1 : i32
        %add3A_2636 = arith.addi %add3A_167, %add3A_2635 : i32
        %mul3A_2637 = arith.constant 128 : i32
        %mul3A_2638 = arith.muli %add3A_2636, %mul3A_2637 : i32
        %dma_start3A_2639 = arith.constant 1 : i32
        %dma_start3A_2640 = arith.constant 1 : i32
        %dma_start3A_2641 = arith.constant 0 : i32
        %dma_start3A_2642 = arith.constant 0 : i32
        %dma_start3A_2643 = tpu.memref_slice %arg11[%dma_start3A_2639, %dma_start3A_2641, %dma_start3A_2642] : memref<2x128x64xf32, #tpu.memory_space<vmem>> -> memref<1x128x64xf32, #tpu.memory_space<vmem>>
        %dma_start3A_2644 = tpu.memref_squeeze %dma_start3A_2643 : memref<1x128x64xf32, #tpu.memory_space<vmem>> -> memref<128x64xf32, #tpu.memory_space<vmem>>
        %dma_start3A_2645 = tpu.memref_slice %arg9[%mul3A_2638] : memref<8192xi32, #tpu.memory_space<vmem>> -> memref<128xi32, #tpu.memory_space<vmem>>
        %dma_start3A_2646 = arith.constant 0 : i32
        %dma_start3A_2647 = arith.constant 0 : i32
        %dma_start3A_2648 = tpu.memref_slice %arg2[%dma_start3A_2646, %dma_start3A_2647] : memref<100000x64xf32, #tpu.memory_space<hbm>> -> memref<100000x64xf32, #tpu.memory_space<hbm>>
        %dma_start3A_2649 = tpu.memref_slice %arg19[%dma_start3A_2640] : memref<2x!tpu.dma_semaphore, #tpu.memory_space<semaphore_mem>> -> memref<1x!tpu.dma_semaphore, #tpu.memory_space<semaphore_mem>>
        %dma_start3A_2650 = tpu.memref_squeeze %dma_start3A_2649 : memref<1x!tpu.dma_semaphore, #tpu.memory_space<semaphore_mem>> -> memref<!tpu.dma_semaphore, #tpu.memory_space<semaphore_mem>>
        tpu.enqueue_indirect_dma source(%dma_start3A_2648 : memref<100000x64xf32, #tpu.memory_space<hbm>>) target(%dma_start3A_2644 : memref<128x64xf32, #tpu.memory_space<vmem>>) offsets(%dma_start3A_2645 : memref<128xi32, #tpu.memory_space<vmem>>) semaphore(%dma_start3A_2650 : memref<!tpu.dma_semaphore, #tpu.memory_space<semaphore_mem>>)
        %mul3A_2651 = arith.constant 128 : i32
        %mul3A_2652 = arith.muli %add3A_2636, %mul3A_2651 : i32
        %dma_start3A_2653 = arith.constant 1 : i32
        %dma_start3A_2654 = arith.constant 1 : i32
        %dma_start3A_2655 = arith.constant 0 : i32
        %dma_start3A_2656 = arith.constant 0 : i32
        %dma_start3A_2657 = tpu.memref_slice %arg12[%dma_start3A_2653, %dma_start3A_2655, %dma_start3A_2656] : memref<2x128x64xf32, #tpu.memory_space<vmem>> -> memref<1x128x64xf32, #tpu.memory_space<vmem>>
        %dma_start3A_2658 = tpu.memref_squeeze %dma_start3A_2657 : memref<1x128x64xf32, #tpu.memory_space<vmem>> -> memref<128x64xf32, #tpu.memory_space<vmem>>
        %dma_start3A_2659 = tpu.memref_slice %arg10[%mul3A_2652] : memref<8192xi32, #tpu.memory_space<vmem>> -> memref<128xi32, #tpu.memory_space<vmem>>
        %dma_start3A_2660 = arith.constant 0 : i32
        %dma_start3A_2661 = arith.constant 0 : i32
        %dma_start3A_2662 = tpu.memref_slice %arg3[%dma_start3A_2660, %dma_start3A_2661] : memref<100000x64xf32, #tpu.memory_space<hbm>> -> memref<100000x64xf32, #tpu.memory_space<hbm>>
        %dma_start3A_2663 = tpu.memref_slice %arg20[%dma_start3A_2654] : memref<2x!tpu.dma_semaphore, #tpu.memory_space<semaphore_mem>> -> memref<1x!tpu.dma_semaphore, #tpu.memory_space<semaphore_mem>>
        %dma_start3A_2664 = tpu.memref_squeeze %dma_start3A_2663 : memref<1x!tpu.dma_semaphore, #tpu.memory_space<semaphore_mem>> -> memref<!tpu.dma_semaphore, #tpu.memory_space<semaphore_mem>>
        tpu.enqueue_indirect_dma source(%dma_start3A_2662 : memref<100000x64xf32, #tpu.memory_space<hbm>>) target(%dma_start3A_2658 : memref<128x64xf32, #tpu.memory_space<vmem>>) offsets(%dma_start3A_2659 : memref<128xi32, #tpu.memory_space<vmem>>) semaphore(%dma_start3A_2664 : memref<!tpu.dma_semaphore, #tpu.memory_space<semaphore_mem>>)
      } else {
      }
      %dma_wait3A_172 = arith.constant 0 : i32
      %dma_wait3A_173 = arith.constant 0 : i32
      %dma_wait3A_174 = arith.constant 0 : i32
      %dma_wait3A_175 = arith.constant 0 : i32
      %dma_wait3A_176 = tpu.memref_slice %arg11[%dma_wait3A_172, %dma_wait3A_174, %dma_wait3A_175] : memref<2x128x64xf32, #tpu.memory_space<vmem>> -> memref<1x128x64xf32, #tpu.memory_space<vmem>>
      %dma_wait3A_177 = tpu.memref_squeeze %dma_wait3A_176 : memref<1x128x64xf32, #tpu.memory_space<vmem>> -> memref<128x64xf32, #tpu.memory_space<vmem>>
      %dma_wait3A_178 = arith.constant 0 : i32
      %dma_wait3A_179 = tpu.memref_slice %arg9[%dma_wait3A_178] : memref<8192xi32, #tpu.memory_space<vmem>> -> memref<128xi32, #tpu.memory_space<vmem>>
      %dma_wait3A_180 = arith.constant 0 : i32
      %dma_wait3A_181 = arith.constant 0 : i32
      %dma_wait3A_182 = tpu.memref_slice %arg2[%dma_wait3A_180, %dma_wait3A_181] : memref<100000x64xf32, #tpu.memory_space<hbm>> -> memref<100000x64xf32, #tpu.memory_space<hbm>>
      %dma_wait3A_183 = tpu.memref_slice %arg19[%dma_wait3A_173] : memref<2x!tpu.dma_semaphore, #tpu.memory_space<semaphore_mem>> -> memref<1x!tpu.dma_semaphore, #tpu.memory_space<semaphore_mem>>
      %dma_wait3A_184 = tpu.memref_squeeze %dma_wait3A_183 : memref<1x!tpu.dma_semaphore, #tpu.memory_space<semaphore_mem>> -> memref<!tpu.dma_semaphore, #tpu.memory_space<semaphore_mem>>
      tpu.wait_indirect_dma semaphore(%dma_wait3A_184 : memref<!tpu.dma_semaphore, #tpu.memory_space<semaphore_mem>>) src(%dma_wait3A_182 : memref<100000x64xf32, #tpu.memory_space<hbm>>) dst(%dma_wait3A_177 : memref<128x64xf32, #tpu.memory_space<vmem>>)
      %dma_wait3A_185 = arith.constant 0 : i32
      %dma_wait3A_186 = arith.constant 0 : i32
      %dma_wait3A_187 = arith.constant 0 : i32
      %dma_wait3A_188 = arith.constant 0 : i32
      %dma_wait3A_189 = tpu.memref_slice %arg12[%dma_wait3A_185, %dma_wait3A_187, %dma_wait3A_188] : memref<2x128x64xf32, #tpu.memory_space<vmem>> -> memref<1x128x64xf32, #tpu.memory_space<vmem>>
      %dma_wait3A_190 = tpu.memref_squeeze %dma_wait3A_189 : memref<1x128x64xf32, #tpu.memory_space<vmem>> -> memref<128x64xf32, #tpu.memory_space<vmem>>
      %dma_wait3A_191 = arith.constant 0 : i32
      %dma_wait3A_192 = tpu.memref_slice %arg10[%dma_wait3A_191] : memref<8192xi32, #tpu.memory_space<vmem>> -> memref<128xi32, #tpu.memory_space<vmem>>
      %dma_wait3A_193 = arith.constant 0 : i32
      %dma_wait3A_194 = arith.constant 0 : i32
      %dma_wait3A_195 = tpu.memref_slice %arg3[%dma_wait3A_193, %dma_wait3A_194] : memref<100000x64xf32, #tpu.memory_space<hbm>> -> memref<100000x64xf32, #tpu.memory_space<hbm>>
      %dma_wait3A_196 = tpu.memref_slice %arg20[%dma_wait3A_186] : memref<2x!tpu.dma_semaphore, #tpu.memory_space<semaphore_mem>> -> memref<1x!tpu.dma_semaphore, #tpu.memory_space<semaphore_mem>>
      %dma_wait3A_197 = tpu.memref_squeeze %dma_wait3A_196 : memref<1x!tpu.dma_semaphore, #tpu.memory_space<semaphore_mem>> -> memref<!tpu.dma_semaphore, #tpu.memory_space<semaphore_mem>>
      tpu.wait_indirect_dma semaphore(%dma_wait3A_197 : memref<!tpu.dma_semaphore, #tpu.memory_space<semaphore_mem>>) src(%dma_wait3A_195 : memref<100000x64xf32, #tpu.memory_space<hbm>>) dst(%dma_wait3A_190 : memref<128x64xf32, #tpu.memory_space<vmem>>)
      %ge3A = arith.constant 2 : i32
      %ge3A_198 = arith.cmpi sge, %add3A_167, %ge3A : i32
      %convert_element_type3A_199 = arith.extui %ge3A_198 : i1 to i32
      %cond3A_200 = arith.constant 0 : i32
      %cond3A_201 = arith.cmpi ne, %convert_element_type3A_199, %cond3A_200 : i32
      scf.if %cond3A_201 {
        %dma_wait3A_2635 = arith.constant 0 : i32
        %dma_wait3A_2636 = arith.constant 0 : i32
        %dma_wait3A_2637 = arith.constant 0 : i32
        %dma_wait3A_2638 = arith.constant 0 : i32
        %dma_wait3A_2639 = tpu.memref_slice %arg18[%dma_wait3A_2635, %dma_wait3A_2637, %dma_wait3A_2638] : memref<2x5x128xf32, #tpu.memory_space<vmem>> -> memref<1x5x128xf32, #tpu.memory_space<vmem>>
        %dma_wait3A_2640 = tpu.memref_squeeze %dma_wait3A_2639 : memref<1x5x128xf32, #tpu.memory_space<vmem>> -> memref<5x128xf32, #tpu.memory_space<vmem>>
        %dma_wait3A_2641 = arith.constant 0 : i32
        %dma_wait3A_2642 = tpu.memref_slice %arg8[%dma_wait3A_2641, %mul3A_2] : memref<5x262144xf32, #tpu.memory_space<hbm>> -> memref<5x128xf32, #tpu.memory_space<hbm>>
        %dma_wait3A_2643 = tpu.memref_slice %arg21[%dma_wait3A_2636] : memref<2x!tpu.dma_semaphore, #tpu.memory_space<semaphore_mem>> -> memref<1x!tpu.dma_semaphore, #tpu.memory_space<semaphore_mem>>
        %dma_wait3A_2644 = tpu.memref_squeeze %dma_wait3A_2643 : memref<1x!tpu.dma_semaphore, #tpu.memory_space<semaphore_mem>> -> memref<!tpu.dma_semaphore, #tpu.memory_space<semaphore_mem>>
        %dma_wait3A_2645 = arith.constant 0 : i32
        %dma_wait3A_2646 = tpu.memref_slice %arg8[%dma_wait3A_2645, %mul3A_2] : memref<5x262144xf32, #tpu.memory_space<hbm>> -> memref<5x128xf32, #tpu.memory_space<hbm>>
        %dma_wait3A_2647 = arith.constant 0 : i32
        %dma_wait3A_2648 = arith.constant 0 : i32
        %dma_wait3A_2649 = tpu.memref_slice %arg18[%dma_wait3A_2635, %dma_wait3A_2647, %dma_wait3A_2648] : memref<2x5x128xf32, #tpu.memory_space<vmem>> -> memref<1x5x128xf32, #tpu.memory_space<vmem>>
        %dma_wait3A_2650 = tpu.memref_squeeze %dma_wait3A_2649 : memref<1x5x128xf32, #tpu.memory_space<vmem>> -> memref<5x128xf32, #tpu.memory_space<vmem>>
        tpu.wait_dma2 semaphore(%dma_wait3A_2644 : memref<!tpu.dma_semaphore, #tpu.memory_space<semaphore_mem>>) src(%dma_wait3A_2650 : memref<5x128xf32, #tpu.memory_space<vmem>>) dst(%dma_wait3A_2646 : memref<5x128xf32, #tpu.memory_space<hbm>>)
      } else {
      }
      %parallel_loop3A = arith.constant 0 : i32
      %parallel_loop3A_202 = arith.constant 128 : i32
      %parallel_loop3A_203 = arith.constant 1 : i32
      scf.for %parallel_loop3A_2635 = %parallel_loop3A to %parallel_loop3A_202 step %parallel_loop3A_203  : i32 {
        %parallel_loop3A_2636 = arith.constant 0 : i32
        %parallel_loop3A_2637 = arith.index_cast %parallel_loop3A_2636 : i32 to index
        %parallel_loop3A_2638 = arith.index_cast %parallel_loop3A_2635 : i32 to index
        %parallel_loop3A_2639 = arith.constant 0 : index
        %parallel_loop3A_2640 = tpu.vector_load %arg11[%parallel_loop3A_2637, %parallel_loop3A_2638, %parallel_loop3A_2639] {strides = array<i32>} : memref<2x128x64xf32, #tpu.memory_space<vmem>>, vector<16xf32>,
        %parallel_loop3A_2641 = arith.constant 0 : i32
        %parallel_loop3A_2642 = arith.index_cast %parallel_loop3A_2641 : i32 to index
        %parallel_loop3A_2643 = arith.index_cast %parallel_loop3A_2635 : i32 to index
        %parallel_loop3A_2644 = arith.constant 0 : index
        %parallel_loop3A_2645 = tpu.vector_load %arg12[%parallel_loop3A_2642, %parallel_loop3A_2643, %parallel_loop3A_2644] {strides = array<i32>} : memref<2x128x64xf32, #tpu.memory_space<vmem>>, vector<16xf32>,
        %parallel_loop3A_2646 = arith.mulf %parallel_loop3A_2640, %parallel_loop3A_2645 : vector<16xf32>
        %parallel_loop3A_2647 = arith.constant 0 : i32
        %parallel_loop3A_2648 = arith.index_cast %parallel_loop3A_2647 : i32 to index
        %parallel_loop3A_2649 = arith.index_cast %parallel_loop3A_2635 : i32 to index
        %parallel_loop3A_2650 = arith.constant 16 : index
        %parallel_loop3A_2651 = tpu.vector_load %arg11[%parallel_loop3A_2648, %parallel_loop3A_2649, %parallel_loop3A_2650] {strides = array<i32>} : memref<2x128x64xf32, #tpu.memory_space<vmem>>, vector<16xf32>,
        %parallel_loop3A_2652 = arith.constant 0 : i32
        %parallel_loop3A_2653 = arith.index_cast %parallel_loop3A_2652 : i32 to index
        %parallel_loop3A_2654 = arith.index_cast %parallel_loop3A_2635 : i32 to index
        %parallel_loop3A_2655 = arith.constant 16 : index
        %parallel_loop3A_2656 = tpu.vector_load %arg12[%parallel_loop3A_2653, %parallel_loop3A_2654, %parallel_loop3A_2655] {strides = array<i32>} : memref<2x128x64xf32, #tpu.memory_space<vmem>>, vector<16xf32>,
        %parallel_loop3A_2657 = arith.mulf %parallel_loop3A_2651, %parallel_loop3A_2656 : vector<16xf32>
        %parallel_loop3A_2658 = arith.constant 0 : i32
        %parallel_loop3A_2659 = arith.index_cast %parallel_loop3A_2658 : i32 to index
        %parallel_loop3A_2660 = arith.index_cast %parallel_loop3A_2635 : i32 to index
        %parallel_loop3A_2661 = arith.constant 32 : index
        %parallel_loop3A_2662 = tpu.vector_load %arg11[%parallel_loop3A_2659, %parallel_loop3A_2660, %parallel_loop3A_2661] {strides = array<i32>} : memref<2x128x64xf32, #tpu.memory_space<vmem>>, vector<16xf32>,
        %parallel_loop3A_2663 = arith.constant 0 : i32
        %parallel_loop3A_2664 = arith.index_cast %parallel_loop3A_2663 : i32 to index
        %parallel_loop3A_2665 = arith.index_cast %parallel_loop3A_2635 : i32 to index
        %parallel_loop3A_2666 = arith.constant 32 : index
        %parallel_loop3A_2667 = tpu.vector_load %arg12[%parallel_loop3A_2664, %parallel_loop3A_2665, %parallel_loop3A_2666] {strides = array<i32>} : memref<2x128x64xf32, #tpu.memory_space<vmem>>, vector<16xf32>,
        %parallel_loop3A_2668 = arith.mulf %parallel_loop3A_2662, %parallel_loop3A_2667 : vector<16xf32>
        %parallel_loop3A_2669 = arith.constant 0 : i32
        %parallel_loop3A_2670 = arith.index_cast %parallel_loop3A_2669 : i32 to index
        %parallel_loop3A_2671 = arith.index_cast %parallel_loop3A_2635 : i32 to index
        %parallel_loop3A_2672 = arith.constant 48 : index
        %parallel_loop3A_2673 = tpu.vector_load %arg11[%parallel_loop3A_2670, %parallel_loop3A_2671, %parallel_loop3A_2672] {strides = array<i32>} : memref<2x128x64xf32, #tpu.memory_space<vmem>>, vector<16xf32>,
        %parallel_loop3A_2674 = arith.constant 0 : i32
        %parallel_loop3A_2675 = arith.index_cast %parallel_loop3A_2674 : i32 to index
        %parallel_loop3A_2676 = arith.index_cast %parallel_loop3A_2635 : i32 to index
        %parallel_loop3A_2677 = arith.constant 48 : index
        %parallel_loop3A_2678 = tpu.vector_load %arg12[%parallel_loop3A_2675, %parallel_loop3A_2676, %parallel_loop3A_2677] {strides = array<i32>} : memref<2x128x64xf32, #tpu.memory_space<vmem>>, vector<16xf32>,
        %parallel_loop3A_2679 = arith.mulf %parallel_loop3A_2673, %parallel_loop3A_2678 : vector<16xf32>
        %parallel_loop3A_2680 = vector.broadcast %parallel_loop3A_2635 : i32 to vector<16xi32>
        %parallel_loop3A_2681 = arith.addi %broadcast_in_dim3A_100, %parallel_loop3A_2680 : vector<16xi32>
        %parallel_loop3A_2682 = arith.mulf %parallel_loop3A_2646, %get3A_77 : vector<16xf32>
        %parallel_loop3A_2683 = arith.mulf %parallel_loop3A_2657, %get3A_79 : vector<16xf32>
        %parallel_loop3A_2684 = arith.addf %parallel_loop3A_2682, %parallel_loop3A_2683 : vector<16xf32>
        %parallel_loop3A_2685 = arith.mulf %parallel_loop3A_2668, %get3A_81 : vector<16xf32>
        %parallel_loop3A_2686 = arith.addf %parallel_loop3A_2684, %parallel_loop3A_2685 : vector<16xf32>
        %parallel_loop3A_2687 = arith.mulf %parallel_loop3A_2679, %get3A_83 : vector<16xf32>
        %parallel_loop3A_2688 = arith.addf %parallel_loop3A_2686, %parallel_loop3A_2687 : vector<16xf32>
        %parallel_loop3A_2689 = arith.constant true
        %parallel_loop3A_2690 = vector.broadcast %parallel_loop3A_2689 : i1 to vector<16xi1>
        %parallel_loop3A_2691 = tpu.scan <sum>, %parallel_loop3A_2688 masked %parallel_loop3A_2690 : vector<16xf32>, vector<16xi1> -> vector<16xf32>
        tpu.vector_store_idx %arg15[%parallel_loop3A_2681], %parallel_loop3A_2691 masked %eq3A_102 : memref<128xf32, #tpu.memory_space<vmem>>[vector<16xi32>], vector<16xf32>, vector<16xi1>
        %parallel_loop3A_2692 = arith.mulf %parallel_loop3A_2646, %get3A_85 : vector<16xf32>
        %parallel_loop3A_2693 = arith.mulf %parallel_loop3A_2657, %get3A_87 : vector<16xf32>
        %parallel_loop3A_2694 = arith.addf %parallel_loop3A_2692, %parallel_loop3A_2693 : vector<16xf32>
        %parallel_loop3A_2695 = arith.mulf %parallel_loop3A_2668, %get3A_89 : vector<16xf32>
        %parallel_loop3A_2696 = arith.addf %parallel_loop3A_2694, %parallel_loop3A_2695 : vector<16xf32>
        %parallel_loop3A_2697 = arith.mulf %parallel_loop3A_2679, %get3A_91 : vector<16xf32>
        %parallel_loop3A_2698 = arith.addf %parallel_loop3A_2696, %parallel_loop3A_2697 : vector<16xf32>
        %parallel_loop3A_2699 = arith.constant true
        %parallel_loop3A_2700 = vector.broadcast %parallel_loop3A_2699 : i1 to vector<16xi1>
        %parallel_loop3A_2701 = tpu.scan <sum>, %parallel_loop3A_2698 masked %parallel_loop3A_2700 : vector<16xf32>, vector<16xi1> -> vector<16xf32>
        tpu.vector_store_idx %arg16[%parallel_loop3A_2681], %parallel_loop3A_2701 masked %eq3A_102 : memref<128xf32, #tpu.memory_space<vmem>>[vector<16xi32>], vector<16xf32>, vector<16xi1>
        %parallel_loop3A_2702 = arith.mulf %parallel_loop3A_2646, %get3A_93 : vector<16xf32>
        %parallel_loop3A_2703 = arith.mulf %parallel_loop3A_2657, %get3A_95 : vector<16xf32>
        %parallel_loop3A_2704 = arith.addf %parallel_loop3A_2702, %parallel_loop3A_2703 : vector<16xf32>
        %parallel_loop3A_2705 = arith.mulf %parallel_loop3A_2668, %get3A_97 : vector<16xf32>
        %parallel_loop3A_2706 = arith.addf %parallel_loop3A_2704, %parallel_loop3A_2705 : vector<16xf32>
        %parallel_loop3A_2707 = arith.mulf %parallel_loop3A_2679, %get3A_99 : vector<16xf32>
        %parallel_loop3A_2708 = arith.addf %parallel_loop3A_2706, %parallel_loop3A_2707 : vector<16xf32>
        %parallel_loop3A_2709 = arith.constant true
        %parallel_loop3A_2710 = vector.broadcast %parallel_loop3A_2709 : i1 to vector<16xi1>
        %parallel_loop3A_2711 = tpu.scan <sum>, %parallel_loop3A_2708 masked %parallel_loop3A_2710 : vector<16xf32>, vector<16xi1> -> vector<16xf32>
        tpu.vector_store_idx %arg17[%parallel_loop3A_2681], %parallel_loop3A_2711 masked %eq3A_102 : memref<128xf32, #tpu.memory_space<vmem>>[vector<16xi32>], vector<16xf32>, vector<16xi1>
      } {sc.loop_unroll_factor = 8 : i64, sc.parallel_access}
      %get3A_204 = arith.constant 0 : index
      %get3A_205 = tpu.vector_load %arg15[%get3A_204] {strides = array<i32>} : memref<128xf32, #tpu.memory_space<vmem>>, vector<16xf32>,
      %get3A_206 = arith.constant 0 : index
      %get3A_207 = tpu.vector_load %arg16[%get3A_206] {strides = array<i32>} : memref<128xf32, #tpu.memory_space<vmem>>, vector<16xf32>,
      %get3A_208 = arith.constant 0 : index
      %get3A_209 = tpu.vector_load %arg17[%get3A_208] {strides = array<i32>} : memref<128xf32, #tpu.memory_space<vmem>>, vector<16xf32>,
      %get3A_210 = arith.constant 0 : i32
      %get3A_211 = arith.index_cast %get3A_210 : i32 to index
      %get3A_212 = memref.load %arg14[%get3A_211] : memref<15xf32, #tpu.memory_space<smem>>
      %mul3A_213 = vector.broadcast %get3A_212 : f32 to vector<16xf32>
      %mul3A_214 = arith.mulf %get3A_205, %mul3A_213 : vector<16xf32>
      %get3A_215 = arith.constant 5 : i32
      %get3A_216 = arith.index_cast %get3A_215 : i32 to index
      %get3A_217 = memref.load %arg14[%get3A_216] : memref<15xf32, #tpu.memory_space<smem>>
      %mul3A_218 = vector.broadcast %get3A_217 : f32 to vector<16xf32>
      %mul3A_219 = arith.mulf %get3A_207, %mul3A_218 : vector<16xf32>
      %add3A_220 = arith.addf %mul3A_214, %mul3A_219 : vector<16xf32>
      %get3A_221 = arith.constant 10 : i32
      %get3A_222 = arith.index_cast %get3A_221 : i32 to index
      %get3A_223 = memref.load %arg14[%get3A_222] : memref<15xf32, #tpu.memory_space<smem>>
      %mul3A_224 = vector.broadcast %get3A_223 : f32 to vector<16xf32>
      %mul3A_225 = arith.mulf %get3A_209, %mul3A_224 : vector<16xf32>
      %add3A_226 = arith.addf %add3A_220, %mul3A_225 : vector<16xf32>
      %get3A_227 = arith.constant 1 : i32
      %get3A_228 = arith.index_cast %get3A_227 : i32 to index
      %get3A_229 = memref.load %arg14[%get3A_228] : memref<15xf32, #tpu.memory_space<smem>>
      %mul3A_230 = vector.broadcast %get3A_229 : f32 to vector<16xf32>
      %mul3A_231 = arith.mulf %get3A_205, %mul3A_230 : vector<16xf32>
      %get3A_232 = arith.constant 6 : i32
      %get3A_233 = arith.index_cast %get3A_232 : i32 to index
      %get3A_234 = memref.load %arg14[%get3A_233] : memref<15xf32, #tpu.memory_space<smem>>
      %mul3A_235 = vector.broadcast %get3A_234 : f32 to vector<16xf32>
      %mul3A_236 = arith.mulf %get3A_207, %mul3A_235 : vector<16xf32>
      %add3A_237 = arith.addf %mul3A_231, %mul3A_236 : vector<16xf32>
      %get3A_238 = arith.constant 11 : i32
      %get3A_239 = arith.index_cast %get3A_238 : i32 to index
      %get3A_240 = memref.load %arg14[%get3A_239] : memref<15xf32, #tpu.memory_space<smem>>
      %mul3A_241 = vector.broadcast %get3A_240 : f32 to vector<16xf32>
      %mul3A_242 = arith.mulf %get3A_209, %mul3A_241 : vector<16xf32>
      %add3A_243 = arith.addf %add3A_237, %mul3A_242 : vector<16xf32>
      %get3A_244 = arith.constant 2 : i32
      %get3A_245 = arith.index_cast %get3A_244 : i32 to index
      %get3A_246 = memref.load %arg14[%get3A_245] : memref<15xf32, #tpu.memory_space<smem>>
      %mul3A_247 = vector.broadcast %get3A_246 : f32 to vector<16xf32>
      %mul3A_248 = arith.mulf %get3A_205, %mul3A_247 : vector<16xf32>
      %get3A_249 = arith.constant 7 : i32
      %get3A_250 = arith.index_cast %get3A_249 : i32 to index
      %get3A_251 = memref.load %arg14[%get3A_250] : memref<15xf32, #tpu.memory_space<smem>>
      %mul3A_252 = vector.broadcast %get3A_251 : f32 to vector<16xf32>
      %mul3A_253 = arith.mulf %get3A_207, %mul3A_252 : vector<16xf32>
      %add3A_254 = arith.addf %mul3A_248, %mul3A_253 : vector<16xf32>
      %get3A_255 = arith.constant 12 : i32
      %get3A_256 = arith.index_cast %get3A_255 : i32 to index
      %get3A_257 = memref.load %arg14[%get3A_256] : memref<15xf32, #tpu.memory_space<smem>>
      %mul3A_258 = vector.broadcast %get3A_257 : f32 to vector<16xf32>
      %mul3A_259 = arith.mulf %get3A_209, %mul3A_258 : vector<16xf32>
      %add3A_260 = arith.addf %add3A_254, %mul3A_259 : vector<16xf32>
      %get3A_261 = arith.constant 3 : i32
      %get3A_262 = arith.index_cast %get3A_261 : i32 to index
      %get3A_263 = memref.load %arg14[%get3A_262] : memref<15xf32, #tpu.memory_space<smem>>
      %mul3A_264 = vector.broadcast %get3A_263 : f32 to vector<16xf32>
      %mul3A_265 = arith.mulf %get3A_205, %mul3A_264 : vector<16xf32>
      %get3A_266 = arith.constant 8 : i32
      %get3A_267 = arith.index_cast %get3A_266 : i32 to index
      %get3A_268 = memref.load %arg14[%get3A_267] : memref<15xf32, #tpu.memory_space<smem>>
      %mul3A_269 = vector.broadcast %get3A_268 : f32 to vector<16xf32>
      %mul3A_270 = arith.mulf %get3A_207, %mul3A_269 : vector<16xf32>
      %add3A_271 = arith.addf %mul3A_265, %mul3A_270 : vector<16xf32>
      %get3A_272 = arith.constant 13 : i32
      %get3A_273 = arith.index_cast %get3A_272 : i32 to index
      %get3A_274 = memref.load %arg14[%get3A_273] : memref<15xf32, #tpu.memory_space<smem>>
      %mul3A_275 = vector.broadcast %get3A_274 : f32 to vector<16xf32>
      %mul3A_276 = arith.mulf %get3A_209, %mul3A_275 : vector<16xf32>
      %add3A_277 = arith.addf %add3A_271, %mul3A_276 : vector<16xf32>
      %get3A_278 = arith.constant 4 : i32
      %get3A_279 = arith.index_cast %get3A_278 : i32 to index
      %get3A_280 = memref.load %arg14[%get3A_279] : memref<15xf32, #tpu.memory_space<smem>>
      %mul3A_281 = vector.broadcast %get3A_280 : f32 to vector<16xf32>
      %mul3A_282 = arith.mulf %get3A_205, %mul3A_281 : vector<16xf32>
      %get3A_283 = arith.constant 9 : i32
      %get3A_284 = arith.index_cast %get3A_283 : i32 to index
      %get3A_285 = memref.load %arg14[%get3A_284] : memref<15xf32, #tpu.memory_space<smem>>
      %mul3A_286 = vector.broadcast %get3A_285 : f32 to vector<16xf32>
      %mul3A_287 = arith.mulf %get3A_207, %mul3A_286 : vector<16xf32>
      %add3A_288 = arith.addf %mul3A_282, %mul3A_287 : vector<16xf32>
      %get3A_289 = arith.constant 14 : i32
      %get3A_290 = arith.index_cast %get3A_289 : i32 to index
      %get3A_291 = memref.load %arg14[%get3A_290] : memref<15xf32, #tpu.memory_space<smem>>
      %mul3A_292 = vector.broadcast %get3A_291 : f32 to vector<16xf32>
      %mul3A_293 = arith.mulf %get3A_209, %mul3A_292 : vector<16xf32>
      %add3A_294 = arith.addf %add3A_288, %mul3A_293 : vector<16xf32>
      %max3A = arith.maximumf %add3A_226, %add3A_243 : vector<16xf32>
      %max3A_295 = arith.maximumf %max3A, %add3A_260 : vector<16xf32>
      %max3A_296 = arith.maximumf %max3A_295, %add3A_277 : vector<16xf32>
      %max3A_297 = arith.maximumf %max3A_296, %add3A_294 : vector<16xf32>
      %sub3A = arith.subf %add3A_226, %max3A_297 : vector<16xf32>
      %exp3A = math.exp %sub3A : vector<16xf32>
      %sub3A_298 = arith.subf %add3A_243, %max3A_297 : vector<16xf32>
      %exp3A_299 = math.exp %sub3A_298 : vector<16xf32>
      %sub3A_300 = arith.subf %add3A_260, %max3A_297 : vector<16xf32>
      %exp3A_301 = math.exp %sub3A_300 : vector<16xf32>
      %sub3A_302 = arith.subf %add3A_277, %max3A_297 : vector<16xf32>
      %exp3A_303 = math.exp %sub3A_302 : vector<16xf32>
      %sub3A_304 = arith.subf %add3A_294, %max3A_297 : vector<16xf32>
      %exp3A_305 = math.exp %sub3A_304 : vector<16xf32>
      %add3A_306 = arith.addf %exp3A, %exp3A_299 : vector<16xf32>
      %add3A_307 = arith.addf %add3A_306, %exp3A_301 : vector<16xf32>
      %add3A_308 = arith.addf %add3A_307, %exp3A_303 : vector<16xf32>
      %add3A_309 = arith.addf %add3A_308, %exp3A_305 : vector<16xf32>
      %div3A = arith.constant 1.000000e+00 : f32
      %div3A_310 = vector.broadcast %div3A : f32 to vector<16xf32>
      %div3A_311 = arith.divf %div3A_310, %add3A_309 : vector<16xf32>
      %mul3A_312 = arith.mulf %exp3A, %div3A_311 : vector<16xf32>
      %swap3A_313 = arith.constant 0 : i32
      %swap3A_314 = arith.constant 0 : i32
      %swap3A_315 = arith.index_cast %swap3A_313 : i32 to index
      %swap3A_316 = arith.index_cast %swap3A_314 : i32 to index
      %swap3A_317 = arith.constant 0 : index
      %swap3A_318 = tpu.vector_load %arg18[%swap3A_315, %swap3A_316, %swap3A_317] {strides = array<i32>} : memref<2x5x128xf32, #tpu.memory_space<vmem>>, vector<16xf32>,
      tpu.vector_store %arg18[%swap3A_315, %swap3A_316, %swap3A_317], %mul3A_312 {strides = array<i32>} : memref<2x5x128xf32, #tpu.memory_space<vmem>>, vector<16xf32>,
      %mul3A_319 = arith.mulf %exp3A_299, %div3A_311 : vector<16xf32>
      %swap3A_320 = arith.constant 0 : i32
      %swap3A_321 = arith.constant 1 : i32
      %swap3A_322 = arith.index_cast %swap3A_320 : i32 to index
      %swap3A_323 = arith.index_cast %swap3A_321 : i32 to index
      %swap3A_324 = arith.constant 0 : index
      %swap3A_325 = tpu.vector_load %arg18[%swap3A_322, %swap3A_323, %swap3A_324] {strides = array<i32>} : memref<2x5x128xf32, #tpu.memory_space<vmem>>, vector<16xf32>,
      tpu.vector_store %arg18[%swap3A_322, %swap3A_323, %swap3A_324], %mul3A_319 {strides = array<i32>} : memref<2x5x128xf32, #tpu.memory_space<vmem>>, vector<16xf32>,
      %mul3A_326 = arith.mulf %exp3A_301, %div3A_311 : vector<16xf32>
      %swap3A_327 = arith.constant 0 : i32
      %swap3A_328 = arith.constant 2 : i32
      %swap3A_329 = arith.index_cast %swap3A_327 : i32 to index
      %swap3A_330 = arith.index_cast %swap3A_328 : i32 to index
      %swap3A_331 = arith.constant 0 : index
      %swap3A_332 = tpu.vector_load %arg18[%swap3A_329, %swap3A_330, %swap3A_331] {strides = array<i32>} : memref<2x5x128xf32, #tpu.memory_space<vmem>>, vector<16xf32>,
      tpu.vector_store %arg18[%swap3A_329, %swap3A_330, %swap3A_331], %mul3A_326 {strides = array<i32>} : memref<2x5x128xf32, #tpu.memory_space<vmem>>, vector<16xf32>,
      %mul3A_333 = arith.mulf %exp3A_303, %div3A_311 : vector<16xf32>
      %swap3A_334 = arith.constant 0 : i32
      %swap3A_335 = arith.constant 3 : i32
      %swap3A_336 = arith.index_cast %swap3A_334 : i32 to index
      %swap3A_337 = arith.index_cast %swap3A_335 : i32 to index
      %swap3A_338 = arith.constant 0 : index
      %swap3A_339 = tpu.vector_load %arg18[%swap3A_336, %swap3A_337, %swap3A_338] {strides = array<i32>} : memref<2x5x128xf32, #tpu.memory_space<vmem>>, vector<16xf32>,
      tpu.vector_store %arg18[%swap3A_336, %swap3A_337, %swap3A_338], %mul3A_333 {strides = array<i32>} : memref<2x5x128xf32, #tpu.memory_space<vmem>>, vector<16xf32>,
      %mul3A_340 = arith.mulf %exp3A_305, %div3A_311 : vector<16xf32>
      %swap3A_341 = arith.constant 0 : i32
      %swap3A_342 = arith.constant 4 : i32
      %swap3A_343 = arith.index_cast %swap3A_341 : i32 to index
      %swap3A_344 = arith.index_cast %swap3A_342 : i32 to index
      %swap3A_345 = arith.constant 0 : index
      %swap3A_346 = tpu.vector_load %arg18[%swap3A_343, %swap3A_344, %swap3A_345] {strides = array<i32>} : memref<2x5x128xf32, #tpu.memory_space<vmem>>, vector<16xf32>,
      tpu.vector_store %arg18[%swap3A_343, %swap3A_344, %swap3A_345], %mul3A_340 {strides = array<i32>} : memref<2x5x128xf32, #tpu.memory_space<vmem>>, vector<16xf32>,
      %get3A_347 = arith.constant 16 : index
      %get3A_348 = tpu.vector_load %arg15[%get3A_347] {strides = array<i32>} : memref<128xf32, #tpu.memory_space<vmem>>, vector<16xf32>,
      %get3A_349 = arith.constant 16 : index
      %get3A_350 = tpu.vector_load %arg16[%get3A_349] {strides = array<i32>} : memref<128xf32, #tpu.memory_space<vmem>>, vector<16xf32>,
      %get3A_351 = arith.constant 16 : index
      %get3A_352 = tpu.vector_load %arg17[%get3A_351] {strides = array<i32>} : memref<128xf32, #tpu.memory_space<vmem>>, vector<16xf32>,
      %get3A_353 = arith.constant 0 : i32
      %get3A_354 = arith.index_cast %get3A_353 : i32 to index
      %get3A_355 = memref.load %arg14[%get3A_354] : memref<15xf32, #tpu.memory_space<smem>>
      %mul3A_356 = vector.broadcast %get3A_355 : f32 to vector<16xf32>
      %mul3A_357 = arith.mulf %get3A_348, %mul3A_356 : vector<16xf32>
      %get3A_358 = arith.constant 5 : i32
      %get3A_359 = arith.index_cast %get3A_358 : i32 to index
      %get3A_360 = memref.load %arg14[%get3A_359] : memref<15xf32, #tpu.memory_space<smem>>
      %mul3A_361 = vector.broadcast %get3A_360 : f32 to vector<16xf32>
      %mul3A_362 = arith.mulf %get3A_350, %mul3A_361 : vector<16xf32>
      %add3A_363 = arith.addf %mul3A_357, %mul3A_362 : vector<16xf32>
      %get3A_364 = arith.constant 10 : i32
      %get3A_365 = arith.index_cast %get3A_364 : i32 to index
      %get3A_366 = memref.load %arg14[%get3A_365] : memref<15xf32, #tpu.memory_space<smem>>
      %mul3A_367 = vector.broadcast %get3A_366 : f32 to vector<16xf32>
      %mul3A_368 = arith.mulf %get3A_352, %mul3A_367 : vector<16xf32>
      %add3A_369 = arith.addf %add3A_363, %mul3A_368 : vector<16xf32>
      %get3A_370 = arith.constant 1 : i32
      %get3A_371 = arith.index_cast %get3A_370 : i32 to index
      %get3A_372 = memref.load %arg14[%get3A_371] : memref<15xf32, #tpu.memory_space<smem>>
      %mul3A_373 = vector.broadcast %get3A_372 : f32 to vector<16xf32>
      %mul3A_374 = arith.mulf %get3A_348, %mul3A_373 : vector<16xf32>
      %get3A_375 = arith.constant 6 : i32
      %get3A_376 = arith.index_cast %get3A_375 : i32 to index
      %get3A_377 = memref.load %arg14[%get3A_376] : memref<15xf32, #tpu.memory_space<smem>>
      %mul3A_378 = vector.broadcast %get3A_377 : f32 to vector<16xf32>
      %mul3A_379 = arith.mulf %get3A_350, %mul3A_378 : vector<16xf32>
      %add3A_380 = arith.addf %mul3A_374, %mul3A_379 : vector<16xf32>
      %get3A_381 = arith.constant 11 : i32
      %get3A_382 = arith.index_cast %get3A_381 : i32 to index
      %get3A_383 = memref.load %arg14[%get3A_382] : memref<15xf32, #tpu.memory_space<smem>>
      %mul3A_384 = vector.broadcast %get3A_383 : f32 to vector<16xf32>
      %mul3A_385 = arith.mulf %get3A_352, %mul3A_384 : vector<16xf32>
      %add3A_386 = arith.addf %add3A_380, %mul3A_385 : vector<16xf32>
      %get3A_387 = arith.constant 2 : i32
      %get3A_388 = arith.index_cast %get3A_387 : i32 to index
      %get3A_389 = memref.load %arg14[%get3A_388] : memref<15xf32, #tpu.memory_space<smem>>
      %mul3A_390 = vector.broadcast %get3A_389 : f32 to vector<16xf32>
      %mul3A_391 = arith.mulf %get3A_348, %mul3A_390 : vector<16xf32>
      %get3A_392 = arith.constant 7 : i32
      %get3A_393 = arith.index_cast %get3A_392 : i32 to index
      %get3A_394 = memref.load %arg14[%get3A_393] : memref<15xf32, #tpu.memory_space<smem>>
      %mul3A_395 = vector.broadcast %get3A_394 : f32 to vector<16xf32>
      %mul3A_396 = arith.mulf %get3A_350, %mul3A_395 : vector<16xf32>
      %add3A_397 = arith.addf %mul3A_391, %mul3A_396 : vector<16xf32>
      %get3A_398 = arith.constant 12 : i32
      %get3A_399 = arith.index_cast %get3A_398 : i32 to index
      %get3A_400 = memref.load %arg14[%get3A_399] : memref<15xf32, #tpu.memory_space<smem>>
      %mul3A_401 = vector.broadcast %get3A_400 : f32 to vector<16xf32>
      %mul3A_402 = arith.mulf %get3A_352, %mul3A_401 : vector<16xf32>
      %add3A_403 = arith.addf %add3A_397, %mul3A_402 : vector<16xf32>
      %get3A_404 = arith.constant 3 : i32
      %get3A_405 = arith.index_cast %get3A_404 : i32 to index
      %get3A_406 = memref.load %arg14[%get3A_405] : memref<15xf32, #tpu.memory_space<smem>>
      %mul3A_407 = vector.broadcast %get3A_406 : f32 to vector<16xf32>
      %mul3A_408 = arith.mulf %get3A_348, %mul3A_407 : vector<16xf32>
      %get3A_409 = arith.constant 8 : i32
      %get3A_410 = arith.index_cast %get3A_409 : i32 to index
      %get3A_411 = memref.load %arg14[%get3A_410] : memref<15xf32, #tpu.memory_space<smem>>
      %mul3A_412 = vector.broadcast %get3A_411 : f32 to vector<16xf32>
      %mul3A_413 = arith.mulf %get3A_350, %mul3A_412 : vector<16xf32>
      %add3A_414 = arith.addf %mul3A_408, %mul3A_413 : vector<16xf32>
      %get3A_415 = arith.constant 13 : i32
      %get3A_416 = arith.index_cast %get3A_415 : i32 to index
      %get3A_417 = memref.load %arg14[%get3A_416] : memref<15xf32, #tpu.memory_space<smem>>
      %mul3A_418 = vector.broadcast %get3A_417 : f32 to vector<16xf32>
      %mul3A_419 = arith.mulf %get3A_352, %mul3A_418 : vector<16xf32>
      %add3A_420 = arith.addf %add3A_414, %mul3A_419 : vector<16xf32>
      %get3A_421 = arith.constant 4 : i32
      %get3A_422 = arith.index_cast %get3A_421 : i32 to index
      %get3A_423 = memref.load %arg14[%get3A_422] : memref<15xf32, #tpu.memory_space<smem>>
      %mul3A_424 = vector.broadcast %get3A_423 : f32 to vector<16xf32>
      %mul3A_425 = arith.mulf %get3A_348, %mul3A_424 : vector<16xf32>
      %get3A_426 = arith.constant 9 : i32
      %get3A_427 = arith.index_cast %get3A_426 : i32 to index
      %get3A_428 = memref.load %arg14[%get3A_427] : memref<15xf32, #tpu.memory_space<smem>>
      %mul3A_429 = vector.broadcast %get3A_428 : f32 to vector<16xf32>
      %mul3A_430 = arith.mulf %get3A_350, %mul3A_429 : vector<16xf32>
      %add3A_431 = arith.addf %mul3A_425, %mul3A_430 : vector<16xf32>
      %get3A_432 = arith.constant 14 : i32
      %get3A_433 = arith.index_cast %get3A_432 : i32 to index
      %get3A_434 = memref.load %arg14[%get3A_433] : memref<15xf32, #tpu.memory_space<smem>>
      %mul3A_435 = vector.broadcast %get3A_434 : f32 to vector<16xf32>
      %mul3A_436 = arith.mulf %get3A_352, %mul3A_435 : vector<16xf32>
      %add3A_437 = arith.addf %add3A_431, %mul3A_436 : vector<16xf32>
      %max3A_438 = arith.maximumf %add3A_369, %add3A_386 : vector<16xf32>
      %max3A_439 = arith.maximumf %max3A_438, %add3A_403 : vector<16xf32>
      %max3A_440 = arith.maximumf %max3A_439, %add3A_420 : vector<16xf32>
      %max3A_441 = arith.maximumf %max3A_440, %add3A_437 : vector<16xf32>
      %sub3A_442 = arith.subf %add3A_369, %max3A_441 : vector<16xf32>
      %exp3A_443 = math.exp %sub3A_442 : vector<16xf32>
      %sub3A_444 = arith.subf %add3A_386, %max3A_441 : vector<16xf32>
      %exp3A_445 = math.exp %sub3A_444 : vector<16xf32>
      %sub3A_446 = arith.subf %add3A_403, %max3A_441 : vector<16xf32>
      %exp3A_447 = math.exp %sub3A_446 : vector<16xf32>
      %sub3A_448 = arith.subf %add3A_420, %max3A_441 : vector<16xf32>
      %exp3A_449 = math.exp %sub3A_448 : vector<16xf32>
      %sub3A_450 = arith.subf %add3A_437, %max3A_441 : vector<16xf32>
      %exp3A_451 = math.exp %sub3A_450 : vector<16xf32>
      %add3A_452 = arith.addf %exp3A_443, %exp3A_445 : vector<16xf32>
      %add3A_453 = arith.addf %add3A_452, %exp3A_447 : vector<16xf32>
      %add3A_454 = arith.addf %add3A_453, %exp3A_449 : vector<16xf32>
      %add3A_455 = arith.addf %add3A_454, %exp3A_451 : vector<16xf32>
      %div3A_456 = arith.constant 1.000000e+00 : f32
      %div3A_457 = vector.broadcast %div3A_456 : f32 to vector<16xf32>
      %div3A_458 = arith.divf %div3A_457, %add3A_455 : vector<16xf32>
      %mul3A_459 = arith.mulf %exp3A_443, %div3A_458 : vector<16xf32>
      %swap3A_460 = arith.constant 0 : i32
      %swap3A_461 = arith.constant 0 : i32
      %swap3A_462 = arith.index_cast %swap3A_460 : i32 to index
      %swap3A_463 = arith.index_cast %swap3A_461 : i32 to index
      %swap3A_464 = arith.constant 16 : index
      %swap3A_465 = tpu.vector_load %arg18[%swap3A_462, %swap3A_463, %swap3A_464] {strides = array<i32>} : memref<2x5x128xf32, #tpu.memory_space<vmem>>, vector<16xf32>,
      tpu.vector_store %arg18[%swap3A_462, %swap3A_463, %swap3A_464], %mul3A_459 {strides = array<i32>} : memref<2x5x128xf32, #tpu.memory_space<vmem>>, vector<16xf32>,
      %mul3A_466 = arith.mulf %exp3A_445, %div3A_458 : vector<16xf32>
      %swap3A_467 = arith.constant 0 : i32
      %swap3A_468 = arith.constant 1 : i32
      %swap3A_469 = arith.index_cast %swap3A_467 : i32 to index
      %swap3A_470 = arith.index_cast %swap3A_468 : i32 to index
      %swap3A_471 = arith.constant 16 : index
      %swap3A_472 = tpu.vector_load %arg18[%swap3A_469, %swap3A_470, %swap3A_471] {strides = array<i32>} : memref<2x5x128xf32, #tpu.memory_space<vmem>>, vector<16xf32>,
      tpu.vector_store %arg18[%swap3A_469, %swap3A_470, %swap3A_471], %mul3A_466 {strides = array<i32>} : memref<2x5x128xf32, #tpu.memory_space<vmem>>, vector<16xf32>,
      %mul3A_473 = arith.mulf %exp3A_447, %div3A_458 : vector<16xf32>
      %swap3A_474 = arith.constant 0 : i32
      %swap3A_475 = arith.constant 2 : i32
      %swap3A_476 = arith.index_cast %swap3A_474 : i32 to index
      %swap3A_477 = arith.index_cast %swap3A_475 : i32 to index
      %swap3A_478 = arith.constant 16 : index
      %swap3A_479 = tpu.vector_load %arg18[%swap3A_476, %swap3A_477, %swap3A_478] {strides = array<i32>} : memref<2x5x128xf32, #tpu.memory_space<vmem>>, vector<16xf32>,
      tpu.vector_store %arg18[%swap3A_476, %swap3A_477, %swap3A_478], %mul3A_473 {strides = array<i32>} : memref<2x5x128xf32, #tpu.memory_space<vmem>>, vector<16xf32>,
      %mul3A_480 = arith.mulf %exp3A_449, %div3A_458 : vector<16xf32>
      %swap3A_481 = arith.constant 0 : i32
      %swap3A_482 = arith.constant 3 : i32
      %swap3A_483 = arith.index_cast %swap3A_481 : i32 to index
      %swap3A_484 = arith.index_cast %swap3A_482 : i32 to index
      %swap3A_485 = arith.constant 16 : index
      %swap3A_486 = tpu.vector_load %arg18[%swap3A_483, %swap3A_484, %swap3A_485] {strides = array<i32>} : memref<2x5x128xf32, #tpu.memory_space<vmem>>, vector<16xf32>,
      tpu.vector_store %arg18[%swap3A_483, %swap3A_484, %swap3A_485], %mul3A_480 {strides = array<i32>} : memref<2x5x128xf32, #tpu.memory_space<vmem>>, vector<16xf32>,
      %mul3A_487 = arith.mulf %exp3A_451, %div3A_458 : vector<16xf32>
      %swap3A_488 = arith.constant 0 : i32
      %swap3A_489 = arith.constant 4 : i32
      %swap3A_490 = arith.index_cast %swap3A_488 : i32 to index
      %swap3A_491 = arith.index_cast %swap3A_489 : i32 to index
      %swap3A_492 = arith.constant 16 : index
      %swap3A_493 = tpu.vector_load %arg18[%swap3A_490, %swap3A_491, %swap3A_492] {strides = array<i32>} : memref<2x5x128xf32, #tpu.memory_space<vmem>>, vector<16xf32>,
      tpu.vector_store %arg18[%swap3A_490, %swap3A_491, %swap3A_492], %mul3A_487 {strides = array<i32>} : memref<2x5x128xf32, #tpu.memory_space<vmem>>, vector<16xf32>,
      %get3A_494 = arith.constant 32 : index
      %get3A_495 = tpu.vector_load %arg15[%get3A_494] {strides = array<i32>} : memref<128xf32, #tpu.memory_space<vmem>>, vector<16xf32>,
      %get3A_496 = arith.constant 32 : index
      %get3A_497 = tpu.vector_load %arg16[%get3A_496] {strides = array<i32>} : memref<128xf32, #tpu.memory_space<vmem>>, vector<16xf32>,
      %get3A_498 = arith.constant 32 : index
      %get3A_499 = tpu.vector_load %arg17[%get3A_498] {strides = array<i32>} : memref<128xf32, #tpu.memory_space<vmem>>, vector<16xf32>,
      %get3A_500 = arith.constant 0 : i32
      %get3A_501 = arith.index_cast %get3A_500 : i32 to index
      %get3A_502 = memref.load %arg14[%get3A_501] : memref<15xf32, #tpu.memory_space<smem>>
      %mul3A_503 = vector.broadcast %get3A_502 : f32 to vector<16xf32>
      %mul3A_504 = arith.mulf %get3A_495, %mul3A_503 : vector<16xf32>
      %get3A_505 = arith.constant 5 : i32
      %get3A_506 = arith.index_cast %get3A_505 : i32 to index
      %get3A_507 = memref.load %arg14[%get3A_506] : memref<15xf32, #tpu.memory_space<smem>>
      %mul3A_508 = vector.broadcast %get3A_507 : f32 to vector<16xf32>
      %mul3A_509 = arith.mulf %get3A_497, %mul3A_508 : vector<16xf32>
      %add3A_510 = arith.addf %mul3A_504, %mul3A_509 : vector<16xf32>
      %get3A_511 = arith.constant 10 : i32
      %get3A_512 = arith.index_cast %get3A_511 : i32 to index
      %get3A_513 = memref.load %arg14[%get3A_512] : memref<15xf32, #tpu.memory_space<smem>>
      %mul3A_514 = vector.broadcast %get3A_513 : f32 to vector<16xf32>
      %mul3A_515 = arith.mulf %get3A_499, %mul3A_514 : vector<16xf32>
      %add3A_516 = arith.addf %add3A_510, %mul3A_515 : vector<16xf32>
      %get3A_517 = arith.constant 1 : i32
      %get3A_518 = arith.index_cast %get3A_517 : i32 to index
      %get3A_519 = memref.load %arg14[%get3A_518] : memref<15xf32, #tpu.memory_space<smem>>
      %mul3A_520 = vector.broadcast %get3A_519 : f32 to vector<16xf32>
      %mul3A_521 = arith.mulf %get3A_495, %mul3A_520 : vector<16xf32>
      %get3A_522 = arith.constant 6 : i32
      %get3A_523 = arith.index_cast %get3A_522 : i32 to index
      %get3A_524 = memref.load %arg14[%get3A_523] : memref<15xf32, #tpu.memory_space<smem>>
      %mul3A_525 = vector.broadcast %get3A_524 : f32 to vector<16xf32>
      %mul3A_526 = arith.mulf %get3A_497, %mul3A_525 : vector<16xf32>
      %add3A_527 = arith.addf %mul3A_521, %mul3A_526 : vector<16xf32>
      %get3A_528 = arith.constant 11 : i32
      %get3A_529 = arith.index_cast %get3A_528 : i32 to index
      %get3A_530 = memref.load %arg14[%get3A_529] : memref<15xf32, #tpu.memory_space<smem>>
      %mul3A_531 = vector.broadcast %get3A_530 : f32 to vector<16xf32>
      %mul3A_532 = arith.mulf %get3A_499, %mul3A_531 : vector<16xf32>
      %add3A_533 = arith.addf %add3A_527, %mul3A_532 : vector<16xf32>
      %get3A_534 = arith.constant 2 : i32
      %get3A_535 = arith.index_cast %get3A_534 : i32 to index
      %get3A_536 = memref.load %arg14[%get3A_535] : memref<15xf32, #tpu.memory_space<smem>>
      %mul3A_537 = vector.broadcast %get3A_536 : f32 to vector<16xf32>
      %mul3A_538 = arith.mulf %get3A_495, %mul3A_537 : vector<16xf32>
      %get3A_539 = arith.constant 7 : i32
      %get3A_540 = arith.index_cast %get3A_539 : i32 to index
      %get3A_541 = memref.load %arg14[%get3A_540] : memref<15xf32, #tpu.memory_space<smem>>
      %mul3A_542 = vector.broadcast %get3A_541 : f32 to vector<16xf32>
      %mul3A_543 = arith.mulf %get3A_497, %mul3A_542 : vector<16xf32>
      %add3A_544 = arith.addf %mul3A_538, %mul3A_543 : vector<16xf32>
      %get3A_545 = arith.constant 12 : i32
      %get3A_546 = arith.index_cast %get3A_545 : i32 to index
      %get3A_547 = memref.load %arg14[%get3A_546] : memref<15xf32, #tpu.memory_space<smem>>
      %mul3A_548 = vector.broadcast %get3A_547 : f32 to vector<16xf32>
      %mul3A_549 = arith.mulf %get3A_499, %mul3A_548 : vector<16xf32>
      %add3A_550 = arith.addf %add3A_544, %mul3A_549 : vector<16xf32>
      %get3A_551 = arith.constant 3 : i32
      %get3A_552 = arith.index_cast %get3A_551 : i32 to index
      %get3A_553 = memref.load %arg14[%get3A_552] : memref<15xf32, #tpu.memory_space<smem>>
      %mul3A_554 = vector.broadcast %get3A_553 : f32 to vector<16xf32>
      %mul3A_555 = arith.mulf %get3A_495, %mul3A_554 : vector<16xf32>
      %get3A_556 = arith.constant 8 : i32
      %get3A_557 = arith.index_cast %get3A_556 : i32 to index
      %get3A_558 = memref.load %arg14[%get3A_557] : memref<15xf32, #tpu.memory_space<smem>>
      %mul3A_559 = vector.broadcast %get3A_558 : f32 to vector<16xf32>
      %mul3A_560 = arith.mulf %get3A_497, %mul3A_559 : vector<16xf32>
      %add3A_561 = arith.addf %mul3A_555, %mul3A_560 : vector<16xf32>
      %get3A_562 = arith.constant 13 : i32
      %get3A_563 = arith.index_cast %get3A_562 : i32 to index
      %get3A_564 = memref.load %arg14[%get3A_563] : memref<15xf32, #tpu.memory_space<smem>>
      %mul3A_565 = vector.broadcast %get3A_564 : f32 to vector<16xf32>
      %mul3A_566 = arith.mulf %get3A_499, %mul3A_565 : vector<16xf32>
      %add3A_567 = arith.addf %add3A_561, %mul3A_566 : vector<16xf32>
      %get3A_568 = arith.constant 4 : i32
      %get3A_569 = arith.index_cast %get3A_568 : i32 to index
      %get3A_570 = memref.load %arg14[%get3A_569] : memref<15xf32, #tpu.memory_space<smem>>
      %mul3A_571 = vector.broadcast %get3A_570 : f32 to vector<16xf32>
      %mul3A_572 = arith.mulf %get3A_495, %mul3A_571 : vector<16xf32>
      %get3A_573 = arith.constant 9 : i32
      %get3A_574 = arith.index_cast %get3A_573 : i32 to index
      %get3A_575 = memref.load %arg14[%get3A_574] : memref<15xf32, #tpu.memory_space<smem>>
      %mul3A_576 = vector.broadcast %get3A_575 : f32 to vector<16xf32>
      %mul3A_577 = arith.mulf %get3A_497, %mul3A_576 : vector<16xf32>
      %add3A_578 = arith.addf %mul3A_572, %mul3A_577 : vector<16xf32>
      %get3A_579 = arith.constant 14 : i32
      %get3A_580 = arith.index_cast %get3A_579 : i32 to index
      %get3A_581 = memref.load %arg14[%get3A_580] : memref<15xf32, #tpu.memory_space<smem>>
      %mul3A_582 = vector.broadcast %get3A_581 : f32 to vector<16xf32>
      %mul3A_583 = arith.mulf %get3A_499, %mul3A_582 : vector<16xf32>
      %add3A_584 = arith.addf %add3A_578, %mul3A_583 : vector<16xf32>
      %max3A_585 = arith.maximumf %add3A_516, %add3A_533 : vector<16xf32>
      %max3A_586 = arith.maximumf %max3A_585, %add3A_550 : vector<16xf32>
      %max3A_587 = arith.maximumf %max3A_586, %add3A_567 : vector<16xf32>
      %max3A_588 = arith.maximumf %max3A_587, %add3A_584 : vector<16xf32>
      %sub3A_589 = arith.subf %add3A_516, %max3A_588 : vector<16xf32>
      %exp3A_590 = math.exp %sub3A_589 : vector<16xf32>
      %sub3A_591 = arith.subf %add3A_533, %max3A_588 : vector<16xf32>
      %exp3A_592 = math.exp %sub3A_591 : vector<16xf32>
      %sub3A_593 = arith.subf %add3A_550, %max3A_588 : vector<16xf32>
      %exp3A_594 = math.exp %sub3A_593 : vector<16xf32>
      %sub3A_595 = arith.subf %add3A_567, %max3A_588 : vector<16xf32>
      %exp3A_596 = math.exp %sub3A_595 : vector<16xf32>
      %sub3A_597 = arith.subf %add3A_584, %max3A_588 : vector<16xf32>
      %exp3A_598 = math.exp %sub3A_597 : vector<16xf32>
      %add3A_599 = arith.addf %exp3A_590, %exp3A_592 : vector<16xf32>
      %add3A_600 = arith.addf %add3A_599, %exp3A_594 : vector<16xf32>
      %add3A_601 = arith.addf %add3A_600, %exp3A_596 : vector<16xf32>
      %add3A_602 = arith.addf %add3A_601, %exp3A_598 : vector<16xf32>
      %div3A_603 = arith.constant 1.000000e+00 : f32
      %div3A_604 = vector.broadcast %div3A_603 : f32 to vector<16xf32>
      %div3A_605 = arith.divf %div3A_604, %add3A_602 : vector<16xf32>
      %mul3A_606 = arith.mulf %exp3A_590, %div3A_605 : vector<16xf32>
      %swap3A_607 = arith.constant 0 : i32
      %swap3A_608 = arith.constant 0 : i32
      %swap3A_609 = arith.index_cast %swap3A_607 : i32 to index
      %swap3A_610 = arith.index_cast %swap3A_608 : i32 to index
      %swap3A_611 = arith.constant 32 : index
      %swap3A_612 = tpu.vector_load %arg18[%swap3A_609, %swap3A_610, %swap3A_611] {strides = array<i32>} : memref<2x5x128xf32, #tpu.memory_space<vmem>>, vector<16xf32>,
      tpu.vector_store %arg18[%swap3A_609, %swap3A_610, %swap3A_611], %mul3A_606 {strides = array<i32>} : memref<2x5x128xf32, #tpu.memory_space<vmem>>, vector<16xf32>,
      %mul3A_613 = arith.mulf %exp3A_592, %div3A_605 : vector<16xf32>
      %swap3A_614 = arith.constant 0 : i32
      %swap3A_615 = arith.constant 1 : i32
      %swap3A_616 = arith.index_cast %swap3A_614 : i32 to index
      %swap3A_617 = arith.index_cast %swap3A_615 : i32 to index
      %swap3A_618 = arith.constant 32 : index
      %swap3A_619 = tpu.vector_load %arg18[%swap3A_616, %swap3A_617, %swap3A_618] {strides = array<i32>} : memref<2x5x128xf32, #tpu.memory_space<vmem>>, vector<16xf32>,
      tpu.vector_store %arg18[%swap3A_616, %swap3A_617, %swap3A_618], %mul3A_613 {strides = array<i32>} : memref<2x5x128xf32, #tpu.memory_space<vmem>>, vector<16xf32>,
      %mul3A_620 = arith.mulf %exp3A_594, %div3A_605 : vector<16xf32>
      %swap3A_621 = arith.constant 0 : i32
      %swap3A_622 = arith.constant 2 : i32
      %swap3A_623 = arith.index_cast %swap3A_621 : i32 to index
      %swap3A_624 = arith.index_cast %swap3A_622 : i32 to index
      %swap3A_625 = arith.constant 32 : index
      %swap3A_626 = tpu.vector_load %arg18[%swap3A_623, %swap3A_624, %swap3A_625] {strides = array<i32>} : memref<2x5x128xf32, #tpu.memory_space<vmem>>, vector<16xf32>,
      tpu.vector_store %arg18[%swap3A_623, %swap3A_624, %swap3A_625], %mul3A_620 {strides = array<i32>} : memref<2x5x128xf32, #tpu.memory_space<vmem>>, vector<16xf32>,
      %mul3A_627 = arith.mulf %exp3A_596, %div3A_605 : vector<16xf32>
      %swap3A_628 = arith.constant 0 : i32
      %swap3A_629 = arith.constant 3 : i32
      %swap3A_630 = arith.index_cast %swap3A_628 : i32 to index
      %swap3A_631 = arith.index_cast %swap3A_629 : i32 to index
      %swap3A_632 = arith.constant 32 : index
      %swap3A_633 = tpu.vector_load %arg18[%swap3A_630, %swap3A_631, %swap3A_632] {strides = array<i32>} : memref<2x5x128xf32, #tpu.memory_space<vmem>>, vector<16xf32>,
      tpu.vector_store %arg18[%swap3A_630, %swap3A_631, %swap3A_632], %mul3A_627 {strides = array<i32>} : memref<2x5x128xf32, #tpu.memory_space<vmem>>, vector<16xf32>,
      %mul3A_634 = arith.mulf %exp3A_598, %div3A_605 : vector<16xf32>
      %swap3A_635 = arith.constant 0 : i32
      %swap3A_636 = arith.constant 4 : i32
      %swap3A_637 = arith.index_cast %swap3A_635 : i32 to index
      %swap3A_638 = arith.index_cast %swap3A_636 : i32 to index
      %swap3A_639 = arith.constant 32 : index
      %swap3A_640 = tpu.vector_load %arg18[%swap3A_637, %swap3A_638, %swap3A_639] {strides = array<i32>} : memref<2x5x128xf32, #tpu.memory_space<vmem>>, vector<16xf32>,
      tpu.vector_store %arg18[%swap3A_637, %swap3A_638, %swap3A_639], %mul3A_634 {strides = array<i32>} : memref<2x5x128xf32, #tpu.memory_space<vmem>>, vector<16xf32>,
      %get3A_641 = arith.constant 48 : index
      %get3A_642 = tpu.vector_load %arg15[%get3A_641] {strides = array<i32>} : memref<128xf32, #tpu.memory_space<vmem>>, vector<16xf32>,
      %get3A_643 = arith.constant 48 : index
      %get3A_644 = tpu.vector_load %arg16[%get3A_643] {strides = array<i32>} : memref<128xf32, #tpu.memory_space<vmem>>, vector<16xf32>,
      %get3A_645 = arith.constant 48 : index
      %get3A_646 = tpu.vector_load %arg17[%get3A_645] {strides = array<i32>} : memref<128xf32, #tpu.memory_space<vmem>>, vector<16xf32>,
      %get3A_647 = arith.constant 0 : i32
      %get3A_648 = arith.index_cast %get3A_647 : i32 to index
      %get3A_649 = memref.load %arg14[%get3A_648] : memref<15xf32, #tpu.memory_space<smem>>
      %mul3A_650 = vector.broadcast %get3A_649 : f32 to vector<16xf32>
      %mul3A_651 = arith.mulf %get3A_642, %mul3A_650 : vector<16xf32>
      %get3A_652 = arith.constant 5 : i32
      %get3A_653 = arith.index_cast %get3A_652 : i32 to index
      %get3A_654 = memref.load %arg14[%get3A_653] : memref<15xf32, #tpu.memory_space<smem>>
      %mul3A_655 = vector.broadcast %get3A_654 : f32 to vector<16xf32>
      %mul3A_656 = arith.mulf %get3A_644, %mul3A_655 : vector<16xf32>
      %add3A_657 = arith.addf %mul3A_651, %mul3A_656 : vector<16xf32>
      %get3A_658 = arith.constant 10 : i32
      %get3A_659 = arith.index_cast %get3A_658 : i32 to index
      %get3A_660 = memref.load %arg14[%get3A_659] : memref<15xf32, #tpu.memory_space<smem>>
      %mul3A_661 = vector.broadcast %get3A_660 : f32 to vector<16xf32>
      %mul3A_662 = arith.mulf %get3A_646, %mul3A_661 : vector<16xf32>
      %add3A_663 = arith.addf %add3A_657, %mul3A_662 : vector<16xf32>
      %get3A_664 = arith.constant 1 : i32
      %get3A_665 = arith.index_cast %get3A_664 : i32 to index
      %get3A_666 = memref.load %arg14[%get3A_665] : memref<15xf32, #tpu.memory_space<smem>>
      %mul3A_667 = vector.broadcast %get3A_666 : f32 to vector<16xf32>
      %mul3A_668 = arith.mulf %get3A_642, %mul3A_667 : vector<16xf32>
      %get3A_669 = arith.constant 6 : i32
      %get3A_670 = arith.index_cast %get3A_669 : i32 to index
      %get3A_671 = memref.load %arg14[%get3A_670] : memref<15xf32, #tpu.memory_space<smem>>
      %mul3A_672 = vector.broadcast %get3A_671 : f32 to vector<16xf32>
      %mul3A_673 = arith.mulf %get3A_644, %mul3A_672 : vector<16xf32>
      %add3A_674 = arith.addf %mul3A_668, %mul3A_673 : vector<16xf32>
      %get3A_675 = arith.constant 11 : i32
      %get3A_676 = arith.index_cast %get3A_675 : i32 to index
      %get3A_677 = memref.load %arg14[%get3A_676] : memref<15xf32, #tpu.memory_space<smem>>
      %mul3A_678 = vector.broadcast %get3A_677 : f32 to vector<16xf32>
      %mul3A_679 = arith.mulf %get3A_646, %mul3A_678 : vector<16xf32>
      %add3A_680 = arith.addf %add3A_674, %mul3A_679 : vector<16xf32>
      %get3A_681 = arith.constant 2 : i32
      %get3A_682 = arith.index_cast %get3A_681 : i32 to index
      %get3A_683 = memref.load %arg14[%get3A_682] : memref<15xf32, #tpu.memory_space<smem>>
      %mul3A_684 = vector.broadcast %get3A_683 : f32 to vector<16xf32>
      %mul3A_685 = arith.mulf %get3A_642, %mul3A_684 : vector<16xf32>
      %get3A_686 = arith.constant 7 : i32
      %get3A_687 = arith.index_cast %get3A_686 : i32 to index
      %get3A_688 = memref.load %arg14[%get3A_687] : memref<15xf32, #tpu.memory_space<smem>>
      %mul3A_689 = vector.broadcast %get3A_688 : f32 to vector<16xf32>
      %mul3A_690 = arith.mulf %get3A_644, %mul3A_689 : vector<16xf32>
      %add3A_691 = arith.addf %mul3A_685, %mul3A_690 : vector<16xf32>
      %get3A_692 = arith.constant 12 : i32
      %get3A_693 = arith.index_cast %get3A_692 : i32 to index
      %get3A_694 = memref.load %arg14[%get3A_693] : memref<15xf32, #tpu.memory_space<smem>>
      %mul3A_695 = vector.broadcast %get3A_694 : f32 to vector<16xf32>
      %mul3A_696 = arith.mulf %get3A_646, %mul3A_695 : vector<16xf32>
      %add3A_697 = arith.addf %add3A_691, %mul3A_696 : vector<16xf32>
      %get3A_698 = arith.constant 3 : i32
      %get3A_699 = arith.index_cast %get3A_698 : i32 to index
      %get3A_700 = memref.load %arg14[%get3A_699] : memref<15xf32, #tpu.memory_space<smem>>
      %mul3A_701 = vector.broadcast %get3A_700 : f32 to vector<16xf32>
      %mul3A_702 = arith.mulf %get3A_642, %mul3A_701 : vector<16xf32>
      %get3A_703 = arith.constant 8 : i32
      %get3A_704 = arith.index_cast %get3A_703 : i32 to index
      %get3A_705 = memref.load %arg14[%get3A_704] : memref<15xf32, #tpu.memory_space<smem>>
      %mul3A_706 = vector.broadcast %get3A_705 : f32 to vector<16xf32>
      %mul3A_707 = arith.mulf %get3A_644, %mul3A_706 : vector<16xf32>
      %add3A_708 = arith.addf %mul3A_702, %mul3A_707 : vector<16xf32>
      %get3A_709 = arith.constant 13 : i32
      %get3A_710 = arith.index_cast %get3A_709 : i32 to index
      %get3A_711 = memref.load %arg14[%get3A_710] : memref<15xf32, #tpu.memory_space<smem>>
      %mul3A_712 = vector.broadcast %get3A_711 : f32 to vector<16xf32>
      %mul3A_713 = arith.mulf %get3A_646, %mul3A_712 : vector<16xf32>
      %add3A_714 = arith.addf %add3A_708, %mul3A_713 : vector<16xf32>
      %get3A_715 = arith.constant 4 : i32
      %get3A_716 = arith.index_cast %get3A_715 : i32 to index
      %get3A_717 = memref.load %arg14[%get3A_716] : memref<15xf32, #tpu.memory_space<smem>>
      %mul3A_718 = vector.broadcast %get3A_717 : f32 to vector<16xf32>
      %mul3A_719 = arith.mulf %get3A_642, %mul3A_718 : vector<16xf32>
      %get3A_720 = arith.constant 9 : i32
      %get3A_721 = arith.index_cast %get3A_720 : i32 to index
      %get3A_722 = memref.load %arg14[%get3A_721] : memref<15xf32, #tpu.memory_space<smem>>
      %mul3A_723 = vector.broadcast %get3A_722 : f32 to vector<16xf32>
      %mul3A_724 = arith.mulf %get3A_644, %mul3A_723 : vector<16xf32>
      %add3A_725 = arith.addf %mul3A_719, %mul3A_724 : vector<16xf32>
      %get3A_726 = arith.constant 14 : i32
      %get3A_727 = arith.index_cast %get3A_726 : i32 to index
      %get3A_728 = memref.load %arg14[%get3A_727] : memref<15xf32, #tpu.memory_space<smem>>
      %mul3A_729 = vector.broadcast %get3A_728 : f32 to vector<16xf32>
      %mul3A_730 = arith.mulf %get3A_646, %mul3A_729 : vector<16xf32>
      %add3A_731 = arith.addf %add3A_725, %mul3A_730 : vector<16xf32>
      %max3A_732 = arith.maximumf %add3A_663, %add3A_680 : vector<16xf32>
      %max3A_733 = arith.maximumf %max3A_732, %add3A_697 : vector<16xf32>
      %max3A_734 = arith.maximumf %max3A_733, %add3A_714 : vector<16xf32>
      %max3A_735 = arith.maximumf %max3A_734, %add3A_731 : vector<16xf32>
      %sub3A_736 = arith.subf %add3A_663, %max3A_735 : vector<16xf32>
      %exp3A_737 = math.exp %sub3A_736 : vector<16xf32>
      %sub3A_738 = arith.subf %add3A_680, %max3A_735 : vector<16xf32>
      %exp3A_739 = math.exp %sub3A_738 : vector<16xf32>
      %sub3A_740 = arith.subf %add3A_697, %max3A_735 : vector<16xf32>
      %exp3A_741 = math.exp %sub3A_740 : vector<16xf32>
      %sub3A_742 = arith.subf %add3A_714, %max3A_735 : vector<16xf32>
      %exp3A_743 = math.exp %sub3A_742 : vector<16xf32>
      %sub3A_744 = arith.subf %add3A_731, %max3A_735 : vector<16xf32>
      %exp3A_745 = math.exp %sub3A_744 : vector<16xf32>
      %add3A_746 = arith.addf %exp3A_737, %exp3A_739 : vector<16xf32>
      %add3A_747 = arith.addf %add3A_746, %exp3A_741 : vector<16xf32>
      %add3A_748 = arith.addf %add3A_747, %exp3A_743 : vector<16xf32>
      %add3A_749 = arith.addf %add3A_748, %exp3A_745 : vector<16xf32>
      %div3A_750 = arith.constant 1.000000e+00 : f32
      %div3A_751 = vector.broadcast %div3A_750 : f32 to vector<16xf32>
      %div3A_752 = arith.divf %div3A_751, %add3A_749 : vector<16xf32>
      %mul3A_753 = arith.mulf %exp3A_737, %div3A_752 : vector<16xf32>
      %swap3A_754 = arith.constant 0 : i32
      %swap3A_755 = arith.constant 0 : i32
      %swap3A_756 = arith.index_cast %swap3A_754 : i32 to index
      %swap3A_757 = arith.index_cast %swap3A_755 : i32 to index
      %swap3A_758 = arith.constant 48 : index
      %swap3A_759 = tpu.vector_load %arg18[%swap3A_756, %swap3A_757, %swap3A_758] {strides = array<i32>} : memref<2x5x128xf32, #tpu.memory_space<vmem>>, vector<16xf32>,
      tpu.vector_store %arg18[%swap3A_756, %swap3A_757, %swap3A_758], %mul3A_753 {strides = array<i32>} : memref<2x5x128xf32, #tpu.memory_space<vmem>>, vector<16xf32>,
      %mul3A_760 = arith.mulf %exp3A_739, %div3A_752 : vector<16xf32>
      %swap3A_761 = arith.constant 0 : i32
      %swap3A_762 = arith.constant 1 : i32
      %swap3A_763 = arith.index_cast %swap3A_761 : i32 to index
      %swap3A_764 = arith.index_cast %swap3A_762 : i32 to index
      %swap3A_765 = arith.constant 48 : index
      %swap3A_766 = tpu.vector_load %arg18[%swap3A_763, %swap3A_764, %swap3A_765] {strides = array<i32>} : memref<2x5x128xf32, #tpu.memory_space<vmem>>, vector<16xf32>,
      tpu.vector_store %arg18[%swap3A_763, %swap3A_764, %swap3A_765], %mul3A_760 {strides = array<i32>} : memref<2x5x128xf32, #tpu.memory_space<vmem>>, vector<16xf32>,
      %mul3A_767 = arith.mulf %exp3A_741, %div3A_752 : vector<16xf32>
      %swap3A_768 = arith.constant 0 : i32
      %swap3A_769 = arith.constant 2 : i32
      %swap3A_770 = arith.index_cast %swap3A_768 : i32 to index
      %swap3A_771 = arith.index_cast %swap3A_769 : i32 to index
      %swap3A_772 = arith.constant 48 : index
      %swap3A_773 = tpu.vector_load %arg18[%swap3A_770, %swap3A_771, %swap3A_772] {strides = array<i32>} : memref<2x5x128xf32, #tpu.memory_space<vmem>>, vector<16xf32>,
      tpu.vector_store %arg18[%swap3A_770, %swap3A_771, %swap3A_772], %mul3A_767 {strides = array<i32>} : memref<2x5x128xf32, #tpu.memory_space<vmem>>, vector<16xf32>,
      %mul3A_774 = arith.mulf %exp3A_743, %div3A_752 : vector<16xf32>
      %swap3A_775 = arith.constant 0 : i32
      %swap3A_776 = arith.constant 3 : i32
      %swap3A_777 = arith.index_cast %swap3A_775 : i32 to index
      %swap3A_778 = arith.index_cast %swap3A_776 : i32 to index
      %swap3A_779 = arith.constant 48 : index
      %swap3A_780 = tpu.vector_load %arg18[%swap3A_777, %swap3A_778, %swap3A_779] {strides = array<i32>} : memref<2x5x128xf32, #tpu.memory_space<vmem>>, vector<16xf32>,
      tpu.vector_store %arg18[%swap3A_777, %swap3A_778, %swap3A_779], %mul3A_774 {strides = array<i32>} : memref<2x5x128xf32, #tpu.memory_space<vmem>>, vector<16xf32>,
      %mul3A_781 = arith.mulf %exp3A_745, %div3A_752 : vector<16xf32>
      %swap3A_782 = arith.constant 0 : i32
      %swap3A_783 = arith.constant 4 : i32
      %swap3A_784 = arith.index_cast %swap3A_782 : i32 to index
      %swap3A_785 = arith.index_cast %swap3A_783 : i32 to index
      %swap3A_786 = arith.constant 48 : index
      %swap3A_787 = tpu.vector_load %arg18[%swap3A_784, %swap3A_785, %swap3A_786] {strides = array<i32>} : memref<2x5x128xf32, #tpu.memory_space<vmem>>, vector<16xf32>,
      tpu.vector_store %arg18[%swap3A_784, %swap3A_785, %swap3A_786], %mul3A_781 {strides = array<i32>} : memref<2x5x128xf32, #tpu.memory_space<vmem>>, vector<16xf32>,
      %get3A_788 = arith.constant 64 : index
      %get3A_789 = tpu.vector_load %arg15[%get3A_788] {strides = array<i32>} : memref<128xf32, #tpu.memory_space<vmem>>, vector<16xf32>,
      %get3A_790 = arith.constant 64 : index
      %get3A_791 = tpu.vector_load %arg16[%get3A_790] {strides = array<i32>} : memref<128xf32, #tpu.memory_space<vmem>>, vector<16xf32>,
      %get3A_792 = arith.constant 64 : index
      %get3A_793 = tpu.vector_load %arg17[%get3A_792] {strides = array<i32>} : memref<128xf32, #tpu.memory_space<vmem>>, vector<16xf32>,
      %get3A_794 = arith.constant 0 : i32
      %get3A_795 = arith.index_cast %get3A_794 : i32 to index
      %get3A_796 = memref.load %arg14[%get3A_795] : memref<15xf32, #tpu.memory_space<smem>>
      %mul3A_797 = vector.broadcast %get3A_796 : f32 to vector<16xf32>
      %mul3A_798 = arith.mulf %get3A_789, %mul3A_797 : vector<16xf32>
      %get3A_799 = arith.constant 5 : i32
      %get3A_800 = arith.index_cast %get3A_799 : i32 to index
      %get3A_801 = memref.load %arg14[%get3A_800] : memref<15xf32, #tpu.memory_space<smem>>
      %mul3A_802 = vector.broadcast %get3A_801 : f32 to vector<16xf32>
      %mul3A_803 = arith.mulf %get3A_791, %mul3A_802 : vector<16xf32>
      %add3A_804 = arith.addf %mul3A_798, %mul3A_803 : vector<16xf32>
      %get3A_805 = arith.constant 10 : i32
      %get3A_806 = arith.index_cast %get3A_805 : i32 to index
      %get3A_807 = memref.load %arg14[%get3A_806] : memref<15xf32, #tpu.memory_space<smem>>
      %mul3A_808 = vector.broadcast %get3A_807 : f32 to vector<16xf32>
      %mul3A_809 = arith.mulf %get3A_793, %mul3A_808 : vector<16xf32>
      %add3A_810 = arith.addf %add3A_804, %mul3A_809 : vector<16xf32>
      %get3A_811 = arith.constant 1 : i32
      %get3A_812 = arith.index_cast %get3A_811 : i32 to index
      %get3A_813 = memref.load %arg14[%get3A_812] : memref<15xf32, #tpu.memory_space<smem>>
      %mul3A_814 = vector.broadcast %get3A_813 : f32 to vector<16xf32>
      %mul3A_815 = arith.mulf %get3A_789, %mul3A_814 : vector<16xf32>
      %get3A_816 = arith.constant 6 : i32
      %get3A_817 = arith.index_cast %get3A_816 : i32 to index
      %get3A_818 = memref.load %arg14[%get3A_817] : memref<15xf32, #tpu.memory_space<smem>>
      %mul3A_819 = vector.broadcast %get3A_818 : f32 to vector<16xf32>
      %mul3A_820 = arith.mulf %get3A_791, %mul3A_819 : vector<16xf32>
      %add3A_821 = arith.addf %mul3A_815, %mul3A_820 : vector<16xf32>
      %get3A_822 = arith.constant 11 : i32
      %get3A_823 = arith.index_cast %get3A_822 : i32 to index
      %get3A_824 = memref.load %arg14[%get3A_823] : memref<15xf32, #tpu.memory_space<smem>>
      %mul3A_825 = vector.broadcast %get3A_824 : f32 to vector<16xf32>
      %mul3A_826 = arith.mulf %get3A_793, %mul3A_825 : vector<16xf32>
      %add3A_827 = arith.addf %add3A_821, %mul3A_826 : vector<16xf32>
      %get3A_828 = arith.constant 2 : i32
      %get3A_829 = arith.index_cast %get3A_828 : i32 to index
      %get3A_830 = memref.load %arg14[%get3A_829] : memref<15xf32, #tpu.memory_space<smem>>
      %mul3A_831 = vector.broadcast %get3A_830 : f32 to vector<16xf32>
      %mul3A_832 = arith.mulf %get3A_789, %mul3A_831 : vector<16xf32>
      %get3A_833 = arith.constant 7 : i32
      %get3A_834 = arith.index_cast %get3A_833 : i32 to index
      %get3A_835 = memref.load %arg14[%get3A_834] : memref<15xf32, #tpu.memory_space<smem>>
      %mul3A_836 = vector.broadcast %get3A_835 : f32 to vector<16xf32>
      %mul3A_837 = arith.mulf %get3A_791, %mul3A_836 : vector<16xf32>
      %add3A_838 = arith.addf %mul3A_832, %mul3A_837 : vector<16xf32>
      %get3A_839 = arith.constant 12 : i32
      %get3A_840 = arith.index_cast %get3A_839 : i32 to index
      %get3A_841 = memref.load %arg14[%get3A_840] : memref<15xf32, #tpu.memory_space<smem>>
      %mul3A_842 = vector.broadcast %get3A_841 : f32 to vector<16xf32>
      %mul3A_843 = arith.mulf %get3A_793, %mul3A_842 : vector<16xf32>
      %add3A_844 = arith.addf %add3A_838, %mul3A_843 : vector<16xf32>
      %get3A_845 = arith.constant 3 : i32
      %get3A_846 = arith.index_cast %get3A_845 : i32 to index
      %get3A_847 = memref.load %arg14[%get3A_846] : memref<15xf32, #tpu.memory_space<smem>>
      %mul3A_848 = vector.broadcast %get3A_847 : f32 to vector<16xf32>
      %mul3A_849 = arith.mulf %get3A_789, %mul3A_848 : vector<16xf32>
      %get3A_850 = arith.constant 8 : i32
      %get3A_851 = arith.index_cast %get3A_850 : i32 to index
      %get3A_852 = memref.load %arg14[%get3A_851] : memref<15xf32, #tpu.memory_space<smem>>
      %mul3A_853 = vector.broadcast %get3A_852 : f32 to vector<16xf32>
      %mul3A_854 = arith.mulf %get3A_791, %mul3A_853 : vector<16xf32>
      %add3A_855 = arith.addf %mul3A_849, %mul3A_854 : vector<16xf32>
      %get3A_856 = arith.constant 13 : i32
      %get3A_857 = arith.index_cast %get3A_856 : i32 to index
      %get3A_858 = memref.load %arg14[%get3A_857] : memref<15xf32, #tpu.memory_space<smem>>
      %mul3A_859 = vector.broadcast %get3A_858 : f32 to vector<16xf32>
      %mul3A_860 = arith.mulf %get3A_793, %mul3A_859 : vector<16xf32>
      %add3A_861 = arith.addf %add3A_855, %mul3A_860 : vector<16xf32>
      %get3A_862 = arith.constant 4 : i32
      %get3A_863 = arith.index_cast %get3A_862 : i32 to index
      %get3A_864 = memref.load %arg14[%get3A_863] : memref<15xf32, #tpu.memory_space<smem>>
      %mul3A_865 = vector.broadcast %get3A_864 : f32 to vector<16xf32>
      %mul3A_866 = arith.mulf %get3A_789, %mul3A_865 : vector<16xf32>
      %get3A_867 = arith.constant 9 : i32
      %get3A_868 = arith.index_cast %get3A_867 : i32 to index
      %get3A_869 = memref.load %arg14[%get3A_868] : memref<15xf32, #tpu.memory_space<smem>>
      %mul3A_870 = vector.broadcast %get3A_869 : f32 to vector<16xf32>
      %mul3A_871 = arith.mulf %get3A_791, %mul3A_870 : vector<16xf32>
      %add3A_872 = arith.addf %mul3A_866, %mul3A_871 : vector<16xf32>
      %get3A_873 = arith.constant 14 : i32
      %get3A_874 = arith.index_cast %get3A_873 : i32 to index
      %get3A_875 = memref.load %arg14[%get3A_874] : memref<15xf32, #tpu.memory_space<smem>>
      %mul3A_876 = vector.broadcast %get3A_875 : f32 to vector<16xf32>
      %mul3A_877 = arith.mulf %get3A_793, %mul3A_876 : vector<16xf32>
      %add3A_878 = arith.addf %add3A_872, %mul3A_877 : vector<16xf32>
      %max3A_879 = arith.maximumf %add3A_810, %add3A_827 : vector<16xf32>
      %max3A_880 = arith.maximumf %max3A_879, %add3A_844 : vector<16xf32>
      %max3A_881 = arith.maximumf %max3A_880, %add3A_861 : vector<16xf32>
      %max3A_882 = arith.maximumf %max3A_881, %add3A_878 : vector<16xf32>
      %sub3A_883 = arith.subf %add3A_810, %max3A_882 : vector<16xf32>
      %exp3A_884 = math.exp %sub3A_883 : vector<16xf32>
      %sub3A_885 = arith.subf %add3A_827, %max3A_882 : vector<16xf32>
      %exp3A_886 = math.exp %sub3A_885 : vector<16xf32>
      %sub3A_887 = arith.subf %add3A_844, %max3A_882 : vector<16xf32>
      %exp3A_888 = math.exp %sub3A_887 : vector<16xf32>
      %sub3A_889 = arith.subf %add3A_861, %max3A_882 : vector<16xf32>
      %exp3A_890 = math.exp %sub3A_889 : vector<16xf32>
      %sub3A_891 = arith.subf %add3A_878, %max3A_882 : vector<16xf32>
      %exp3A_892 = math.exp %sub3A_891 : vector<16xf32>
      %add3A_893 = arith.addf %exp3A_884, %exp3A_886 : vector<16xf32>
      %add3A_894 = arith.addf %add3A_893, %exp3A_888 : vector<16xf32>
      %add3A_895 = arith.addf %add3A_894, %exp3A_890 : vector<16xf32>
      %add3A_896 = arith.addf %add3A_895, %exp3A_892 : vector<16xf32>
      %div3A_897 = arith.constant 1.000000e+00 : f32
      %div3A_898 = vector.broadcast %div3A_897 : f32 to vector<16xf32>
      %div3A_899 = arith.divf %div3A_898, %add3A_896 : vector<16xf32>
      %mul3A_900 = arith.mulf %exp3A_884, %div3A_899 : vector<16xf32>
      %swap3A_901 = arith.constant 0 : i32
      %swap3A_902 = arith.constant 0 : i32
      %swap3A_903 = arith.index_cast %swap3A_901 : i32 to index
      %swap3A_904 = arith.index_cast %swap3A_902 : i32 to index
      %swap3A_905 = arith.constant 64 : index
      %swap3A_906 = tpu.vector_load %arg18[%swap3A_903, %swap3A_904, %swap3A_905] {strides = array<i32>} : memref<2x5x128xf32, #tpu.memory_space<vmem>>, vector<16xf32>,
      tpu.vector_store %arg18[%swap3A_903, %swap3A_904, %swap3A_905], %mul3A_900 {strides = array<i32>} : memref<2x5x128xf32, #tpu.memory_space<vmem>>, vector<16xf32>,
      %mul3A_907 = arith.mulf %exp3A_886, %div3A_899 : vector<16xf32>
      %swap3A_908 = arith.constant 0 : i32
      %swap3A_909 = arith.constant 1 : i32
      %swap3A_910 = arith.index_cast %swap3A_908 : i32 to index
      %swap3A_911 = arith.index_cast %swap3A_909 : i32 to index
      %swap3A_912 = arith.constant 64 : index
      %swap3A_913 = tpu.vector_load %arg18[%swap3A_910, %swap3A_911, %swap3A_912] {strides = array<i32>} : memref<2x5x128xf32, #tpu.memory_space<vmem>>, vector<16xf32>,
      tpu.vector_store %arg18[%swap3A_910, %swap3A_911, %swap3A_912], %mul3A_907 {strides = array<i32>} : memref<2x5x128xf32, #tpu.memory_space<vmem>>, vector<16xf32>,
      %mul3A_914 = arith.mulf %exp3A_888, %div3A_899 : vector<16xf32>
      %swap3A_915 = arith.constant 0 : i32
      %swap3A_916 = arith.constant 2 : i32
      %swap3A_917 = arith.index_cast %swap3A_915 : i32 to index
      %swap3A_918 = arith.index_cast %swap3A_916 : i32 to index
      %swap3A_919 = arith.constant 64 : index
      %swap3A_920 = tpu.vector_load %arg18[%swap3A_917, %swap3A_918, %swap3A_919] {strides = array<i32>} : memref<2x5x128xf32, #tpu.memory_space<vmem>>, vector<16xf32>,
      tpu.vector_store %arg18[%swap3A_917, %swap3A_918, %swap3A_919], %mul3A_914 {strides = array<i32>} : memref<2x5x128xf32, #tpu.memory_space<vmem>>, vector<16xf32>,
      %mul3A_921 = arith.mulf %exp3A_890, %div3A_899 : vector<16xf32>
      %swap3A_922 = arith.constant 0 : i32
      %swap3A_923 = arith.constant 3 : i32
      %swap3A_924 = arith.index_cast %swap3A_922 : i32 to index
      %swap3A_925 = arith.index_cast %swap3A_923 : i32 to index
      %swap3A_926 = arith.constant 64 : index
      %swap3A_927 = tpu.vector_load %arg18[%swap3A_924, %swap3A_925, %swap3A_926] {strides = array<i32>} : memref<2x5x128xf32, #tpu.memory_space<vmem>>, vector<16xf32>,
      tpu.vector_store %arg18[%swap3A_924, %swap3A_925, %swap3A_926], %mul3A_921 {strides = array<i32>} : memref<2x5x128xf32, #tpu.memory_space<vmem>>, vector<16xf32>,
      %mul3A_928 = arith.mulf %exp3A_892, %div3A_899 : vector<16xf32>
      %swap3A_929 = arith.constant 0 : i32
      %swap3A_930 = arith.constant 4 : i32
      %swap3A_931 = arith.index_cast %swap3A_929 : i32 to index
      %swap3A_932 = arith.index_cast %swap3A_930 : i32 to index
      %swap3A_933 = arith.constant 64 : index
      %swap3A_934 = tpu.vector_load %arg18[%swap3A_931, %swap3A_932, %swap3A_933] {strides = array<i32>} : memref<2x5x128xf32, #tpu.memory_space<vmem>>, vector<16xf32>,
      tpu.vector_store %arg18[%swap3A_931, %swap3A_932, %swap3A_933], %mul3A_928 {strides = array<i32>} : memref<2x5x128xf32, #tpu.memory_space<vmem>>, vector<16xf32>,
      %get3A_935 = arith.constant 80 : index
      %get3A_936 = tpu.vector_load %arg15[%get3A_935] {strides = array<i32>} : memref<128xf32, #tpu.memory_space<vmem>>, vector<16xf32>,
      %get3A_937 = arith.constant 80 : index
      %get3A_938 = tpu.vector_load %arg16[%get3A_937] {strides = array<i32>} : memref<128xf32, #tpu.memory_space<vmem>>, vector<16xf32>,
      %get3A_939 = arith.constant 80 : index
      %get3A_940 = tpu.vector_load %arg17[%get3A_939] {strides = array<i32>} : memref<128xf32, #tpu.memory_space<vmem>>, vector<16xf32>,
      %get3A_941 = arith.constant 0 : i32
      %get3A_942 = arith.index_cast %get3A_941 : i32 to index
      %get3A_943 = memref.load %arg14[%get3A_942] : memref<15xf32, #tpu.memory_space<smem>>
      %mul3A_944 = vector.broadcast %get3A_943 : f32 to vector<16xf32>
      %mul3A_945 = arith.mulf %get3A_936, %mul3A_944 : vector<16xf32>
      %get3A_946 = arith.constant 5 : i32
      %get3A_947 = arith.index_cast %get3A_946 : i32 to index
      %get3A_948 = memref.load %arg14[%get3A_947] : memref<15xf32, #tpu.memory_space<smem>>
      %mul3A_949 = vector.broadcast %get3A_948 : f32 to vector<16xf32>
      %mul3A_950 = arith.mulf %get3A_938, %mul3A_949 : vector<16xf32>
      %add3A_951 = arith.addf %mul3A_945, %mul3A_950 : vector<16xf32>
      %get3A_952 = arith.constant 10 : i32
      %get3A_953 = arith.index_cast %get3A_952 : i32 to index
      %get3A_954 = memref.load %arg14[%get3A_953] : memref<15xf32, #tpu.memory_space<smem>>
      %mul3A_955 = vector.broadcast %get3A_954 : f32 to vector<16xf32>
      %mul3A_956 = arith.mulf %get3A_940, %mul3A_955 : vector<16xf32>
      %add3A_957 = arith.addf %add3A_951, %mul3A_956 : vector<16xf32>
      %get3A_958 = arith.constant 1 : i32
      %get3A_959 = arith.index_cast %get3A_958 : i32 to index
      %get3A_960 = memref.load %arg14[%get3A_959] : memref<15xf32, #tpu.memory_space<smem>>
      %mul3A_961 = vector.broadcast %get3A_960 : f32 to vector<16xf32>
      %mul3A_962 = arith.mulf %get3A_936, %mul3A_961 : vector<16xf32>
      %get3A_963 = arith.constant 6 : i32
      %get3A_964 = arith.index_cast %get3A_963 : i32 to index
      %get3A_965 = memref.load %arg14[%get3A_964] : memref<15xf32, #tpu.memory_space<smem>>
      %mul3A_966 = vector.broadcast %get3A_965 : f32 to vector<16xf32>
      %mul3A_967 = arith.mulf %get3A_938, %mul3A_966 : vector<16xf32>
      %add3A_968 = arith.addf %mul3A_962, %mul3A_967 : vector<16xf32>
      %get3A_969 = arith.constant 11 : i32
      %get3A_970 = arith.index_cast %get3A_969 : i32 to index
      %get3A_971 = memref.load %arg14[%get3A_970] : memref<15xf32, #tpu.memory_space<smem>>
      %mul3A_972 = vector.broadcast %get3A_971 : f32 to vector<16xf32>
      %mul3A_973 = arith.mulf %get3A_940, %mul3A_972 : vector<16xf32>
      %add3A_974 = arith.addf %add3A_968, %mul3A_973 : vector<16xf32>
      %get3A_975 = arith.constant 2 : i32
      %get3A_976 = arith.index_cast %get3A_975 : i32 to index
      %get3A_977 = memref.load %arg14[%get3A_976] : memref<15xf32, #tpu.memory_space<smem>>
      %mul3A_978 = vector.broadcast %get3A_977 : f32 to vector<16xf32>
      %mul3A_979 = arith.mulf %get3A_936, %mul3A_978 : vector<16xf32>
      %get3A_980 = arith.constant 7 : i32
      %get3A_981 = arith.index_cast %get3A_980 : i32 to index
      %get3A_982 = memref.load %arg14[%get3A_981] : memref<15xf32, #tpu.memory_space<smem>>
      %mul3A_983 = vector.broadcast %get3A_982 : f32 to vector<16xf32>
      %mul3A_984 = arith.mulf %get3A_938, %mul3A_983 : vector<16xf32>
      %add3A_985 = arith.addf %mul3A_979, %mul3A_984 : vector<16xf32>
      %get3A_986 = arith.constant 12 : i32
      %get3A_987 = arith.index_cast %get3A_986 : i32 to index
      %get3A_988 = memref.load %arg14[%get3A_987] : memref<15xf32, #tpu.memory_space<smem>>
      %mul3A_989 = vector.broadcast %get3A_988 : f32 to vector<16xf32>
      %mul3A_990 = arith.mulf %get3A_940, %mul3A_989 : vector<16xf32>
      %add3A_991 = arith.addf %add3A_985, %mul3A_990 : vector<16xf32>
      %get3A_992 = arith.constant 3 : i32
      %get3A_993 = arith.index_cast %get3A_992 : i32 to index
      %get3A_994 = memref.load %arg14[%get3A_993] : memref<15xf32, #tpu.memory_space<smem>>
      %mul3A_995 = vector.broadcast %get3A_994 : f32 to vector<16xf32>
      %mul3A_996 = arith.mulf %get3A_936, %mul3A_995 : vector<16xf32>
      %get3A_997 = arith.constant 8 : i32
      %get3A_998 = arith.index_cast %get3A_997 : i32 to index
      %get3A_999 = memref.load %arg14[%get3A_998] : memref<15xf32, #tpu.memory_space<smem>>
      %mul3A_1000 = vector.broadcast %get3A_999 : f32 to vector<16xf32>
      %mul3A_1001 = arith.mulf %get3A_938, %mul3A_1000 : vector<16xf32>
      %add3A_1002 = arith.addf %mul3A_996, %mul3A_1001 : vector<16xf32>
      %get3A_1003 = arith.constant 13 : i32
      %get3A_1004 = arith.index_cast %get3A_1003 : i32 to index
      %get3A_1005 = memref.load %arg14[%get3A_1004] : memref<15xf32, #tpu.memory_space<smem>>
      %mul3A_1006 = vector.broadcast %get3A_1005 : f32 to vector<16xf32>
      %mul3A_1007 = arith.mulf %get3A_940, %mul3A_1006 : vector<16xf32>
      %add3A_1008 = arith.addf %add3A_1002, %mul3A_1007 : vector<16xf32>
      %get3A_1009 = arith.constant 4 : i32
      %get3A_1010 = arith.index_cast %get3A_1009 : i32 to index
      %get3A_1011 = memref.load %arg14[%get3A_1010] : memref<15xf32, #tpu.memory_space<smem>>
      %mul3A_1012 = vector.broadcast %get3A_1011 : f32 to vector<16xf32>
      %mul3A_1013 = arith.mulf %get3A_936, %mul3A_1012 : vector<16xf32>
      %get3A_1014 = arith.constant 9 : i32
      %get3A_1015 = arith.index_cast %get3A_1014 : i32 to index
      %get3A_1016 = memref.load %arg14[%get3A_1015] : memref<15xf32, #tpu.memory_space<smem>>
      %mul3A_1017 = vector.broadcast %get3A_1016 : f32 to vector<16xf32>
      %mul3A_1018 = arith.mulf %get3A_938, %mul3A_1017 : vector<16xf32>
      %add3A_1019 = arith.addf %mul3A_1013, %mul3A_1018 : vector<16xf32>
      %get3A_1020 = arith.constant 14 : i32
      %get3A_1021 = arith.index_cast %get3A_1020 : i32 to index
      %get3A_1022 = memref.load %arg14[%get3A_1021] : memref<15xf32, #tpu.memory_space<smem>>
      %mul3A_1023 = vector.broadcast %get3A_1022 : f32 to vector<16xf32>
      %mul3A_1024 = arith.mulf %get3A_940, %mul3A_1023 : vector<16xf32>
      %add3A_1025 = arith.addf %add3A_1019, %mul3A_1024 : vector<16xf32>
      %max3A_1026 = arith.maximumf %add3A_957, %add3A_974 : vector<16xf32>
      %max3A_1027 = arith.maximumf %max3A_1026, %add3A_991 : vector<16xf32>
      %max3A_1028 = arith.maximumf %max3A_1027, %add3A_1008 : vector<16xf32>
      %max3A_1029 = arith.maximumf %max3A_1028, %add3A_1025 : vector<16xf32>
      %sub3A_1030 = arith.subf %add3A_957, %max3A_1029 : vector<16xf32>
      %exp3A_1031 = math.exp %sub3A_1030 : vector<16xf32>
      %sub3A_1032 = arith.subf %add3A_974, %max3A_1029 : vector<16xf32>
      %exp3A_1033 = math.exp %sub3A_1032 : vector<16xf32>
      %sub3A_1034 = arith.subf %add3A_991, %max3A_1029 : vector<16xf32>
      %exp3A_1035 = math.exp %sub3A_1034 : vector<16xf32>
      %sub3A_1036 = arith.subf %add3A_1008, %max3A_1029 : vector<16xf32>
      %exp3A_1037 = math.exp %sub3A_1036 : vector<16xf32>
      %sub3A_1038 = arith.subf %add3A_1025, %max3A_1029 : vector<16xf32>
      %exp3A_1039 = math.exp %sub3A_1038 : vector<16xf32>
      %add3A_1040 = arith.addf %exp3A_1031, %exp3A_1033 : vector<16xf32>
      %add3A_1041 = arith.addf %add3A_1040, %exp3A_1035 : vector<16xf32>
      %add3A_1042 = arith.addf %add3A_1041, %exp3A_1037 : vector<16xf32>
      %add3A_1043 = arith.addf %add3A_1042, %exp3A_1039 : vector<16xf32>
      %div3A_1044 = arith.constant 1.000000e+00 : f32
      %div3A_1045 = vector.broadcast %div3A_1044 : f32 to vector<16xf32>
      %div3A_1046 = arith.divf %div3A_1045, %add3A_1043 : vector<16xf32>
      %mul3A_1047 = arith.mulf %exp3A_1031, %div3A_1046 : vector<16xf32>
      %swap3A_1048 = arith.constant 0 : i32
      %swap3A_1049 = arith.constant 0 : i32
      %swap3A_1050 = arith.index_cast %swap3A_1048 : i32 to index
      %swap3A_1051 = arith.index_cast %swap3A_1049 : i32 to index
      %swap3A_1052 = arith.constant 80 : index
      %swap3A_1053 = tpu.vector_load %arg18[%swap3A_1050, %swap3A_1051, %swap3A_1052] {strides = array<i32>} : memref<2x5x128xf32, #tpu.memory_space<vmem>>, vector<16xf32>,
      tpu.vector_store %arg18[%swap3A_1050, %swap3A_1051, %swap3A_1052], %mul3A_1047 {strides = array<i32>} : memref<2x5x128xf32, #tpu.memory_space<vmem>>, vector<16xf32>,
      %mul3A_1054 = arith.mulf %exp3A_1033, %div3A_1046 : vector<16xf32>
      %swap3A_1055 = arith.constant 0 : i32
      %swap3A_1056 = arith.constant 1 : i32
      %swap3A_1057 = arith.index_cast %swap3A_1055 : i32 to index
      %swap3A_1058 = arith.index_cast %swap3A_1056 : i32 to index
      %swap3A_1059 = arith.constant 80 : index
      %swap3A_1060 = tpu.vector_load %arg18[%swap3A_1057, %swap3A_1058, %swap3A_1059] {strides = array<i32>} : memref<2x5x128xf32, #tpu.memory_space<vmem>>, vector<16xf32>,
      tpu.vector_store %arg18[%swap3A_1057, %swap3A_1058, %swap3A_1059], %mul3A_1054 {strides = array<i32>} : memref<2x5x128xf32, #tpu.memory_space<vmem>>, vector<16xf32>,
      %mul3A_1061 = arith.mulf %exp3A_1035, %div3A_1046 : vector<16xf32>
      %swap3A_1062 = arith.constant 0 : i32
      %swap3A_1063 = arith.constant 2 : i32
      %swap3A_1064 = arith.index_cast %swap3A_1062 : i32 to index
      %swap3A_1065 = arith.index_cast %swap3A_1063 : i32 to index
      %swap3A_1066 = arith.constant 80 : index
      %swap3A_1067 = tpu.vector_load %arg18[%swap3A_1064, %swap3A_1065, %swap3A_1066] {strides = array<i32>} : memref<2x5x128xf32, #tpu.memory_space<vmem>>, vector<16xf32>,
      tpu.vector_store %arg18[%swap3A_1064, %swap3A_1065, %swap3A_1066], %mul3A_1061 {strides = array<i32>} : memref<2x5x128xf32, #tpu.memory_space<vmem>>, vector<16xf32>,
      %mul3A_1068 = arith.mulf %exp3A_1037, %div3A_1046 : vector<16xf32>
      %swap3A_1069 = arith.constant 0 : i32
      %swap3A_1070 = arith.constant 3 : i32
      %swap3A_1071 = arith.index_cast %swap3A_1069 : i32 to index
      %swap3A_1072 = arith.index_cast %swap3A_1070 : i32 to index
      %swap3A_1073 = arith.constant 80 : index
      %swap3A_1074 = tpu.vector_load %arg18[%swap3A_1071, %swap3A_1072, %swap3A_1073] {strides = array<i32>} : memref<2x5x128xf32, #tpu.memory_space<vmem>>, vector<16xf32>,
      tpu.vector_store %arg18[%swap3A_1071, %swap3A_1072, %swap3A_1073], %mul3A_1068 {strides = array<i32>} : memref<2x5x128xf32, #tpu.memory_space<vmem>>, vector<16xf32>,
      %mul3A_1075 = arith.mulf %exp3A_1039, %div3A_1046 : vector<16xf32>
      %swap3A_1076 = arith.constant 0 : i32
      %swap3A_1077 = arith.constant 4 : i32
      %swap3A_1078 = arith.index_cast %swap3A_1076 : i32 to index
      %swap3A_1079 = arith.index_cast %swap3A_1077 : i32 to index
      %swap3A_1080 = arith.constant 80 : index
      %swap3A_1081 = tpu.vector_load %arg18[%swap3A_1078, %swap3A_1079, %swap3A_1080] {strides = array<i32>} : memref<2x5x128xf32, #tpu.memory_space<vmem>>, vector<16xf32>,
      tpu.vector_store %arg18[%swap3A_1078, %swap3A_1079, %swap3A_1080], %mul3A_1075 {strides = array<i32>} : memref<2x5x128xf32, #tpu.memory_space<vmem>>, vector<16xf32>,
      %get3A_1082 = arith.constant 96 : index
      %get3A_1083 = tpu.vector_load %arg15[%get3A_1082] {strides = array<i32>} : memref<128xf32, #tpu.memory_space<vmem>>, vector<16xf32>,
      %get3A_1084 = arith.constant 96 : index
      %get3A_1085 = tpu.vector_load %arg16[%get3A_1084] {strides = array<i32>} : memref<128xf32, #tpu.memory_space<vmem>>, vector<16xf32>,
      %get3A_1086 = arith.constant 96 : index
      %get3A_1087 = tpu.vector_load %arg17[%get3A_1086] {strides = array<i32>} : memref<128xf32, #tpu.memory_space<vmem>>, vector<16xf32>,
      %get3A_1088 = arith.constant 0 : i32
      %get3A_1089 = arith.index_cast %get3A_1088 : i32 to index
      %get3A_1090 = memref.load %arg14[%get3A_1089] : memref<15xf32, #tpu.memory_space<smem>>
      %mul3A_1091 = vector.broadcast %get3A_1090 : f32 to vector<16xf32>
      %mul3A_1092 = arith.mulf %get3A_1083, %mul3A_1091 : vector<16xf32>
      %get3A_1093 = arith.constant 5 : i32
      %get3A_1094 = arith.index_cast %get3A_1093 : i32 to index
      %get3A_1095 = memref.load %arg14[%get3A_1094] : memref<15xf32, #tpu.memory_space<smem>>
      %mul3A_1096 = vector.broadcast %get3A_1095 : f32 to vector<16xf32>
      %mul3A_1097 = arith.mulf %get3A_1085, %mul3A_1096 : vector<16xf32>
      %add3A_1098 = arith.addf %mul3A_1092, %mul3A_1097 : vector<16xf32>
      %get3A_1099 = arith.constant 10 : i32
      %get3A_1100 = arith.index_cast %get3A_1099 : i32 to index
      %get3A_1101 = memref.load %arg14[%get3A_1100] : memref<15xf32, #tpu.memory_space<smem>>
      %mul3A_1102 = vector.broadcast %get3A_1101 : f32 to vector<16xf32>
      %mul3A_1103 = arith.mulf %get3A_1087, %mul3A_1102 : vector<16xf32>
      %add3A_1104 = arith.addf %add3A_1098, %mul3A_1103 : vector<16xf32>
      %get3A_1105 = arith.constant 1 : i32
      %get3A_1106 = arith.index_cast %get3A_1105 : i32 to index
      %get3A_1107 = memref.load %arg14[%get3A_1106] : memref<15xf32, #tpu.memory_space<smem>>
      %mul3A_1108 = vector.broadcast %get3A_1107 : f32 to vector<16xf32>
      %mul3A_1109 = arith.mulf %get3A_1083, %mul3A_1108 : vector<16xf32>
      %get3A_1110 = arith.constant 6 : i32
      %get3A_1111 = arith.index_cast %get3A_1110 : i32 to index
      %get3A_1112 = memref.load %arg14[%get3A_1111] : memref<15xf32, #tpu.memory_space<smem>>
      %mul3A_1113 = vector.broadcast %get3A_1112 : f32 to vector<16xf32>
      %mul3A_1114 = arith.mulf %get3A_1085, %mul3A_1113 : vector<16xf32>
      %add3A_1115 = arith.addf %mul3A_1109, %mul3A_1114 : vector<16xf32>
      %get3A_1116 = arith.constant 11 : i32
      %get3A_1117 = arith.index_cast %get3A_1116 : i32 to index
      %get3A_1118 = memref.load %arg14[%get3A_1117] : memref<15xf32, #tpu.memory_space<smem>>
      %mul3A_1119 = vector.broadcast %get3A_1118 : f32 to vector<16xf32>
      %mul3A_1120 = arith.mulf %get3A_1087, %mul3A_1119 : vector<16xf32>
      %add3A_1121 = arith.addf %add3A_1115, %mul3A_1120 : vector<16xf32>
      %get3A_1122 = arith.constant 2 : i32
      %get3A_1123 = arith.index_cast %get3A_1122 : i32 to index
      %get3A_1124 = memref.load %arg14[%get3A_1123] : memref<15xf32, #tpu.memory_space<smem>>
      %mul3A_1125 = vector.broadcast %get3A_1124 : f32 to vector<16xf32>
      %mul3A_1126 = arith.mulf %get3A_1083, %mul3A_1125 : vector<16xf32>
      %get3A_1127 = arith.constant 7 : i32
      %get3A_1128 = arith.index_cast %get3A_1127 : i32 to index
      %get3A_1129 = memref.load %arg14[%get3A_1128] : memref<15xf32, #tpu.memory_space<smem>>
      %mul3A_1130 = vector.broadcast %get3A_1129 : f32 to vector<16xf32>
      %mul3A_1131 = arith.mulf %get3A_1085, %mul3A_1130 : vector<16xf32>
      %add3A_1132 = arith.addf %mul3A_1126, %mul3A_1131 : vector<16xf32>
      %get3A_1133 = arith.constant 12 : i32
      %get3A_1134 = arith.index_cast %get3A_1133 : i32 to index
      %get3A_1135 = memref.load %arg14[%get3A_1134] : memref<15xf32, #tpu.memory_space<smem>>
      %mul3A_1136 = vector.broadcast %get3A_1135 : f32 to vector<16xf32>
      %mul3A_1137 = arith.mulf %get3A_1087, %mul3A_1136 : vector<16xf32>
      %add3A_1138 = arith.addf %add3A_1132, %mul3A_1137 : vector<16xf32>
      %get3A_1139 = arith.constant 3 : i32
      %get3A_1140 = arith.index_cast %get3A_1139 : i32 to index
      %get3A_1141 = memref.load %arg14[%get3A_1140] : memref<15xf32, #tpu.memory_space<smem>>
      %mul3A_1142 = vector.broadcast %get3A_1141 : f32 to vector<16xf32>
      %mul3A_1143 = arith.mulf %get3A_1083, %mul3A_1142 : vector<16xf32>
      %get3A_1144 = arith.constant 8 : i32
      %get3A_1145 = arith.index_cast %get3A_1144 : i32 to index
      %get3A_1146 = memref.load %arg14[%get3A_1145] : memref<15xf32, #tpu.memory_space<smem>>
      %mul3A_1147 = vector.broadcast %get3A_1146 : f32 to vector<16xf32>
      %mul3A_1148 = arith.mulf %get3A_1085, %mul3A_1147 : vector<16xf32>
      %add3A_1149 = arith.addf %mul3A_1143, %mul3A_1148 : vector<16xf32>
      %get3A_1150 = arith.constant 13 : i32
      %get3A_1151 = arith.index_cast %get3A_1150 : i32 to index
      %get3A_1152 = memref.load %arg14[%get3A_1151] : memref<15xf32, #tpu.memory_space<smem>>
      %mul3A_1153 = vector.broadcast %get3A_1152 : f32 to vector<16xf32>
      %mul3A_1154 = arith.mulf %get3A_1087, %mul3A_1153 : vector<16xf32>
      %add3A_1155 = arith.addf %add3A_1149, %mul3A_1154 : vector<16xf32>
      %get3A_1156 = arith.constant 4 : i32
      %get3A_1157 = arith.index_cast %get3A_1156 : i32 to index
      %get3A_1158 = memref.load %arg14[%get3A_1157] : memref<15xf32, #tpu.memory_space<smem>>
      %mul3A_1159 = vector.broadcast %get3A_1158 : f32 to vector<16xf32>
      %mul3A_1160 = arith.mulf %get3A_1083, %mul3A_1159 : vector<16xf32>
      %get3A_1161 = arith.constant 9 : i32
      %get3A_1162 = arith.index_cast %get3A_1161 : i32 to index
      %get3A_1163 = memref.load %arg14[%get3A_1162] : memref<15xf32, #tpu.memory_space<smem>>
      %mul3A_1164 = vector.broadcast %get3A_1163 : f32 to vector<16xf32>
      %mul3A_1165 = arith.mulf %get3A_1085, %mul3A_1164 : vector<16xf32>
      %add3A_1166 = arith.addf %mul3A_1160, %mul3A_1165 : vector<16xf32>
      %get3A_1167 = arith.constant 14 : i32
      %get3A_1168 = arith.index_cast %get3A_1167 : i32 to index
      %get3A_1169 = memref.load %arg14[%get3A_1168] : memref<15xf32, #tpu.memory_space<smem>>
      %mul3A_1170 = vector.broadcast %get3A_1169 : f32 to vector<16xf32>
      %mul3A_1171 = arith.mulf %get3A_1087, %mul3A_1170 : vector<16xf32>
      %add3A_1172 = arith.addf %add3A_1166, %mul3A_1171 : vector<16xf32>
      %max3A_1173 = arith.maximumf %add3A_1104, %add3A_1121 : vector<16xf32>
      %max3A_1174 = arith.maximumf %max3A_1173, %add3A_1138 : vector<16xf32>
      %max3A_1175 = arith.maximumf %max3A_1174, %add3A_1155 : vector<16xf32>
      %max3A_1176 = arith.maximumf %max3A_1175, %add3A_1172 : vector<16xf32>
      %sub3A_1177 = arith.subf %add3A_1104, %max3A_1176 : vector<16xf32>
      %exp3A_1178 = math.exp %sub3A_1177 : vector<16xf32>
      %sub3A_1179 = arith.subf %add3A_1121, %max3A_1176 : vector<16xf32>
      %exp3A_1180 = math.exp %sub3A_1179 : vector<16xf32>
      %sub3A_1181 = arith.subf %add3A_1138, %max3A_1176 : vector<16xf32>
      %exp3A_1182 = math.exp %sub3A_1181 : vector<16xf32>
      %sub3A_1183 = arith.subf %add3A_1155, %max3A_1176 : vector<16xf32>
      %exp3A_1184 = math.exp %sub3A_1183 : vector<16xf32>
      %sub3A_1185 = arith.subf %add3A_1172, %max3A_1176 : vector<16xf32>
      %exp3A_1186 = math.exp %sub3A_1185 : vector<16xf32>
      %add3A_1187 = arith.addf %exp3A_1178, %exp3A_1180 : vector<16xf32>
      %add3A_1188 = arith.addf %add3A_1187, %exp3A_1182 : vector<16xf32>
      %add3A_1189 = arith.addf %add3A_1188, %exp3A_1184 : vector<16xf32>
      %add3A_1190 = arith.addf %add3A_1189, %exp3A_1186 : vector<16xf32>
      %div3A_1191 = arith.constant 1.000000e+00 : f32
      %div3A_1192 = vector.broadcast %div3A_1191 : f32 to vector<16xf32>
      %div3A_1193 = arith.divf %div3A_1192, %add3A_1190 : vector<16xf32>
      %mul3A_1194 = arith.mulf %exp3A_1178, %div3A_1193 : vector<16xf32>
      %swap3A_1195 = arith.constant 0 : i32
      %swap3A_1196 = arith.constant 0 : i32
      %swap3A_1197 = arith.index_cast %swap3A_1195 : i32 to index
      %swap3A_1198 = arith.index_cast %swap3A_1196 : i32 to index
      %swap3A_1199 = arith.constant 96 : index
      %swap3A_1200 = tpu.vector_load %arg18[%swap3A_1197, %swap3A_1198, %swap3A_1199] {strides = array<i32>} : memref<2x5x128xf32, #tpu.memory_space<vmem>>, vector<16xf32>,
      tpu.vector_store %arg18[%swap3A_1197, %swap3A_1198, %swap3A_1199], %mul3A_1194 {strides = array<i32>} : memref<2x5x128xf32, #tpu.memory_space<vmem>>, vector<16xf32>,
      %mul3A_1201 = arith.mulf %exp3A_1180, %div3A_1193 : vector<16xf32>
      %swap3A_1202 = arith.constant 0 : i32
      %swap3A_1203 = arith.constant 1 : i32
      %swap3A_1204 = arith.index_cast %swap3A_1202 : i32 to index
      %swap3A_1205 = arith.index_cast %swap3A_1203 : i32 to index
      %swap3A_1206 = arith.constant 96 : index
      %swap3A_1207 = tpu.vector_load %arg18[%swap3A_1204, %swap3A_1205, %swap3A_1206] {strides = array<i32>} : memref<2x5x128xf32, #tpu.memory_space<vmem>>, vector<16xf32>,
      tpu.vector_store %arg18[%swap3A_1204, %swap3A_1205, %swap3A_1206], %mul3A_1201 {strides = array<i32>} : memref<2x5x128xf32, #tpu.memory_space<vmem>>, vector<16xf32>,
      %mul3A_1208 = arith.mulf %exp3A_1182, %div3A_1193 : vector<16xf32>
      %swap3A_1209 = arith.constant 0 : i32
      %swap3A_1210 = arith.constant 2 : i32
      %swap3A_1211 = arith.index_cast %swap3A_1209 : i32 to index
      %swap3A_1212 = arith.index_cast %swap3A_1210 : i32 to index
      %swap3A_1213 = arith.constant 96 : index
      %swap3A_1214 = tpu.vector_load %arg18[%swap3A_1211, %swap3A_1212, %swap3A_1213] {strides = array<i32>} : memref<2x5x128xf32, #tpu.memory_space<vmem>>, vector<16xf32>,
      tpu.vector_store %arg18[%swap3A_1211, %swap3A_1212, %swap3A_1213], %mul3A_1208 {strides = array<i32>} : memref<2x5x128xf32, #tpu.memory_space<vmem>>, vector<16xf32>,
      %mul3A_1215 = arith.mulf %exp3A_1184, %div3A_1193 : vector<16xf32>
      %swap3A_1216 = arith.constant 0 : i32
      %swap3A_1217 = arith.constant 3 : i32
      %swap3A_1218 = arith.index_cast %swap3A_1216 : i32 to index
      %swap3A_1219 = arith.index_cast %swap3A_1217 : i32 to index
      %swap3A_1220 = arith.constant 96 : index
      %swap3A_1221 = tpu.vector_load %arg18[%swap3A_1218, %swap3A_1219, %swap3A_1220] {strides = array<i32>} : memref<2x5x128xf32, #tpu.memory_space<vmem>>, vector<16xf32>,
      tpu.vector_store %arg18[%swap3A_1218, %swap3A_1219, %swap3A_1220], %mul3A_1215 {strides = array<i32>} : memref<2x5x128xf32, #tpu.memory_space<vmem>>, vector<16xf32>,
      %mul3A_1222 = arith.mulf %exp3A_1186, %div3A_1193 : vector<16xf32>
      %swap3A_1223 = arith.constant 0 : i32
      %swap3A_1224 = arith.constant 4 : i32
      %swap3A_1225 = arith.index_cast %swap3A_1223 : i32 to index
      %swap3A_1226 = arith.index_cast %swap3A_1224 : i32 to index
      %swap3A_1227 = arith.constant 96 : index
      %swap3A_1228 = tpu.vector_load %arg18[%swap3A_1225, %swap3A_1226, %swap3A_1227] {strides = array<i32>} : memref<2x5x128xf32, #tpu.memory_space<vmem>>, vector<16xf32>,
      tpu.vector_store %arg18[%swap3A_1225, %swap3A_1226, %swap3A_1227], %mul3A_1222 {strides = array<i32>} : memref<2x5x128xf32, #tpu.memory_space<vmem>>, vector<16xf32>,
      %get3A_1229 = arith.constant 112 : index
      %get3A_1230 = tpu.vector_load %arg15[%get3A_1229] {strides = array<i32>} : memref<128xf32, #tpu.memory_space<vmem>>, vector<16xf32>,
      %get3A_1231 = arith.constant 112 : index
      %get3A_1232 = tpu.vector_load %arg16[%get3A_1231] {strides = array<i32>} : memref<128xf32, #tpu.memory_space<vmem>>, vector<16xf32>,
      %get3A_1233 = arith.constant 112 : index
      %get3A_1234 = tpu.vector_load %arg17[%get3A_1233] {strides = array<i32>} : memref<128xf32, #tpu.memory_space<vmem>>, vector<16xf32>,
      %get3A_1235 = arith.constant 0 : i32
      %get3A_1236 = arith.index_cast %get3A_1235 : i32 to index
      %get3A_1237 = memref.load %arg14[%get3A_1236] : memref<15xf32, #tpu.memory_space<smem>>
      %mul3A_1238 = vector.broadcast %get3A_1237 : f32 to vector<16xf32>
      %mul3A_1239 = arith.mulf %get3A_1230, %mul3A_1238 : vector<16xf32>
      %get3A_1240 = arith.constant 5 : i32
      %get3A_1241 = arith.index_cast %get3A_1240 : i32 to index
      %get3A_1242 = memref.load %arg14[%get3A_1241] : memref<15xf32, #tpu.memory_space<smem>>
      %mul3A_1243 = vector.broadcast %get3A_1242 : f32 to vector<16xf32>
      %mul3A_1244 = arith.mulf %get3A_1232, %mul3A_1243 : vector<16xf32>
      %add3A_1245 = arith.addf %mul3A_1239, %mul3A_1244 : vector<16xf32>
      %get3A_1246 = arith.constant 10 : i32
      %get3A_1247 = arith.index_cast %get3A_1246 : i32 to index
      %get3A_1248 = memref.load %arg14[%get3A_1247] : memref<15xf32, #tpu.memory_space<smem>>
      %mul3A_1249 = vector.broadcast %get3A_1248 : f32 to vector<16xf32>
      %mul3A_1250 = arith.mulf %get3A_1234, %mul3A_1249 : vector<16xf32>
      %add3A_1251 = arith.addf %add3A_1245, %mul3A_1250 : vector<16xf32>
      %get3A_1252 = arith.constant 1 : i32
      %get3A_1253 = arith.index_cast %get3A_1252 : i32 to index
      %get3A_1254 = memref.load %arg14[%get3A_1253] : memref<15xf32, #tpu.memory_space<smem>>
      %mul3A_1255 = vector.broadcast %get3A_1254 : f32 to vector<16xf32>
      %mul3A_1256 = arith.mulf %get3A_1230, %mul3A_1255 : vector<16xf32>
      %get3A_1257 = arith.constant 6 : i32
      %get3A_1258 = arith.index_cast %get3A_1257 : i32 to index
      %get3A_1259 = memref.load %arg14[%get3A_1258] : memref<15xf32, #tpu.memory_space<smem>>
      %mul3A_1260 = vector.broadcast %get3A_1259 : f32 to vector<16xf32>
      %mul3A_1261 = arith.mulf %get3A_1232, %mul3A_1260 : vector<16xf32>
      %add3A_1262 = arith.addf %mul3A_1256, %mul3A_1261 : vector<16xf32>
      %get3A_1263 = arith.constant 11 : i32
      %get3A_1264 = arith.index_cast %get3A_1263 : i32 to index
      %get3A_1265 = memref.load %arg14[%get3A_1264] : memref<15xf32, #tpu.memory_space<smem>>
      %mul3A_1266 = vector.broadcast %get3A_1265 : f32 to vector<16xf32>
      %mul3A_1267 = arith.mulf %get3A_1234, %mul3A_1266 : vector<16xf32>
      %add3A_1268 = arith.addf %add3A_1262, %mul3A_1267 : vector<16xf32>
      %get3A_1269 = arith.constant 2 : i32
      %get3A_1270 = arith.index_cast %get3A_1269 : i32 to index
      %get3A_1271 = memref.load %arg14[%get3A_1270] : memref<15xf32, #tpu.memory_space<smem>>
      %mul3A_1272 = vector.broadcast %get3A_1271 : f32 to vector<16xf32>
      %mul3A_1273 = arith.mulf %get3A_1230, %mul3A_1272 : vector<16xf32>
      %get3A_1274 = arith.constant 7 : i32
      %get3A_1275 = arith.index_cast %get3A_1274 : i32 to index
      %get3A_1276 = memref.load %arg14[%get3A_1275] : memref<15xf32, #tpu.memory_space<smem>>
      %mul3A_1277 = vector.broadcast %get3A_1276 : f32 to vector<16xf32>
      %mul3A_1278 = arith.mulf %get3A_1232, %mul3A_1277 : vector<16xf32>
      %add3A_1279 = arith.addf %mul3A_1273, %mul3A_1278 : vector<16xf32>
      %get3A_1280 = arith.constant 12 : i32
      %get3A_1281 = arith.index_cast %get3A_1280 : i32 to index
      %get3A_1282 = memref.load %arg14[%get3A_1281] : memref<15xf32, #tpu.memory_space<smem>>
      %mul3A_1283 = vector.broadcast %get3A_1282 : f32 to vector<16xf32>
      %mul3A_1284 = arith.mulf %get3A_1234, %mul3A_1283 : vector<16xf32>
      %add3A_1285 = arith.addf %add3A_1279, %mul3A_1284 : vector<16xf32>
      %get3A_1286 = arith.constant 3 : i32
      %get3A_1287 = arith.index_cast %get3A_1286 : i32 to index
      %get3A_1288 = memref.load %arg14[%get3A_1287] : memref<15xf32, #tpu.memory_space<smem>>
      %mul3A_1289 = vector.broadcast %get3A_1288 : f32 to vector<16xf32>
      %mul3A_1290 = arith.mulf %get3A_1230, %mul3A_1289 : vector<16xf32>
      %get3A_1291 = arith.constant 8 : i32
      %get3A_1292 = arith.index_cast %get3A_1291 : i32 to index
      %get3A_1293 = memref.load %arg14[%get3A_1292] : memref<15xf32, #tpu.memory_space<smem>>
      %mul3A_1294 = vector.broadcast %get3A_1293 : f32 to vector<16xf32>
      %mul3A_1295 = arith.mulf %get3A_1232, %mul3A_1294 : vector<16xf32>
      %add3A_1296 = arith.addf %mul3A_1290, %mul3A_1295 : vector<16xf32>
      %get3A_1297 = arith.constant 13 : i32
      %get3A_1298 = arith.index_cast %get3A_1297 : i32 to index
      %get3A_1299 = memref.load %arg14[%get3A_1298] : memref<15xf32, #tpu.memory_space<smem>>
      %mul3A_1300 = vector.broadcast %get3A_1299 : f32 to vector<16xf32>
      %mul3A_1301 = arith.mulf %get3A_1234, %mul3A_1300 : vector<16xf32>
      %add3A_1302 = arith.addf %add3A_1296, %mul3A_1301 : vector<16xf32>
      %get3A_1303 = arith.constant 4 : i32
      %get3A_1304 = arith.index_cast %get3A_1303 : i32 to index
      %get3A_1305 = memref.load %arg14[%get3A_1304] : memref<15xf32, #tpu.memory_space<smem>>
      %mul3A_1306 = vector.broadcast %get3A_1305 : f32 to vector<16xf32>
      %mul3A_1307 = arith.mulf %get3A_1230, %mul3A_1306 : vector<16xf32>
      %get3A_1308 = arith.constant 9 : i32
      %get3A_1309 = arith.index_cast %get3A_1308 : i32 to index
      %get3A_1310 = memref.load %arg14[%get3A_1309] : memref<15xf32, #tpu.memory_space<smem>>
      %mul3A_1311 = vector.broadcast %get3A_1310 : f32 to vector<16xf32>
      %mul3A_1312 = arith.mulf %get3A_1232, %mul3A_1311 : vector<16xf32>
      %add3A_1313 = arith.addf %mul3A_1307, %mul3A_1312 : vector<16xf32>
      %get3A_1314 = arith.constant 14 : i32
      %get3A_1315 = arith.index_cast %get3A_1314 : i32 to index
      %get3A_1316 = memref.load %arg14[%get3A_1315] : memref<15xf32, #tpu.memory_space<smem>>
      %mul3A_1317 = vector.broadcast %get3A_1316 : f32 to vector<16xf32>
      %mul3A_1318 = arith.mulf %get3A_1234, %mul3A_1317 : vector<16xf32>
      %add3A_1319 = arith.addf %add3A_1313, %mul3A_1318 : vector<16xf32>
      %max3A_1320 = arith.maximumf %add3A_1251, %add3A_1268 : vector<16xf32>
      %max3A_1321 = arith.maximumf %max3A_1320, %add3A_1285 : vector<16xf32>
      %max3A_1322 = arith.maximumf %max3A_1321, %add3A_1302 : vector<16xf32>
      %max3A_1323 = arith.maximumf %max3A_1322, %add3A_1319 : vector<16xf32>
      %sub3A_1324 = arith.subf %add3A_1251, %max3A_1323 : vector<16xf32>
      %exp3A_1325 = math.exp %sub3A_1324 : vector<16xf32>
      %sub3A_1326 = arith.subf %add3A_1268, %max3A_1323 : vector<16xf32>
      %exp3A_1327 = math.exp %sub3A_1326 : vector<16xf32>
      %sub3A_1328 = arith.subf %add3A_1285, %max3A_1323 : vector<16xf32>
      %exp3A_1329 = math.exp %sub3A_1328 : vector<16xf32>
      %sub3A_1330 = arith.subf %add3A_1302, %max3A_1323 : vector<16xf32>
      %exp3A_1331 = math.exp %sub3A_1330 : vector<16xf32>
      %sub3A_1332 = arith.subf %add3A_1319, %max3A_1323 : vector<16xf32>
      %exp3A_1333 = math.exp %sub3A_1332 : vector<16xf32>
      %add3A_1334 = arith.addf %exp3A_1325, %exp3A_1327 : vector<16xf32>
      %add3A_1335 = arith.addf %add3A_1334, %exp3A_1329 : vector<16xf32>
      %add3A_1336 = arith.addf %add3A_1335, %exp3A_1331 : vector<16xf32>
      %add3A_1337 = arith.addf %add3A_1336, %exp3A_1333 : vector<16xf32>
      %div3A_1338 = arith.constant 1.000000e+00 : f32
      %div3A_1339 = vector.broadcast %div3A_1338 : f32 to vector<16xf32>
      %div3A_1340 = arith.divf %div3A_1339, %add3A_1337 : vector<16xf32>
      %mul3A_1341 = arith.mulf %exp3A_1325, %div3A_1340 : vector<16xf32>
      %swap3A_1342 = arith.constant 0 : i32
      %swap3A_1343 = arith.constant 0 : i32
      %swap3A_1344 = arith.index_cast %swap3A_1342 : i32 to index
      %swap3A_1345 = arith.index_cast %swap3A_1343 : i32 to index
      %swap3A_1346 = arith.constant 112 : index
      %swap3A_1347 = tpu.vector_load %arg18[%swap3A_1344, %swap3A_1345, %swap3A_1346] {strides = array<i32>} : memref<2x5x128xf32, #tpu.memory_space<vmem>>, vector<16xf32>,
      tpu.vector_store %arg18[%swap3A_1344, %swap3A_1345, %swap3A_1346], %mul3A_1341 {strides = array<i32>} : memref<2x5x128xf32, #tpu.memory_space<vmem>>, vector<16xf32>,
      %mul3A_1348 = arith.mulf %exp3A_1327, %div3A_1340 : vector<16xf32>
      %swap3A_1349 = arith.constant 0 : i32
      %swap3A_1350 = arith.constant 1 : i32
      %swap3A_1351 = arith.index_cast %swap3A_1349 : i32 to index
      %swap3A_1352 = arith.index_cast %swap3A_1350 : i32 to index
      %swap3A_1353 = arith.constant 112 : index
      %swap3A_1354 = tpu.vector_load %arg18[%swap3A_1351, %swap3A_1352, %swap3A_1353] {strides = array<i32>} : memref<2x5x128xf32, #tpu.memory_space<vmem>>, vector<16xf32>,
      tpu.vector_store %arg18[%swap3A_1351, %swap3A_1352, %swap3A_1353], %mul3A_1348 {strides = array<i32>} : memref<2x5x128xf32, #tpu.memory_space<vmem>>, vector<16xf32>,
      %mul3A_1355 = arith.mulf %exp3A_1329, %div3A_1340 : vector<16xf32>
      %swap3A_1356 = arith.constant 0 : i32
      %swap3A_1357 = arith.constant 2 : i32
      %swap3A_1358 = arith.index_cast %swap3A_1356 : i32 to index
      %swap3A_1359 = arith.index_cast %swap3A_1357 : i32 to index
      %swap3A_1360 = arith.constant 112 : index
      %swap3A_1361 = tpu.vector_load %arg18[%swap3A_1358, %swap3A_1359, %swap3A_1360] {strides = array<i32>} : memref<2x5x128xf32, #tpu.memory_space<vmem>>, vector<16xf32>,
      tpu.vector_store %arg18[%swap3A_1358, %swap3A_1359, %swap3A_1360], %mul3A_1355 {strides = array<i32>} : memref<2x5x128xf32, #tpu.memory_space<vmem>>, vector<16xf32>,
      %mul3A_1362 = arith.mulf %exp3A_1331, %div3A_1340 : vector<16xf32>
      %swap3A_1363 = arith.constant 0 : i32
      %swap3A_1364 = arith.constant 3 : i32
      %swap3A_1365 = arith.index_cast %swap3A_1363 : i32 to index
      %swap3A_1366 = arith.index_cast %swap3A_1364 : i32 to index
      %swap3A_1367 = arith.constant 112 : index
      %swap3A_1368 = tpu.vector_load %arg18[%swap3A_1365, %swap3A_1366, %swap3A_1367] {strides = array<i32>} : memref<2x5x128xf32, #tpu.memory_space<vmem>>, vector<16xf32>,
      tpu.vector_store %arg18[%swap3A_1365, %swap3A_1366, %swap3A_1367], %mul3A_1362 {strides = array<i32>} : memref<2x5x128xf32, #tpu.memory_space<vmem>>, vector<16xf32>,
      %mul3A_1369 = arith.mulf %exp3A_1333, %div3A_1340 : vector<16xf32>
      %swap3A_1370 = arith.constant 0 : i32
      %swap3A_1371 = arith.constant 4 : i32
      %swap3A_1372 = arith.index_cast %swap3A_1370 : i32 to index
      %swap3A_1373 = arith.index_cast %swap3A_1371 : i32 to index
      %swap3A_1374 = arith.constant 112 : index
      %swap3A_1375 = tpu.vector_load %arg18[%swap3A_1372, %swap3A_1373, %swap3A_1374] {strides = array<i32>} : memref<2x5x128xf32, #tpu.memory_space<vmem>>, vector<16xf32>,
      tpu.vector_store %arg18[%swap3A_1372, %swap3A_1373, %swap3A_1374], %mul3A_1369 {strides = array<i32>} : memref<2x5x128xf32, #tpu.memory_space<vmem>>, vector<16xf32>,
      %mul3A_1376 = arith.constant 128 : i32
      %mul3A_1377 = arith.muli %add3A_167, %mul3A_1376 : i32
      %add3A_1378 = arith.addi %mul3A_2, %mul3A_1377 : i32
      %dma_start3A_1379 = arith.constant 0 : i32
      %dma_start3A_1380 = arith.constant 0 : i32
      %dma_start3A_1381 = arith.constant 0 : i32
      %dma_start3A_1382 = arith.constant 0 : i32
      %dma_start3A_1383 = tpu.memref_slice %arg18[%dma_start3A_1379, %dma_start3A_1381, %dma_start3A_1382] : memref<2x5x128xf32, #tpu.memory_space<vmem>> -> memref<1x5x128xf32, #tpu.memory_space<vmem>>
      %dma_start3A_1384 = tpu.memref_squeeze %dma_start3A_1383 : memref<1x5x128xf32, #tpu.memory_space<vmem>> -> memref<5x128xf32, #tpu.memory_space<vmem>>
      %dma_start3A_1385 = arith.constant 0 : i32
      %dma_start3A_1386 = tpu.memref_slice %arg8[%dma_start3A_1385, %add3A_1378] : memref<5x262144xf32, #tpu.memory_space<hbm>> -> memref<5x128xf32, #tpu.memory_space<hbm>>
      %dma_start3A_1387 = tpu.memref_slice %arg21[%dma_start3A_1380] : memref<2x!tpu.dma_semaphore, #tpu.memory_space<semaphore_mem>> -> memref<1x!tpu.dma_semaphore, #tpu.memory_space<semaphore_mem>>
      %dma_start3A_1388 = tpu.memref_squeeze %dma_start3A_1387 : memref<1x!tpu.dma_semaphore, #tpu.memory_space<semaphore_mem>> -> memref<!tpu.dma_semaphore, #tpu.memory_space<semaphore_mem>>
      %dma_start3A_1389 = arith.constant 0 : i32
      %dma_start3A_1390 = tpu.memref_slice %arg8[%dma_start3A_1389, %add3A_1378] : memref<5x262144xf32, #tpu.memory_space<hbm>> -> memref<5x128xf32, #tpu.memory_space<hbm>>
      %dma_start3A_1391 = arith.constant 0 : i32
      %dma_start3A_1392 = arith.constant 0 : i32
      %dma_start3A_1393 = tpu.memref_slice %arg18[%dma_start3A_1379, %dma_start3A_1391, %dma_start3A_1392] : memref<2x5x128xf32, #tpu.memory_space<vmem>> -> memref<1x5x128xf32, #tpu.memory_space<vmem>>
      %dma_start3A_1394 = tpu.memref_squeeze %dma_start3A_1393 : memref<1x5x128xf32, #tpu.memory_space<vmem>> -> memref<5x128xf32, #tpu.memory_space<vmem>>
      tpu.enqueue_dma source(%dma_start3A_1394 : memref<5x128xf32, #tpu.memory_space<vmem>>) target(%dma_start3A_1390 : memref<5x128xf32, #tpu.memory_space<hbm>>) target_semaphore(%dma_start3A_1388 : memref<!tpu.dma_semaphore, #tpu.memory_space<semaphore_mem>>)
      %mul3A_1395 = arith.constant 2 : i32
      %mul3A_1396 = arith.muli %scan3A_163, %mul3A_1395 : i32
      %add3A_1397 = arith.constant 1 : i32
      %add3A_1398 = arith.addi %mul3A_1396, %add3A_1397 : i32
      %add3A_1399 = arith.constant 1 : i32
      %add3A_1400 = arith.addi %add3A_1398, %add3A_1399 : i32
      %lt3A_1401 = arith.constant 64 : i32
      %lt3A_1402 = arith.cmpi slt, %add3A_1400, %lt3A_1401 : i32
      %convert_element_type3A_1403 = arith.extui %lt3A_1402 : i1 to i32
      %cond3A_1404 = arith.constant 0 : i32
      %cond3A_1405 = arith.cmpi ne, %convert_element_type3A_1403, %cond3A_1404 : i32
      scf.if %cond3A_1405 {
        %add3A_2635 = arith.constant 1 : i32
        %add3A_2636 = arith.addi %add3A_1398, %add3A_2635 : i32
        %mul3A_2637 = arith.constant 128 : i32
        %mul3A_2638 = arith.muli %add3A_2636, %mul3A_2637 : i32
        %dma_start3A_2639 = arith.constant 0 : i32
        %dma_start3A_2640 = arith.constant 0 : i32
        %dma_start3A_2641 = arith.constant 0 : i32
        %dma_start3A_2642 = arith.constant 0 : i32
        %dma_start3A_2643 = tpu.memref_slice %arg11[%dma_start3A_2639, %dma_start3A_2641, %dma_start3A_2642] : memref<2x128x64xf32, #tpu.memory_space<vmem>> -> memref<1x128x64xf32, #tpu.memory_space<vmem>>
        %dma_start3A_2644 = tpu.memref_squeeze %dma_start3A_2643 : memref<1x128x64xf32, #tpu.memory_space<vmem>> -> memref<128x64xf32, #tpu.memory_space<vmem>>
        %dma_start3A_2645 = tpu.memref_slice %arg9[%mul3A_2638] : memref<8192xi32, #tpu.memory_space<vmem>> -> memref<128xi32, #tpu.memory_space<vmem>>
        %dma_start3A_2646 = arith.constant 0 : i32
        %dma_start3A_2647 = arith.constant 0 : i32
        %dma_start3A_2648 = tpu.memref_slice %arg2[%dma_start3A_2646, %dma_start3A_2647] : memref<100000x64xf32, #tpu.memory_space<hbm>> -> memref<100000x64xf32, #tpu.memory_space<hbm>>
        %dma_start3A_2649 = tpu.memref_slice %arg19[%dma_start3A_2640] : memref<2x!tpu.dma_semaphore, #tpu.memory_space<semaphore_mem>> -> memref<1x!tpu.dma_semaphore, #tpu.memory_space<semaphore_mem>>
        %dma_start3A_2650 = tpu.memref_squeeze %dma_start3A_2649 : memref<1x!tpu.dma_semaphore, #tpu.memory_space<semaphore_mem>> -> memref<!tpu.dma_semaphore, #tpu.memory_space<semaphore_mem>>
        tpu.enqueue_indirect_dma source(%dma_start3A_2648 : memref<100000x64xf32, #tpu.memory_space<hbm>>) target(%dma_start3A_2644 : memref<128x64xf32, #tpu.memory_space<vmem>>) offsets(%dma_start3A_2645 : memref<128xi32, #tpu.memory_space<vmem>>) semaphore(%dma_start3A_2650 : memref<!tpu.dma_semaphore, #tpu.memory_space<semaphore_mem>>)
        %mul3A_2651 = arith.constant 128 : i32
        %mul3A_2652 = arith.muli %add3A_2636, %mul3A_2651 : i32
        %dma_start3A_2653 = arith.constant 0 : i32
        %dma_start3A_2654 = arith.constant 0 : i32
        %dma_start3A_2655 = arith.constant 0 : i32
        %dma_start3A_2656 = arith.constant 0 : i32
        %dma_start3A_2657 = tpu.memref_slice %arg12[%dma_start3A_2653, %dma_start3A_2655, %dma_start3A_2656] : memref<2x128x64xf32, #tpu.memory_space<vmem>> -> memref<1x128x64xf32, #tpu.memory_space<vmem>>
        %dma_start3A_2658 = tpu.memref_squeeze %dma_start3A_2657 : memref<1x128x64xf32, #tpu.memory_space<vmem>> -> memref<128x64xf32, #tpu.memory_space<vmem>>
        %dma_start3A_2659 = tpu.memref_slice %arg10[%mul3A_2652] : memref<8192xi32, #tpu.memory_space<vmem>> -> memref<128xi32, #tpu.memory_space<vmem>>
        %dma_start3A_2660 = arith.constant 0 : i32
        %dma_start3A_2661 = arith.constant 0 : i32
        %dma_start3A_2662 = tpu.memref_slice %arg3[%dma_start3A_2660, %dma_start3A_2661] : memref<100000x64xf32, #tpu.memory_space<hbm>> -> memref<100000x64xf32, #tpu.memory_space<hbm>>
        %dma_start3A_2663 = tpu.memref_slice %arg20[%dma_start3A_2654] : memref<2x!tpu.dma_semaphore, #tpu.memory_space<semaphore_mem>> -> memref<1x!tpu.dma_semaphore, #tpu.memory_space<semaphore_mem>>
        %dma_start3A_2664 = tpu.memref_squeeze %dma_start3A_2663 : memref<1x!tpu.dma_semaphore, #tpu.memory_space<semaphore_mem>> -> memref<!tpu.dma_semaphore, #tpu.memory_space<semaphore_mem>>
        tpu.enqueue_indirect_dma source(%dma_start3A_2662 : memref<100000x64xf32, #tpu.memory_space<hbm>>) target(%dma_start3A_2658 : memref<128x64xf32, #tpu.memory_space<vmem>>) offsets(%dma_start3A_2659 : memref<128xi32, #tpu.memory_space<vmem>>) semaphore(%dma_start3A_2664 : memref<!tpu.dma_semaphore, #tpu.memory_space<semaphore_mem>>)
      } else {
      }
      %dma_wait3A_1406 = arith.constant 1 : i32
      %dma_wait3A_1407 = arith.constant 1 : i32
      %dma_wait3A_1408 = arith.constant 0 : i32
      %dma_wait3A_1409 = arith.constant 0 : i32
      %dma_wait3A_1410 = tpu.memref_slice %arg11[%dma_wait3A_1406, %dma_wait3A_1408, %dma_wait3A_1409] : memref<2x128x64xf32, #tpu.memory_space<vmem>> -> memref<1x128x64xf32, #tpu.memory_space<vmem>>
      %dma_wait3A_1411 = tpu.memref_squeeze %dma_wait3A_1410 : memref<1x128x64xf32, #tpu.memory_space<vmem>> -> memref<128x64xf32, #tpu.memory_space<vmem>>
      %dma_wait3A_1412 = arith.constant 0 : i32
      %dma_wait3A_1413 = tpu.memref_slice %arg9[%dma_wait3A_1412] : memref<8192xi32, #tpu.memory_space<vmem>> -> memref<128xi32, #tpu.memory_space<vmem>>
      %dma_wait3A_1414 = arith.constant 0 : i32
      %dma_wait3A_1415 = arith.constant 0 : i32
      %dma_wait3A_1416 = tpu.memref_slice %arg2[%dma_wait3A_1414, %dma_wait3A_1415] : memref<100000x64xf32, #tpu.memory_space<hbm>> -> memref<100000x64xf32, #tpu.memory_space<hbm>>
      %dma_wait3A_1417 = tpu.memref_slice %arg19[%dma_wait3A_1407] : memref<2x!tpu.dma_semaphore, #tpu.memory_space<semaphore_mem>> -> memref<1x!tpu.dma_semaphore, #tpu.memory_space<semaphore_mem>>
      %dma_wait3A_1418 = tpu.memref_squeeze %dma_wait3A_1417 : memref<1x!tpu.dma_semaphore, #tpu.memory_space<semaphore_mem>> -> memref<!tpu.dma_semaphore, #tpu.memory_space<semaphore_mem>>
      tpu.wait_indirect_dma semaphore(%dma_wait3A_1418 : memref<!tpu.dma_semaphore, #tpu.memory_space<semaphore_mem>>) src(%dma_wait3A_1416 : memref<100000x64xf32, #tpu.memory_space<hbm>>) dst(%dma_wait3A_1411 : memref<128x64xf32, #tpu.memory_space<vmem>>)
      %dma_wait3A_1419 = arith.constant 1 : i32
      %dma_wait3A_1420 = arith.constant 1 : i32
      %dma_wait3A_1421 = arith.constant 0 : i32
      %dma_wait3A_1422 = arith.constant 0 : i32
      %dma_wait3A_1423 = tpu.memref_slice %arg12[%dma_wait3A_1419, %dma_wait3A_1421, %dma_wait3A_1422] : memref<2x128x64xf32, #tpu.memory_space<vmem>> -> memref<1x128x64xf32, #tpu.memory_space<vmem>>
      %dma_wait3A_1424 = tpu.memref_squeeze %dma_wait3A_1423 : memref<1x128x64xf32, #tpu.memory_space<vmem>> -> memref<128x64xf32, #tpu.memory_space<vmem>>
      %dma_wait3A_1425 = arith.constant 0 : i32
      %dma_wait3A_1426 = tpu.memref_slice %arg10[%dma_wait3A_1425] : memref<8192xi32, #tpu.memory_space<vmem>> -> memref<128xi32, #tpu.memory_space<vmem>>
      %dma_wait3A_1427 = arith.constant 0 : i32
      %dma_wait3A_1428 = arith.constant 0 : i32
      %dma_wait3A_1429 = tpu.memref_slice %arg3[%dma_wait3A_1427, %dma_wait3A_1428] : memref<100000x64xf32, #tpu.memory_space<hbm>> -> memref<100000x64xf32, #tpu.memory_space<hbm>>
      %dma_wait3A_1430 = tpu.memref_slice %arg20[%dma_wait3A_1420] : memref<2x!tpu.dma_semaphore, #tpu.memory_space<semaphore_mem>> -> memref<1x!tpu.dma_semaphore, #tpu.memory_space<semaphore_mem>>
      %dma_wait3A_1431 = tpu.memref_squeeze %dma_wait3A_1430 : memref<1x!tpu.dma_semaphore, #tpu.memory_space<semaphore_mem>> -> memref<!tpu.dma_semaphore, #tpu.memory_space<semaphore_mem>>
      tpu.wait_indirect_dma semaphore(%dma_wait3A_1431 : memref<!tpu.dma_semaphore, #tpu.memory_space<semaphore_mem>>) src(%dma_wait3A_1429 : memref<100000x64xf32, #tpu.memory_space<hbm>>) dst(%dma_wait3A_1424 : memref<128x64xf32, #tpu.memory_space<vmem>>)
      %ge3A_1432 = arith.constant 2 : i32
      %ge3A_1433 = arith.cmpi sge, %add3A_1398, %ge3A_1432 : i32
      %convert_element_type3A_1434 = arith.extui %ge3A_1433 : i1 to i32
      %cond3A_1435 = arith.constant 0 : i32
      %cond3A_1436 = arith.cmpi ne, %convert_element_type3A_1434, %cond3A_1435 : i32
      scf.if %cond3A_1436 {
        %dma_wait3A_2635 = arith.constant 1 : i32
        %dma_wait3A_2636 = arith.constant 1 : i32
        %dma_wait3A_2637 = arith.constant 0 : i32
        %dma_wait3A_2638 = arith.constant 0 : i32
        %dma_wait3A_2639 = tpu.memref_slice %arg18[%dma_wait3A_2635, %dma_wait3A_2637, %dma_wait3A_2638] : memref<2x5x128xf32, #tpu.memory_space<vmem>> -> memref<1x5x128xf32, #tpu.memory_space<vmem>>
        %dma_wait3A_2640 = tpu.memref_squeeze %dma_wait3A_2639 : memref<1x5x128xf32, #tpu.memory_space<vmem>> -> memref<5x128xf32, #tpu.memory_space<vmem>>
        %dma_wait3A_2641 = arith.constant 0 : i32
        %dma_wait3A_2642 = tpu.memref_slice %arg8[%dma_wait3A_2641, %mul3A_2] : memref<5x262144xf32, #tpu.memory_space<hbm>> -> memref<5x128xf32, #tpu.memory_space<hbm>>
        %dma_wait3A_2643 = tpu.memref_slice %arg21[%dma_wait3A_2636] : memref<2x!tpu.dma_semaphore, #tpu.memory_space<semaphore_mem>> -> memref<1x!tpu.dma_semaphore, #tpu.memory_space<semaphore_mem>>
        %dma_wait3A_2644 = tpu.memref_squeeze %dma_wait3A_2643 : memref<1x!tpu.dma_semaphore, #tpu.memory_space<semaphore_mem>> -> memref<!tpu.dma_semaphore, #tpu.memory_space<semaphore_mem>>
        %dma_wait3A_2645 = arith.constant 0 : i32
        %dma_wait3A_2646 = tpu.memref_slice %arg8[%dma_wait3A_2645, %mul3A_2] : memref<5x262144xf32, #tpu.memory_space<hbm>> -> memref<5x128xf32, #tpu.memory_space<hbm>>
        %dma_wait3A_2647 = arith.constant 0 : i32
        %dma_wait3A_2648 = arith.constant 0 : i32
        %dma_wait3A_2649 = tpu.memref_slice %arg18[%dma_wait3A_2635, %dma_wait3A_2647, %dma_wait3A_2648] : memref<2x5x128xf32, #tpu.memory_space<vmem>> -> memref<1x5x128xf32, #tpu.memory_space<vmem>>
        %dma_wait3A_2650 = tpu.memref_squeeze %dma_wait3A_2649 : memref<1x5x128xf32, #tpu.memory_space<vmem>> -> memref<5x128xf32, #tpu.memory_space<vmem>>
        tpu.wait_dma2 semaphore(%dma_wait3A_2644 : memref<!tpu.dma_semaphore, #tpu.memory_space<semaphore_mem>>) src(%dma_wait3A_2650 : memref<5x128xf32, #tpu.memory_space<vmem>>) dst(%dma_wait3A_2646 : memref<5x128xf32, #tpu.memory_space<hbm>>)
      } else {
      }
      %parallel_loop3A_1437 = arith.constant 0 : i32
      %parallel_loop3A_1438 = arith.constant 128 : i32
      %parallel_loop3A_1439 = arith.constant 1 : i32
      scf.for %parallel_loop3A_2635 = %parallel_loop3A_1437 to %parallel_loop3A_1438 step %parallel_loop3A_1439  : i32 {
        %parallel_loop3A_2636 = arith.constant 1 : i32
        %parallel_loop3A_2637 = arith.index_cast %parallel_loop3A_2636 : i32 to index
        %parallel_loop3A_2638 = arith.index_cast %parallel_loop3A_2635 : i32 to index
        %parallel_loop3A_2639 = arith.constant 0 : index
        %parallel_loop3A_2640 = tpu.vector_load %arg11[%parallel_loop3A_2637, %parallel_loop3A_2638, %parallel_loop3A_2639] {strides = array<i32>} : memref<2x128x64xf32, #tpu.memory_space<vmem>>, vector<16xf32>,
        %parallel_loop3A_2641 = arith.constant 1 : i32
        %parallel_loop3A_2642 = arith.index_cast %parallel_loop3A_2641 : i32 to index
        %parallel_loop3A_2643 = arith.index_cast %parallel_loop3A_2635 : i32 to index
        %parallel_loop3A_2644 = arith.constant 0 : index
        %parallel_loop3A_2645 = tpu.vector_load %arg12[%parallel_loop3A_2642, %parallel_loop3A_2643, %parallel_loop3A_2644] {strides = array<i32>} : memref<2x128x64xf32, #tpu.memory_space<vmem>>, vector<16xf32>,
        %parallel_loop3A_2646 = arith.mulf %parallel_loop3A_2640, %parallel_loop3A_2645 : vector<16xf32>
        %parallel_loop3A_2647 = arith.constant 1 : i32
        %parallel_loop3A_2648 = arith.index_cast %parallel_loop3A_2647 : i32 to index
        %parallel_loop3A_2649 = arith.index_cast %parallel_loop3A_2635 : i32 to index
        %parallel_loop3A_2650 = arith.constant 16 : index
        %parallel_loop3A_2651 = tpu.vector_load %arg11[%parallel_loop3A_2648, %parallel_loop3A_2649, %parallel_loop3A_2650] {strides = array<i32>} : memref<2x128x64xf32, #tpu.memory_space<vmem>>, vector<16xf32>,
        %parallel_loop3A_2652 = arith.constant 1 : i32
        %parallel_loop3A_2653 = arith.index_cast %parallel_loop3A_2652 : i32 to index
        %parallel_loop3A_2654 = arith.index_cast %parallel_loop3A_2635 : i32 to index
        %parallel_loop3A_2655 = arith.constant 16 : index
        %parallel_loop3A_2656 = tpu.vector_load %arg12[%parallel_loop3A_2653, %parallel_loop3A_2654, %parallel_loop3A_2655] {strides = array<i32>} : memref<2x128x64xf32, #tpu.memory_space<vmem>>, vector<16xf32>,
        %parallel_loop3A_2657 = arith.mulf %parallel_loop3A_2651, %parallel_loop3A_2656 : vector<16xf32>
        %parallel_loop3A_2658 = arith.constant 1 : i32
        %parallel_loop3A_2659 = arith.index_cast %parallel_loop3A_2658 : i32 to index
        %parallel_loop3A_2660 = arith.index_cast %parallel_loop3A_2635 : i32 to index
        %parallel_loop3A_2661 = arith.constant 32 : index
        %parallel_loop3A_2662 = tpu.vector_load %arg11[%parallel_loop3A_2659, %parallel_loop3A_2660, %parallel_loop3A_2661] {strides = array<i32>} : memref<2x128x64xf32, #tpu.memory_space<vmem>>, vector<16xf32>,
        %parallel_loop3A_2663 = arith.constant 1 : i32
        %parallel_loop3A_2664 = arith.index_cast %parallel_loop3A_2663 : i32 to index
        %parallel_loop3A_2665 = arith.index_cast %parallel_loop3A_2635 : i32 to index
        %parallel_loop3A_2666 = arith.constant 32 : index
        %parallel_loop3A_2667 = tpu.vector_load %arg12[%parallel_loop3A_2664, %parallel_loop3A_2665, %parallel_loop3A_2666] {strides = array<i32>} : memref<2x128x64xf32, #tpu.memory_space<vmem>>, vector<16xf32>,
        %parallel_loop3A_2668 = arith.mulf %parallel_loop3A_2662, %parallel_loop3A_2667 : vector<16xf32>
        %parallel_loop3A_2669 = arith.constant 1 : i32
        %parallel_loop3A_2670 = arith.index_cast %parallel_loop3A_2669 : i32 to index
        %parallel_loop3A_2671 = arith.index_cast %parallel_loop3A_2635 : i32 to index
        %parallel_loop3A_2672 = arith.constant 48 : index
        %parallel_loop3A_2673 = tpu.vector_load %arg11[%parallel_loop3A_2670, %parallel_loop3A_2671, %parallel_loop3A_2672] {strides = array<i32>} : memref<2x128x64xf32, #tpu.memory_space<vmem>>, vector<16xf32>,
        %parallel_loop3A_2674 = arith.constant 1 : i32
        %parallel_loop3A_2675 = arith.index_cast %parallel_loop3A_2674 : i32 to index
        %parallel_loop3A_2676 = arith.index_cast %parallel_loop3A_2635 : i32 to index
        %parallel_loop3A_2677 = arith.constant 48 : index
        %parallel_loop3A_2678 = tpu.vector_load %arg12[%parallel_loop3A_2675, %parallel_loop3A_2676, %parallel_loop3A_2677] {strides = array<i32>} : memref<2x128x64xf32, #tpu.memory_space<vmem>>, vector<16xf32>,
        %parallel_loop3A_2679 = arith.mulf %parallel_loop3A_2673, %parallel_loop3A_2678 : vector<16xf32>
        %parallel_loop3A_2680 = vector.broadcast %parallel_loop3A_2635 : i32 to vector<16xi32>
        %parallel_loop3A_2681 = arith.addi %broadcast_in_dim3A_100, %parallel_loop3A_2680 : vector<16xi32>
        %parallel_loop3A_2682 = arith.mulf %parallel_loop3A_2646, %get3A_77 : vector<16xf32>
        %parallel_loop3A_2683 = arith.mulf %parallel_loop3A_2657, %get3A_79 : vector<16xf32>
        %parallel_loop3A_2684 = arith.addf %parallel_loop3A_2682, %parallel_loop3A_2683 : vector<16xf32>
        %parallel_loop3A_2685 = arith.mulf %parallel_loop3A_2668, %get3A_81 : vector<16xf32>
        %parallel_loop3A_2686 = arith.addf %parallel_loop3A_2684, %parallel_loop3A_2685 : vector<16xf32>
        %parallel_loop3A_2687 = arith.mulf %parallel_loop3A_2679, %get3A_83 : vector<16xf32>
        %parallel_loop3A_2688 = arith.addf %parallel_loop3A_2686, %parallel_loop3A_2687 : vector<16xf32>
        %parallel_loop3A_2689 = arith.constant true
        %parallel_loop3A_2690 = vector.broadcast %parallel_loop3A_2689 : i1 to vector<16xi1>
        %parallel_loop3A_2691 = tpu.scan <sum>, %parallel_loop3A_2688 masked %parallel_loop3A_2690 : vector<16xf32>, vector<16xi1> -> vector<16xf32>
        tpu.vector_store_idx %arg15[%parallel_loop3A_2681], %parallel_loop3A_2691 masked %eq3A_102 : memref<128xf32, #tpu.memory_space<vmem>>[vector<16xi32>], vector<16xf32>, vector<16xi1>
        %parallel_loop3A_2692 = arith.mulf %parallel_loop3A_2646, %get3A_85 : vector<16xf32>
        %parallel_loop3A_2693 = arith.mulf %parallel_loop3A_2657, %get3A_87 : vector<16xf32>
        %parallel_loop3A_2694 = arith.addf %parallel_loop3A_2692, %parallel_loop3A_2693 : vector<16xf32>
        %parallel_loop3A_2695 = arith.mulf %parallel_loop3A_2668, %get3A_89 : vector<16xf32>
        %parallel_loop3A_2696 = arith.addf %parallel_loop3A_2694, %parallel_loop3A_2695 : vector<16xf32>
        %parallel_loop3A_2697 = arith.mulf %parallel_loop3A_2679, %get3A_91 : vector<16xf32>
        %parallel_loop3A_2698 = arith.addf %parallel_loop3A_2696, %parallel_loop3A_2697 : vector<16xf32>
        %parallel_loop3A_2699 = arith.constant true
        %parallel_loop3A_2700 = vector.broadcast %parallel_loop3A_2699 : i1 to vector<16xi1>
        %parallel_loop3A_2701 = tpu.scan <sum>, %parallel_loop3A_2698 masked %parallel_loop3A_2700 : vector<16xf32>, vector<16xi1> -> vector<16xf32>
        tpu.vector_store_idx %arg16[%parallel_loop3A_2681], %parallel_loop3A_2701 masked %eq3A_102 : memref<128xf32, #tpu.memory_space<vmem>>[vector<16xi32>], vector<16xf32>, vector<16xi1>
        %parallel_loop3A_2702 = arith.mulf %parallel_loop3A_2646, %get3A_93 : vector<16xf32>
        %parallel_loop3A_2703 = arith.mulf %parallel_loop3A_2657, %get3A_95 : vector<16xf32>
        %parallel_loop3A_2704 = arith.addf %parallel_loop3A_2702, %parallel_loop3A_2703 : vector<16xf32>
        %parallel_loop3A_2705 = arith.mulf %parallel_loop3A_2668, %get3A_97 : vector<16xf32>
        %parallel_loop3A_2706 = arith.addf %parallel_loop3A_2704, %parallel_loop3A_2705 : vector<16xf32>
        %parallel_loop3A_2707 = arith.mulf %parallel_loop3A_2679, %get3A_99 : vector<16xf32>
        %parallel_loop3A_2708 = arith.addf %parallel_loop3A_2706, %parallel_loop3A_2707 : vector<16xf32>
        %parallel_loop3A_2709 = arith.constant true
        %parallel_loop3A_2710 = vector.broadcast %parallel_loop3A_2709 : i1 to vector<16xi1>
        %parallel_loop3A_2711 = tpu.scan <sum>, %parallel_loop3A_2708 masked %parallel_loop3A_2710 : vector<16xf32>, vector<16xi1> -> vector<16xf32>
        tpu.vector_store_idx %arg17[%parallel_loop3A_2681], %parallel_loop3A_2711 masked %eq3A_102 : memref<128xf32, #tpu.memory_space<vmem>>[vector<16xi32>], vector<16xf32>, vector<16xi1>
      } {sc.loop_unroll_factor = 8 : i64, sc.parallel_access}
      %get3A_1440 = arith.constant 0 : index
      %get3A_1441 = tpu.vector_load %arg15[%get3A_1440] {strides = array<i32>} : memref<128xf32, #tpu.memory_space<vmem>>, vector<16xf32>,
      %get3A_1442 = arith.constant 0 : index
      %get3A_1443 = tpu.vector_load %arg16[%get3A_1442] {strides = array<i32>} : memref<128xf32, #tpu.memory_space<vmem>>, vector<16xf32>,
      %get3A_1444 = arith.constant 0 : index
      %get3A_1445 = tpu.vector_load %arg17[%get3A_1444] {strides = array<i32>} : memref<128xf32, #tpu.memory_space<vmem>>, vector<16xf32>,
      %get3A_1446 = arith.constant 0 : i32
      %get3A_1447 = arith.index_cast %get3A_1446 : i32 to index
      %get3A_1448 = memref.load %arg14[%get3A_1447] : memref<15xf32, #tpu.memory_space<smem>>
      %mul3A_1449 = vector.broadcast %get3A_1448 : f32 to vector<16xf32>
      %mul3A_1450 = arith.mulf %get3A_1441, %mul3A_1449 : vector<16xf32>
      %get3A_1451 = arith.constant 5 : i32
      %get3A_1452 = arith.index_cast %get3A_1451 : i32 to index
      %get3A_1453 = memref.load %arg14[%get3A_1452] : memref<15xf32, #tpu.memory_space<smem>>
      %mul3A_1454 = vector.broadcast %get3A_1453 : f32 to vector<16xf32>
      %mul3A_1455 = arith.mulf %get3A_1443, %mul3A_1454 : vector<16xf32>
      %add3A_1456 = arith.addf %mul3A_1450, %mul3A_1455 : vector<16xf32>
      %get3A_1457 = arith.constant 10 : i32
      %get3A_1458 = arith.index_cast %get3A_1457 : i32 to index
      %get3A_1459 = memref.load %arg14[%get3A_1458] : memref<15xf32, #tpu.memory_space<smem>>
      %mul3A_1460 = vector.broadcast %get3A_1459 : f32 to vector<16xf32>
      %mul3A_1461 = arith.mulf %get3A_1445, %mul3A_1460 : vector<16xf32>
      %add3A_1462 = arith.addf %add3A_1456, %mul3A_1461 : vector<16xf32>
      %get3A_1463 = arith.constant 1 : i32
      %get3A_1464 = arith.index_cast %get3A_1463 : i32 to index
      %get3A_1465 = memref.load %arg14[%get3A_1464] : memref<15xf32, #tpu.memory_space<smem>>
      %mul3A_1466 = vector.broadcast %get3A_1465 : f32 to vector<16xf32>
      %mul3A_1467 = arith.mulf %get3A_1441, %mul3A_1466 : vector<16xf32>
      %get3A_1468 = arith.constant 6 : i32
      %get3A_1469 = arith.index_cast %get3A_1468 : i32 to index
      %get3A_1470 = memref.load %arg14[%get3A_1469] : memref<15xf32, #tpu.memory_space<smem>>
      %mul3A_1471 = vector.broadcast %get3A_1470 : f32 to vector<16xf32>
      %mul3A_1472 = arith.mulf %get3A_1443, %mul3A_1471 : vector<16xf32>
      %add3A_1473 = arith.addf %mul3A_1467, %mul3A_1472 : vector<16xf32>
      %get3A_1474 = arith.constant 11 : i32
      %get3A_1475 = arith.index_cast %get3A_1474 : i32 to index
      %get3A_1476 = memref.load %arg14[%get3A_1475] : memref<15xf32, #tpu.memory_space<smem>>
      %mul3A_1477 = vector.broadcast %get3A_1476 : f32 to vector<16xf32>
      %mul3A_1478 = arith.mulf %get3A_1445, %mul3A_1477 : vector<16xf32>
      %add3A_1479 = arith.addf %add3A_1473, %mul3A_1478 : vector<16xf32>
      %get3A_1480 = arith.constant 2 : i32
      %get3A_1481 = arith.index_cast %get3A_1480 : i32 to index
      %get3A_1482 = memref.load %arg14[%get3A_1481] : memref<15xf32, #tpu.memory_space<smem>>
      %mul3A_1483 = vector.broadcast %get3A_1482 : f32 to vector<16xf32>
      %mul3A_1484 = arith.mulf %get3A_1441, %mul3A_1483 : vector<16xf32>
      %get3A_1485 = arith.constant 7 : i32
      %get3A_1486 = arith.index_cast %get3A_1485 : i32 to index
      %get3A_1487 = memref.load %arg14[%get3A_1486] : memref<15xf32, #tpu.memory_space<smem>>
      %mul3A_1488 = vector.broadcast %get3A_1487 : f32 to vector<16xf32>
      %mul3A_1489 = arith.mulf %get3A_1443, %mul3A_1488 : vector<16xf32>
      %add3A_1490 = arith.addf %mul3A_1484, %mul3A_1489 : vector<16xf32>
      %get3A_1491 = arith.constant 12 : i32
      %get3A_1492 = arith.index_cast %get3A_1491 : i32 to index
      %get3A_1493 = memref.load %arg14[%get3A_1492] : memref<15xf32, #tpu.memory_space<smem>>
      %mul3A_1494 = vector.broadcast %get3A_1493 : f32 to vector<16xf32>
      %mul3A_1495 = arith.mulf %get3A_1445, %mul3A_1494 : vector<16xf32>
      %add3A_1496 = arith.addf %add3A_1490, %mul3A_1495 : vector<16xf32>
      %get3A_1497 = arith.constant 3 : i32
      %get3A_1498 = arith.index_cast %get3A_1497 : i32 to index
      %get3A_1499 = memref.load %arg14[%get3A_1498] : memref<15xf32, #tpu.memory_space<smem>>
      %mul3A_1500 = vector.broadcast %get3A_1499 : f32 to vector<16xf32>
      %mul3A_1501 = arith.mulf %get3A_1441, %mul3A_1500 : vector<16xf32>
      %get3A_1502 = arith.constant 8 : i32
      %get3A_1503 = arith.index_cast %get3A_1502 : i32 to index
      %get3A_1504 = memref.load %arg14[%get3A_1503] : memref<15xf32, #tpu.memory_space<smem>>
      %mul3A_1505 = vector.broadcast %get3A_1504 : f32 to vector<16xf32>
      %mul3A_1506 = arith.mulf %get3A_1443, %mul3A_1505 : vector<16xf32>
      %add3A_1507 = arith.addf %mul3A_1501, %mul3A_1506 : vector<16xf32>
      %get3A_1508 = arith.constant 13 : i32
      %get3A_1509 = arith.index_cast %get3A_1508 : i32 to index
      %get3A_1510 = memref.load %arg14[%get3A_1509] : memref<15xf32, #tpu.memory_space<smem>>
      %mul3A_1511 = vector.broadcast %get3A_1510 : f32 to vector<16xf32>
      %mul3A_1512 = arith.mulf %get3A_1445, %mul3A_1511 : vector<16xf32>
      %add3A_1513 = arith.addf %add3A_1507, %mul3A_1512 : vector<16xf32>
      %get3A_1514 = arith.constant 4 : i32
      %get3A_1515 = arith.index_cast %get3A_1514 : i32 to index
      %get3A_1516 = memref.load %arg14[%get3A_1515] : memref<15xf32, #tpu.memory_space<smem>>
      %mul3A_1517 = vector.broadcast %get3A_1516 : f32 to vector<16xf32>
      %mul3A_1518 = arith.mulf %get3A_1441, %mul3A_1517 : vector<16xf32>
      %get3A_1519 = arith.constant 9 : i32
      %get3A_1520 = arith.index_cast %get3A_1519 : i32 to index
      %get3A_1521 = memref.load %arg14[%get3A_1520] : memref<15xf32, #tpu.memory_space<smem>>
      %mul3A_1522 = vector.broadcast %get3A_1521 : f32 to vector<16xf32>
      %mul3A_1523 = arith.mulf %get3A_1443, %mul3A_1522 : vector<16xf32>
      %add3A_1524 = arith.addf %mul3A_1518, %mul3A_1523 : vector<16xf32>
      %get3A_1525 = arith.constant 14 : i32
      %get3A_1526 = arith.index_cast %get3A_1525 : i32 to index
      %get3A_1527 = memref.load %arg14[%get3A_1526] : memref<15xf32, #tpu.memory_space<smem>>
      %mul3A_1528 = vector.broadcast %get3A_1527 : f32 to vector<16xf32>
      %mul3A_1529 = arith.mulf %get3A_1445, %mul3A_1528 : vector<16xf32>
      %add3A_1530 = arith.addf %add3A_1524, %mul3A_1529 : vector<16xf32>
      %max3A_1531 = arith.maximumf %add3A_1462, %add3A_1479 : vector<16xf32>
      %max3A_1532 = arith.maximumf %max3A_1531, %add3A_1496 : vector<16xf32>
      %max3A_1533 = arith.maximumf %max3A_1532, %add3A_1513 : vector<16xf32>
      %max3A_1534 = arith.maximumf %max3A_1533, %add3A_1530 : vector<16xf32>
      %sub3A_1535 = arith.subf %add3A_1462, %max3A_1534 : vector<16xf32>
      %exp3A_1536 = math.exp %sub3A_1535 : vector<16xf32>
      %sub3A_1537 = arith.subf %add3A_1479, %max3A_1534 : vector<16xf32>
      %exp3A_1538 = math.exp %sub3A_1537 : vector<16xf32>
      %sub3A_1539 = arith.subf %add3A_1496, %max3A_1534 : vector<16xf32>
      %exp3A_1540 = math.exp %sub3A_1539 : vector<16xf32>
      %sub3A_1541 = arith.subf %add3A_1513, %max3A_1534 : vector<16xf32>
      %exp3A_1542 = math.exp %sub3A_1541 : vector<16xf32>
      %sub3A_1543 = arith.subf %add3A_1530, %max3A_1534 : vector<16xf32>
      %exp3A_1544 = math.exp %sub3A_1543 : vector<16xf32>
      %add3A_1545 = arith.addf %exp3A_1536, %exp3A_1538 : vector<16xf32>
      %add3A_1546 = arith.addf %add3A_1545, %exp3A_1540 : vector<16xf32>
      %add3A_1547 = arith.addf %add3A_1546, %exp3A_1542 : vector<16xf32>
      %add3A_1548 = arith.addf %add3A_1547, %exp3A_1544 : vector<16xf32>
      %div3A_1549 = arith.constant 1.000000e+00 : f32
      %div3A_1550 = vector.broadcast %div3A_1549 : f32 to vector<16xf32>
      %div3A_1551 = arith.divf %div3A_1550, %add3A_1548 : vector<16xf32>
      %mul3A_1552 = arith.mulf %exp3A_1536, %div3A_1551 : vector<16xf32>
      %swap3A_1553 = arith.constant 1 : i32
      %swap3A_1554 = arith.constant 0 : i32
      %swap3A_1555 = arith.index_cast %swap3A_1553 : i32 to index
      %swap3A_1556 = arith.index_cast %swap3A_1554 : i32 to index
      %swap3A_1557 = arith.constant 0 : index
      %swap3A_1558 = tpu.vector_load %arg18[%swap3A_1555, %swap3A_1556, %swap3A_1557] {strides = array<i32>} : memref<2x5x128xf32, #tpu.memory_space<vmem>>, vector<16xf32>,
      tpu.vector_store %arg18[%swap3A_1555, %swap3A_1556, %swap3A_1557], %mul3A_1552 {strides = array<i32>} : memref<2x5x128xf32, #tpu.memory_space<vmem>>, vector<16xf32>,
      %mul3A_1559 = arith.mulf %exp3A_1538, %div3A_1551 : vector<16xf32>
      %swap3A_1560 = arith.constant 1 : i32
      %swap3A_1561 = arith.constant 1 : i32
      %swap3A_1562 = arith.index_cast %swap3A_1560 : i32 to index
      %swap3A_1563 = arith.index_cast %swap3A_1561 : i32 to index
      %swap3A_1564 = arith.constant 0 : index
      %swap3A_1565 = tpu.vector_load %arg18[%swap3A_1562, %swap3A_1563, %swap3A_1564] {strides = array<i32>} : memref<2x5x128xf32, #tpu.memory_space<vmem>>, vector<16xf32>,
      tpu.vector_store %arg18[%swap3A_1562, %swap3A_1563, %swap3A_1564], %mul3A_1559 {strides = array<i32>} : memref<2x5x128xf32, #tpu.memory_space<vmem>>, vector<16xf32>,
      %mul3A_1566 = arith.mulf %exp3A_1540, %div3A_1551 : vector<16xf32>
      %swap3A_1567 = arith.constant 1 : i32
      %swap3A_1568 = arith.constant 2 : i32
      %swap3A_1569 = arith.index_cast %swap3A_1567 : i32 to index
      %swap3A_1570 = arith.index_cast %swap3A_1568 : i32 to index
      %swap3A_1571 = arith.constant 0 : index
      %swap3A_1572 = tpu.vector_load %arg18[%swap3A_1569, %swap3A_1570, %swap3A_1571] {strides = array<i32>} : memref<2x5x128xf32, #tpu.memory_space<vmem>>, vector<16xf32>,
      tpu.vector_store %arg18[%swap3A_1569, %swap3A_1570, %swap3A_1571], %mul3A_1566 {strides = array<i32>} : memref<2x5x128xf32, #tpu.memory_space<vmem>>, vector<16xf32>,
      %mul3A_1573 = arith.mulf %exp3A_1542, %div3A_1551 : vector<16xf32>
      %swap3A_1574 = arith.constant 1 : i32
      %swap3A_1575 = arith.constant 3 : i32
      %swap3A_1576 = arith.index_cast %swap3A_1574 : i32 to index
      %swap3A_1577 = arith.index_cast %swap3A_1575 : i32 to index
      %swap3A_1578 = arith.constant 0 : index
      %swap3A_1579 = tpu.vector_load %arg18[%swap3A_1576, %swap3A_1577, %swap3A_1578] {strides = array<i32>} : memref<2x5x128xf32, #tpu.memory_space<vmem>>, vector<16xf32>,
      tpu.vector_store %arg18[%swap3A_1576, %swap3A_1577, %swap3A_1578], %mul3A_1573 {strides = array<i32>} : memref<2x5x128xf32, #tpu.memory_space<vmem>>, vector<16xf32>,
      %mul3A_1580 = arith.mulf %exp3A_1544, %div3A_1551 : vector<16xf32>
      %swap3A_1581 = arith.constant 1 : i32
      %swap3A_1582 = arith.constant 4 : i32
      %swap3A_1583 = arith.index_cast %swap3A_1581 : i32 to index
      %swap3A_1584 = arith.index_cast %swap3A_1582 : i32 to index
      %swap3A_1585 = arith.constant 0 : index
      %swap3A_1586 = tpu.vector_load %arg18[%swap3A_1583, %swap3A_1584, %swap3A_1585] {strides = array<i32>} : memref<2x5x128xf32, #tpu.memory_space<vmem>>, vector<16xf32>,
      tpu.vector_store %arg18[%swap3A_1583, %swap3A_1584, %swap3A_1585], %mul3A_1580 {strides = array<i32>} : memref<2x5x128xf32, #tpu.memory_space<vmem>>, vector<16xf32>,
      %get3A_1587 = arith.constant 16 : index
      %get3A_1588 = tpu.vector_load %arg15[%get3A_1587] {strides = array<i32>} : memref<128xf32, #tpu.memory_space<vmem>>, vector<16xf32>,
      %get3A_1589 = arith.constant 16 : index
      %get3A_1590 = tpu.vector_load %arg16[%get3A_1589] {strides = array<i32>} : memref<128xf32, #tpu.memory_space<vmem>>, vector<16xf32>,
      %get3A_1591 = arith.constant 16 : index
      %get3A_1592 = tpu.vector_load %arg17[%get3A_1591] {strides = array<i32>} : memref<128xf32, #tpu.memory_space<vmem>>, vector<16xf32>,
      %get3A_1593 = arith.constant 0 : i32
      %get3A_1594 = arith.index_cast %get3A_1593 : i32 to index
      %get3A_1595 = memref.load %arg14[%get3A_1594] : memref<15xf32, #tpu.memory_space<smem>>
      %mul3A_1596 = vector.broadcast %get3A_1595 : f32 to vector<16xf32>
      %mul3A_1597 = arith.mulf %get3A_1588, %mul3A_1596 : vector<16xf32>
      %get3A_1598 = arith.constant 5 : i32
      %get3A_1599 = arith.index_cast %get3A_1598 : i32 to index
      %get3A_1600 = memref.load %arg14[%get3A_1599] : memref<15xf32, #tpu.memory_space<smem>>
      %mul3A_1601 = vector.broadcast %get3A_1600 : f32 to vector<16xf32>
      %mul3A_1602 = arith.mulf %get3A_1590, %mul3A_1601 : vector<16xf32>
      %add3A_1603 = arith.addf %mul3A_1597, %mul3A_1602 : vector<16xf32>
      %get3A_1604 = arith.constant 10 : i32
      %get3A_1605 = arith.index_cast %get3A_1604 : i32 to index
      %get3A_1606 = memref.load %arg14[%get3A_1605] : memref<15xf32, #tpu.memory_space<smem>>
      %mul3A_1607 = vector.broadcast %get3A_1606 : f32 to vector<16xf32>
      %mul3A_1608 = arith.mulf %get3A_1592, %mul3A_1607 : vector<16xf32>
      %add3A_1609 = arith.addf %add3A_1603, %mul3A_1608 : vector<16xf32>
      %get3A_1610 = arith.constant 1 : i32
      %get3A_1611 = arith.index_cast %get3A_1610 : i32 to index
      %get3A_1612 = memref.load %arg14[%get3A_1611] : memref<15xf32, #tpu.memory_space<smem>>
      %mul3A_1613 = vector.broadcast %get3A_1612 : f32 to vector<16xf32>
      %mul3A_1614 = arith.mulf %get3A_1588, %mul3A_1613 : vector<16xf32>
      %get3A_1615 = arith.constant 6 : i32
      %get3A_1616 = arith.index_cast %get3A_1615 : i32 to index
      %get3A_1617 = memref.load %arg14[%get3A_1616] : memref<15xf32, #tpu.memory_space<smem>>
      %mul3A_1618 = vector.broadcast %get3A_1617 : f32 to vector<16xf32>
      %mul3A_1619 = arith.mulf %get3A_1590, %mul3A_1618 : vector<16xf32>
      %add3A_1620 = arith.addf %mul3A_1614, %mul3A_1619 : vector<16xf32>
      %get3A_1621 = arith.constant 11 : i32
      %get3A_1622 = arith.index_cast %get3A_1621 : i32 to index
      %get3A_1623 = memref.load %arg14[%get3A_1622] : memref<15xf32, #tpu.memory_space<smem>>
      %mul3A_1624 = vector.broadcast %get3A_1623 : f32 to vector<16xf32>
      %mul3A_1625 = arith.mulf %get3A_1592, %mul3A_1624 : vector<16xf32>
      %add3A_1626 = arith.addf %add3A_1620, %mul3A_1625 : vector<16xf32>
      %get3A_1627 = arith.constant 2 : i32
      %get3A_1628 = arith.index_cast %get3A_1627 : i32 to index
      %get3A_1629 = memref.load %arg14[%get3A_1628] : memref<15xf32, #tpu.memory_space<smem>>
      %mul3A_1630 = vector.broadcast %get3A_1629 : f32 to vector<16xf32>
      %mul3A_1631 = arith.mulf %get3A_1588, %mul3A_1630 : vector<16xf32>
      %get3A_1632 = arith.constant 7 : i32
      %get3A_1633 = arith.index_cast %get3A_1632 : i32 to index
      %get3A_1634 = memref.load %arg14[%get3A_1633] : memref<15xf32, #tpu.memory_space<smem>>
      %mul3A_1635 = vector.broadcast %get3A_1634 : f32 to vector<16xf32>
      %mul3A_1636 = arith.mulf %get3A_1590, %mul3A_1635 : vector<16xf32>
      %add3A_1637 = arith.addf %mul3A_1631, %mul3A_1636 : vector<16xf32>
      %get3A_1638 = arith.constant 12 : i32
      %get3A_1639 = arith.index_cast %get3A_1638 : i32 to index
      %get3A_1640 = memref.load %arg14[%get3A_1639] : memref<15xf32, #tpu.memory_space<smem>>
      %mul3A_1641 = vector.broadcast %get3A_1640 : f32 to vector<16xf32>
      %mul3A_1642 = arith.mulf %get3A_1592, %mul3A_1641 : vector<16xf32>
      %add3A_1643 = arith.addf %add3A_1637, %mul3A_1642 : vector<16xf32>
      %get3A_1644 = arith.constant 3 : i32
      %get3A_1645 = arith.index_cast %get3A_1644 : i32 to index
      %get3A_1646 = memref.load %arg14[%get3A_1645] : memref<15xf32, #tpu.memory_space<smem>>
      %mul3A_1647 = vector.broadcast %get3A_1646 : f32 to vector<16xf32>
      %mul3A_1648 = arith.mulf %get3A_1588, %mul3A_1647 : vector<16xf32>
      %get3A_1649 = arith.constant 8 : i32
      %get3A_1650 = arith.index_cast %get3A_1649 : i32 to index
      %get3A_1651 = memref.load %arg14[%get3A_1650] : memref<15xf32, #tpu.memory_space<smem>>
      %mul3A_1652 = vector.broadcast %get3A_1651 : f32 to vector<16xf32>
      %mul3A_1653 = arith.mulf %get3A_1590, %mul3A_1652 : vector<16xf32>
      %add3A_1654 = arith.addf %mul3A_1648, %mul3A_1653 : vector<16xf32>
      %get3A_1655 = arith.constant 13 : i32
      %get3A_1656 = arith.index_cast %get3A_1655 : i32 to index
      %get3A_1657 = memref.load %arg14[%get3A_1656] : memref<15xf32, #tpu.memory_space<smem>>
      %mul3A_1658 = vector.broadcast %get3A_1657 : f32 to vector<16xf32>
      %mul3A_1659 = arith.mulf %get3A_1592, %mul3A_1658 : vector<16xf32>
      %add3A_1660 = arith.addf %add3A_1654, %mul3A_1659 : vector<16xf32>
      %get3A_1661 = arith.constant 4 : i32
      %get3A_1662 = arith.index_cast %get3A_1661 : i32 to index
      %get3A_1663 = memref.load %arg14[%get3A_1662] : memref<15xf32, #tpu.memory_space<smem>>
      %mul3A_1664 = vector.broadcast %get3A_1663 : f32 to vector<16xf32>
      %mul3A_1665 = arith.mulf %get3A_1588, %mul3A_1664 : vector<16xf32>
      %get3A_1666 = arith.constant 9 : i32
      %get3A_1667 = arith.index_cast %get3A_1666 : i32 to index
      %get3A_1668 = memref.load %arg14[%get3A_1667] : memref<15xf32, #tpu.memory_space<smem>>
      %mul3A_1669 = vector.broadcast %get3A_1668 : f32 to vector<16xf32>
      %mul3A_1670 = arith.mulf %get3A_1590, %mul3A_1669 : vector<16xf32>
      %add3A_1671 = arith.addf %mul3A_1665, %mul3A_1670 : vector<16xf32>
      %get3A_1672 = arith.constant 14 : i32
      %get3A_1673 = arith.index_cast %get3A_1672 : i32 to index
      %get3A_1674 = memref.load %arg14[%get3A_1673] : memref<15xf32, #tpu.memory_space<smem>>
      %mul3A_1675 = vector.broadcast %get3A_1674 : f32 to vector<16xf32>
      %mul3A_1676 = arith.mulf %get3A_1592, %mul3A_1675 : vector<16xf32>
      %add3A_1677 = arith.addf %add3A_1671, %mul3A_1676 : vector<16xf32>
      %max3A_1678 = arith.maximumf %add3A_1609, %add3A_1626 : vector<16xf32>
      %max3A_1679 = arith.maximumf %max3A_1678, %add3A_1643 : vector<16xf32>
      %max3A_1680 = arith.maximumf %max3A_1679, %add3A_1660 : vector<16xf32>
      %max3A_1681 = arith.maximumf %max3A_1680, %add3A_1677 : vector<16xf32>
      %sub3A_1682 = arith.subf %add3A_1609, %max3A_1681 : vector<16xf32>
      %exp3A_1683 = math.exp %sub3A_1682 : vector<16xf32>
      %sub3A_1684 = arith.subf %add3A_1626, %max3A_1681 : vector<16xf32>
      %exp3A_1685 = math.exp %sub3A_1684 : vector<16xf32>
      %sub3A_1686 = arith.subf %add3A_1643, %max3A_1681 : vector<16xf32>
      %exp3A_1687 = math.exp %sub3A_1686 : vector<16xf32>
      %sub3A_1688 = arith.subf %add3A_1660, %max3A_1681 : vector<16xf32>
      %exp3A_1689 = math.exp %sub3A_1688 : vector<16xf32>
      %sub3A_1690 = arith.subf %add3A_1677, %max3A_1681 : vector<16xf32>
      %exp3A_1691 = math.exp %sub3A_1690 : vector<16xf32>
      %add3A_1692 = arith.addf %exp3A_1683, %exp3A_1685 : vector<16xf32>
      %add3A_1693 = arith.addf %add3A_1692, %exp3A_1687 : vector<16xf32>
      %add3A_1694 = arith.addf %add3A_1693, %exp3A_1689 : vector<16xf32>
      %add3A_1695 = arith.addf %add3A_1694, %exp3A_1691 : vector<16xf32>
      %div3A_1696 = arith.constant 1.000000e+00 : f32
      %div3A_1697 = vector.broadcast %div3A_1696 : f32 to vector<16xf32>
      %div3A_1698 = arith.divf %div3A_1697, %add3A_1695 : vector<16xf32>
      %mul3A_1699 = arith.mulf %exp3A_1683, %div3A_1698 : vector<16xf32>
      %swap3A_1700 = arith.constant 1 : i32
      %swap3A_1701 = arith.constant 0 : i32
      %swap3A_1702 = arith.index_cast %swap3A_1700 : i32 to index
      %swap3A_1703 = arith.index_cast %swap3A_1701 : i32 to index
      %swap3A_1704 = arith.constant 16 : index
      %swap3A_1705 = tpu.vector_load %arg18[%swap3A_1702, %swap3A_1703, %swap3A_1704] {strides = array<i32>} : memref<2x5x128xf32, #tpu.memory_space<vmem>>, vector<16xf32>,
      tpu.vector_store %arg18[%swap3A_1702, %swap3A_1703, %swap3A_1704], %mul3A_1699 {strides = array<i32>} : memref<2x5x128xf32, #tpu.memory_space<vmem>>, vector<16xf32>,
      %mul3A_1706 = arith.mulf %exp3A_1685, %div3A_1698 : vector<16xf32>
      %swap3A_1707 = arith.constant 1 : i32
      %swap3A_1708 = arith.constant 1 : i32
      %swap3A_1709 = arith.index_cast %swap3A_1707 : i32 to index
      %swap3A_1710 = arith.index_cast %swap3A_1708 : i32 to index
      %swap3A_1711 = arith.constant 16 : index
      %swap3A_1712 = tpu.vector_load %arg18[%swap3A_1709, %swap3A_1710, %swap3A_1711] {strides = array<i32>} : memref<2x5x128xf32, #tpu.memory_space<vmem>>, vector<16xf32>,
      tpu.vector_store %arg18[%swap3A_1709, %swap3A_1710, %swap3A_1711], %mul3A_1706 {strides = array<i32>} : memref<2x5x128xf32, #tpu.memory_space<vmem>>, vector<16xf32>,
      %mul3A_1713 = arith.mulf %exp3A_1687, %div3A_1698 : vector<16xf32>
      %swap3A_1714 = arith.constant 1 : i32
      %swap3A_1715 = arith.constant 2 : i32
      %swap3A_1716 = arith.index_cast %swap3A_1714 : i32 to index
      %swap3A_1717 = arith.index_cast %swap3A_1715 : i32 to index
      %swap3A_1718 = arith.constant 16 : index
      %swap3A_1719 = tpu.vector_load %arg18[%swap3A_1716, %swap3A_1717, %swap3A_1718] {strides = array<i32>} : memref<2x5x128xf32, #tpu.memory_space<vmem>>, vector<16xf32>,
      tpu.vector_store %arg18[%swap3A_1716, %swap3A_1717, %swap3A_1718], %mul3A_1713 {strides = array<i32>} : memref<2x5x128xf32, #tpu.memory_space<vmem>>, vector<16xf32>,
      %mul3A_1720 = arith.mulf %exp3A_1689, %div3A_1698 : vector<16xf32>
      %swap3A_1721 = arith.constant 1 : i32
      %swap3A_1722 = arith.constant 3 : i32
      %swap3A_1723 = arith.index_cast %swap3A_1721 : i32 to index
      %swap3A_1724 = arith.index_cast %swap3A_1722 : i32 to index
      %swap3A_1725 = arith.constant 16 : index
      %swap3A_1726 = tpu.vector_load %arg18[%swap3A_1723, %swap3A_1724, %swap3A_1725] {strides = array<i32>} : memref<2x5x128xf32, #tpu.memory_space<vmem>>, vector<16xf32>,
      tpu.vector_store %arg18[%swap3A_1723, %swap3A_1724, %swap3A_1725], %mul3A_1720 {strides = array<i32>} : memref<2x5x128xf32, #tpu.memory_space<vmem>>, vector<16xf32>,
      %mul3A_1727 = arith.mulf %exp3A_1691, %div3A_1698 : vector<16xf32>
      %swap3A_1728 = arith.constant 1 : i32
      %swap3A_1729 = arith.constant 4 : i32
      %swap3A_1730 = arith.index_cast %swap3A_1728 : i32 to index
      %swap3A_1731 = arith.index_cast %swap3A_1729 : i32 to index
      %swap3A_1732 = arith.constant 16 : index
      %swap3A_1733 = tpu.vector_load %arg18[%swap3A_1730, %swap3A_1731, %swap3A_1732] {strides = array<i32>} : memref<2x5x128xf32, #tpu.memory_space<vmem>>, vector<16xf32>,
      tpu.vector_store %arg18[%swap3A_1730, %swap3A_1731, %swap3A_1732], %mul3A_1727 {strides = array<i32>} : memref<2x5x128xf32, #tpu.memory_space<vmem>>, vector<16xf32>,
      %get3A_1734 = arith.constant 32 : index
      %get3A_1735 = tpu.vector_load %arg15[%get3A_1734] {strides = array<i32>} : memref<128xf32, #tpu.memory_space<vmem>>, vector<16xf32>,
      %get3A_1736 = arith.constant 32 : index
      %get3A_1737 = tpu.vector_load %arg16[%get3A_1736] {strides = array<i32>} : memref<128xf32, #tpu.memory_space<vmem>>, vector<16xf32>,
      %get3A_1738 = arith.constant 32 : index
      %get3A_1739 = tpu.vector_load %arg17[%get3A_1738] {strides = array<i32>} : memref<128xf32, #tpu.memory_space<vmem>>, vector<16xf32>,
      %get3A_1740 = arith.constant 0 : i32
      %get3A_1741 = arith.index_cast %get3A_1740 : i32 to index
      %get3A_1742 = memref.load %arg14[%get3A_1741] : memref<15xf32, #tpu.memory_space<smem>>
      %mul3A_1743 = vector.broadcast %get3A_1742 : f32 to vector<16xf32>
      %mul3A_1744 = arith.mulf %get3A_1735, %mul3A_1743 : vector<16xf32>
      %get3A_1745 = arith.constant 5 : i32
      %get3A_1746 = arith.index_cast %get3A_1745 : i32 to index
      %get3A_1747 = memref.load %arg14[%get3A_1746] : memref<15xf32, #tpu.memory_space<smem>>
      %mul3A_1748 = vector.broadcast %get3A_1747 : f32 to vector<16xf32>
      %mul3A_1749 = arith.mulf %get3A_1737, %mul3A_1748 : vector<16xf32>
      %add3A_1750 = arith.addf %mul3A_1744, %mul3A_1749 : vector<16xf32>
      %get3A_1751 = arith.constant 10 : i32
      %get3A_1752 = arith.index_cast %get3A_1751 : i32 to index
      %get3A_1753 = memref.load %arg14[%get3A_1752] : memref<15xf32, #tpu.memory_space<smem>>
      %mul3A_1754 = vector.broadcast %get3A_1753 : f32 to vector<16xf32>
      %mul3A_1755 = arith.mulf %get3A_1739, %mul3A_1754 : vector<16xf32>
      %add3A_1756 = arith.addf %add3A_1750, %mul3A_1755 : vector<16xf32>
      %get3A_1757 = arith.constant 1 : i32
      %get3A_1758 = arith.index_cast %get3A_1757 : i32 to index
      %get3A_1759 = memref.load %arg14[%get3A_1758] : memref<15xf32, #tpu.memory_space<smem>>
      %mul3A_1760 = vector.broadcast %get3A_1759 : f32 to vector<16xf32>
      %mul3A_1761 = arith.mulf %get3A_1735, %mul3A_1760 : vector<16xf32>
      %get3A_1762 = arith.constant 6 : i32
      %get3A_1763 = arith.index_cast %get3A_1762 : i32 to index
      %get3A_1764 = memref.load %arg14[%get3A_1763] : memref<15xf32, #tpu.memory_space<smem>>
      %mul3A_1765 = vector.broadcast %get3A_1764 : f32 to vector<16xf32>
      %mul3A_1766 = arith.mulf %get3A_1737, %mul3A_1765 : vector<16xf32>
      %add3A_1767 = arith.addf %mul3A_1761, %mul3A_1766 : vector<16xf32>
      %get3A_1768 = arith.constant 11 : i32
      %get3A_1769 = arith.index_cast %get3A_1768 : i32 to index
      %get3A_1770 = memref.load %arg14[%get3A_1769] : memref<15xf32, #tpu.memory_space<smem>>
      %mul3A_1771 = vector.broadcast %get3A_1770 : f32 to vector<16xf32>
      %mul3A_1772 = arith.mulf %get3A_1739, %mul3A_1771 : vector<16xf32>
      %add3A_1773 = arith.addf %add3A_1767, %mul3A_1772 : vector<16xf32>
      %get3A_1774 = arith.constant 2 : i32
      %get3A_1775 = arith.index_cast %get3A_1774 : i32 to index
      %get3A_1776 = memref.load %arg14[%get3A_1775] : memref<15xf32, #tpu.memory_space<smem>>
      %mul3A_1777 = vector.broadcast %get3A_1776 : f32 to vector<16xf32>
      %mul3A_1778 = arith.mulf %get3A_1735, %mul3A_1777 : vector<16xf32>
      %get3A_1779 = arith.constant 7 : i32
      %get3A_1780 = arith.index_cast %get3A_1779 : i32 to index
      %get3A_1781 = memref.load %arg14[%get3A_1780] : memref<15xf32, #tpu.memory_space<smem>>
      %mul3A_1782 = vector.broadcast %get3A_1781 : f32 to vector<16xf32>
      %mul3A_1783 = arith.mulf %get3A_1737, %mul3A_1782 : vector<16xf32>
      %add3A_1784 = arith.addf %mul3A_1778, %mul3A_1783 : vector<16xf32>
      %get3A_1785 = arith.constant 12 : i32
      %get3A_1786 = arith.index_cast %get3A_1785 : i32 to index
      %get3A_1787 = memref.load %arg14[%get3A_1786] : memref<15xf32, #tpu.memory_space<smem>>
      %mul3A_1788 = vector.broadcast %get3A_1787 : f32 to vector<16xf32>
      %mul3A_1789 = arith.mulf %get3A_1739, %mul3A_1788 : vector<16xf32>
      %add3A_1790 = arith.addf %add3A_1784, %mul3A_1789 : vector<16xf32>
      %get3A_1791 = arith.constant 3 : i32
      %get3A_1792 = arith.index_cast %get3A_1791 : i32 to index
      %get3A_1793 = memref.load %arg14[%get3A_1792] : memref<15xf32, #tpu.memory_space<smem>>
      %mul3A_1794 = vector.broadcast %get3A_1793 : f32 to vector<16xf32>
      %mul3A_1795 = arith.mulf %get3A_1735, %mul3A_1794 : vector<16xf32>
      %get3A_1796 = arith.constant 8 : i32
      %get3A_1797 = arith.index_cast %get3A_1796 : i32 to index
      %get3A_1798 = memref.load %arg14[%get3A_1797] : memref<15xf32, #tpu.memory_space<smem>>
      %mul3A_1799 = vector.broadcast %get3A_1798 : f32 to vector<16xf32>
      %mul3A_1800 = arith.mulf %get3A_1737, %mul3A_1799 : vector<16xf32>
      %add3A_1801 = arith.addf %mul3A_1795, %mul3A_1800 : vector<16xf32>
      %get3A_1802 = arith.constant 13 : i32
      %get3A_1803 = arith.index_cast %get3A_1802 : i32 to index
      %get3A_1804 = memref.load %arg14[%get3A_1803] : memref<15xf32, #tpu.memory_space<smem>>
      %mul3A_1805 = vector.broadcast %get3A_1804 : f32 to vector<16xf32>
      %mul3A_1806 = arith.mulf %get3A_1739, %mul3A_1805 : vector<16xf32>
      %add3A_1807 = arith.addf %add3A_1801, %mul3A_1806 : vector<16xf32>
      %get3A_1808 = arith.constant 4 : i32
      %get3A_1809 = arith.index_cast %get3A_1808 : i32 to index
      %get3A_1810 = memref.load %arg14[%get3A_1809] : memref<15xf32, #tpu.memory_space<smem>>
      %mul3A_1811 = vector.broadcast %get3A_1810 : f32 to vector<16xf32>
      %mul3A_1812 = arith.mulf %get3A_1735, %mul3A_1811 : vector<16xf32>
      %get3A_1813 = arith.constant 9 : i32
      %get3A_1814 = arith.index_cast %get3A_1813 : i32 to index
      %get3A_1815 = memref.load %arg14[%get3A_1814] : memref<15xf32, #tpu.memory_space<smem>>
      %mul3A_1816 = vector.broadcast %get3A_1815 : f32 to vector<16xf32>
      %mul3A_1817 = arith.mulf %get3A_1737, %mul3A_1816 : vector<16xf32>
      %add3A_1818 = arith.addf %mul3A_1812, %mul3A_1817 : vector<16xf32>
      %get3A_1819 = arith.constant 14 : i32
      %get3A_1820 = arith.index_cast %get3A_1819 : i32 to index
      %get3A_1821 = memref.load %arg14[%get3A_1820] : memref<15xf32, #tpu.memory_space<smem>>
      %mul3A_1822 = vector.broadcast %get3A_1821 : f32 to vector<16xf32>
      %mul3A_1823 = arith.mulf %get3A_1739, %mul3A_1822 : vector<16xf32>
      %add3A_1824 = arith.addf %add3A_1818, %mul3A_1823 : vector<16xf32>
      %max3A_1825 = arith.maximumf %add3A_1756, %add3A_1773 : vector<16xf32>
      %max3A_1826 = arith.maximumf %max3A_1825, %add3A_1790 : vector<16xf32>
      %max3A_1827 = arith.maximumf %max3A_1826, %add3A_1807 : vector<16xf32>
      %max3A_1828 = arith.maximumf %max3A_1827, %add3A_1824 : vector<16xf32>
      %sub3A_1829 = arith.subf %add3A_1756, %max3A_1828 : vector<16xf32>
      %exp3A_1830 = math.exp %sub3A_1829 : vector<16xf32>
      %sub3A_1831 = arith.subf %add3A_1773, %max3A_1828 : vector<16xf32>
      %exp3A_1832 = math.exp %sub3A_1831 : vector<16xf32>
      %sub3A_1833 = arith.subf %add3A_1790, %max3A_1828 : vector<16xf32>
      %exp3A_1834 = math.exp %sub3A_1833 : vector<16xf32>
      %sub3A_1835 = arith.subf %add3A_1807, %max3A_1828 : vector<16xf32>
      %exp3A_1836 = math.exp %sub3A_1835 : vector<16xf32>
      %sub3A_1837 = arith.subf %add3A_1824, %max3A_1828 : vector<16xf32>
      %exp3A_1838 = math.exp %sub3A_1837 : vector<16xf32>
      %add3A_1839 = arith.addf %exp3A_1830, %exp3A_1832 : vector<16xf32>
      %add3A_1840 = arith.addf %add3A_1839, %exp3A_1834 : vector<16xf32>
      %add3A_1841 = arith.addf %add3A_1840, %exp3A_1836 : vector<16xf32>
      %add3A_1842 = arith.addf %add3A_1841, %exp3A_1838 : vector<16xf32>
      %div3A_1843 = arith.constant 1.000000e+00 : f32
      %div3A_1844 = vector.broadcast %div3A_1843 : f32 to vector<16xf32>
      %div3A_1845 = arith.divf %div3A_1844, %add3A_1842 : vector<16xf32>
      %mul3A_1846 = arith.mulf %exp3A_1830, %div3A_1845 : vector<16xf32>
      %swap3A_1847 = arith.constant 1 : i32
      %swap3A_1848 = arith.constant 0 : i32
      %swap3A_1849 = arith.index_cast %swap3A_1847 : i32 to index
      %swap3A_1850 = arith.index_cast %swap3A_1848 : i32 to index
      %swap3A_1851 = arith.constant 32 : index
      %swap3A_1852 = tpu.vector_load %arg18[%swap3A_1849, %swap3A_1850, %swap3A_1851] {strides = array<i32>} : memref<2x5x128xf32, #tpu.memory_space<vmem>>, vector<16xf32>,
      tpu.vector_store %arg18[%swap3A_1849, %swap3A_1850, %swap3A_1851], %mul3A_1846 {strides = array<i32>} : memref<2x5x128xf32, #tpu.memory_space<vmem>>, vector<16xf32>,
      %mul3A_1853 = arith.mulf %exp3A_1832, %div3A_1845 : vector<16xf32>
      %swap3A_1854 = arith.constant 1 : i32
      %swap3A_1855 = arith.constant 1 : i32
      %swap3A_1856 = arith.index_cast %swap3A_1854 : i32 to index
      %swap3A_1857 = arith.index_cast %swap3A_1855 : i32 to index
      %swap3A_1858 = arith.constant 32 : index
      %swap3A_1859 = tpu.vector_load %arg18[%swap3A_1856, %swap3A_1857, %swap3A_1858] {strides = array<i32>} : memref<2x5x128xf32, #tpu.memory_space<vmem>>, vector<16xf32>,
      tpu.vector_store %arg18[%swap3A_1856, %swap3A_1857, %swap3A_1858], %mul3A_1853 {strides = array<i32>} : memref<2x5x128xf32, #tpu.memory_space<vmem>>, vector<16xf32>,
      %mul3A_1860 = arith.mulf %exp3A_1834, %div3A_1845 : vector<16xf32>
      %swap3A_1861 = arith.constant 1 : i32
      %swap3A_1862 = arith.constant 2 : i32
      %swap3A_1863 = arith.index_cast %swap3A_1861 : i32 to index
      %swap3A_1864 = arith.index_cast %swap3A_1862 : i32 to index
      %swap3A_1865 = arith.constant 32 : index
      %swap3A_1866 = tpu.vector_load %arg18[%swap3A_1863, %swap3A_1864, %swap3A_1865] {strides = array<i32>} : memref<2x5x128xf32, #tpu.memory_space<vmem>>, vector<16xf32>,
      tpu.vector_store %arg18[%swap3A_1863, %swap3A_1864, %swap3A_1865], %mul3A_1860 {strides = array<i32>} : memref<2x5x128xf32, #tpu.memory_space<vmem>>, vector<16xf32>,
      %mul3A_1867 = arith.mulf %exp3A_1836, %div3A_1845 : vector<16xf32>
      %swap3A_1868 = arith.constant 1 : i32
      %swap3A_1869 = arith.constant 3 : i32
      %swap3A_1870 = arith.index_cast %swap3A_1868 : i32 to index
      %swap3A_1871 = arith.index_cast %swap3A_1869 : i32 to index
      %swap3A_1872 = arith.constant 32 : index
      %swap3A_1873 = tpu.vector_load %arg18[%swap3A_1870, %swap3A_1871, %swap3A_1872] {strides = array<i32>} : memref<2x5x128xf32, #tpu.memory_space<vmem>>, vector<16xf32>,
      tpu.vector_store %arg18[%swap3A_1870, %swap3A_1871, %swap3A_1872], %mul3A_1867 {strides = array<i32>} : memref<2x5x128xf32, #tpu.memory_space<vmem>>, vector<16xf32>,
      %mul3A_1874 = arith.mulf %exp3A_1838, %div3A_1845 : vector<16xf32>
      %swap3A_1875 = arith.constant 1 : i32
      %swap3A_1876 = arith.constant 4 : i32
      %swap3A_1877 = arith.index_cast %swap3A_1875 : i32 to index
      %swap3A_1878 = arith.index_cast %swap3A_1876 : i32 to index
      %swap3A_1879 = arith.constant 32 : index
      %swap3A_1880 = tpu.vector_load %arg18[%swap3A_1877, %swap3A_1878, %swap3A_1879] {strides = array<i32>} : memref<2x5x128xf32, #tpu.memory_space<vmem>>, vector<16xf32>,
      tpu.vector_store %arg18[%swap3A_1877, %swap3A_1878, %swap3A_1879], %mul3A_1874 {strides = array<i32>} : memref<2x5x128xf32, #tpu.memory_space<vmem>>, vector<16xf32>,
      %get3A_1881 = arith.constant 48 : index
      %get3A_1882 = tpu.vector_load %arg15[%get3A_1881] {strides = array<i32>} : memref<128xf32, #tpu.memory_space<vmem>>, vector<16xf32>,
      %get3A_1883 = arith.constant 48 : index
      %get3A_1884 = tpu.vector_load %arg16[%get3A_1883] {strides = array<i32>} : memref<128xf32, #tpu.memory_space<vmem>>, vector<16xf32>,
      %get3A_1885 = arith.constant 48 : index
      %get3A_1886 = tpu.vector_load %arg17[%get3A_1885] {strides = array<i32>} : memref<128xf32, #tpu.memory_space<vmem>>, vector<16xf32>,
      %get3A_1887 = arith.constant 0 : i32
      %get3A_1888 = arith.index_cast %get3A_1887 : i32 to index
      %get3A_1889 = memref.load %arg14[%get3A_1888] : memref<15xf32, #tpu.memory_space<smem>>
      %mul3A_1890 = vector.broadcast %get3A_1889 : f32 to vector<16xf32>
      %mul3A_1891 = arith.mulf %get3A_1882, %mul3A_1890 : vector<16xf32>
      %get3A_1892 = arith.constant 5 : i32
      %get3A_1893 = arith.index_cast %get3A_1892 : i32 to index
      %get3A_1894 = memref.load %arg14[%get3A_1893] : memref<15xf32, #tpu.memory_space<smem>>
      %mul3A_1895 = vector.broadcast %get3A_1894 : f32 to vector<16xf32>
      %mul3A_1896 = arith.mulf %get3A_1884, %mul3A_1895 : vector<16xf32>
      %add3A_1897 = arith.addf %mul3A_1891, %mul3A_1896 : vector<16xf32>
      %get3A_1898 = arith.constant 10 : i32
      %get3A_1899 = arith.index_cast %get3A_1898 : i32 to index
      %get3A_1900 = memref.load %arg14[%get3A_1899] : memref<15xf32, #tpu.memory_space<smem>>
      %mul3A_1901 = vector.broadcast %get3A_1900 : f32 to vector<16xf32>
      %mul3A_1902 = arith.mulf %get3A_1886, %mul3A_1901 : vector<16xf32>
      %add3A_1903 = arith.addf %add3A_1897, %mul3A_1902 : vector<16xf32>
      %get3A_1904 = arith.constant 1 : i32
      %get3A_1905 = arith.index_cast %get3A_1904 : i32 to index
      %get3A_1906 = memref.load %arg14[%get3A_1905] : memref<15xf32, #tpu.memory_space<smem>>
      %mul3A_1907 = vector.broadcast %get3A_1906 : f32 to vector<16xf32>
      %mul3A_1908 = arith.mulf %get3A_1882, %mul3A_1907 : vector<16xf32>
      %get3A_1909 = arith.constant 6 : i32
      %get3A_1910 = arith.index_cast %get3A_1909 : i32 to index
      %get3A_1911 = memref.load %arg14[%get3A_1910] : memref<15xf32, #tpu.memory_space<smem>>
      %mul3A_1912 = vector.broadcast %get3A_1911 : f32 to vector<16xf32>
      %mul3A_1913 = arith.mulf %get3A_1884, %mul3A_1912 : vector<16xf32>
      %add3A_1914 = arith.addf %mul3A_1908, %mul3A_1913 : vector<16xf32>
      %get3A_1915 = arith.constant 11 : i32
      %get3A_1916 = arith.index_cast %get3A_1915 : i32 to index
      %get3A_1917 = memref.load %arg14[%get3A_1916] : memref<15xf32, #tpu.memory_space<smem>>
      %mul3A_1918 = vector.broadcast %get3A_1917 : f32 to vector<16xf32>
      %mul3A_1919 = arith.mulf %get3A_1886, %mul3A_1918 : vector<16xf32>
      %add3A_1920 = arith.addf %add3A_1914, %mul3A_1919 : vector<16xf32>
      %get3A_1921 = arith.constant 2 : i32
      %get3A_1922 = arith.index_cast %get3A_1921 : i32 to index
      %get3A_1923 = memref.load %arg14[%get3A_1922] : memref<15xf32, #tpu.memory_space<smem>>
      %mul3A_1924 = vector.broadcast %get3A_1923 : f32 to vector<16xf32>
      %mul3A_1925 = arith.mulf %get3A_1882, %mul3A_1924 : vector<16xf32>
      %get3A_1926 = arith.constant 7 : i32
      %get3A_1927 = arith.index_cast %get3A_1926 : i32 to index
      %get3A_1928 = memref.load %arg14[%get3A_1927] : memref<15xf32, #tpu.memory_space<smem>>
      %mul3A_1929 = vector.broadcast %get3A_1928 : f32 to vector<16xf32>
      %mul3A_1930 = arith.mulf %get3A_1884, %mul3A_1929 : vector<16xf32>
      %add3A_1931 = arith.addf %mul3A_1925, %mul3A_1930 : vector<16xf32>
      %get3A_1932 = arith.constant 12 : i32
      %get3A_1933 = arith.index_cast %get3A_1932 : i32 to index
      %get3A_1934 = memref.load %arg14[%get3A_1933] : memref<15xf32, #tpu.memory_space<smem>>
      %mul3A_1935 = vector.broadcast %get3A_1934 : f32 to vector<16xf32>
      %mul3A_1936 = arith.mulf %get3A_1886, %mul3A_1935 : vector<16xf32>
      %add3A_1937 = arith.addf %add3A_1931, %mul3A_1936 : vector<16xf32>
      %get3A_1938 = arith.constant 3 : i32
      %get3A_1939 = arith.index_cast %get3A_1938 : i32 to index
      %get3A_1940 = memref.load %arg14[%get3A_1939] : memref<15xf32, #tpu.memory_space<smem>>
      %mul3A_1941 = vector.broadcast %get3A_1940 : f32 to vector<16xf32>
      %mul3A_1942 = arith.mulf %get3A_1882, %mul3A_1941 : vector<16xf32>
      %get3A_1943 = arith.constant 8 : i32
      %get3A_1944 = arith.index_cast %get3A_1943 : i32 to index
      %get3A_1945 = memref.load %arg14[%get3A_1944] : memref<15xf32, #tpu.memory_space<smem>>
      %mul3A_1946 = vector.broadcast %get3A_1945 : f32 to vector<16xf32>
      %mul3A_1947 = arith.mulf %get3A_1884, %mul3A_1946 : vector<16xf32>
      %add3A_1948 = arith.addf %mul3A_1942, %mul3A_1947 : vector<16xf32>
      %get3A_1949 = arith.constant 13 : i32
      %get3A_1950 = arith.index_cast %get3A_1949 : i32 to index
      %get3A_1951 = memref.load %arg14[%get3A_1950] : memref<15xf32, #tpu.memory_space<smem>>
      %mul3A_1952 = vector.broadcast %get3A_1951 : f32 to vector<16xf32>
      %mul3A_1953 = arith.mulf %get3A_1886, %mul3A_1952 : vector<16xf32>
      %add3A_1954 = arith.addf %add3A_1948, %mul3A_1953 : vector<16xf32>
      %get3A_1955 = arith.constant 4 : i32
      %get3A_1956 = arith.index_cast %get3A_1955 : i32 to index
      %get3A_1957 = memref.load %arg14[%get3A_1956] : memref<15xf32, #tpu.memory_space<smem>>
      %mul3A_1958 = vector.broadcast %get3A_1957 : f32 to vector<16xf32>
      %mul3A_1959 = arith.mulf %get3A_1882, %mul3A_1958 : vector<16xf32>
      %get3A_1960 = arith.constant 9 : i32
      %get3A_1961 = arith.index_cast %get3A_1960 : i32 to index
      %get3A_1962 = memref.load %arg14[%get3A_1961] : memref<15xf32, #tpu.memory_space<smem>>
      %mul3A_1963 = vector.broadcast %get3A_1962 : f32 to vector<16xf32>
      %mul3A_1964 = arith.mulf %get3A_1884, %mul3A_1963 : vector<16xf32>
      %add3A_1965 = arith.addf %mul3A_1959, %mul3A_1964 : vector<16xf32>
      %get3A_1966 = arith.constant 14 : i32
      %get3A_1967 = arith.index_cast %get3A_1966 : i32 to index
      %get3A_1968 = memref.load %arg14[%get3A_1967] : memref<15xf32, #tpu.memory_space<smem>>
      %mul3A_1969 = vector.broadcast %get3A_1968 : f32 to vector<16xf32>
      %mul3A_1970 = arith.mulf %get3A_1886, %mul3A_1969 : vector<16xf32>
      %add3A_1971 = arith.addf %add3A_1965, %mul3A_1970 : vector<16xf32>
      %max3A_1972 = arith.maximumf %add3A_1903, %add3A_1920 : vector<16xf32>
      %max3A_1973 = arith.maximumf %max3A_1972, %add3A_1937 : vector<16xf32>
      %max3A_1974 = arith.maximumf %max3A_1973, %add3A_1954 : vector<16xf32>
      %max3A_1975 = arith.maximumf %max3A_1974, %add3A_1971 : vector<16xf32>
      %sub3A_1976 = arith.subf %add3A_1903, %max3A_1975 : vector<16xf32>
      %exp3A_1977 = math.exp %sub3A_1976 : vector<16xf32>
      %sub3A_1978 = arith.subf %add3A_1920, %max3A_1975 : vector<16xf32>
      %exp3A_1979 = math.exp %sub3A_1978 : vector<16xf32>
      %sub3A_1980 = arith.subf %add3A_1937, %max3A_1975 : vector<16xf32>
      %exp3A_1981 = math.exp %sub3A_1980 : vector<16xf32>
      %sub3A_1982 = arith.subf %add3A_1954, %max3A_1975 : vector<16xf32>
      %exp3A_1983 = math.exp %sub3A_1982 : vector<16xf32>
      %sub3A_1984 = arith.subf %add3A_1971, %max3A_1975 : vector<16xf32>
      %exp3A_1985 = math.exp %sub3A_1984 : vector<16xf32>
      %add3A_1986 = arith.addf %exp3A_1977, %exp3A_1979 : vector<16xf32>
      %add3A_1987 = arith.addf %add3A_1986, %exp3A_1981 : vector<16xf32>
      %add3A_1988 = arith.addf %add3A_1987, %exp3A_1983 : vector<16xf32>
      %add3A_1989 = arith.addf %add3A_1988, %exp3A_1985 : vector<16xf32>
      %div3A_1990 = arith.constant 1.000000e+00 : f32
      %div3A_1991 = vector.broadcast %div3A_1990 : f32 to vector<16xf32>
      %div3A_1992 = arith.divf %div3A_1991, %add3A_1989 : vector<16xf32>
      %mul3A_1993 = arith.mulf %exp3A_1977, %div3A_1992 : vector<16xf32>
      %swap3A_1994 = arith.constant 1 : i32
      %swap3A_1995 = arith.constant 0 : i32
      %swap3A_1996 = arith.index_cast %swap3A_1994 : i32 to index
      %swap3A_1997 = arith.index_cast %swap3A_1995 : i32 to index
      %swap3A_1998 = arith.constant 48 : index
      %swap3A_1999 = tpu.vector_load %arg18[%swap3A_1996, %swap3A_1997, %swap3A_1998] {strides = array<i32>} : memref<2x5x128xf32, #tpu.memory_space<vmem>>, vector<16xf32>,
      tpu.vector_store %arg18[%swap3A_1996, %swap3A_1997, %swap3A_1998], %mul3A_1993 {strides = array<i32>} : memref<2x5x128xf32, #tpu.memory_space<vmem>>, vector<16xf32>,
      %mul3A_2000 = arith.mulf %exp3A_1979, %div3A_1992 : vector<16xf32>
      %swap3A_2001 = arith.constant 1 : i32
      %swap3A_2002 = arith.constant 1 : i32
      %swap3A_2003 = arith.index_cast %swap3A_2001 : i32 to index
      %swap3A_2004 = arith.index_cast %swap3A_2002 : i32 to index
      %swap3A_2005 = arith.constant 48 : index
      %swap3A_2006 = tpu.vector_load %arg18[%swap3A_2003, %swap3A_2004, %swap3A_2005] {strides = array<i32>} : memref<2x5x128xf32, #tpu.memory_space<vmem>>, vector<16xf32>,
      tpu.vector_store %arg18[%swap3A_2003, %swap3A_2004, %swap3A_2005], %mul3A_2000 {strides = array<i32>} : memref<2x5x128xf32, #tpu.memory_space<vmem>>, vector<16xf32>,
      %mul3A_2007 = arith.mulf %exp3A_1981, %div3A_1992 : vector<16xf32>
      %swap3A_2008 = arith.constant 1 : i32
      %swap3A_2009 = arith.constant 2 : i32
      %swap3A_2010 = arith.index_cast %swap3A_2008 : i32 to index
      %swap3A_2011 = arith.index_cast %swap3A_2009 : i32 to index
      %swap3A_2012 = arith.constant 48 : index
      %swap3A_2013 = tpu.vector_load %arg18[%swap3A_2010, %swap3A_2011, %swap3A_2012] {strides = array<i32>} : memref<2x5x128xf32, #tpu.memory_space<vmem>>, vector<16xf32>,
      tpu.vector_store %arg18[%swap3A_2010, %swap3A_2011, %swap3A_2012], %mul3A_2007 {strides = array<i32>} : memref<2x5x128xf32, #tpu.memory_space<vmem>>, vector<16xf32>,
      %mul3A_2014 = arith.mulf %exp3A_1983, %div3A_1992 : vector<16xf32>
      %swap3A_2015 = arith.constant 1 : i32
      %swap3A_2016 = arith.constant 3 : i32
      %swap3A_2017 = arith.index_cast %swap3A_2015 : i32 to index
      %swap3A_2018 = arith.index_cast %swap3A_2016 : i32 to index
      %swap3A_2019 = arith.constant 48 : index
      %swap3A_2020 = tpu.vector_load %arg18[%swap3A_2017, %swap3A_2018, %swap3A_2019] {strides = array<i32>} : memref<2x5x128xf32, #tpu.memory_space<vmem>>, vector<16xf32>,
      tpu.vector_store %arg18[%swap3A_2017, %swap3A_2018, %swap3A_2019], %mul3A_2014 {strides = array<i32>} : memref<2x5x128xf32, #tpu.memory_space<vmem>>, vector<16xf32>,
      %mul3A_2021 = arith.mulf %exp3A_1985, %div3A_1992 : vector<16xf32>
      %swap3A_2022 = arith.constant 1 : i32
      %swap3A_2023 = arith.constant 4 : i32
      %swap3A_2024 = arith.index_cast %swap3A_2022 : i32 to index
      %swap3A_2025 = arith.index_cast %swap3A_2023 : i32 to index
      %swap3A_2026 = arith.constant 48 : index
      %swap3A_2027 = tpu.vector_load %arg18[%swap3A_2024, %swap3A_2025, %swap3A_2026] {strides = array<i32>} : memref<2x5x128xf32, #tpu.memory_space<vmem>>, vector<16xf32>,
      tpu.vector_store %arg18[%swap3A_2024, %swap3A_2025, %swap3A_2026], %mul3A_2021 {strides = array<i32>} : memref<2x5x128xf32, #tpu.memory_space<vmem>>, vector<16xf32>,
      %get3A_2028 = arith.constant 64 : index
      %get3A_2029 = tpu.vector_load %arg15[%get3A_2028] {strides = array<i32>} : memref<128xf32, #tpu.memory_space<vmem>>, vector<16xf32>,
      %get3A_2030 = arith.constant 64 : index
      %get3A_2031 = tpu.vector_load %arg16[%get3A_2030] {strides = array<i32>} : memref<128xf32, #tpu.memory_space<vmem>>, vector<16xf32>,
      %get3A_2032 = arith.constant 64 : index
      %get3A_2033 = tpu.vector_load %arg17[%get3A_2032] {strides = array<i32>} : memref<128xf32, #tpu.memory_space<vmem>>, vector<16xf32>,
      %get3A_2034 = arith.constant 0 : i32
      %get3A_2035 = arith.index_cast %get3A_2034 : i32 to index
      %get3A_2036 = memref.load %arg14[%get3A_2035] : memref<15xf32, #tpu.memory_space<smem>>
      %mul3A_2037 = vector.broadcast %get3A_2036 : f32 to vector<16xf32>
      %mul3A_2038 = arith.mulf %get3A_2029, %mul3A_2037 : vector<16xf32>
      %get3A_2039 = arith.constant 5 : i32
      %get3A_2040 = arith.index_cast %get3A_2039 : i32 to index
      %get3A_2041 = memref.load %arg14[%get3A_2040] : memref<15xf32, #tpu.memory_space<smem>>
      %mul3A_2042 = vector.broadcast %get3A_2041 : f32 to vector<16xf32>
      %mul3A_2043 = arith.mulf %get3A_2031, %mul3A_2042 : vector<16xf32>
      %add3A_2044 = arith.addf %mul3A_2038, %mul3A_2043 : vector<16xf32>
      %get3A_2045 = arith.constant 10 : i32
      %get3A_2046 = arith.index_cast %get3A_2045 : i32 to index
      %get3A_2047 = memref.load %arg14[%get3A_2046] : memref<15xf32, #tpu.memory_space<smem>>
      %mul3A_2048 = vector.broadcast %get3A_2047 : f32 to vector<16xf32>
      %mul3A_2049 = arith.mulf %get3A_2033, %mul3A_2048 : vector<16xf32>
      %add3A_2050 = arith.addf %add3A_2044, %mul3A_2049 : vector<16xf32>
      %get3A_2051 = arith.constant 1 : i32
      %get3A_2052 = arith.index_cast %get3A_2051 : i32 to index
      %get3A_2053 = memref.load %arg14[%get3A_2052] : memref<15xf32, #tpu.memory_space<smem>>
      %mul3A_2054 = vector.broadcast %get3A_2053 : f32 to vector<16xf32>
      %mul3A_2055 = arith.mulf %get3A_2029, %mul3A_2054 : vector<16xf32>
      %get3A_2056 = arith.constant 6 : i32
      %get3A_2057 = arith.index_cast %get3A_2056 : i32 to index
      %get3A_2058 = memref.load %arg14[%get3A_2057] : memref<15xf32, #tpu.memory_space<smem>>
      %mul3A_2059 = vector.broadcast %get3A_2058 : f32 to vector<16xf32>
      %mul3A_2060 = arith.mulf %get3A_2031, %mul3A_2059 : vector<16xf32>
      %add3A_2061 = arith.addf %mul3A_2055, %mul3A_2060 : vector<16xf32>
      %get3A_2062 = arith.constant 11 : i32
      %get3A_2063 = arith.index_cast %get3A_2062 : i32 to index
      %get3A_2064 = memref.load %arg14[%get3A_2063] : memref<15xf32, #tpu.memory_space<smem>>
      %mul3A_2065 = vector.broadcast %get3A_2064 : f32 to vector<16xf32>
      %mul3A_2066 = arith.mulf %get3A_2033, %mul3A_2065 : vector<16xf32>
      %add3A_2067 = arith.addf %add3A_2061, %mul3A_2066 : vector<16xf32>
      %get3A_2068 = arith.constant 2 : i32
      %get3A_2069 = arith.index_cast %get3A_2068 : i32 to index
      %get3A_2070 = memref.load %arg14[%get3A_2069] : memref<15xf32, #tpu.memory_space<smem>>
      %mul3A_2071 = vector.broadcast %get3A_2070 : f32 to vector<16xf32>
      %mul3A_2072 = arith.mulf %get3A_2029, %mul3A_2071 : vector<16xf32>
      %get3A_2073 = arith.constant 7 : i32
      %get3A_2074 = arith.index_cast %get3A_2073 : i32 to index
      %get3A_2075 = memref.load %arg14[%get3A_2074] : memref<15xf32, #tpu.memory_space<smem>>
      %mul3A_2076 = vector.broadcast %get3A_2075 : f32 to vector<16xf32>
      %mul3A_2077 = arith.mulf %get3A_2031, %mul3A_2076 : vector<16xf32>
      %add3A_2078 = arith.addf %mul3A_2072, %mul3A_2077 : vector<16xf32>
      %get3A_2079 = arith.constant 12 : i32
      %get3A_2080 = arith.index_cast %get3A_2079 : i32 to index
      %get3A_2081 = memref.load %arg14[%get3A_2080] : memref<15xf32, #tpu.memory_space<smem>>
      %mul3A_2082 = vector.broadcast %get3A_2081 : f32 to vector<16xf32>
      %mul3A_2083 = arith.mulf %get3A_2033, %mul3A_2082 : vector<16xf32>
      %add3A_2084 = arith.addf %add3A_2078, %mul3A_2083 : vector<16xf32>
      %get3A_2085 = arith.constant 3 : i32
      %get3A_2086 = arith.index_cast %get3A_2085 : i32 to index
      %get3A_2087 = memref.load %arg14[%get3A_2086] : memref<15xf32, #tpu.memory_space<smem>>
      %mul3A_2088 = vector.broadcast %get3A_2087 : f32 to vector<16xf32>
      %mul3A_2089 = arith.mulf %get3A_2029, %mul3A_2088 : vector<16xf32>
      %get3A_2090 = arith.constant 8 : i32
      %get3A_2091 = arith.index_cast %get3A_2090 : i32 to index
      %get3A_2092 = memref.load %arg14[%get3A_2091] : memref<15xf32, #tpu.memory_space<smem>>
      %mul3A_2093 = vector.broadcast %get3A_2092 : f32 to vector<16xf32>
      %mul3A_2094 = arith.mulf %get3A_2031, %mul3A_2093 : vector<16xf32>
      %add3A_2095 = arith.addf %mul3A_2089, %mul3A_2094 : vector<16xf32>
      %get3A_2096 = arith.constant 13 : i32
      %get3A_2097 = arith.index_cast %get3A_2096 : i32 to index
      %get3A_2098 = memref.load %arg14[%get3A_2097] : memref<15xf32, #tpu.memory_space<smem>>
      %mul3A_2099 = vector.broadcast %get3A_2098 : f32 to vector<16xf32>
      %mul3A_2100 = arith.mulf %get3A_2033, %mul3A_2099 : vector<16xf32>
      %add3A_2101 = arith.addf %add3A_2095, %mul3A_2100 : vector<16xf32>
      %get3A_2102 = arith.constant 4 : i32
      %get3A_2103 = arith.index_cast %get3A_2102 : i32 to index
      %get3A_2104 = memref.load %arg14[%get3A_2103] : memref<15xf32, #tpu.memory_space<smem>>
      %mul3A_2105 = vector.broadcast %get3A_2104 : f32 to vector<16xf32>
      %mul3A_2106 = arith.mulf %get3A_2029, %mul3A_2105 : vector<16xf32>
      %get3A_2107 = arith.constant 9 : i32
      %get3A_2108 = arith.index_cast %get3A_2107 : i32 to index
      %get3A_2109 = memref.load %arg14[%get3A_2108] : memref<15xf32, #tpu.memory_space<smem>>
      %mul3A_2110 = vector.broadcast %get3A_2109 : f32 to vector<16xf32>
      %mul3A_2111 = arith.mulf %get3A_2031, %mul3A_2110 : vector<16xf32>
      %add3A_2112 = arith.addf %mul3A_2106, %mul3A_2111 : vector<16xf32>
      %get3A_2113 = arith.constant 14 : i32
      %get3A_2114 = arith.index_cast %get3A_2113 : i32 to index
      %get3A_2115 = memref.load %arg14[%get3A_2114] : memref<15xf32, #tpu.memory_space<smem>>
      %mul3A_2116 = vector.broadcast %get3A_2115 : f32 to vector<16xf32>
      %mul3A_2117 = arith.mulf %get3A_2033, %mul3A_2116 : vector<16xf32>
      %add3A_2118 = arith.addf %add3A_2112, %mul3A_2117 : vector<16xf32>
      %max3A_2119 = arith.maximumf %add3A_2050, %add3A_2067 : vector<16xf32>
      %max3A_2120 = arith.maximumf %max3A_2119, %add3A_2084 : vector<16xf32>
      %max3A_2121 = arith.maximumf %max3A_2120, %add3A_2101 : vector<16xf32>
      %max3A_2122 = arith.maximumf %max3A_2121, %add3A_2118 : vector<16xf32>
      %sub3A_2123 = arith.subf %add3A_2050, %max3A_2122 : vector<16xf32>
      %exp3A_2124 = math.exp %sub3A_2123 : vector<16xf32>
      %sub3A_2125 = arith.subf %add3A_2067, %max3A_2122 : vector<16xf32>
      %exp3A_2126 = math.exp %sub3A_2125 : vector<16xf32>
      %sub3A_2127 = arith.subf %add3A_2084, %max3A_2122 : vector<16xf32>
      %exp3A_2128 = math.exp %sub3A_2127 : vector<16xf32>
      %sub3A_2129 = arith.subf %add3A_2101, %max3A_2122 : vector<16xf32>
      %exp3A_2130 = math.exp %sub3A_2129 : vector<16xf32>
      %sub3A_2131 = arith.subf %add3A_2118, %max3A_2122 : vector<16xf32>
      %exp3A_2132 = math.exp %sub3A_2131 : vector<16xf32>
      %add3A_2133 = arith.addf %exp3A_2124, %exp3A_2126 : vector<16xf32>
      %add3A_2134 = arith.addf %add3A_2133, %exp3A_2128 : vector<16xf32>
      %add3A_2135 = arith.addf %add3A_2134, %exp3A_2130 : vector<16xf32>
      %add3A_2136 = arith.addf %add3A_2135, %exp3A_2132 : vector<16xf32>
      %div3A_2137 = arith.constant 1.000000e+00 : f32
      %div3A_2138 = vector.broadcast %div3A_2137 : f32 to vector<16xf32>
      %div3A_2139 = arith.divf %div3A_2138, %add3A_2136 : vector<16xf32>
      %mul3A_2140 = arith.mulf %exp3A_2124, %div3A_2139 : vector<16xf32>
      %swap3A_2141 = arith.constant 1 : i32
      %swap3A_2142 = arith.constant 0 : i32
      %swap3A_2143 = arith.index_cast %swap3A_2141 : i32 to index
      %swap3A_2144 = arith.index_cast %swap3A_2142 : i32 to index
      %swap3A_2145 = arith.constant 64 : index
      %swap3A_2146 = tpu.vector_load %arg18[%swap3A_2143, %swap3A_2144, %swap3A_2145] {strides = array<i32>} : memref<2x5x128xf32, #tpu.memory_space<vmem>>, vector<16xf32>,
      tpu.vector_store %arg18[%swap3A_2143, %swap3A_2144, %swap3A_2145], %mul3A_2140 {strides = array<i32>} : memref<2x5x128xf32, #tpu.memory_space<vmem>>, vector<16xf32>,
      %mul3A_2147 = arith.mulf %exp3A_2126, %div3A_2139 : vector<16xf32>
      %swap3A_2148 = arith.constant 1 : i32
      %swap3A_2149 = arith.constant 1 : i32
      %swap3A_2150 = arith.index_cast %swap3A_2148 : i32 to index
      %swap3A_2151 = arith.index_cast %swap3A_2149 : i32 to index
      %swap3A_2152 = arith.constant 64 : index
      %swap3A_2153 = tpu.vector_load %arg18[%swap3A_2150, %swap3A_2151, %swap3A_2152] {strides = array<i32>} : memref<2x5x128xf32, #tpu.memory_space<vmem>>, vector<16xf32>,
      tpu.vector_store %arg18[%swap3A_2150, %swap3A_2151, %swap3A_2152], %mul3A_2147 {strides = array<i32>} : memref<2x5x128xf32, #tpu.memory_space<vmem>>, vector<16xf32>,
      %mul3A_2154 = arith.mulf %exp3A_2128, %div3A_2139 : vector<16xf32>
      %swap3A_2155 = arith.constant 1 : i32
      %swap3A_2156 = arith.constant 2 : i32
      %swap3A_2157 = arith.index_cast %swap3A_2155 : i32 to index
      %swap3A_2158 = arith.index_cast %swap3A_2156 : i32 to index
      %swap3A_2159 = arith.constant 64 : index
      %swap3A_2160 = tpu.vector_load %arg18[%swap3A_2157, %swap3A_2158, %swap3A_2159] {strides = array<i32>} : memref<2x5x128xf32, #tpu.memory_space<vmem>>, vector<16xf32>,
      tpu.vector_store %arg18[%swap3A_2157, %swap3A_2158, %swap3A_2159], %mul3A_2154 {strides = array<i32>} : memref<2x5x128xf32, #tpu.memory_space<vmem>>, vector<16xf32>,
      %mul3A_2161 = arith.mulf %exp3A_2130, %div3A_2139 : vector<16xf32>
      %swap3A_2162 = arith.constant 1 : i32
      %swap3A_2163 = arith.constant 3 : i32
      %swap3A_2164 = arith.index_cast %swap3A_2162 : i32 to index
      %swap3A_2165 = arith.index_cast %swap3A_2163 : i32 to index
      %swap3A_2166 = arith.constant 64 : index
      %swap3A_2167 = tpu.vector_load %arg18[%swap3A_2164, %swap3A_2165, %swap3A_2166] {strides = array<i32>} : memref<2x5x128xf32, #tpu.memory_space<vmem>>, vector<16xf32>,
      tpu.vector_store %arg18[%swap3A_2164, %swap3A_2165, %swap3A_2166], %mul3A_2161 {strides = array<i32>} : memref<2x5x128xf32, #tpu.memory_space<vmem>>, vector<16xf32>,
      %mul3A_2168 = arith.mulf %exp3A_2132, %div3A_2139 : vector<16xf32>
      %swap3A_2169 = arith.constant 1 : i32
      %swap3A_2170 = arith.constant 4 : i32
      %swap3A_2171 = arith.index_cast %swap3A_2169 : i32 to index
      %swap3A_2172 = arith.index_cast %swap3A_2170 : i32 to index
      %swap3A_2173 = arith.constant 64 : index
      %swap3A_2174 = tpu.vector_load %arg18[%swap3A_2171, %swap3A_2172, %swap3A_2173] {strides = array<i32>} : memref<2x5x128xf32, #tpu.memory_space<vmem>>, vector<16xf32>,
      tpu.vector_store %arg18[%swap3A_2171, %swap3A_2172, %swap3A_2173], %mul3A_2168 {strides = array<i32>} : memref<2x5x128xf32, #tpu.memory_space<vmem>>, vector<16xf32>,
      %get3A_2175 = arith.constant 80 : index
      %get3A_2176 = tpu.vector_load %arg15[%get3A_2175] {strides = array<i32>} : memref<128xf32, #tpu.memory_space<vmem>>, vector<16xf32>,
      %get3A_2177 = arith.constant 80 : index
      %get3A_2178 = tpu.vector_load %arg16[%get3A_2177] {strides = array<i32>} : memref<128xf32, #tpu.memory_space<vmem>>, vector<16xf32>,
      %get3A_2179 = arith.constant 80 : index
      %get3A_2180 = tpu.vector_load %arg17[%get3A_2179] {strides = array<i32>} : memref<128xf32, #tpu.memory_space<vmem>>, vector<16xf32>,
      %get3A_2181 = arith.constant 0 : i32
      %get3A_2182 = arith.index_cast %get3A_2181 : i32 to index
      %get3A_2183 = memref.load %arg14[%get3A_2182] : memref<15xf32, #tpu.memory_space<smem>>
      %mul3A_2184 = vector.broadcast %get3A_2183 : f32 to vector<16xf32>
      %mul3A_2185 = arith.mulf %get3A_2176, %mul3A_2184 : vector<16xf32>
      %get3A_2186 = arith.constant 5 : i32
      %get3A_2187 = arith.index_cast %get3A_2186 : i32 to index
      %get3A_2188 = memref.load %arg14[%get3A_2187] : memref<15xf32, #tpu.memory_space<smem>>
      %mul3A_2189 = vector.broadcast %get3A_2188 : f32 to vector<16xf32>
      %mul3A_2190 = arith.mulf %get3A_2178, %mul3A_2189 : vector<16xf32>
      %add3A_2191 = arith.addf %mul3A_2185, %mul3A_2190 : vector<16xf32>
      %get3A_2192 = arith.constant 10 : i32
      %get3A_2193 = arith.index_cast %get3A_2192 : i32 to index
      %get3A_2194 = memref.load %arg14[%get3A_2193] : memref<15xf32, #tpu.memory_space<smem>>
      %mul3A_2195 = vector.broadcast %get3A_2194 : f32 to vector<16xf32>
      %mul3A_2196 = arith.mulf %get3A_2180, %mul3A_2195 : vector<16xf32>
      %add3A_2197 = arith.addf %add3A_2191, %mul3A_2196 : vector<16xf32>
      %get3A_2198 = arith.constant 1 : i32
      %get3A_2199 = arith.index_cast %get3A_2198 : i32 to index
      %get3A_2200 = memref.load %arg14[%get3A_2199] : memref<15xf32, #tpu.memory_space<smem>>
      %mul3A_2201 = vector.broadcast %get3A_2200 : f32 to vector<16xf32>
      %mul3A_2202 = arith.mulf %get3A_2176, %mul3A_2201 : vector<16xf32>
      %get3A_2203 = arith.constant 6 : i32
      %get3A_2204 = arith.index_cast %get3A_2203 : i32 to index
      %get3A_2205 = memref.load %arg14[%get3A_2204] : memref<15xf32, #tpu.memory_space<smem>>
      %mul3A_2206 = vector.broadcast %get3A_2205 : f32 to vector<16xf32>
      %mul3A_2207 = arith.mulf %get3A_2178, %mul3A_2206 : vector<16xf32>
      %add3A_2208 = arith.addf %mul3A_2202, %mul3A_2207 : vector<16xf32>
      %get3A_2209 = arith.constant 11 : i32
      %get3A_2210 = arith.index_cast %get3A_2209 : i32 to index
      %get3A_2211 = memref.load %arg14[%get3A_2210] : memref<15xf32, #tpu.memory_space<smem>>
      %mul3A_2212 = vector.broadcast %get3A_2211 : f32 to vector<16xf32>
      %mul3A_2213 = arith.mulf %get3A_2180, %mul3A_2212 : vector<16xf32>
      %add3A_2214 = arith.addf %add3A_2208, %mul3A_2213 : vector<16xf32>
      %get3A_2215 = arith.constant 2 : i32
      %get3A_2216 = arith.index_cast %get3A_2215 : i32 to index
      %get3A_2217 = memref.load %arg14[%get3A_2216] : memref<15xf32, #tpu.memory_space<smem>>
      %mul3A_2218 = vector.broadcast %get3A_2217 : f32 to vector<16xf32>
      %mul3A_2219 = arith.mulf %get3A_2176, %mul3A_2218 : vector<16xf32>
      %get3A_2220 = arith.constant 7 : i32
      %get3A_2221 = arith.index_cast %get3A_2220 : i32 to index
      %get3A_2222 = memref.load %arg14[%get3A_2221] : memref<15xf32, #tpu.memory_space<smem>>
      %mul3A_2223 = vector.broadcast %get3A_2222 : f32 to vector<16xf32>
      %mul3A_2224 = arith.mulf %get3A_2178, %mul3A_2223 : vector<16xf32>
      %add3A_2225 = arith.addf %mul3A_2219, %mul3A_2224 : vector<16xf32>
      %get3A_2226 = arith.constant 12 : i32
      %get3A_2227 = arith.index_cast %get3A_2226 : i32 to index
      %get3A_2228 = memref.load %arg14[%get3A_2227] : memref<15xf32, #tpu.memory_space<smem>>
      %mul3A_2229 = vector.broadcast %get3A_2228 : f32 to vector<16xf32>
      %mul3A_2230 = arith.mulf %get3A_2180, %mul3A_2229 : vector<16xf32>
      %add3A_2231 = arith.addf %add3A_2225, %mul3A_2230 : vector<16xf32>
      %get3A_2232 = arith.constant 3 : i32
      %get3A_2233 = arith.index_cast %get3A_2232 : i32 to index
      %get3A_2234 = memref.load %arg14[%get3A_2233] : memref<15xf32, #tpu.memory_space<smem>>
      %mul3A_2235 = vector.broadcast %get3A_2234 : f32 to vector<16xf32>
      %mul3A_2236 = arith.mulf %get3A_2176, %mul3A_2235 : vector<16xf32>
      %get3A_2237 = arith.constant 8 : i32
      %get3A_2238 = arith.index_cast %get3A_2237 : i32 to index
      %get3A_2239 = memref.load %arg14[%get3A_2238] : memref<15xf32, #tpu.memory_space<smem>>
      %mul3A_2240 = vector.broadcast %get3A_2239 : f32 to vector<16xf32>
      %mul3A_2241 = arith.mulf %get3A_2178, %mul3A_2240 : vector<16xf32>
      %add3A_2242 = arith.addf %mul3A_2236, %mul3A_2241 : vector<16xf32>
      %get3A_2243 = arith.constant 13 : i32
      %get3A_2244 = arith.index_cast %get3A_2243 : i32 to index
      %get3A_2245 = memref.load %arg14[%get3A_2244] : memref<15xf32, #tpu.memory_space<smem>>
      %mul3A_2246 = vector.broadcast %get3A_2245 : f32 to vector<16xf32>
      %mul3A_2247 = arith.mulf %get3A_2180, %mul3A_2246 : vector<16xf32>
      %add3A_2248 = arith.addf %add3A_2242, %mul3A_2247 : vector<16xf32>
      %get3A_2249 = arith.constant 4 : i32
      %get3A_2250 = arith.index_cast %get3A_2249 : i32 to index
      %get3A_2251 = memref.load %arg14[%get3A_2250] : memref<15xf32, #tpu.memory_space<smem>>
      %mul3A_2252 = vector.broadcast %get3A_2251 : f32 to vector<16xf32>
      %mul3A_2253 = arith.mulf %get3A_2176, %mul3A_2252 : vector<16xf32>
      %get3A_2254 = arith.constant 9 : i32
      %get3A_2255 = arith.index_cast %get3A_2254 : i32 to index
      %get3A_2256 = memref.load %arg14[%get3A_2255] : memref<15xf32, #tpu.memory_space<smem>>
      %mul3A_2257 = vector.broadcast %get3A_2256 : f32 to vector<16xf32>
      %mul3A_2258 = arith.mulf %get3A_2178, %mul3A_2257 : vector<16xf32>
      %add3A_2259 = arith.addf %mul3A_2253, %mul3A_2258 : vector<16xf32>
      %get3A_2260 = arith.constant 14 : i32
      %get3A_2261 = arith.index_cast %get3A_2260 : i32 to index
      %get3A_2262 = memref.load %arg14[%get3A_2261] : memref<15xf32, #tpu.memory_space<smem>>
      %mul3A_2263 = vector.broadcast %get3A_2262 : f32 to vector<16xf32>
      %mul3A_2264 = arith.mulf %get3A_2180, %mul3A_2263 : vector<16xf32>
      %add3A_2265 = arith.addf %add3A_2259, %mul3A_2264 : vector<16xf32>
      %max3A_2266 = arith.maximumf %add3A_2197, %add3A_2214 : vector<16xf32>
      %max3A_2267 = arith.maximumf %max3A_2266, %add3A_2231 : vector<16xf32>
      %max3A_2268 = arith.maximumf %max3A_2267, %add3A_2248 : vector<16xf32>
      %max3A_2269 = arith.maximumf %max3A_2268, %add3A_2265 : vector<16xf32>
      %sub3A_2270 = arith.subf %add3A_2197, %max3A_2269 : vector<16xf32>
      %exp3A_2271 = math.exp %sub3A_2270 : vector<16xf32>
      %sub3A_2272 = arith.subf %add3A_2214, %max3A_2269 : vector<16xf32>
      %exp3A_2273 = math.exp %sub3A_2272 : vector<16xf32>
      %sub3A_2274 = arith.subf %add3A_2231, %max3A_2269 : vector<16xf32>
      %exp3A_2275 = math.exp %sub3A_2274 : vector<16xf32>
      %sub3A_2276 = arith.subf %add3A_2248, %max3A_2269 : vector<16xf32>
      %exp3A_2277 = math.exp %sub3A_2276 : vector<16xf32>
      %sub3A_2278 = arith.subf %add3A_2265, %max3A_2269 : vector<16xf32>
      %exp3A_2279 = math.exp %sub3A_2278 : vector<16xf32>
      %add3A_2280 = arith.addf %exp3A_2271, %exp3A_2273 : vector<16xf32>
      %add3A_2281 = arith.addf %add3A_2280, %exp3A_2275 : vector<16xf32>
      %add3A_2282 = arith.addf %add3A_2281, %exp3A_2277 : vector<16xf32>
      %add3A_2283 = arith.addf %add3A_2282, %exp3A_2279 : vector<16xf32>
      %div3A_2284 = arith.constant 1.000000e+00 : f32
      %div3A_2285 = vector.broadcast %div3A_2284 : f32 to vector<16xf32>
      %div3A_2286 = arith.divf %div3A_2285, %add3A_2283 : vector<16xf32>
      %mul3A_2287 = arith.mulf %exp3A_2271, %div3A_2286 : vector<16xf32>
      %swap3A_2288 = arith.constant 1 : i32
      %swap3A_2289 = arith.constant 0 : i32
      %swap3A_2290 = arith.index_cast %swap3A_2288 : i32 to index
      %swap3A_2291 = arith.index_cast %swap3A_2289 : i32 to index
      %swap3A_2292 = arith.constant 80 : index
      %swap3A_2293 = tpu.vector_load %arg18[%swap3A_2290, %swap3A_2291, %swap3A_2292] {strides = array<i32>} : memref<2x5x128xf32, #tpu.memory_space<vmem>>, vector<16xf32>,
      tpu.vector_store %arg18[%swap3A_2290, %swap3A_2291, %swap3A_2292], %mul3A_2287 {strides = array<i32>} : memref<2x5x128xf32, #tpu.memory_space<vmem>>, vector<16xf32>,
      %mul3A_2294 = arith.mulf %exp3A_2273, %div3A_2286 : vector<16xf32>
      %swap3A_2295 = arith.constant 1 : i32
      %swap3A_2296 = arith.constant 1 : i32
      %swap3A_2297 = arith.index_cast %swap3A_2295 : i32 to index
      %swap3A_2298 = arith.index_cast %swap3A_2296 : i32 to index
      %swap3A_2299 = arith.constant 80 : index
      %swap3A_2300 = tpu.vector_load %arg18[%swap3A_2297, %swap3A_2298, %swap3A_2299] {strides = array<i32>} : memref<2x5x128xf32, #tpu.memory_space<vmem>>, vector<16xf32>,
      tpu.vector_store %arg18[%swap3A_2297, %swap3A_2298, %swap3A_2299], %mul3A_2294 {strides = array<i32>} : memref<2x5x128xf32, #tpu.memory_space<vmem>>, vector<16xf32>,
      %mul3A_2301 = arith.mulf %exp3A_2275, %div3A_2286 : vector<16xf32>
      %swap3A_2302 = arith.constant 1 : i32
      %swap3A_2303 = arith.constant 2 : i32
      %swap3A_2304 = arith.index_cast %swap3A_2302 : i32 to index
      %swap3A_2305 = arith.index_cast %swap3A_2303 : i32 to index
      %swap3A_2306 = arith.constant 80 : index
      %swap3A_2307 = tpu.vector_load %arg18[%swap3A_2304, %swap3A_2305, %swap3A_2306] {strides = array<i32>} : memref<2x5x128xf32, #tpu.memory_space<vmem>>, vector<16xf32>,
      tpu.vector_store %arg18[%swap3A_2304, %swap3A_2305, %swap3A_2306], %mul3A_2301 {strides = array<i32>} : memref<2x5x128xf32, #tpu.memory_space<vmem>>, vector<16xf32>,
      %mul3A_2308 = arith.mulf %exp3A_2277, %div3A_2286 : vector<16xf32>
      %swap3A_2309 = arith.constant 1 : i32
      %swap3A_2310 = arith.constant 3 : i32
      %swap3A_2311 = arith.index_cast %swap3A_2309 : i32 to index
      %swap3A_2312 = arith.index_cast %swap3A_2310 : i32 to index
      %swap3A_2313 = arith.constant 80 : index
      %swap3A_2314 = tpu.vector_load %arg18[%swap3A_2311, %swap3A_2312, %swap3A_2313] {strides = array<i32>} : memref<2x5x128xf32, #tpu.memory_space<vmem>>, vector<16xf32>,
      tpu.vector_store %arg18[%swap3A_2311, %swap3A_2312, %swap3A_2313], %mul3A_2308 {strides = array<i32>} : memref<2x5x128xf32, #tpu.memory_space<vmem>>, vector<16xf32>,
      %mul3A_2315 = arith.mulf %exp3A_2279, %div3A_2286 : vector<16xf32>
      %swap3A_2316 = arith.constant 1 : i32
      %swap3A_2317 = arith.constant 4 : i32
      %swap3A_2318 = arith.index_cast %swap3A_2316 : i32 to index
      %swap3A_2319 = arith.index_cast %swap3A_2317 : i32 to index
      %swap3A_2320 = arith.constant 80 : index
      %swap3A_2321 = tpu.vector_load %arg18[%swap3A_2318, %swap3A_2319, %swap3A_2320] {strides = array<i32>} : memref<2x5x128xf32, #tpu.memory_space<vmem>>, vector<16xf32>,
      tpu.vector_store %arg18[%swap3A_2318, %swap3A_2319, %swap3A_2320], %mul3A_2315 {strides = array<i32>} : memref<2x5x128xf32, #tpu.memory_space<vmem>>, vector<16xf32>,
      %get3A_2322 = arith.constant 96 : index
      %get3A_2323 = tpu.vector_load %arg15[%get3A_2322] {strides = array<i32>} : memref<128xf32, #tpu.memory_space<vmem>>, vector<16xf32>,
      %get3A_2324 = arith.constant 96 : index
      %get3A_2325 = tpu.vector_load %arg16[%get3A_2324] {strides = array<i32>} : memref<128xf32, #tpu.memory_space<vmem>>, vector<16xf32>,
      %get3A_2326 = arith.constant 96 : index
      %get3A_2327 = tpu.vector_load %arg17[%get3A_2326] {strides = array<i32>} : memref<128xf32, #tpu.memory_space<vmem>>, vector<16xf32>,
      %get3A_2328 = arith.constant 0 : i32
      %get3A_2329 = arith.index_cast %get3A_2328 : i32 to index
      %get3A_2330 = memref.load %arg14[%get3A_2329] : memref<15xf32, #tpu.memory_space<smem>>
      %mul3A_2331 = vector.broadcast %get3A_2330 : f32 to vector<16xf32>
      %mul3A_2332 = arith.mulf %get3A_2323, %mul3A_2331 : vector<16xf32>
      %get3A_2333 = arith.constant 5 : i32
      %get3A_2334 = arith.index_cast %get3A_2333 : i32 to index
      %get3A_2335 = memref.load %arg14[%get3A_2334] : memref<15xf32, #tpu.memory_space<smem>>
      %mul3A_2336 = vector.broadcast %get3A_2335 : f32 to vector<16xf32>
      %mul3A_2337 = arith.mulf %get3A_2325, %mul3A_2336 : vector<16xf32>
      %add3A_2338 = arith.addf %mul3A_2332, %mul3A_2337 : vector<16xf32>
      %get3A_2339 = arith.constant 10 : i32
      %get3A_2340 = arith.index_cast %get3A_2339 : i32 to index
      %get3A_2341 = memref.load %arg14[%get3A_2340] : memref<15xf32, #tpu.memory_space<smem>>
      %mul3A_2342 = vector.broadcast %get3A_2341 : f32 to vector<16xf32>
      %mul3A_2343 = arith.mulf %get3A_2327, %mul3A_2342 : vector<16xf32>
      %add3A_2344 = arith.addf %add3A_2338, %mul3A_2343 : vector<16xf32>
      %get3A_2345 = arith.constant 1 : i32
      %get3A_2346 = arith.index_cast %get3A_2345 : i32 to index
      %get3A_2347 = memref.load %arg14[%get3A_2346] : memref<15xf32, #tpu.memory_space<smem>>
      %mul3A_2348 = vector.broadcast %get3A_2347 : f32 to vector<16xf32>
      %mul3A_2349 = arith.mulf %get3A_2323, %mul3A_2348 : vector<16xf32>
      %get3A_2350 = arith.constant 6 : i32
      %get3A_2351 = arith.index_cast %get3A_2350 : i32 to index
      %get3A_2352 = memref.load %arg14[%get3A_2351] : memref<15xf32, #tpu.memory_space<smem>>
      %mul3A_2353 = vector.broadcast %get3A_2352 : f32 to vector<16xf32>
      %mul3A_2354 = arith.mulf %get3A_2325, %mul3A_2353 : vector<16xf32>
      %add3A_2355 = arith.addf %mul3A_2349, %mul3A_2354 : vector<16xf32>
      %get3A_2356 = arith.constant 11 : i32
      %get3A_2357 = arith.index_cast %get3A_2356 : i32 to index
      %get3A_2358 = memref.load %arg14[%get3A_2357] : memref<15xf32, #tpu.memory_space<smem>>
      %mul3A_2359 = vector.broadcast %get3A_2358 : f32 to vector<16xf32>
      %mul3A_2360 = arith.mulf %get3A_2327, %mul3A_2359 : vector<16xf32>
      %add3A_2361 = arith.addf %add3A_2355, %mul3A_2360 : vector<16xf32>
      %get3A_2362 = arith.constant 2 : i32
      %get3A_2363 = arith.index_cast %get3A_2362 : i32 to index
      %get3A_2364 = memref.load %arg14[%get3A_2363] : memref<15xf32, #tpu.memory_space<smem>>
      %mul3A_2365 = vector.broadcast %get3A_2364 : f32 to vector<16xf32>
      %mul3A_2366 = arith.mulf %get3A_2323, %mul3A_2365 : vector<16xf32>
      %get3A_2367 = arith.constant 7 : i32
      %get3A_2368 = arith.index_cast %get3A_2367 : i32 to index
      %get3A_2369 = memref.load %arg14[%get3A_2368] : memref<15xf32, #tpu.memory_space<smem>>
      %mul3A_2370 = vector.broadcast %get3A_2369 : f32 to vector<16xf32>
      %mul3A_2371 = arith.mulf %get3A_2325, %mul3A_2370 : vector<16xf32>
      %add3A_2372 = arith.addf %mul3A_2366, %mul3A_2371 : vector<16xf32>
      %get3A_2373 = arith.constant 12 : i32
      %get3A_2374 = arith.index_cast %get3A_2373 : i32 to index
      %get3A_2375 = memref.load %arg14[%get3A_2374] : memref<15xf32, #tpu.memory_space<smem>>
      %mul3A_2376 = vector.broadcast %get3A_2375 : f32 to vector<16xf32>
      %mul3A_2377 = arith.mulf %get3A_2327, %mul3A_2376 : vector<16xf32>
      %add3A_2378 = arith.addf %add3A_2372, %mul3A_2377 : vector<16xf32>
      %get3A_2379 = arith.constant 3 : i32
      %get3A_2380 = arith.index_cast %get3A_2379 : i32 to index
      %get3A_2381 = memref.load %arg14[%get3A_2380] : memref<15xf32, #tpu.memory_space<smem>>
      %mul3A_2382 = vector.broadcast %get3A_2381 : f32 to vector<16xf32>
      %mul3A_2383 = arith.mulf %get3A_2323, %mul3A_2382 : vector<16xf32>
      %get3A_2384 = arith.constant 8 : i32
      %get3A_2385 = arith.index_cast %get3A_2384 : i32 to index
      %get3A_2386 = memref.load %arg14[%get3A_2385] : memref<15xf32, #tpu.memory_space<smem>>
      %mul3A_2387 = vector.broadcast %get3A_2386 : f32 to vector<16xf32>
      %mul3A_2388 = arith.mulf %get3A_2325, %mul3A_2387 : vector<16xf32>
      %add3A_2389 = arith.addf %mul3A_2383, %mul3A_2388 : vector<16xf32>
      %get3A_2390 = arith.constant 13 : i32
      %get3A_2391 = arith.index_cast %get3A_2390 : i32 to index
      %get3A_2392 = memref.load %arg14[%get3A_2391] : memref<15xf32, #tpu.memory_space<smem>>
      %mul3A_2393 = vector.broadcast %get3A_2392 : f32 to vector<16xf32>
      %mul3A_2394 = arith.mulf %get3A_2327, %mul3A_2393 : vector<16xf32>
      %add3A_2395 = arith.addf %add3A_2389, %mul3A_2394 : vector<16xf32>
      %get3A_2396 = arith.constant 4 : i32
      %get3A_2397 = arith.index_cast %get3A_2396 : i32 to index
      %get3A_2398 = memref.load %arg14[%get3A_2397] : memref<15xf32, #tpu.memory_space<smem>>
      %mul3A_2399 = vector.broadcast %get3A_2398 : f32 to vector<16xf32>
      %mul3A_2400 = arith.mulf %get3A_2323, %mul3A_2399 : vector<16xf32>
      %get3A_2401 = arith.constant 9 : i32
      %get3A_2402 = arith.index_cast %get3A_2401 : i32 to index
      %get3A_2403 = memref.load %arg14[%get3A_2402] : memref<15xf32, #tpu.memory_space<smem>>
      %mul3A_2404 = vector.broadcast %get3A_2403 : f32 to vector<16xf32>
      %mul3A_2405 = arith.mulf %get3A_2325, %mul3A_2404 : vector<16xf32>
      %add3A_2406 = arith.addf %mul3A_2400, %mul3A_2405 : vector<16xf32>
      %get3A_2407 = arith.constant 14 : i32
      %get3A_2408 = arith.index_cast %get3A_2407 : i32 to index
      %get3A_2409 = memref.load %arg14[%get3A_2408] : memref<15xf32, #tpu.memory_space<smem>>
      %mul3A_2410 = vector.broadcast %get3A_2409 : f32 to vector<16xf32>
      %mul3A_2411 = arith.mulf %get3A_2327, %mul3A_2410 : vector<16xf32>
      %add3A_2412 = arith.addf %add3A_2406, %mul3A_2411 : vector<16xf32>
      %max3A_2413 = arith.maximumf %add3A_2344, %add3A_2361 : vector<16xf32>
      %max3A_2414 = arith.maximumf %max3A_2413, %add3A_2378 : vector<16xf32>
      %max3A_2415 = arith.maximumf %max3A_2414, %add3A_2395 : vector<16xf32>
      %max3A_2416 = arith.maximumf %max3A_2415, %add3A_2412 : vector<16xf32>
      %sub3A_2417 = arith.subf %add3A_2344, %max3A_2416 : vector<16xf32>
      %exp3A_2418 = math.exp %sub3A_2417 : vector<16xf32>
      %sub3A_2419 = arith.subf %add3A_2361, %max3A_2416 : vector<16xf32>
      %exp3A_2420 = math.exp %sub3A_2419 : vector<16xf32>
      %sub3A_2421 = arith.subf %add3A_2378, %max3A_2416 : vector<16xf32>
      %exp3A_2422 = math.exp %sub3A_2421 : vector<16xf32>
      %sub3A_2423 = arith.subf %add3A_2395, %max3A_2416 : vector<16xf32>
      %exp3A_2424 = math.exp %sub3A_2423 : vector<16xf32>
      %sub3A_2425 = arith.subf %add3A_2412, %max3A_2416 : vector<16xf32>
      %exp3A_2426 = math.exp %sub3A_2425 : vector<16xf32>
      %add3A_2427 = arith.addf %exp3A_2418, %exp3A_2420 : vector<16xf32>
      %add3A_2428 = arith.addf %add3A_2427, %exp3A_2422 : vector<16xf32>
      %add3A_2429 = arith.addf %add3A_2428, %exp3A_2424 : vector<16xf32>
      %add3A_2430 = arith.addf %add3A_2429, %exp3A_2426 : vector<16xf32>
      %div3A_2431 = arith.constant 1.000000e+00 : f32
      %div3A_2432 = vector.broadcast %div3A_2431 : f32 to vector<16xf32>
      %div3A_2433 = arith.divf %div3A_2432, %add3A_2430 : vector<16xf32>
      %mul3A_2434 = arith.mulf %exp3A_2418, %div3A_2433 : vector<16xf32>
      %swap3A_2435 = arith.constant 1 : i32
      %swap3A_2436 = arith.constant 0 : i32
      %swap3A_2437 = arith.index_cast %swap3A_2435 : i32 to index
      %swap3A_2438 = arith.index_cast %swap3A_2436 : i32 to index
      %swap3A_2439 = arith.constant 96 : index
      %swap3A_2440 = tpu.vector_load %arg18[%swap3A_2437, %swap3A_2438, %swap3A_2439] {strides = array<i32>} : memref<2x5x128xf32, #tpu.memory_space<vmem>>, vector<16xf32>,
      tpu.vector_store %arg18[%swap3A_2437, %swap3A_2438, %swap3A_2439], %mul3A_2434 {strides = array<i32>} : memref<2x5x128xf32, #tpu.memory_space<vmem>>, vector<16xf32>,
      %mul3A_2441 = arith.mulf %exp3A_2420, %div3A_2433 : vector<16xf32>
      %swap3A_2442 = arith.constant 1 : i32
      %swap3A_2443 = arith.constant 1 : i32
      %swap3A_2444 = arith.index_cast %swap3A_2442 : i32 to index
      %swap3A_2445 = arith.index_cast %swap3A_2443 : i32 to index
      %swap3A_2446 = arith.constant 96 : index
      %swap3A_2447 = tpu.vector_load %arg18[%swap3A_2444, %swap3A_2445, %swap3A_2446] {strides = array<i32>} : memref<2x5x128xf32, #tpu.memory_space<vmem>>, vector<16xf32>,
      tpu.vector_store %arg18[%swap3A_2444, %swap3A_2445, %swap3A_2446], %mul3A_2441 {strides = array<i32>} : memref<2x5x128xf32, #tpu.memory_space<vmem>>, vector<16xf32>,
      %mul3A_2448 = arith.mulf %exp3A_2422, %div3A_2433 : vector<16xf32>
      %swap3A_2449 = arith.constant 1 : i32
      %swap3A_2450 = arith.constant 2 : i32
      %swap3A_2451 = arith.index_cast %swap3A_2449 : i32 to index
      %swap3A_2452 = arith.index_cast %swap3A_2450 : i32 to index
      %swap3A_2453 = arith.constant 96 : index
      %swap3A_2454 = tpu.vector_load %arg18[%swap3A_2451, %swap3A_2452, %swap3A_2453] {strides = array<i32>} : memref<2x5x128xf32, #tpu.memory_space<vmem>>, vector<16xf32>,
      tpu.vector_store %arg18[%swap3A_2451, %swap3A_2452, %swap3A_2453], %mul3A_2448 {strides = array<i32>} : memref<2x5x128xf32, #tpu.memory_space<vmem>>, vector<16xf32>,
      %mul3A_2455 = arith.mulf %exp3A_2424, %div3A_2433 : vector<16xf32>
      %swap3A_2456 = arith.constant 1 : i32
      %swap3A_2457 = arith.constant 3 : i32
      %swap3A_2458 = arith.index_cast %swap3A_2456 : i32 to index
      %swap3A_2459 = arith.index_cast %swap3A_2457 : i32 to index
      %swap3A_2460 = arith.constant 96 : index
      %swap3A_2461 = tpu.vector_load %arg18[%swap3A_2458, %swap3A_2459, %swap3A_2460] {strides = array<i32>} : memref<2x5x128xf32, #tpu.memory_space<vmem>>, vector<16xf32>,
      tpu.vector_store %arg18[%swap3A_2458, %swap3A_2459, %swap3A_2460], %mul3A_2455 {strides = array<i32>} : memref<2x5x128xf32, #tpu.memory_space<vmem>>, vector<16xf32>,
      %mul3A_2462 = arith.mulf %exp3A_2426, %div3A_2433 : vector<16xf32>
      %swap3A_2463 = arith.constant 1 : i32
      %swap3A_2464 = arith.constant 4 : i32
      %swap3A_2465 = arith.index_cast %swap3A_2463 : i32 to index
      %swap3A_2466 = arith.index_cast %swap3A_2464 : i32 to index
      %swap3A_2467 = arith.constant 96 : index
      %swap3A_2468 = tpu.vector_load %arg18[%swap3A_2465, %swap3A_2466, %swap3A_2467] {strides = array<i32>} : memref<2x5x128xf32, #tpu.memory_space<vmem>>, vector<16xf32>,
      tpu.vector_store %arg18[%swap3A_2465, %swap3A_2466, %swap3A_2467], %mul3A_2462 {strides = array<i32>} : memref<2x5x128xf32, #tpu.memory_space<vmem>>, vector<16xf32>,
      %get3A_2469 = arith.constant 112 : index
      %get3A_2470 = tpu.vector_load %arg15[%get3A_2469] {strides = array<i32>} : memref<128xf32, #tpu.memory_space<vmem>>, vector<16xf32>,
      %get3A_2471 = arith.constant 112 : index
      %get3A_2472 = tpu.vector_load %arg16[%get3A_2471] {strides = array<i32>} : memref<128xf32, #tpu.memory_space<vmem>>, vector<16xf32>,
      %get3A_2473 = arith.constant 112 : index
      %get3A_2474 = tpu.vector_load %arg17[%get3A_2473] {strides = array<i32>} : memref<128xf32, #tpu.memory_space<vmem>>, vector<16xf32>,
      %get3A_2475 = arith.constant 0 : i32
      %get3A_2476 = arith.index_cast %get3A_2475 : i32 to index
      %get3A_2477 = memref.load %arg14[%get3A_2476] : memref<15xf32, #tpu.memory_space<smem>>
      %mul3A_2478 = vector.broadcast %get3A_2477 : f32 to vector<16xf32>
      %mul3A_2479 = arith.mulf %get3A_2470, %mul3A_2478 : vector<16xf32>
      %get3A_2480 = arith.constant 5 : i32
      %get3A_2481 = arith.index_cast %get3A_2480 : i32 to index
      %get3A_2482 = memref.load %arg14[%get3A_2481] : memref<15xf32, #tpu.memory_space<smem>>
      %mul3A_2483 = vector.broadcast %get3A_2482 : f32 to vector<16xf32>
      %mul3A_2484 = arith.mulf %get3A_2472, %mul3A_2483 : vector<16xf32>
      %add3A_2485 = arith.addf %mul3A_2479, %mul3A_2484 : vector<16xf32>
      %get3A_2486 = arith.constant 10 : i32
      %get3A_2487 = arith.index_cast %get3A_2486 : i32 to index
      %get3A_2488 = memref.load %arg14[%get3A_2487] : memref<15xf32, #tpu.memory_space<smem>>
      %mul3A_2489 = vector.broadcast %get3A_2488 : f32 to vector<16xf32>
      %mul3A_2490 = arith.mulf %get3A_2474, %mul3A_2489 : vector<16xf32>
      %add3A_2491 = arith.addf %add3A_2485, %mul3A_2490 : vector<16xf32>
      %get3A_2492 = arith.constant 1 : i32
      %get3A_2493 = arith.index_cast %get3A_2492 : i32 to index
      %get3A_2494 = memref.load %arg14[%get3A_2493] : memref<15xf32, #tpu.memory_space<smem>>
      %mul3A_2495 = vector.broadcast %get3A_2494 : f32 to vector<16xf32>
      %mul3A_2496 = arith.mulf %get3A_2470, %mul3A_2495 : vector<16xf32>
      %get3A_2497 = arith.constant 6 : i32
      %get3A_2498 = arith.index_cast %get3A_2497 : i32 to index
      %get3A_2499 = memref.load %arg14[%get3A_2498] : memref<15xf32, #tpu.memory_space<smem>>
      %mul3A_2500 = vector.broadcast %get3A_2499 : f32 to vector<16xf32>
      %mul3A_2501 = arith.mulf %get3A_2472, %mul3A_2500 : vector<16xf32>
      %add3A_2502 = arith.addf %mul3A_2496, %mul3A_2501 : vector<16xf32>
      %get3A_2503 = arith.constant 11 : i32
      %get3A_2504 = arith.index_cast %get3A_2503 : i32 to index
      %get3A_2505 = memref.load %arg14[%get3A_2504] : memref<15xf32, #tpu.memory_space<smem>>
      %mul3A_2506 = vector.broadcast %get3A_2505 : f32 to vector<16xf32>
      %mul3A_2507 = arith.mulf %get3A_2474, %mul3A_2506 : vector<16xf32>
      %add3A_2508 = arith.addf %add3A_2502, %mul3A_2507 : vector<16xf32>
      %get3A_2509 = arith.constant 2 : i32
      %get3A_2510 = arith.index_cast %get3A_2509 : i32 to index
      %get3A_2511 = memref.load %arg14[%get3A_2510] : memref<15xf32, #tpu.memory_space<smem>>
      %mul3A_2512 = vector.broadcast %get3A_2511 : f32 to vector<16xf32>
      %mul3A_2513 = arith.mulf %get3A_2470, %mul3A_2512 : vector<16xf32>
      %get3A_2514 = arith.constant 7 : i32
      %get3A_2515 = arith.index_cast %get3A_2514 : i32 to index
      %get3A_2516 = memref.load %arg14[%get3A_2515] : memref<15xf32, #tpu.memory_space<smem>>
      %mul3A_2517 = vector.broadcast %get3A_2516 : f32 to vector<16xf32>
      %mul3A_2518 = arith.mulf %get3A_2472, %mul3A_2517 : vector<16xf32>
      %add3A_2519 = arith.addf %mul3A_2513, %mul3A_2518 : vector<16xf32>
      %get3A_2520 = arith.constant 12 : i32
      %get3A_2521 = arith.index_cast %get3A_2520 : i32 to index
      %get3A_2522 = memref.load %arg14[%get3A_2521] : memref<15xf32, #tpu.memory_space<smem>>
      %mul3A_2523 = vector.broadcast %get3A_2522 : f32 to vector<16xf32>
      %mul3A_2524 = arith.mulf %get3A_2474, %mul3A_2523 : vector<16xf32>
      %add3A_2525 = arith.addf %add3A_2519, %mul3A_2524 : vector<16xf32>
      %get3A_2526 = arith.constant 3 : i32
      %get3A_2527 = arith.index_cast %get3A_2526 : i32 to index
      %get3A_2528 = memref.load %arg14[%get3A_2527] : memref<15xf32, #tpu.memory_space<smem>>
      %mul3A_2529 = vector.broadcast %get3A_2528 : f32 to vector<16xf32>
      %mul3A_2530 = arith.mulf %get3A_2470, %mul3A_2529 : vector<16xf32>
      %get3A_2531 = arith.constant 8 : i32
      %get3A_2532 = arith.index_cast %get3A_2531 : i32 to index
      %get3A_2533 = memref.load %arg14[%get3A_2532] : memref<15xf32, #tpu.memory_space<smem>>
      %mul3A_2534 = vector.broadcast %get3A_2533 : f32 to vector<16xf32>
      %mul3A_2535 = arith.mulf %get3A_2472, %mul3A_2534 : vector<16xf32>
      %add3A_2536 = arith.addf %mul3A_2530, %mul3A_2535 : vector<16xf32>
      %get3A_2537 = arith.constant 13 : i32
      %get3A_2538 = arith.index_cast %get3A_2537 : i32 to index
      %get3A_2539 = memref.load %arg14[%get3A_2538] : memref<15xf32, #tpu.memory_space<smem>>
      %mul3A_2540 = vector.broadcast %get3A_2539 : f32 to vector<16xf32>
      %mul3A_2541 = arith.mulf %get3A_2474, %mul3A_2540 : vector<16xf32>
      %add3A_2542 = arith.addf %add3A_2536, %mul3A_2541 : vector<16xf32>
      %get3A_2543 = arith.constant 4 : i32
      %get3A_2544 = arith.index_cast %get3A_2543 : i32 to index
      %get3A_2545 = memref.load %arg14[%get3A_2544] : memref<15xf32, #tpu.memory_space<smem>>
      %mul3A_2546 = vector.broadcast %get3A_2545 : f32 to vector<16xf32>
      %mul3A_2547 = arith.mulf %get3A_2470, %mul3A_2546 : vector<16xf32>
      %get3A_2548 = arith.constant 9 : i32
      %get3A_2549 = arith.index_cast %get3A_2548 : i32 to index
      %get3A_2550 = memref.load %arg14[%get3A_2549] : memref<15xf32, #tpu.memory_space<smem>>
      %mul3A_2551 = vector.broadcast %get3A_2550 : f32 to vector<16xf32>
      %mul3A_2552 = arith.mulf %get3A_2472, %mul3A_2551 : vector<16xf32>
      %add3A_2553 = arith.addf %mul3A_2547, %mul3A_2552 : vector<16xf32>
      %get3A_2554 = arith.constant 14 : i32
      %get3A_2555 = arith.index_cast %get3A_2554 : i32 to index
      %get3A_2556 = memref.load %arg14[%get3A_2555] : memref<15xf32, #tpu.memory_space<smem>>
      %mul3A_2557 = vector.broadcast %get3A_2556 : f32 to vector<16xf32>
      %mul3A_2558 = arith.mulf %get3A_2474, %mul3A_2557 : vector<16xf32>
      %add3A_2559 = arith.addf %add3A_2553, %mul3A_2558 : vector<16xf32>
      %max3A_2560 = arith.maximumf %add3A_2491, %add3A_2508 : vector<16xf32>
      %max3A_2561 = arith.maximumf %max3A_2560, %add3A_2525 : vector<16xf32>
      %max3A_2562 = arith.maximumf %max3A_2561, %add3A_2542 : vector<16xf32>
      %max3A_2563 = arith.maximumf %max3A_2562, %add3A_2559 : vector<16xf32>
      %sub3A_2564 = arith.subf %add3A_2491, %max3A_2563 : vector<16xf32>
      %exp3A_2565 = math.exp %sub3A_2564 : vector<16xf32>
      %sub3A_2566 = arith.subf %add3A_2508, %max3A_2563 : vector<16xf32>
      %exp3A_2567 = math.exp %sub3A_2566 : vector<16xf32>
      %sub3A_2568 = arith.subf %add3A_2525, %max3A_2563 : vector<16xf32>
      %exp3A_2569 = math.exp %sub3A_2568 : vector<16xf32>
      %sub3A_2570 = arith.subf %add3A_2542, %max3A_2563 : vector<16xf32>
      %exp3A_2571 = math.exp %sub3A_2570 : vector<16xf32>
      %sub3A_2572 = arith.subf %add3A_2559, %max3A_2563 : vector<16xf32>
      %exp3A_2573 = math.exp %sub3A_2572 : vector<16xf32>
      %add3A_2574 = arith.addf %exp3A_2565, %exp3A_2567 : vector<16xf32>
      %add3A_2575 = arith.addf %add3A_2574, %exp3A_2569 : vector<16xf32>
      %add3A_2576 = arith.addf %add3A_2575, %exp3A_2571 : vector<16xf32>
      %add3A_2577 = arith.addf %add3A_2576, %exp3A_2573 : vector<16xf32>
      %div3A_2578 = arith.constant 1.000000e+00 : f32
      %div3A_2579 = vector.broadcast %div3A_2578 : f32 to vector<16xf32>
      %div3A_2580 = arith.divf %div3A_2579, %add3A_2577 : vector<16xf32>
      %mul3A_2581 = arith.mulf %exp3A_2565, %div3A_2580 : vector<16xf32>
      %swap3A_2582 = arith.constant 1 : i32
      %swap3A_2583 = arith.constant 0 : i32
      %swap3A_2584 = arith.index_cast %swap3A_2582 : i32 to index
      %swap3A_2585 = arith.index_cast %swap3A_2583 : i32 to index
      %swap3A_2586 = arith.constant 112 : index
      %swap3A_2587 = tpu.vector_load %arg18[%swap3A_2584, %swap3A_2585, %swap3A_2586] {strides = array<i32>} : memref<2x5x128xf32, #tpu.memory_space<vmem>>, vector<16xf32>,
      tpu.vector_store %arg18[%swap3A_2584, %swap3A_2585, %swap3A_2586], %mul3A_2581 {strides = array<i32>} : memref<2x5x128xf32, #tpu.memory_space<vmem>>, vector<16xf32>,
      %mul3A_2588 = arith.mulf %exp3A_2567, %div3A_2580 : vector<16xf32>
      %swap3A_2589 = arith.constant 1 : i32
      %swap3A_2590 = arith.constant 1 : i32
      %swap3A_2591 = arith.index_cast %swap3A_2589 : i32 to index
      %swap3A_2592 = arith.index_cast %swap3A_2590 : i32 to index
      %swap3A_2593 = arith.constant 112 : index
      %swap3A_2594 = tpu.vector_load %arg18[%swap3A_2591, %swap3A_2592, %swap3A_2593] {strides = array<i32>} : memref<2x5x128xf32, #tpu.memory_space<vmem>>, vector<16xf32>,
      tpu.vector_store %arg18[%swap3A_2591, %swap3A_2592, %swap3A_2593], %mul3A_2588 {strides = array<i32>} : memref<2x5x128xf32, #tpu.memory_space<vmem>>, vector<16xf32>,
      %mul3A_2595 = arith.mulf %exp3A_2569, %div3A_2580 : vector<16xf32>
      %swap3A_2596 = arith.constant 1 : i32
      %swap3A_2597 = arith.constant 2 : i32
      %swap3A_2598 = arith.index_cast %swap3A_2596 : i32 to index
      %swap3A_2599 = arith.index_cast %swap3A_2597 : i32 to index
      %swap3A_2600 = arith.constant 112 : index
      %swap3A_2601 = tpu.vector_load %arg18[%swap3A_2598, %swap3A_2599, %swap3A_2600] {strides = array<i32>} : memref<2x5x128xf32, #tpu.memory_space<vmem>>, vector<16xf32>,
      tpu.vector_store %arg18[%swap3A_2598, %swap3A_2599, %swap3A_2600], %mul3A_2595 {strides = array<i32>} : memref<2x5x128xf32, #tpu.memory_space<vmem>>, vector<16xf32>,
      %mul3A_2602 = arith.mulf %exp3A_2571, %div3A_2580 : vector<16xf32>
      %swap3A_2603 = arith.constant 1 : i32
      %swap3A_2604 = arith.constant 3 : i32
      %swap3A_2605 = arith.index_cast %swap3A_2603 : i32 to index
      %swap3A_2606 = arith.index_cast %swap3A_2604 : i32 to index
      %swap3A_2607 = arith.constant 112 : index
      %swap3A_2608 = tpu.vector_load %arg18[%swap3A_2605, %swap3A_2606, %swap3A_2607] {strides = array<i32>} : memref<2x5x128xf32, #tpu.memory_space<vmem>>, vector<16xf32>,
      tpu.vector_store %arg18[%swap3A_2605, %swap3A_2606, %swap3A_2607], %mul3A_2602 {strides = array<i32>} : memref<2x5x128xf32, #tpu.memory_space<vmem>>, vector<16xf32>,
      %mul3A_2609 = arith.mulf %exp3A_2573, %div3A_2580 : vector<16xf32>
      %swap3A_2610 = arith.constant 1 : i32
      %swap3A_2611 = arith.constant 4 : i32
      %swap3A_2612 = arith.index_cast %swap3A_2610 : i32 to index
      %swap3A_2613 = arith.index_cast %swap3A_2611 : i32 to index
      %swap3A_2614 = arith.constant 112 : index
      %swap3A_2615 = tpu.vector_load %arg18[%swap3A_2612, %swap3A_2613, %swap3A_2614] {strides = array<i32>} : memref<2x5x128xf32, #tpu.memory_space<vmem>>, vector<16xf32>,
      tpu.vector_store %arg18[%swap3A_2612, %swap3A_2613, %swap3A_2614], %mul3A_2609 {strides = array<i32>} : memref<2x5x128xf32, #tpu.memory_space<vmem>>, vector<16xf32>,
      %mul3A_2616 = arith.constant 128 : i32
      %mul3A_2617 = arith.muli %add3A_1398, %mul3A_2616 : i32
      %add3A_2618 = arith.addi %mul3A_2, %mul3A_2617 : i32
      %dma_start3A_2619 = arith.constant 1 : i32
      %dma_start3A_2620 = arith.constant 1 : i32
      %dma_start3A_2621 = arith.constant 0 : i32
      %dma_start3A_2622 = arith.constant 0 : i32
      %dma_start3A_2623 = tpu.memref_slice %arg18[%dma_start3A_2619, %dma_start3A_2621, %dma_start3A_2622] : memref<2x5x128xf32, #tpu.memory_space<vmem>> -> memref<1x5x128xf32, #tpu.memory_space<vmem>>
      %dma_start3A_2624 = tpu.memref_squeeze %dma_start3A_2623 : memref<1x5x128xf32, #tpu.memory_space<vmem>> -> memref<5x128xf32, #tpu.memory_space<vmem>>
      %dma_start3A_2625 = arith.constant 0 : i32
      %dma_start3A_2626 = tpu.memref_slice %arg8[%dma_start3A_2625, %add3A_2618] : memref<5x262144xf32, #tpu.memory_space<hbm>> -> memref<5x128xf32, #tpu.memory_space<hbm>>
      %dma_start3A_2627 = tpu.memref_slice %arg21[%dma_start3A_2620] : memref<2x!tpu.dma_semaphore, #tpu.memory_space<semaphore_mem>> -> memref<1x!tpu.dma_semaphore, #tpu.memory_space<semaphore_mem>>
      %dma_start3A_2628 = tpu.memref_squeeze %dma_start3A_2627 : memref<1x!tpu.dma_semaphore, #tpu.memory_space<semaphore_mem>> -> memref<!tpu.dma_semaphore, #tpu.memory_space<semaphore_mem>>
      %dma_start3A_2629 = arith.constant 0 : i32
      %dma_start3A_2630 = tpu.memref_slice %arg8[%dma_start3A_2629, %add3A_2618] : memref<5x262144xf32, #tpu.memory_space<hbm>> -> memref<5x128xf32, #tpu.memory_space<hbm>>
      %dma_start3A_2631 = arith.constant 0 : i32
      %dma_start3A_2632 = arith.constant 0 : i32
      %dma_start3A_2633 = tpu.memref_slice %arg18[%dma_start3A_2619, %dma_start3A_2631, %dma_start3A_2632] : memref<2x5x128xf32, #tpu.memory_space<vmem>> -> memref<1x5x128xf32, #tpu.memory_space<vmem>>
      %dma_start3A_2634 = tpu.memref_squeeze %dma_start3A_2633 : memref<1x5x128xf32, #tpu.memory_space<vmem>> -> memref<5x128xf32, #tpu.memory_space<vmem>>
      tpu.enqueue_dma source(%dma_start3A_2634 : memref<5x128xf32, #tpu.memory_space<vmem>>) target(%dma_start3A_2630 : memref<5x128xf32, #tpu.memory_space<hbm>>) target_semaphore(%dma_start3A_2628 : memref<!tpu.dma_semaphore, #tpu.memory_space<semaphore_mem>>)
    }
    %scan3A_131 = arith.constant 32 : i32
    %dma_wait3A = arith.constant 0 : i32
    %dma_wait3A_132 = arith.constant 0 : i32
    %dma_wait3A_133 = arith.constant 0 : i32
    %dma_wait3A_134 = arith.constant 0 : i32
    %dma_wait3A_135 = tpu.memref_slice %arg18[%dma_wait3A, %dma_wait3A_133, %dma_wait3A_134] : memref<2x5x128xf32, #tpu.memory_space<vmem>> -> memref<1x5x128xf32, #tpu.memory_space<vmem>>
    %dma_wait3A_136 = tpu.memref_squeeze %dma_wait3A_135 : memref<1x5x128xf32, #tpu.memory_space<vmem>> -> memref<5x128xf32, #tpu.memory_space<vmem>>
    %dma_wait3A_137 = arith.constant 0 : i32
    %dma_wait3A_138 = tpu.memref_slice %arg8[%dma_wait3A_137, %mul3A_2] : memref<5x262144xf32, #tpu.memory_space<hbm>> -> memref<5x128xf32, #tpu.memory_space<hbm>>
    %dma_wait3A_139 = tpu.memref_slice %arg21[%dma_wait3A_132] : memref<2x!tpu.dma_semaphore, #tpu.memory_space<semaphore_mem>> -> memref<1x!tpu.dma_semaphore, #tpu.memory_space<semaphore_mem>>
    %dma_wait3A_140 = tpu.memref_squeeze %dma_wait3A_139 : memref<1x!tpu.dma_semaphore, #tpu.memory_space<semaphore_mem>> -> memref<!tpu.dma_semaphore, #tpu.memory_space<semaphore_mem>>
    %dma_wait3A_141 = arith.constant 0 : i32
    %dma_wait3A_142 = tpu.memref_slice %arg8[%dma_wait3A_141, %mul3A_2] : memref<5x262144xf32, #tpu.memory_space<hbm>> -> memref<5x128xf32, #tpu.memory_space<hbm>>
    %dma_wait3A_143 = arith.constant 0 : i32
    %dma_wait3A_144 = arith.constant 0 : i32
    %dma_wait3A_145 = tpu.memref_slice %arg18[%dma_wait3A, %dma_wait3A_143, %dma_wait3A_144] : memref<2x5x128xf32, #tpu.memory_space<vmem>> -> memref<1x5x128xf32, #tpu.memory_space<vmem>>
    %dma_wait3A_146 = tpu.memref_squeeze %dma_wait3A_145 : memref<1x5x128xf32, #tpu.memory_space<vmem>> -> memref<5x128xf32, #tpu.memory_space<vmem>>
    tpu.wait_dma2 semaphore(%dma_wait3A_140 : memref<!tpu.dma_semaphore, #tpu.memory_space<semaphore_mem>>) src(%dma_wait3A_146 : memref<5x128xf32, #tpu.memory_space<vmem>>) dst(%dma_wait3A_142 : memref<5x128xf32, #tpu.memory_space<hbm>>)
    %dma_wait3A_147 = arith.constant 1 : i32
    %dma_wait3A_148 = arith.constant 1 : i32
    %dma_wait3A_149 = arith.constant 0 : i32
    %dma_wait3A_150 = arith.constant 0 : i32
    %dma_wait3A_151 = tpu.memref_slice %arg18[%dma_wait3A_147, %dma_wait3A_149, %dma_wait3A_150] : memref<2x5x128xf32, #tpu.memory_space<vmem>> -> memref<1x5x128xf32, #tpu.memory_space<vmem>>
    %dma_wait3A_152 = tpu.memref_squeeze %dma_wait3A_151 : memref<1x5x128xf32, #tpu.memory_space<vmem>> -> memref<5x128xf32, #tpu.memory_space<vmem>>
    %dma_wait3A_153 = arith.constant 0 : i32
    %dma_wait3A_154 = tpu.memref_slice %arg8[%dma_wait3A_153, %mul3A_2] : memref<5x262144xf32, #tpu.memory_space<hbm>> -> memref<5x128xf32, #tpu.memory_space<hbm>>
    %dma_wait3A_155 = tpu.memref_slice %arg21[%dma_wait3A_148] : memref<2x!tpu.dma_semaphore, #tpu.memory_space<semaphore_mem>> -> memref<1x!tpu.dma_semaphore, #tpu.memory_space<semaphore_mem>>
    %dma_wait3A_156 = tpu.memref_squeeze %dma_wait3A_155 : memref<1x!tpu.dma_semaphore, #tpu.memory_space<semaphore_mem>> -> memref<!tpu.dma_semaphore, #tpu.memory_space<semaphore_mem>>
    %dma_wait3A_157 = arith.constant 0 : i32
    %dma_wait3A_158 = tpu.memref_slice %arg8[%dma_wait3A_157, %mul3A_2] : memref<5x262144xf32, #tpu.memory_space<hbm>> -> memref<5x128xf32, #tpu.memory_space<hbm>>
    %dma_wait3A_159 = arith.constant 0 : i32
    %dma_wait3A_160 = arith.constant 0 : i32
    %dma_wait3A_161 = tpu.memref_slice %arg18[%dma_wait3A_147, %dma_wait3A_159, %dma_wait3A_160] : memref<2x5x128xf32, #tpu.memory_space<vmem>> -> memref<1x5x128xf32, #tpu.memory_space<vmem>>
    %dma_wait3A_162 = tpu.memref_squeeze %dma_wait3A_161 : memref<1x5x128xf32, #tpu.memory_space<vmem>> -> memref<5x128xf32, #tpu.memory_space<vmem>>
    tpu.wait_dma2 semaphore(%dma_wait3A_156 : memref<!tpu.dma_semaphore, #tpu.memory_space<semaphore_mem>>) src(%dma_wait3A_162 : memref<5x128xf32, #tpu.memory_space<vmem>>) dst(%dma_wait3A_158 : memref<5x128xf32, #tpu.memory_space<hbm>>)
    return
  }
}

</mosaic_0001>

<sc_bundles>
// kernel: kernel.3.cloned.1.call-start
scs
__scs_entry_jumppad:
0x0: {  	(pc) =	sbr.rel $0x88, $3  }
0x1: {  	(tag) =	ssettag $0x0;
	lr =	simm.s32 $0x1  }
0x2: {  	[smem:$0x3F9B] =	sst lr;
	_ =	strace $0xD0000000  }
0x3: {  	_ = 	snop  }
0x4: {  	_ = 	snop  }
0x5: {  	_ = 	snop  }
0x6: {  	_ = 	snop  }
0x7: {  	_ = 	snop  }
__scs_overlays_trampoline_lowered:
0x8: {  	[smem:$0x3FAA] =	sst s0  }
0x9: {  	[smem:$0x3FAB] =	sst s1  }
0xa: {  	[smem:$0x3FAC] =	sst s2  }
0xb: {  	[smem:$0x3FAD] =	sst s3  }
0xc: {  	[smem:$0x3FAE] =	sst s4  }
0xd: {  	[smem:$0x3FAF] =	sst s5  }
0xe: {  	[smem:$0x3FB0] =	sst s6  }
0xf: {  	[smem:$0x3FB1] =	sst s7  }
0x10: {  	[smem:$0x3FB2] =	sst s8  }
0x11: {  	[smem:$0x3FB3] =	sst s9;
	s0 =	simm.s32 @!p0 $0x0  }
0x12: {  	s1 =	sld [smem:$0x3F99];
	s0 =	simm.s32 @p0 $0x1  }
0x13: {  	[smem:$0x3FB4] =	sst s0;
	s0 =	simm.s32 @!p1 $0x0  }
0x14: {  	s2 =	sld [smem:$0x3F98];
	s0 =	simm.s32 @p1 $0x1  }
0x15: {  	[smem:$0x3FB5] =	sst s0;
	s0 =	simm.s32 @!p2 $0x0  }
0x16: {  	s3 =	sld [smem:$0x3FDB];
	s0 =	simm.s32 @p2 $0x1  }
0x17: {  	s4 =	simm.s32 $0x1BF5;
	[smem:$0x3FB7] =	sst s0  }
0x18: {  	s0 =	sld [smem:$0x3F9A];
	_ =	swait.ge [sflag:s4], $0x0  }
0x19: {  	s7 =	sld [smem:$0x3F9B]  }
0x1a: {  	s8 =	sadd.s32 $0xFFFFE003, lr  }
0x1b: {  	s9 =	sadd.s32 $0xFFFFFEF7, lr;
	s5 =	simm.s32 $0xFFFFFFFF;
	p2 =	slt.u32 s8, $0xFFFFF086  }
0x1c: {  	p1 =	slt.u32 s9, $0xF7A;
	s5 =	simm.s32 @!p2 $0x0  }
0x1d: {  	s5 =	simm.s32 @p1 $0x1;
	p0 =	seq.s32 s7, s2  }
0x1e: {  	s7 =	smul.u32 @!p0 $0xF7A, s2;
	p2 =	seq.s32 @!p0 s5, $0x0  }
0x1f: {  	s9 =	smul.u32 $0xF7A, s1;
	s8 =	simm.s32 @!p0 $0x1BF5;
	p2 =	por !p2, p0  }
0x20: {  	[sflag:s8] =	ssyncset.s32 @!p0 $0xFFFFF086;
	s6 =	sadd.s32 @!p0 s3, s7;
	s7 =	simm.s32 @!p0 $0x108  }
0x21: {  	s3 =	sadd.s32 s3, s9;
	s6 =	sadd.s32 @!p0 $0x88, s6;
	s7 =	simm.s32 @p2 $0x1082  }
0x22: {  	[simem:s7], [sflag:s8] =	dma.local @!p0 [hbm:s6], $0xF7A  }
0x23: {  	s9 =	sor.u32 $0xD0000000, s2;
	s6 =	simm.s32 $0x108;
	_ =	swait.ge @!p0 [sflag:s8], $0x0  }
0x24: {  	s3 =	sadd.s32 $0x88, s3;
	s6 =	simm.s32 @!p1 $0x1082;
	[sflag:s4] =	ssyncset.s32 $0xFFFFF086  }
0x25: {  	[simem:s6], [sflag:s4] =	dma.local [hbm:s3], $0xF7A  }
0x26: {  	[smem:$0x3F9B] =	sst s1;
	(tag) =	ssettag s2;
	_ =	strace s9  }
0x27: {  	s1 =	sld [smem:$0x3FAB]  }
0x28: {  	s2 =	sld [smem:$0x3FAC]  }
0x29: {  	s4 =	sld [smem:$0x3FAE]  }
0x2a: {  	p0 =	seq.s32 s5, $0x0;
	s5 =	sld [smem:$0x3FAF]  }
0x2b: {  	s6 =	sld [smem:$0x3FB0]  }
0x2c: {  	s7 =	sld [smem:$0x3FB1]  }
0x2d: {  	s3 =	simm.s32 $0x108;
	s8 =	sld [smem:$0x3FB2]  }
0x2e: {  	s3 =	simm.s32 @!p0 $0x1082;
	s9 =	sld [smem:$0x3FB3]  }
0x2f: {  	lr =	sadd.s32 s0, s3;
	s0 =	sld [smem:$0x3FAA]  }
0x30: {  	s3 =	sld [smem:$0x3FAD]  }
0x31: {  	[smem:$0x3FB6] =	sst s10  }
0x32: {  	s10 =	sld [smem:$0x3FB4];
	_ =	sdelay $0x3  }
0x33: {  	p0 =	seq.s32 s10, $0x1;
	s10 =	sld [smem:$0x3FB6];
	_ =	sdelay $0x3  }
0x34: {  	[smem:$0x3FB6] =	sst s10  }
0x35: {  	s10 =	sld [smem:$0x3FB5];
	_ =	sdelay $0x3  }
0x36: {  	p1 =	seq.s32 s10, $0x1;
	s10 =	sld [smem:$0x3FB6];
	_ =	sdelay $0x3  }
0x37: {  	[smem:$0x3FB6] =	sst s10  }
0x38: {  	s10 =	sld [smem:$0x3FB7]  }
0x39: {  	_ = 	snop;
	(pc) =	sbr.ind lr, $3  }
0x3a: {  	_ = 	snop  }
0x3b: {  	_ = 	snop  }
0x3c: {  	p2 =	seq.s32 s10, $0x1;
	s10 =	sld [smem:$0x3FB6]  }
0x3d: {  	_ =	shalt  }
0x3e: {  	_ =	shalt  }
0x3f: {  	_ =	shalt  }
0x40: {  	_ =	shalt  }
0x41: {  	_ =	shalt  }
0x42: {  	_ =	shalt  }
0x43: {  	_ =	shalt  }
0x44: {  	_ =	shalt  }
0x45: {  	_ =	shalt  }
0x46: {  	_ =	shalt  }
0x47: {  	_ =	shalt  }
0x48: {  	_ =	shalt  }
0x49: {  	_ =	shalt  }
0x4a: {  	_ =	shalt  }
0x4b: {  	_ =	shalt  }
0x4c: {  	_ =	shalt  }
0x4d: {  	_ =	shalt  }
0x4e: {  	_ =	shalt  }
0x4f: {  	_ =	shalt  }
0x50: {  	_ =	shalt  }
0x51: {  	_ =	shalt  }
0x52: {  	_ =	shalt  }
0x53: {  	_ =	shalt  }
0x54: {  	_ =	shalt  }
0x55: {  	_ =	shalt  }
0x56: {  	_ =	shalt  }
0x57: {  	_ =	shalt  }
0x58: {  	_ =	shalt  }
0x59: {  	_ =	shalt  }
0x5a: {  	_ =	shalt  }
0x5b: {  	_ =	shalt  }
0x5c: {  	_ =	shalt  }
0x5d: {  	_ =	shalt  }
0x5e: {  	_ =	shalt  }
0x5f: {  	_ =	shalt  }
0x60: {  	_ =	shalt  }
0x61: {  	_ =	shalt  }
0x62: {  	_ =	shalt  }
0x63: {  	_ =	shalt  }
0x64: {  	_ =	shalt  }
0x65: {  	_ =	shalt  }
0x66: {  	_ =	shalt  }
0x67: {  	_ =	shalt  }
0x68: {  	_ =	shalt  }
0x69: {  	_ =	shalt  }
0x6a: {  	_ =	shalt  }
0x6b: {  	_ =	shalt  }
0x6c: {  	_ =	shalt  }
0x6d: {  	_ =	shalt  }
0x6e: {  	_ =	shalt  }
0x6f: {  	_ =	shalt  }
0x70: {  	_ =	shalt  }
0x71: {  	_ =	shalt  }
0x72: {  	_ =	shalt  }
0x73: {  	_ =	shalt  }
0x74: {  	_ =	shalt  }
0x75: {  	_ =	shalt  }
0x76: {  	_ =	shalt  }
0x77: {  	_ =	shalt  }
0x78: {  	_ =	shalt  }
0x79: {  	_ =	shalt  }
0x7a: {  	_ =	shalt  }
0x7b: {  	_ =	shalt  }
0x7c: {  	_ =	shalt  }
0x7d: {  	_ =	shalt  }
0x7e: {  	_ =	shalt  }
0x7f: {  	_ =	shalt  }
0x80: {  	_ =	shalt  }
0x81: {  	_ =	shalt  }
0x82: {  	_ =	shalt  }
0x83: {  	_ =	shalt  }
0x84: {  	_ =	shalt  }
0x85: {  	_ =	shalt  }
0x86: {  	_ =	shalt  }
0x87: {  	_ =	shalt  }
.Lfunc_end0:
.L_simem_size_0:
called_computation_lowered:
.L_overlay_start_0:
0x88: {  	s2 =	sld [smem:$0x3FD9]  }
0x89: {  	s3 =	sld [smem:$0x3FFE];
	_ =	sdelay $0x1  }
0x8a: {  	s1 =	srdreg.scid  }
0x8b: {  	s0 =	sand.u32 $0x1, s1  }
0x8c: {  	s17 =	sshll.u32 s0, $0xA;
	s2 =	sadd.s32 s3, s2  }
0x8d: {  	s2 =	sadd.s32 s2, s17  }
0x8e: {  	[smem:$0x3FC2] =	sst s2  }
0x8f: {  	_ = 	snop  }
0x90: {  	s2 =	sld [smem:$0x3FC7]  }
0x91: {  	s18 =	sld [smem:$0x3FC6]  }
0x92: {  	s4 =	sld [smem:$0x3FD0];
	(tm) =	ssettm $0x1  }
0x93: {  	s5 =	sld [smem:$0x3FFB];
	_ =	sdelay $0x3  }
0x94: {  	_ =	strace s5  }
0x95: {  	s5 =	sld [smem:$0x3FFC];
	_ =	sdelay $0x3  }
0x96: {  	_ =	strace s5  }
0x97: {  	s5 =	sld [smem:$0x3FFD];
	_ =	sdelay $0x3  }
0x98: {  	_ =	strace s5  }
0x99: {  	_ =	strace $0x8FFFFFFF  }
0x9a: {  	s19 =	sld [smem:$0x3FDB];
	_ =	sdelay $0x1  }
0x9b: {  	s6 =	simm.s32 $_scs_section_size  }
0x9c: {  	s7 =	simm.s32 $_size__tile_overlayer_lowered;
	s8 =	simm.s32 $_tile_overlayer_lowered  }
0x9d: {  	s22 =	simm.s32 $0x1BFF;
	s21 =	sshll.u32 s8, $0x1;
	s5 =	sadd.s32 s6, s19  }
0x9e: {  	s9 =	simm.s32 $0x0;
	s20 =	sshll.u32 s7, $0x1;
	s7 =	sadd.s32 s21, s5  }
0x9f: {  	[timem:s9], [sflag:s22] =	dma.local [hbm:s7], s20  }
0xa0: {  	_ =	swait.ge [sflag:s22], s20  }
0xa1: {  	s6 =	ssub.s32 $0x0, s20;
	[sflag:s22] =	ssyncset.done $0x0  }
0xa2: {  	[sflag:s22] =	ssyncadd.s32 s6;
	_ =	sdelay $0x1  }
0xa3: {  	s23 =	simm.s32 $0x1B8B  }
0xa4: {  	_ =	swait.ge [sflag:s23], $0x1  }
0xa5: {  	[sflag:s23] =	ssyncset.done $0x0  }
0xa6: {  	s25 =	simm.s32 $0x1B8E;
	s24 =	sld [smem:$0x3FFE];
	[sflag:s23] =	ssyncadd.s32 $0xFFFFFFFF  }
0xa7: {  	s26 =	simm.s32 $execute0_lowered;
	[smem:$0x3FD2] =	sst s25  }
0xa8: {  	s7 =	sshll.u32 s26, $0x1;
	_ =	strace $0x80000046;
	[dreg:$0x1] =	wrdreg $0xFFFFFFFF  }
0xa9: {  	s28 =	simm.s32 $_size_execute0_lowered;
	s5 =	sadd.s32 s5, s7;
	[dreg:$0x0] =	wrdreg $0x0  }
0xaa: {  	s7 =	sshll.u32 s28, $0x1;
	[dreg:$0x2] =	wrdreg s5  }
0xab: {  	[dreg:$0x3] =	wrdreg s7  }
0xac: {  	[dreg:$0x4] =	wrdreg $0xC0  }
0xad: {  	_ =	task [dreg:s9], $0x5FFFF  }
0xae: {  	[dreg:$0x1] =	wrdreg $0xFFFFFFFF  }
0xaf: {  	[dreg:$0x0] =	wrdreg $0x60  }
0xb0: {  	[dreg:$0x2] =	wrdreg s24  }
0xb1: {  	[dreg:$0x3] =	wrdreg s2  }
0xb2: {  	[dreg:$0x4] =	wrdreg s18  }
0xb3: {  	[dreg:$0x5] =	wrdreg s4  }
0xb4: {  	[dreg:$0x6] =	wrdreg $0x9  }
0xb5: {  	_ =	task.clear_ibuf [dreg:s9], $0x7FFFF;
	_ =	strace $0x90000046  }
0xb6: {  	s29 =	simm.s32 $0x9;
	_ =	strace $0x80000048  }
0xb7: {  	_ =	swait.ge [sflag:s29], $0x1  }
0xb8: {  	[sflag:s29] =	ssyncadd.s32 $0xFFFFFFFF  }
0xb9: {  	_ =	strace $0x90000048  }
0xba: {  	_ =	sfence  }
0xbb: {  	s30 =	sld [smem:$0x0];
	_ =	sdelay $0x2  }
0xbc: {  	s31 =	sshll.u32 s1, $0xD;
	s1 =	sshrl.u32 s1, $0x2  }
0xbd: {  	s3 =	sand.u32 $0x4000, s31;
	s1 =	sadd.s32 s1, s30  }
0xbe: {  	s0 =	sor.u32 s3, s0;
	s1 =	sshll.u32 s1, $0x11  }
0xbf: {  	s0 =	sor.u32 s1, s0  }
0xc0: {  	s0 =	sadd.s32 $0x8F2B, s0  }
0xc1: {  	[sflag:s0] =	ssyncadd.remote.s32 $0x1  }
0xc2: {  	_ =	sfence.sel $0xFFFF  }
0xc3: {  	[dreg:$0x0] =	wrdreg $0xFFFFFFFF;
	(pc) =	sbr.abs _section_cstart, $3  }
0xc4: {  	[dreg:$0x1] =	wrdreg $0xFFFFFFFF  }
0xc5: {  	_ =	task.clear_ibuf [dreg:s9], $0x2FFFF;
	_ =	strace $0x9FFFFFFF  }
0xc6: {  	(tm) =	ssettm $0x7FFFFFFF  }
0xc7: {  	_ =	shalt  }
tec
execute0_lowered:
.L_overlay_start_1:
0x0: {  	(tag) =	ssettag $0x1  }
0x1: {  	s0 =	rddreg [dreg:$0x0]  }
0x2: {  	s1 =	rddreg [dreg:$0x1]  }
0x3: {  	s2 =	rddreg [dreg:$0x2];
	s3 =	simm.s32 $0x0  }
0x4: {  	s24 =	srdreg.scid;
	s5 =	stileid.u32;
	s16 =	simm.s32 $0x80  }
0x5: {  	s21 =	simm.s32 $0x1;
	s22 =	simm.s32 $0x3;
	s23 =	simm.s32 $0xC0D0  }
0x6: {  	s29 =	simm.s32 $0x2;
	s30 =	simm.s32 $0x4;
	[smem:$0x7FF] =	sst s3  }
0x7: {  	s3 =	sand.u32 $0x1, s24;
	s4 =	sadd.s32 $0x24C400, s0;
	s6 =	sshll.u32 s5, $0xE  }
0x8: {  	s5 =	sadd.s32 $0x188E00, s0;
	s25 =	sadd.s32 $0x2400, s0;
	s7 =	sshll.u32 s3, $0xD  }
0x9: {  	s8 =	sadd.s32 $0x2600, s0;
	s24 =	simm.s32 $0xC150;
	s6 =	sor.u32 s7, s6  }
0xa: {  	_ =	strace $0x80000047;
	s3 =	ssub.s32 $0x2, s3;
	s9 =	sshrl.u32 s6, $0x3  }
0xb: {  	[dreg:$0x5] =	wrdreg s25;
	s26 =	sshrl.u32 s3, $0x1;
	s1 =	sadd.s32 s1, s9  }
0xc: {  	s28 =	ssub.s32 s3, s26;
	s31 =	sadd.s32 s2, s9;
	[dreg:$0x6] =	wrdreg s1  }
0xd: {  	v0 =	vimm.s32 $0x0;
	vm0 =	vcmask $0x300;
	s25 =	simm.s32 $0xC1D0;
	s0 =	smax.u32 s28, $0x1;
	[dreg:$0x7] =	wrdreg s31  }
0xe: {  	v8 =	vsel vm0, $0x3, v0;
	vm0 =	vcmask $0x3F3C;
	s26 =	simm.s32 $0x40000;
	s2 =	simm.s32 $0x0;
	[dreg:$0x8] =	wrdreg s0  }
.LBB2_1:
0xf: {  	[dreg:$0x9] =	wrdreg s2  }
0x10: {  	s1 =	simm.s32 $0x0;
	s0 =	rddreg [dreg:$0x6];
	s15 =	simm.s32 $0x7  }
0x11: {  	[tilespmem:s1], [sflag:$0x7] =	stream.linear.gather [hbm4b:s0+s1], $0x2000, $0x38;
	[tilespmem:$0xC750] =	vst v63  }
0x12: {  	_ =	swait.ge [sflag:s15], $0x2000  }
0x13: {  	[sflag:s15] =	ssyncset.done $0x0  }
0x14: {  	s3 =	simm.s32 $0x2000;
	s17 =	rddreg [dreg:$0x7];
	[sflag:s15] =	ssyncadd.s32 $0xFFFFE000  }
0x15: {  	[tilespmem:s3], [sflag:$0x7] =	stream.linear.gather [hbm4b:s17+s1], $0x2000, $0x38;
	[tilespmem:$0xC750] =	vst v63  }
0x16: {  	_ =	swait.ge [sflag:s15], $0x2000  }
0x17: {  	[sflag:s15] =	ssyncset.done $0x0  }
0x18: {  	[sflag:s15] =	ssyncadd.s32 $0xFFFFE000  }
0x19: {  	s7 =	simm.s32 $0xC000;
	s18 =	rddreg [dreg:$0x3]  }
0x1a: {  	[tilespmem:s7], [sflag:$0x7] =	stream.linear.gather [hbm4b:s18+s1], $0xC0, $0x38;
	[tilespmem:$0xC750] =	vst v63  }
0x1b: {  	_ =	swait.ge [sflag:s15], $0xC0  }
0x1c: {  	[sflag:s15] =	ssyncset.done $0x0  }
0x1d: {  	s20 =	simm.s32 $0xC0C0;
	s19 =	rddreg [dreg:$0x5];
	[sflag:s15] =	ssyncadd.s32 $0xFFFFFF40  }
0x1e: {  	[tilespmem:s20], [sflag:$0x7] =	stream.linear.gather [hbm4b:s19+s1], $0x10, $0x38;
	[tilespmem:$0xC750] =	vst v63  }
0x1f: {  	_ =	swait.ge [sflag:s15], $0x10  }
0x20: {  	[sflag:s15] =	ssyncset.done $0x0  }
0x21: {  	[sflag:s15] =	ssyncadd.s32 $0xFFFFFFF0  }
0x22: {  	v1 =	vld [tilespmem:$0xC0C0];
	_ =	sdelay $0x4  }
0x23: {  	(v2sf) =	vpush v1, $0x0  }
0x24: {  	(v2sf) =	vpush v1, $0x1  }
0x25: {  	(v2sf) =	vpush v1, $0x2  }
0x26: {  	v0 =	vld [tilespmem:$0xC000]  }
0x27: {  	v53 =	vld [tilespmem:$0xC010];
	(v2sf) =	vpush v1, $0x3  }
0x28: {  	v54 =	vld [tilespmem:$0xC020];
	(v2sf) =	vpush v1, $0x4  }
0x29: {  	v55 =	vld [tilespmem:$0xC030];
	(v2sf) =	vpush v1, $0x5  }
0x2a: {  	v56 =	vld [tilespmem:$0xC040];
	(v2sf) =	vpush v1, $0x6  }
0x2b: {  	v57 =	vld [tilespmem:$0xC050];
	(v2sf) =	vpush v1, $0x7  }
0x2c: {  	v58 =	vld [tilespmem:$0xC060];
	(v2sf) =	vpush v1, $0x8  }
0x2d: {  	v59 =	vld [tilespmem:$0xC070];
	(v2sf) =	vpush v1, $0x9  }
0x2e: {  	v60 =	vld [tilespmem:$0xC080];
	(v2sf) =	vpush v1, $0xA  }
0x2f: {  	v61 =	vld [tilespmem:$0xC090];
	(v2sf) =	vpush v1, $0xB  }
0x30: {  	s19 =	simm.s32 $0x4000;
	v62 =	vld [tilespmem:$0xC0A0];
	(v2sf) =	vpush v1, $0xC  }
0x31: {  	v63 =	vld [tilespmem:$0xC0B0];
	[tilespmem:s19], [sflag:$0x1] =	stream.indirect.gather [hbm4b:s4+s16], $0x40, s1, s16, $0xb8;
	(v2sf) =	vpush v1, $0xD  }
0x32: {  	s28 =	spop (v2sf);
	(v2sf) =	vpush v1, $0xE  }
0x33: {  	[smem:$0x0] =	sst s28;
	s31 =	spop (v2sf)  }
0x34: {  	s28 =	simm.s32 $0x8000;
	[smem:$0x1] =	sst s31;
	s2 =	spop (v2sf)  }
0x35: {  	[tilespmem:s28], [sflag:$0x3] =	stream.indirect.gather [hbm4b:s5+s16], $0x40, s3, s16, $0xb8;
	[tilespmem:$0xC750] =	vst v63  }
0x36: {  	[smem:$0x2] =	sst s2;
	s7 =	spop (v2sf)  }
0x37: {  	[tilespmem:$0x1FF40] =	vst v0;
	[smem:$0x3] =	sst s7;
	s9 =	spop (v2sf)  }
0x38: {  	[tilespmem:$0x1FF50] =	vst v53;
	[smem:$0x4] =	sst s9;
	s10 =	spop (v2sf)  }
0x39: {  	[tilespmem:$0x1FF60] =	vst v54;
	[smem:$0x5] =	sst s10;
	s11 =	spop (v2sf)  }
0x3a: {  	[tilespmem:$0x1FF70] =	vst v55;
	[smem:$0x6] =	sst s11;
	s12 =	spop (v2sf)  }
0x3b: {  	[tilespmem:$0x1FF80] =	vst v56;
	[smem:$0x7] =	sst s12;
	s13 =	spop (v2sf)  }
0x3c: {  	[tilespmem:$0x1FF90] =	vst v57;
	[smem:$0x8] =	sst s13;
	s14 =	spop (v2sf)  }
0x3d: {  	[tilespmem:$0x1FFA0] =	vst v58;
	[smem:$0x9] =	sst s14;
	s15 =	spop (v2sf)  }
0x3e: {  	[tilespmem:$0x1FFB0] =	vst v59;
	[smem:$0xA] =	sst s15;
	s17 =	spop (v2sf)  }
0x3f: {  	[tilespmem:$0x1FFC0] =	vst v60;
	[smem:$0xB] =	sst s17;
	s18 =	spop (v2sf)  }
0x40: {  	[tilespmem:$0x1FFD0] =	vst v61;
	[smem:$0xC] =	sst s18;
	s20 =	spop (v2sf)  }
0x41: {  	[tilespmem:$0x1FFE0] =	vst v62;
	[smem:$0xD] =	sst s20;
	s31 =	spop (v2sf)  }
0x42: {  	[tilespmem:$0x1FFF0] =	vst v63;
	s14 =	simm.s32 $0x0;
	[smem:$0xE] =	sst s31  }
.LBB2_2:
0x43: {  	s17 =	sshll.u32 s14, $0x8  }
0x44: {  	s0 =	simm.s32 $0x6000;
	s15 =	sor.u32 $0x80, s17  }
0x45: {  	[tilespmem:s0], [sflag:$0x2] =	stream.indirect.gather [hbm4b:s4+s16], $0x40, s15, s16, $0xb8;
	[tilespmem:$0xC750] =	vst v63  }
0x46: {  	s1 =	simm.s32 $0xA000;
	s2 =	sadd.s32 $0x2080, s17  }
0x47: {  	[tilespmem:s1], [sflag:$0x4] =	stream.indirect.gather [hbm4b:s5+s16], $0x40, s2, s16, $0xb8;
	[tilespmem:$0xC750] =	vst v63  }
0x48: {  	_ =	swait.ge [sflag:s21], $0x2000  }
0x49: {  	[sflag:s21] =	ssyncset.done $0x0  }
0x4a: {  	[sflag:s21] =	ssyncadd.s32 $0xFFFFE000  }
0x4b: {  	_ =	swait.ge [sflag:s22], $0x2000  }
0x4c: {  	p0 =	seq.s32 s14, $0x0;
	[sflag:s22] =	ssyncset.done $0x0  }
0x4d: {  	s0 =	simm.s32 @!p0 $0x5;
	[sflag:s22] =	ssyncadd.s32 $0xFFFFE000  }
0x4e: {  	_ =	swait.ge @!p0 [sflag:s0], $0x280  }
0x4f: {  	v0 =	vld [tilespmem:$0x1FF40]  }
0x50: {  	v1 =	vld [tilespmem:$0x1FF50]  }
0x51: {  	v2 =	vld [tilespmem:$0x1FF60]  }
0x52: {  	v4 =	vld [tilespmem:$0x1FF80]  }
0x53: {  	v5 =	vld [tilespmem:$0x1FF90]  }
0x54: {  	[sflag:s0] =	ssyncset.done @!p0 $0x0;
	v3 =	vld [tilespmem:$0x1FF70]  }
0x55: {  	s3 =	simm.s32 $0x4100;
	v6 =	vld [tilespmem:$0x1FFA0];
	[sflag:s0] =	ssyncadd.s32 @!p0 $0xFFFFFD80  }
0x56: {  	v14 =	vld [tilespmem:s3+$0xE0]  }
0x57: {  	s7 =	simm.s32 $0x8100;
	v13 =	vld [tilespmem:s3+$0xC0]  }
0x58: {  	v15 =	vld [tilespmem:s7+$0xC0]  }
0x59: {  	v16 =	vld [tilespmem:s3+$0xD0]  }
0x5a: {  	v17 =	vld [tilespmem:s7+$0xD0]  }
0x5b: {  	v18 =	vld [tilespmem:s7+$0xE0]  }
0x5c: {  	v19 =	vld [tilespmem:s7+$0xFFFFFF00]  }
0x5d: {  	v20 =	vld [tilespmem:s3+$0xF0]  }
0x5e: {  	v21 =	vld [tilespmem:s7+$0xF0]  }
0x5f: {  	v23 =	vld [tilespmem:s3+$0xFFFFFF10]  }
0x60: {  	v24 =	vld [tilespmem:s7+$0xFFFFFF10]  }
0x61: {  	v26 =	vld [tilespmem:s3+$0xFFFFFF50]  }
0x62: {  	v27 =	vld [tilespmem:s7+$0xFFFFFF50]  }
0x63: {  	s2 =	simm.s32 $0x0;
	v30 =	vld [tilespmem:s3+$0xFFFFFF80]  }
0x64: {  	v22 =	vmov s2;
	v31 =	vld [tilespmem:s7+$0xFFFFFF80]  }
0x65: {  	v22 =	vshrl.u32 v22, $0x3;
	v52 =	vld [tilespmem:s3+$0xFFFFFF00]  }
0x66: {  	v22 =	vshll.u32 v22, v8;
	v9 =	vld [tilespmem:$0x1FFC0];
	v15 =	vmul.f32 v15, v13;
	v16 =	vmul.f32 v17, v16  }
0x67: {  	v10 =	vld [tilespmem:$0x1FFD0];
	v13 =	vbroadcast v22, $0x0;
	v14 =	vmul.f32 v18, v14  }
0x68: {  	v7 =	vld [tilespmem:$0x1FFB0];
	v20 =	vmul.f32 v21, v20;
	v23 =	vmul.f32 v24, v23  }
0x69: {  	v11 =	vld [tilespmem:$0x1FFE0];
	v26 =	vmul.f32 v27, v26;
	v30 =	vmul.f32 v31, v30  }
0x6a: {  	v12 =	vld [tilespmem:$0x1FFF0];
	v19 =	vmul.f32 v19, v52;
	v22 =	vmul.f32 v15, v0  }
0x6b: {  	v35 =	vld [tilespmem:s7+$0xFFFFFFC0];
	v25 =	vmul.f32 v16, v1;
	v21 =	vmul.f32 v14, v2  }
0x6c: {  	v41 =	vld [tilespmem:s3+$0x10];
	v28 =	vmul.f32 v15, v4;
	v29 =	vmul.f32 v16, v5  }
0x6d: {  	v56 =	vld [tilespmem:s7+$0x10];
	v24 =	vmul.f32 v20, v3;
	v32 =	vmul.f32 v14, v6  }
0x6e: {  	v17 =	vld [tilespmem:s3+$0xFFFFFF40];
	v34 =	vmul.f32 v15, v9;
	v14 =	vmul.f32 v14, v11  }
0x6f: {  	v18 =	vld [tilespmem:s7+$0xFFFFFF40];
	v36 =	vmul.f32 v26, v1;
	v38 =	vmul.f32 v26, v5  }
0x70: {  	s10 =	simm.s32 $0x7;
	v27 =	vld [tilespmem:s3+$0xFFFFFFC0];
	v26 =	vmul.f32 v26, v10;
	v57 =	vmul.f32 v30, v0  }
0x71: {  	v39 =	vmov s10;
	v50 =	vmul.f32 v19, v0;
	v51 =	vmul.f32 v19, v4  }
0x72: {  	v19 =	vmul.f32 v19, v9;
	v15 =	vadd.f32 v25, v22;
	v22 =	vmul.f32 v16, v10  }
0x73: {  	s9 =	simm.s32 $0x1;
	v33 =	vld [tilespmem:s3+$0xFFFFFF90];
	v25 =	vmul.f32 v20, v7;
	v28 =	vadd.f32 v29, v28;
	v29 =	vmul.f32 v23, v5  }
0x74: {  	v37 =	vld [tilespmem:s3+$0x0];
	v16 =	vmov s9;
	v20 =	vmul.f32 v20, v12;
	v17 =	vmul.f32 v18, v17  }
0x75: {  	v43 =	vld [tilespmem:s3+$0x40];
	v27 =	vmul.f32 v35, v27;
	v35 =	vmul.f32 v56, v41;
	v16 =	vshrl.u32 v16, $0x3  }
0x76: {  	v44 =	vld [tilespmem:s7+$0x40];
	v15 =	vadd.f32 v21, v15;
	v21 =	vmul.f32 v23, v1;
	v23 =	vmul.f32 v23, v10  }
0x77: {  	v18 =	vld [tilespmem:s7+$0xFFFFFF90];
	v28 =	vadd.f32 v32, v28;
	v22 =	vadd.f32 v22, v34;
	v54 =	vmul.f32 v17, v0  }
0x78: {  	v31 =	vld [tilespmem:s3+$0xFFFFFFD0];
	v55 =	vmul.f32 v17, v4;
	v40 =	vmul.f32 v17, v9;
	v17 =	vshrl.u32 v39, $0x3  }
0x79: {  	v41 =	vld [tilespmem:s7+$0xFFFFFF60];
	v61 =	vmul.f32 v27, v4;
	v48 =	vmul.f32 v35, v5;
	v15 =	vadd.f32 v24, v15  }
0x7a: {  	v24 =	vld [tilespmem:s7+$0xFFFFFFD0];
	v17 =	vshll.u32 v17, v8;
	v22 =	vadd.f32 v14, v22;
	v32 =	vadd.f32 v36, v54  }
0x7b: {  	v26 =	vadd.f32 v26, v40;
	v40 =	vmul.f32 v44, v43;
	v54 =	vmul.f32 v35, v1;
	v36 =	vld [tilespmem:s3+$0xFFFFFF60]  }
0x7c: {  	v17 =	vadd.s32 $0x7, v17;
	v35 =	vmul.f32 v35, v10;
	v33 =	vmul.f32 v18, v33;
	v18 =	vld [tilespmem:s7+$0x0]  }
0x7d: {  	v14 =	vbroadcast v17, $0x0;
	v17 =	vadd.f32 v25, v28;
	v28 =	vmul.f32 v30, v9  }
0x7e: {  	v58 =	vld [tilespmem:s3+$0x80];
	v29 =	vadd.f32 v29, v51;
	v56 =	vmul.f32 v40, v0;
	v42 =	vmul.f32 v33, v1  }
0x7f: {  	v60 =	vld [tilespmem:s7+$0x80];
	v16 =	vshll.u32 v16, v8;
	v45 =	vmul.f32 v33, v5;
	v24 =	vmul.f32 v24, v31  }
0x80: {  	v47 =	vld [tilespmem:s3+$0x90];
	v21 =	vadd.f32 v21, v50;
	v31 =	vmul.f32 v30, v4;
	v36 =	vmul.f32 v41, v36  }
0x81: {  	v63 =	vld [tilespmem:s7+$0x90];
	v25 =	vmul.f32 v18, v37;
	v18 =	vadd.f32 v20, v22;
	v20 =	vmul.f32 v33, v10  }
0x82: {  	v46 =	vld [tilespmem:s3+$0x50];
	v19 =	vadd.f32 v23, v19;
	v22 =	vmul.f32 v27, v0;
	v59 =	vmul.f32 v24, v1  }
0x83: {  	v34 =	vadd.f32 v38, v55;
	v30 =	vld [tilespmem:s7+$0x50];
	v62 =	vmul.f32 v24, v5;
	v27 =	vmul.f32 v27, v9  }
0x84: {  	v49 =	vld [tilespmem:s7+$0xFFFFFF20];
	v39 =	vadd.f32 v42, v57;
	v24 =	vmul.f32 v24, v10;
	v33 =	vmul.f32 v60, v58  }
0x85: {  	v52 =	vld [tilespmem:s3+$0xFFFFFFE0];
	v53 =	vmul.f32 v25, v0;
	v20 =	vadd.f32 v20, v28;
	v55 =	vmul.f32 v25, v4  }
0x86: {  	v57 =	vld [tilespmem:s3+$0xFFFFFFA0];
	v25 =	vmul.f32 v25, v9;
	v24 =	vadd.f32 v24, v27;
	v27 =	vmul.f32 v63, v47  }
0x87: {  	v60 =	vld [tilespmem:s7+$0xFFFFFFA0];
	v22 =	vadd.f32 v59, v22;
	v59 =	vmul.f32 v40, v4;
	v40 =	vmul.f32 v40, v9  }
0x88: {  	v28 =	vld [tilespmem:s3+$0xFFFFFF20];
	v37 =	vadd.f32 v62, v61;
	v0 =	vmul.f32 v33, v0;
	v30 =	vmul.f32 v30, v46  }
0x89: {  	v62 =	vld [tilespmem:s7+$0xFFFFFFE0];
	v43 =	vadd.f32 v54, v53;
	v53 =	vmul.f32 v27, v1;
	v54 =	vmul.f32 v33, v4  }
0x8a: {  	v46 =	vadd.f32 v48, v55;
	v55 =	vmul.f32 v27, v5;
	v33 =	vmul.f32 v33, v9  }
0x8b: {  	v31 =	vadd.f32 v45, v31;
	v27 =	vmul.f32 v27, v10;
	v58 =	vmul.f32 v30, v1  }
0x8c: {  	v23 =	vld [tilespmem:s3+$0x60];
	v25 =	vadd.f32 v35, v25;
	v61 =	vmul.f32 v30, v5;
	v30 =	vmul.f32 v30, v10  }
0x8d: {  	v4 =	vld [tilespmem:s7+$0x60];
	v5 =	vmul.f32 v60, v57;
	v47 =	vadd.f32 v53, v0;
	v28 =	vmul.f32 v49, v28  }
0x8e: {  	v63 =	vld [tilespmem:s3+$0x20];
	v45 =	vadd.f32 v61, v59;
	v35 =	vmul.f32 v62, v52;
	v61 =	vmul.f32 v36, v2  }
0x8f: {  	v1 =	vld [tilespmem:s7+$0x20];
	v48 =	vadd.f32 v55, v54;
	v62 =	vmul.f32 v36, v6;
	v36 =	vmul.f32 v36, v11  }
0x90: {  	v51 =	vld [tilespmem:s7+$0xFFFFFF30];
	v27 =	vadd.f32 v27, v33;
	v0 =	vmul.f32 v5, v6;
	v41 =	vmul.f32 v5, v11  }
0x91: {  	v50 =	vld [tilespmem:s7+$0xFFFFFFB0];
	v38 =	vadd.f32 v58, v56;
	v59 =	vmul.f32 v28, v2;
	v60 =	vmul.f32 v28, v6  }
0x92: {  	v57 =	vld [tilespmem:s3+$0xA0];
	v30 =	vadd.f32 v30, v40;
	v28 =	vmul.f32 v28, v11;
	v23 =	vmul.f32 v4, v23  }
0x93: {  	v54 =	vld [tilespmem:s3+$0xFFFFFFB0];
	v32 =	vadd.f32 v61, v32;
	v33 =	vadd.f32 v62, v34;
	v56 =	vmul.f32 v35, v6  }
0x94: {  	v58 =	vld [tilespmem:s7+$0xA0];
	v26 =	vadd.f32 v36, v26;
	v31 =	vadd.f32 v0, v31;
	v44 =	vmul.f32 v1, v63  }
0x95: {  	v52 =	vld [tilespmem:s3+$0xFFFFFF30];
	v20 =	vadd.f32 v41, v20;
	v1 =	vmul.f32 v35, v2;
	v35 =	vmul.f32 v35, v11  }
0x96: {  	v55 =	vld [tilespmem:s3+$0xFFFFFFF0];
	v21 =	vadd.f32 v59, v21;
	v19 =	vadd.f32 v28, v19;
	v28 =	vmul.f32 v5, v2  }
0x97: {  	v4 =	vld [tilespmem:s7+$0xFFFFFFF0];
	v29 =	vadd.f32 v60, v29;
	v60 =	vmul.f32 v23, v2;
	v61 =	vmul.f32 v23, v6  }
0x98: {  	s20 =	simm.s32 $0x4;
	v53 =	vld [tilespmem:s3+$0xFFFFFF70];
	v23 =	vmul.f32 v23, v11;
	v37 =	vadd.f32 v56, v37;
	v50 =	vmul.f32 v50, v54  }
0x99: {  	v63 =	vld [tilespmem:s7+$0xFFFFFF70];
	v56 =	vmov s20;
	v40 =	vmul.f32 v58, v57;
	v57 =	vmul.f32 v44, v2  }
0x9a: {  	v62 =	vld [tilespmem:s3+$0x70];
	v22 =	vadd.f32 v1, v22;
	v51 =	vmul.f32 v51, v52;
	v24 =	vadd.f32 v35, v24  }
0x9b: {  	v0 =	vld [tilespmem:s7+$0x70];
	v28 =	vadd.f32 v28, v39;
	v39 =	vmul.f32 v44, v6;
	v44 =	vmul.f32 v44, v11  }
0x9c: {  	v38 =	vadd.f32 v60, v38;
	v34 =	vadd.f32 v61, v45;
	v36 =	vmul.f32 v4, v55  }
0x9d: {  	v5 =	vld [tilespmem:s7+$0x30];
	v30 =	vadd.f32 v23, v30;
	v23 =	vmul.f32 v51, v7;
	v59 =	vmul.f32 v51, v12  }
0x9e: {  	s19 =	simm.s32 $0x3;
	v58 =	vld [tilespmem:s3+$0x30];
	v43 =	vadd.f32 v57, v43;
	v49 =	vmul.f32 v63, v53;
	v63 =	vmul.f32 v40, v2  }
0x9f: {  	v55 =	vmov s19;
	v2 =	vmul.f32 v40, v6;
	v40 =	vmul.f32 v40, v11  }
0xa0: {  	v39 =	vadd.f32 v39, v46;
	v44 =	vadd.f32 v44, v25;
	v25 =	vmul.f32 v0, v62  }
0xa1: {  	(xrf2) =	vadd.scan.msk.f32 $0xffff, v15;
	v1 =	vld [tilespmem:s3+$0xB0];
	v62 =	vmul.f32 v50, v12;
	v15 =	vadd.f32 v23, v29;
	v29 =	vmul.f32 v50, v3  }
0xa2: {  	(xrf2) =	vadd.scan.msk.f32 $0xffff, v17;
	v4 =	vld [tilespmem:s7+$0xB0];
	v17 =	vadd.f32 v59, v19;
	v19 =	vmul.f32 v50, v7;
	v0 =	vmul.f32 v36, v7  }
0xa3: {  	v41 =	vmul.f32 v5, v58;
	v5 =	vmul.f32 v51, v3;
	v57 =	vadd.f32 v63, v47  }
0xa4: {  	v58 =	vadd.f32 v2, v48;
	v60 =	vmul.f32 v49, v3;
	v61 =	vmul.f32 v49, v7  }
0xa5: {  	s18 =	simm.s32 $0x8;
	v27 =	vadd.f32 v40, v27;
	v23 =	vmul.f32 v49, v12;
	v63 =	vmul.f32 v36, v3  }
0xa6: {  	v48 =	vmov s18;
	v28 =	vadd.f32 v29, v28;
	v29 =	vmul.f32 v25, v7  }
0xa7: {  	(xrf2) =	vadd.scan.msk.f32 $0xffff, v18;
	v35 =	vmul.f32 v4, v1;
	v21 =	vadd.f32 v5, v21;
	v18 =	vadd.f32 v60, v32  }
0xa8: {  	v33 =	vadd.f32 v61, v33;
	v1 =	vmul.f32 v41, v3;
	v26 =	vadd.f32 v23, v26  }
0xa9: {  	s13 =	simm.s32 $0x4300;
	v2 =	vmul.f32 v41, v7;
	v41 =	vmul.f32 v41, v12;
	v4 =	vadd.f32 v19, v31;
	(xrf2) =	vadd.scan.msk.f32 $0xffff, v21  }
0xaa: {  	s7 =	simm.s32 $0x8300;
	v51 =	vld [tilespmem:s13+$0xE0];
	v5 =	vmul.f32 v25, v12;
	v32 =	vadd.f32 v62, v20;
	v31 =	vadd.f32 v63, v22;
	(xrf2) =	vadd.scan.msk.f32 $0xffff, v15  }
0xab: {  	v60 =	vld [tilespmem:s7+$0xE0];
	v61 =	vshrl.u32 v56, $0x3;
	v19 =	vadd.f32 v29, v34;
	v29 =	vadd.s32 $0x1, v16;
	(xrf2) =	vadd.scan.msk.f32 $0xffff, v17  }
0xac: {  	v54 =	vld [tilespmem:s13+$0xD0];
	v40 =	vshll.u32 v61, v8;
	v21 =	vmul.f32 v36, v12;
	v47 =	vmul.f32 v35, v7  }
0xad: {  	v52 =	vld [tilespmem:s13+$0xC0];
	v23 =	vadd.f32 v1, v43;
	v22 =	vadd.f32 v2, v39;
	v15 =	vmul.f32 v25, v3;
	(xrf2) =	vadd.scan.msk.f32 $0xffff, v18  }
0xae: {  	v53 =	vld [tilespmem:s7+$0xC0];
	v25 =	vadd.f32 v0, v37;
	v37 =	vshrl.u32 v55, $0x3;
	v17 =	vmul.f32 v35, v3;
	(xrf2) =	vadd.scan.msk.f32 $0xffff, v33  }
0xaf: {  	v24 =	vadd.f32 v21, v24;
	v35 =	vmul.f32 v35, v12;
	v16 =	vadd.f32 v47, v58;
	v58 =	vld [tilespmem:s7+$0xD0]  }
0xb0: {  	s11 =	simm.s32 $0x9;
	v21 =	vadd.f32 v41, v44;
	v18, _, _ =	vpop (xrf2);
	v20 =	vadd.f32 v15, v38;
	v34 =	vmul.f32 v60, v51  }
0xb1: {  	[tilespmem:v14+s23+$0x0] =	vst.idx.msk vm0, v18;
	v18 =	vadd.f32 v5, v30;
	v33 =	vbroadcast v29, $0x0;
	v29 =	vmov s11;
	v15, _, _ =	vpop (xrf2)  }
0xb2: {  	s12 =	simm.s32 $0x2;
	v17 =	vadd.f32 v17, v57;
	v59 =	vshrl.u32 v29, $0x3;
	(xrf2) =	vadd.scan.msk.f32 $0xffff, v26;
	v30, _, _ =	vpop (xrf2);
	[tilespmem:v14+s24+$0x0] =	vst.idx.msk vm0, v15  }
0xb3: {  	v15 =	vadd.f32 v35, v27;
	v35 =	vmul.f32 v53, v52;
	[tilespmem:v14+s25+$0x0] =	vst.idx.msk vm0, v30;
	v30 =	vmov s12;
	v27, _, _ =	vpop (xrf2)  }
0xb4: {  	s28 =	simm.s32 $0x5;
	v39 =	vld [tilespmem:s13+$0xF0];
	v14 =	vshrl.u32 v48, $0x3;
	v36 =	vmul.f32 v58, v54;
	v30 =	vshrl.u32 v30, $0x3;
	[tilespmem:v13+s23+$0x0] =	vst.idx.msk vm0, v27;
	v27, _, _ =	vpop (xrf2)  }
0xb5: {  	s31 =	simm.s32 $0x6;
	v41 =	vld [tilespmem:s7+$0xF0];
	v57 =	vshll.u32 v14, v8;
	v14 =	vmov s28;
	v62 =	vshll.u32 v30, v8;
	[tilespmem:v13+s24+$0x0] =	vst.idx.msk vm0, v27;
	v26, _, _ =	vpop (xrf2)  }
0xb6: {  	v38 =	vld [tilespmem:s7+$0xFFFFFF10];
	v42 =	vadd.s32 $0x2, v62;
	v27 =	vmov s31;
	[tilespmem:v13+s25+$0x0] =	vst.idx.msk vm0, v26;
	v26 =	vshrl.u32 v14, $0x3  }
0xb7: {  	v29 =	vld [tilespmem:s7+$0xFFFFFF00];
	(xrf2) =	vadd.scan.msk.f32 $0xffff, v28;
	v14 =	vshll.u32 v59, v8;
	v63, _, _ =	vpop (xrf2);
	v30 =	vshrl.u32 v27, $0x3;
	v13 =	vbroadcast v57, $0x0  }
0xb8: {  	s9 =	simm.s32 $0x10;
	v27 =	vshll.u32 v37, v8;
	v37 =	vld [tilespmem:s13+$0xFFFFFF10];
	(xrf2) =	vadd.scan.msk.f32 $0xffff, v4;
	[tilespmem:v33+s23+$0x0] =	vst.idx.msk vm0, v63;
	v26 =	vshll.u32 v26, v8;
	v28, _, _ =	vpop (xrf2)  }
.LBB2_3:
0xb9: {  	v43 =	vld [tilespmem:s13+$0xFFFFFF40]  }
0xba: {  	v0 =	vld [tilespmem:$0x1FF40]  }
0xbb: {  	v1 =	vld [tilespmem:$0x1FF50]  }
0xbc: {  	v6 =	vld [tilespmem:$0x1FF60]  }
0xbd: {  	v3 =	vld [tilespmem:$0x1FF90]  }
0xbe: {  	v53 =	vld [tilespmem:s13+$0xFFFFFF80]  }
0xbf: {  	v9 =	vld [tilespmem:$0x1FF70]  }
0xc0: {  	v7 =	vld [tilespmem:$0x1FFA0]  }
0xc1: {  	v49 =	vld [tilespmem:s13+$0xFFFFFF90];
	v2 =	vmul.f32 v35, v0;
	v45 =	vmul.f32 v36, v1  }
0xc2: {  	v27 =	vadd.s32 $0x3, v27;
	v5 =	vld [tilespmem:$0x1FFD0]  }
0xc3: {  	[tilespmem:v33+s24+$0x0] =	vst.idx.msk vm0, v28;
	v28 =	vbroadcast v27, $0x0;
	v27 =	vshll.u32 v30, v8;
	v30 =	vadd.f32 v45, v2;
	v2 =	vld [tilespmem:$0x1FF80]  }
0xc4: {  	v10 =	vld [tilespmem:$0x1FFB0]  }
0xc5: {  	v46 =	vld [tilespmem:s7+$0xFFFFFF40]  }
0xc6: {  	(xrf2) =	vadd.scan.msk.f32 $0xffff, v32;
	v32 =	vld [tilespmem:s13+$0xFFFFFF50]  }
0xc7: {  	v42 =	vbroadcast v42, $0x0;
	v63 =	vld [tilespmem:s7+$0xFFFFFF50];
	v39 =	vmul.f32 v41, v39  }
0xc8: {  	v60 =	vld [tilespmem:s7+$0xFFFFFF90];
	v4 =	vmul.f32 v36, v3;
	v47 =	vmul.f32 v35, v2  }
0xc9: {  	v37 =	vmul.f32 v38, v37;
	v62 =	vmul.f32 v34, v6;
	v44, _, _ =	vpop (xrf2);
	(xrf2) =	vadd.scan.msk.f32 $0xffff, v31;
	v31 =	vld [tilespmem:s7+$0xFFFFFF80]  }
0xca: {  	v57 =	vmul.f32 v34, v7;
	v12 =	vmul.f32 v36, v5;
	v56 =	vadd.f32 v4, v47;
	v4 =	vld [tilespmem:$0x1FFC0]  }
0xcb: {  	v11 =	vld [tilespmem:$0x1FFE0];
	v55 =	vmul.f32 v39, v9;
	v41 =	vmul.f32 v46, v43  }
0xcc: {  	v51 =	vld [tilespmem:s7+$0x0];
	v61 =	vmul.f32 v39, v10;
	v32 =	vmul.f32 v63, v32  }
0xcd: {  	v38 =	vmul.f32 v37, v1;
	v43 =	vmul.f32 v60, v49;
	v49 =	vld [tilespmem:s13+$0x0]  }
0xce: {  	v52 =	vadd.s32 $0x4, v40;
	v46 =	vld [tilespmem:s7+$0xFFFFFFD0];
	[tilespmem:v33+s25+$0x0] =	vst.idx.msk vm0, v44;
	v33 =	vmul.f32 v37, v3;
	v54 =	vadd.f32 v62, v30  }
0xcf: {  	v40 =	vmul.f32 v31, v53;
	v31 =	vld [tilespmem:s13+$0xFFFFFFD0];
	v44 =	vadd.f32 v57, v56;
	v59 =	vmul.f32 v35, v4  }
0xd0: {  	v45 =	vld [tilespmem:s13+$0xFFFFFFC0];
	v48, _, _ =	vpop (xrf2);
	v60 =	vmul.f32 v32, v3;
	v62 =	vmul.f32 v34, v11;
	v58 =	vadd.f32 v55, v54  }
0xd1: {  	v30 =	vbroadcast v52, $0x0;
	v63, _, _ =	vpop (xrf2);
	[tilespmem:v42+s23+$0x0] =	vst.idx.msk vm0, v48;
	v54 =	vmul.f32 v43, v1;
	v35 =	vadd.f32 v12, v59;
	v12 =	vld [tilespmem:$0x1FFF0]  }
0xd2: {  	[tilespmem:v42+s24+$0x0] =	vst.idx.msk vm0, v63;
	v55 =	vld [tilespmem:s13+$0x40];
	v48 =	vmul.f32 v51, v49;
	(xrf2) =	vadd.scan.msk.f32 $0xffff, v58;
	v58 =	vmul.f32 v32, v1  }
0xd3: {  	s0 =	sadd.s32 $0x7, s18;
	v32 =	vmul.f32 v32, v5;
	v63 =	vmul.f32 v40, v0;
	v56 =	vld [tilespmem:s7+$0xFFFFFFC0];
	v50 =	vadd.f32 v61, v44;
	v44, _, _ =	vpop (xrf2)  }
0xd4: {  	v52 =	vmov s0;
	v46 =	vmul.f32 v46, v31;
	v61 =	vmul.f32 v41, v4;
	[tilespmem:v42+s25+$0x0] =	vst.idx.msk vm0, v44;
	v42 =	vld [tilespmem:s7+$0x40]  }
0xd5: {  	v59 =	vmul.f32 v41, v2;
	v34 =	vadd.f32 v62, v35;
	v62 =	vshrl.u32 v52, $0x3  }
0xd6: {  	v32 =	vadd.f32 v32, v61;
	v47 =	vshll.u32 v62, v8;
	v57 =	vmul.f32 v39, v12  }
0xd7: {  	v49 =	vld [tilespmem:s13+$0x50];
	(xrf2) =	vadd.scan.msk.f32 $0xffff, v50;
	v61 =	vmul.f32 v43, v5;
	v47 =	vadd.s32 $0x7, v47;
	v39 =	vmul.f32 v41, v0  }
0xd8: {  	v62 =	vld [tilespmem:s7+$0x50];
	v41 =	vmul.f32 v56, v45;
	v44 =	vbroadcast v47, $0x0;
	v53 =	vadd.f32 v57, v34  }
0xd9: {  	v52 =	vld [tilespmem:s13+$0x80];
	v56 =	vmul.f32 v46, v3;
	v55 =	vmul.f32 v42, v55  }
0xda: {  	v45 =	vld [tilespmem:s13+$0x10];
	v31 =	vadd.f32 v58, v39;
	v51 =	vmul.f32 v41, v0;
	v39 =	vmul.f32 v46, v1;
	(xrf2) =	vadd.scan.msk.f32 $0xffff, v53  }
0xdb: {  	v57 =	vld [tilespmem:s7+$0x10];
	v47 =	vmul.f32 v41, v2;
	v41 =	vmul.f32 v41, v4  }
0xdc: {  	v34, _, _ =	vpop (xrf2);
	v46 =	vmul.f32 v46, v5;
	v53 =	vld [tilespmem:s7+$0x80];
	(xrf2) =	vadd.scan.msk.f32 $0xffff, v25;
	v25 =	vadd.f32 v60, v59;
	v59 =	vmul.f32 v43, v3  }
0xdd: {  	v50, _, _ =	vpop (xrf2);
	v60 =	vmul.f32 v40, v4;
	v43 =	vmul.f32 v62, v49;
	v49 =	vld [tilespmem:s13+$0xFFFFFF20]  }
0xde: {  	v58 =	vmul.f32 v40, v2;
	v40 =	vadd.f32 v39, v51;
	[tilespmem:v44+s23+$0x0] =	vst.idx.msk vm0, v50;
	v50 =	vld [tilespmem:s13+$0xFFFFFFA0]  }
0xdf: {  	v39 =	vadd.f32 v46, v41;
	v46 =	vmul.f32 v55, v0;
	v36 =	vadd.f32 v61, v60;
	v61 =	vld [tilespmem:s13+$0xFFFFFF00]  }
0xe0: {  	v35 =	vadd.f32 v54, v63;
	v51 =	vmul.f32 v55, v2;
	v45 =	vmul.f32 v57, v45;
	v60 =	vld [tilespmem:s13+$0x90]  }
0xe1: {  	v63, _, _ =	vpop (xrf2);
	(xrf2) =	vadd.scan.msk.f32 $0xffff, v24;
	v24 =	vadd.f32 v59, v58;
	v57 =	vld [tilespmem:s7+$0x90];
	v58 =	vmul.f32 v48, v0;
	v54 =	vmul.f32 v43, v1  }
0xe2: {  	[tilespmem:v44+s24+$0x0] =	vst.idx.msk vm0, v63;
	v59 =	vmul.f32 v48, v2;
	v52 =	vmul.f32 v53, v52;
	v53 =	vld [tilespmem:s13+$0xFFFFFF60]  }
0xe3: {  	(xrf2) =	vadd.scan.msk.f32 $0xffff, v23;
	v63 =	vmul.f32 v45, v3;
	v46 =	vadd.f32 v54, v46;
	v54 =	vmul.f32 v55, v4;
	v55 =	vld [tilespmem:s13+$0x20]  }
0xe4: {  	v62 =	vmul.f32 v45, v1;
	v29 =	vmul.f32 v29, v61;
	v61 =	vld [tilespmem:s13+$0xFFFFFFE0];
	v23, _, _ =	vpop (xrf2)  }
0xe5: {  	v45 =	vmul.f32 v45, v5;
	v42 =	vadd.f32 v63, v59;
	[tilespmem:v44+s25+$0x0] =	vst.idx.msk vm0, v23;
	v44 =	vld [tilespmem:s7+$0xFFFFFF20]  }
0xe6: {  	v59 =	vmul.f32 v29, v0;
	v23 =	vadd.f32 v56, v47;
	v47 =	vmul.f32 v48, v4;
	v48 =	vld [tilespmem:s7+$0xFFFFFF60]  }
0xe7: {  	v63 =	vmul.f32 v52, v2;
	v56 =	vmul.f32 v57, v60;
	v57 =	vld [tilespmem:s7+$0xFFFFFFA0]  }
0xe8: {  	v60 =	vmul.f32 v29, v2;
	v38 =	vadd.f32 v38, v59;
	v59 =	vmul.f32 v52, v0;
	v0 =	vld [tilespmem:s13+$0x60]  }
0xe9: {  	v29 =	vmul.f32 v29, v4;
	v52 =	vmul.f32 v52, v4;
	v4 =	vld [tilespmem:s7+$0x60]  }
0xea: {  	v37 =	vmul.f32 v37, v5;
	v41 =	vadd.f32 v62, v58;
	(xrf2) =	vadd.scan.msk.f32 $0xffff, v22;
	v45 =	vadd.f32 v45, v47;
	v47 =	vld [tilespmem:s7+$0xFFFFFFE0]  }
0xeb: {  	v58 =	vmul.f32 v43, v3;
	v43 =	vmul.f32 v43, v5;
	v22, _, _ =	vpop (xrf2);
	(xrf2) =	vadd.scan.msk.f32 $0xffff, v21;
	v60 =	vadd.f32 v33, v60;
	v33 =	vld [tilespmem:s7+$0x20]  }
0xec: {  	v21, _, _ =	vpop (xrf2);
	(xrf2) =	vadd.scan.msk.f32 $0xffff, v20;
	v62 =	vmul.f32 v56, v1;
	v1 =	vmul.f32 v56, v3  }
0xed: {  	v43 =	vadd.f32 v43, v54;
	v20, _, _ =	vpop (xrf2);
	(xrf2) =	vadd.scan.msk.f32 $0xffff, v19;
	v5 =	vmul.f32 v56, v5;
	v19 =	vmul.f32 v44, v49  }
0xee: {  	v37 =	vadd.f32 v37, v29;
	v48 =	vmul.f32 v48, v53;
	v50 =	vmul.f32 v57, v50  }
0xef: {  	[tilespmem:v28+s23+$0x0] =	vst.idx.msk vm0, v34;
	v0 =	vmul.f32 v4, v0;
	v47 =	vmul.f32 v47, v61  }
0xf0: {  	v56 =	vadd.f32 v62, v59;
	v62 =	vmul.f32 v19, v6;
	v55 =	vmul.f32 v33, v55  }
0xf1: {  	v1 =	vadd.f32 v1, v63;
	v63 =	vmul.f32 v19, v7;
	v19 =	vmul.f32 v19, v11  }
0xf2: {  	v54 =	vld [tilespmem:s7+$0xA0];
	v49 =	vadd.f32 v58, v51;
	v34 =	vmul.f32 v48, v6;
	v4 =	vmul.f32 v48, v7  }
0xf3: {  	v53 =	vld [tilespmem:s13+$0xA0];
	v51 =	vadd.f32 v5, v52;
	v48 =	vmul.f32 v48, v11;
	v5 =	vmul.f32 v50, v6  }
0xf4: {  	v57 =	vld [tilespmem:s13+$0xFFFFFF30];
	v61 =	vmul.f32 v50, v7;
	v50 =	vmul.f32 v50, v11  }
0xf5: {  	v52 =	vld [tilespmem:s7+$0xFFFFFF30];
	v29, _, _ =	vpop (xrf2);
	(xrf2) =	vadd.scan.msk.f32 $0xffff, v18;
	v18 =	vadd.s32 $0x5, v26;
	v58 =	vadd.f32 v62, v38;
	v19 =	vadd.f32 v19, v37  }
0xf6: {  	v31 =	vadd.f32 v34, v31;
	v59 =	vmul.f32 v47, v6;
	v62 =	vmul.f32 v47, v7  }
0xf7: {  	v2 =	vld [tilespmem:s13+$0x30];
	v32 =	vadd.f32 v48, v32;
	v47 =	vmul.f32 v47, v11;
	v3 =	vmul.f32 v55, v7  }
0xf8: {  	v44 =	vld [tilespmem:s7+$0xFFFFFF70];
	v50 =	vadd.f32 v50, v36;
	v33, _, _ =	vpop (xrf2);
	(xrf2) =	vadd.scan.msk.f32 $0xffff, v17;
	v17 =	vadd.f32 v63, v60;
	v53 =	vmul.f32 v54, v53  }
0xf9: {  	v38 =	vld [tilespmem:s13+$0xFFFFFF70];
	v63 =	vmul.f32 v55, v6;
	v60 =	vadd.f32 v5, v35;
	v55 =	vmul.f32 v55, v11  }
0xfa: {  	v37 =	vld [tilespmem:s13+$0xFFFFFFB0];
	v52 =	vmul.f32 v52, v57;
	v26, _, _ =	vpop (xrf2);
	(xrf2) =	vadd.scan.msk.f32 $0xffff, v16;
	v16 =	vadd.f32 v4, v25;
	v40 =	vadd.f32 v59, v40  }
0xfb: {  	v48 =	vld [tilespmem:s7+$0xFFFFFFF0];
	v4 =	vmul.f32 v0, v7;
	v23 =	vadd.f32 v62, v23;
	v39 =	vadd.f32 v47, v39  }
0xfc: {  	v54 =	vld [tilespmem:s7+$0xFFFFFFB0];
	v34, _, _ =	vpop (xrf2);
	(xrf2) =	vadd.scan.msk.f32 $0xffff, v15;
	v15 =	vadd.f32 v61, v24;
	v61 =	vmul.f32 v0, v6;
	v0 =	vmul.f32 v0, v11  }
0xfd: {  	v5 =	vld [tilespmem:s13+$0x70];
	v3 =	vadd.f32 v3, v42;
	v6 =	vmul.f32 v53, v6;
	v7 =	vmul.f32 v53, v7  }
0xfe: {  	v24 =	vld [tilespmem:s7+$0x30];
	v53 =	vmul.f32 v53, v11;
	v41 =	vadd.f32 v63, v41;
	v42 =	vadd.f32 v55, v45  }
0xff: {  	v25 =	vld [tilespmem:s13+$0xFFFFFFF0];
	v55 =	vmul.f32 v52, v10;
	v4 =	vadd.f32 v4, v49;
	v45 =	vadd.f32 v61, v46  }
0x100: {  	v59 =	vld [tilespmem:s7+$0x70];
	v44 =	vmul.f32 v44, v38;
	v0 =	vadd.f32 v0, v43;
	v6 =	vadd.f32 v6, v56  }
0x101: {  	v1 =	vadd.f32 v7, v1;
	v7 =	vmul.f32 v52, v12;
	v47 =	vadd.f32 v53, v51  }
0x102: {  	s19 =	sadd.s32 $0x3, s18;
	[tilespmem:v30+s23+$0x0] =	vst.idx.msk vm0, v20;
	v17 =	vadd.f32 v55, v17;
	v55 =	vadd.s32 $0x1, v14;
	v54 =	vmul.f32 v54, v37  }
0x103: {  	s28 =	sadd.s32 $0x5, s18;
	[tilespmem:v30+s24+$0x0] =	vst.idx.msk vm0, v29;
	v14 =	vmov s19;
	v2 =	vmul.f32 v24, v2;
	v24 =	vmul.f32 v52, v9  }
0x104: {  	v62 =	vld [tilespmem:s13+$0xB0];
	[tilespmem:v30+s25+$0x0] =	vst.idx.msk vm0, v33;
	v30 =	vmov s28;
	v33 =	vbroadcast v55, $0x0;
	v25 =	vmul.f32 v48, v25;
	v35, _, _ =	vpop (xrf2)  }
0x105: {  	v48 =	vld [tilespmem:s7+$0xB0];
	v5 =	vmul.f32 v59, v5;
	v59 =	vmul.f32 v44, v12;
	v24 =	vadd.f32 v24, v58;
	v36, _, _ =	vpop (xrf2)  }
0x106: {  	v57 =	vmul.f32 v44, v9;
	v7 =	vadd.f32 v7, v19;
	v61 =	vmul.f32 v54, v9;
	v37, _, _ =	vpop (xrf2)  }
0x107: {  	v19 =	vmul.f32 v54, v10;
	v63 =	vmul.f32 v25, v10;
	v43 =	vadd.f32 v59, v32;
	v38, _, _ =	vpop (xrf2);
	(xrf2) =	vadd.scan.msk.f32 $0xffff, v24  }
0x108: {  	s31 =	sadd.s32 $0x6, s18;
	v58 =	vmul.f32 v44, v10;
	v53 =	vmul.f32 v2, v9;
	v44 =	vadd.f32 v61, v60  }
0x109: {  	v61 =	vmul.f32 v5, v10;
	v56 =	vadd.f32 v19, v15;
	v60 =	vmov s31  }
0x10a: {  	v46 =	vmul.f32 v48, v62;
	v62 =	vmul.f32 v54, v12;
	v48 =	vadd.f32 v57, v31  }
0x10b: {  	v49 =	vadd.f32 v58, v16;
	v16 =	vmul.f32 v25, v12;
	v54 =	vmul.f32 v2, v10;
	(xrf2) =	vadd.scan.msk.f32 $0xffff, v17  }
0x10c: {  	s1 =	sadd.s32 $0x2, s18;
	v2 =	vmul.f32 v2, v12;
	v19 =	vadd.f32 v61, v4;
	(xrf2) =	vadd.scan.msk.f32 $0xffff, v7;
	v7 =	vbroadcast v18, $0x0  }
0x10d: {  	[tilespmem:v28+s24+$0x0] =	vst.idx.msk vm0, v22;
	v58 =	vmov s1;
	v61 =	vshrl.u32 v14, $0x3;
	v24 =	vmul.f32 v25, v9  }
0x10e: {  	v25 =	vadd.f32 v63, v23;
	v63 =	vmov s9;
	(xrf2) =	vadd.scan.msk.f32 $0xffff, v48;
	v48 =	vadd.s32 $0x6, v27  }
0x10f: {  	[tilespmem:v28+s25+$0x0] =	vst.idx.msk vm0, v21;
	v23 =	vadd.f32 v53, v41;
	v17 =	vmul.f32 v5, v9;
	v51 =	vbroadcast v48, $0x0  }
0x110: {  	s13 =	sadd.s32 $0x200, s13;
	v5 =	vmul.f32 v5, v12;
	v15 =	vmul.f32 v46, v9;
	v32 =	vadd.f32 v62, v50  }
0x111: {  	s7 =	sadd.s32 $0x200, s7;
	v52 =	vld [tilespmem:s13+$0xE0];
	v62 =	vmul.f32 v46, v10;
	v46 =	vmul.f32 v46, v12;
	v20 =	vadd.f32 v17, v45;
	v45, _, _ =	vpop (xrf2);
	(xrf2) =	vadd.scan.msk.f32 $0xffff, v49  }
0x112: {  	v28 =	vld [tilespmem:s7+$0xD0];
	v4 =	vshrl.u32 v58, $0x3;
	v22 =	vadd.f32 v54, v3;
	v21 =	vadd.f32 v2, v42;
	[tilespmem:v7+s23+$0x0] =	vst.idx.msk vm0, v26  }
0x113: {  	v59 =	vld [tilespmem:s13+$0xD0];
	v53 =	vshrl.u32 v63, $0x3;
	v63 =	vshrl.u32 v30, $0x3;
	v4 =	vshll.u32 v4, v8;
	[tilespmem:v7+s24+$0x0] =	vst.idx.msk vm0, v34  }
0x114: {  	v54 =	vld [tilespmem:s13+$0xC0];
	v30 =	vshrl.u32 v60, $0x3;
	v31 =	vadd.f32 v24, v40;
	v24 =	vadd.f32 v16, v39;
	[tilespmem:v7+s25+$0x0] =	vst.idx.msk vm0, v35  }
0x115: {  	s12 =	sadd.s32 $0x1, s9;
	v42 =	vadd.s32 $0x2, v4;
	v18 =	vadd.f32 v5, v0;
	v17 =	vadd.f32 v15, v6;
	v26 =	vld [tilespmem:s7+$0xC0];
	[tilespmem:v51+s23+$0x0] =	vst.idx.msk vm0, v36  }
0x116: {  	p1 =	slt.u32 s9, $0x78;
	s20 =	sadd.s32 $0x4, s18;
	v16 =	vadd.f32 v62, v1;
	v15 =	vadd.f32 v46, v47;
	v6 =	vmov s12;
	v7 =	vld [tilespmem:s7+$0xE0];
	[tilespmem:v13+s23+$0x0] =	vst.idx.msk vm0, v45;
	v57, _, _ =	vpop (xrf2)  }
.Ltmp0:
0x117: {  	v41 =	vld [tilespmem:s7+$0xF0];
	v27 =	vmov s20;
	v1 =	vshll.u32 v53, v8;
	v9 =	vshrl.u32 v6, $0x3;
	[tilespmem:v13+s24+$0x0] =	vst.idx.msk vm0, v57;
	v29, _, _ =	vpop (xrf2);
	(pc) =	sbr.rel @p1 .LBB2_3-.Ltmp0, $4  }
0x118: {  	v39 =	vld [tilespmem:s13+$0xF0];
	v62 =	vshrl.u32 v27, $0x3;
	v27 =	vshll.u32 v61, v8;
	v14 =	vshll.u32 v9, v8;
	[tilespmem:v13+s25+$0x0] =	vst.idx.msk vm0, v29  }
0x119: {  	v40 =	vshll.u32 v62, v8;
	v36 =	vmul.f32 v28, v59;
	(xrf2) =	vadd.scan.msk.f32 $0xffff, v43;
	[tilespmem:v51+s24+$0x0] =	vst.idx.msk vm0, v37;
	v29 =	vld [tilespmem:s7+$0xFFFFFF00]  }
0x11a: {  	(xrf2) =	vadd.scan.msk.f32 $0xffff, v44;
	[tilespmem:v51+s25+$0x0] =	vst.idx.msk vm0, v38;
	v6, _, _ =	vpop (xrf2);
	v13 =	vbroadcast v1, $0x0;
	v35 =	vmul.f32 v26, v54;
	v37 =	vld [tilespmem:s13+$0xFFFFFF10]  }
0x11b: {  	s18 =	smov.u32 s9;
	s9 =	sadd.s32 $0x8, s9;
	(xrf2) =	vadd.scan.msk.f32 $0xffff, v56;
	v26 =	vshll.u32 v63, v8;
	[tilespmem:v33+s23+$0x0] =	vst.idx.msk vm0, v6;
	v38 =	vld [tilespmem:s7+$0xFFFFFF10];
	v34 =	vmul.f32 v7, v52;
	v28, _, _ =	vpop (xrf2)  }
0x11c: {  	v0 =	vld [tilespmem:s13+$0xFFFFFF40]  }
0x11d: {  	v44 =	vld [tilespmem:$0x1FF40]  }
0x11e: {  	v9 =	vld [tilespmem:$0x1FF50]  }
0x11f: {  	v4 =	vld [tilespmem:s7+$0xFFFFFF40]  }
0x120: {  	v3 =	vadd.s32 $0x3, v27;
	v52 =	vld [tilespmem:$0x1FF60]  }
0x121: {  	v63 =	vld [tilespmem:$0x1FF80];
	v3 =	vbroadcast v3, $0x0  }
0x122: {  	v12 =	vld [tilespmem:$0x1FF90]  }
0x123: {  	v60 =	vld [tilespmem:$0x1FF70];
	[tilespmem:$0x1FF10] =	vst v3  }
0x124: {  	v3 =	vld [tilespmem:s13+$0xFFFFFF50]  }
0x125: {  	v7 =	vld [tilespmem:s7+$0xFFFFFF50];
	[tilespmem:v33+s24+$0x0] =	vst.idx.msk vm0, v28  }
0x126: {  	v10 =	vld [tilespmem:$0x1FFA0]  }
0x127: {  	v55 =	vld [tilespmem:s13+$0xFFFFFF80]  }
0x128: {  	v57 =	vld [tilespmem:s7+$0xFFFFFF80]  }
0x129: {  	v5 =	vbroadcast v42, $0x0;
	v6 =	vmul.f32 v41, v39;
	v61 =	vld [tilespmem:$0x1FFC0]  }
0x12a: {  	v40 =	vadd.s32 $0x4, v40;
	v37 =	vmul.f32 v38, v37;
	v1 =	vmul.f32 v35, v44;
	v62 =	vld [tilespmem:$0x1FFD0]  }
0x12b: {  	v28 =	vld [tilespmem:$0x1FFF0];
	v58 =	vmul.f32 v34, v10;
	v10 =	vbroadcast v40, $0x0  }
0x12c: {  	v2 =	vmul.f32 v36, v9;
	v3 =	vmul.f32 v7, v3;
	v7 =	vld [tilespmem:$0x1FFE0]  }
0x12d: {  	v53 =	vmul.f32 v35, v63;
	v54 =	vmul.f32 v36, v12;
	[tilespmem:$0x1FF20] =	vst v10;
	v10 =	vld [tilespmem:$0x1FFB0]  }
0x12e: {  	v0 =	vmul.f32 v4, v0;
	v1 =	vadd.f32 v2, v1;
	v2 =	vmul.f32 v34, v52;
	v59 =	vld [tilespmem:s13+$0xFFFFFF90]  }
0x12f: {  	v56 =	vmul.f32 v6, v60;
	v41 =	vmul.f32 v37, v12;
	v39 =	vadd.f32 v54, v53;
	v46 =	vld [tilespmem:s7+$0xFFFFFF90]  }
0x130: {  	(xrf2) =	vadd.scan.msk.f32 $0xffff, v32;
	v54 =	vmul.f32 v0, v63;
	v1 =	vadd.f32 v2, v1;
	v43 =	vmul.f32 v35, v61;
	v49 =	vld [tilespmem:s13+$0xFFFFFFC0]  }
0x131: {  	(xrf2) =	vadd.scan.msk.f32 $0xffff, v31;
	v31 =	vmul.f32 v57, v55;
	v45 =	vmul.f32 v36, v62;
	v50 =	vld [tilespmem:s7+$0xFFFFFFC0]  }
0x132: {  	v1 =	vadd.f32 v56, v1;
	v53 =	vmul.f32 v3, v9;
	v55 =	vmul.f32 v3, v12;
	v51 =	vld [tilespmem:s13+$0xFFFFFFD0]  }
0x133: {  	v3 =	vmul.f32 v3, v62;
	v47 =	vadd.f32 v58, v39;
	v2 =	vadd.f32 v45, v43;
	v36 =	vld [tilespmem:s13+$0x50]  }
0x134: {  	(xrf2) =	vadd.scan.msk.f32 $0xffff, v1;
	v1 =	vmul.f32 v37, v62;
	v38 =	vadd.f32 v55, v54;
	v55 =	vld [tilespmem:s7+$0x50];
	v7 =	vmul.f32 v34, v7;
	v43, _, _ =	vpop (xrf2)  }
0x135: {  	v45 =	vld [tilespmem:s13+$0x40];
	v34 =	vmul.f32 v37, v9;
	[tilespmem:v33+s25+$0x0] =	vst.idx.msk vm0, v43;
	v33 =	vmul.f32 v0, v44  }
0x136: {  	s0 =	sadd.s32 $0x7, s18;
	v52, _, _ =	vpop (xrf2);
	v0 =	vmul.f32 v0, v61;
	v2 =	vadd.f32 v7, v2;
	v7 =	vld [tilespmem:s7+$0xFFFFFFD0];
	v48 =	vmul.f32 v6, v10  }
0x137: {  	v56 =	vmov s0;
	[tilespmem:v5+s23+$0x0] =	vst.idx.msk vm0, v52;
	v52 =	vld [tilespmem:s7+$0x40];
	v6 =	vmul.f32 v6, v28;
	v10 =	vmovc v44;
	v44 =	vmul.f32 v31, v44  }
0x138: {  	v58 =	vld [tilespmem:s13+$0x0];
	v35 =	vmul.f32 v46, v59;
	v32 =	vmul.f32 v50, v49;
	v59 =	vshrl.u32 v56, $0x3  }
0x139: {  	v36 =	vmul.f32 v55, v36;
	v4 =	vadd.f32 v48, v47;
	v2 =	vadd.f32 v6, v2;
	v6 =	vld [tilespmem:s7+$0x0]  }
0x13a: {  	v57 =	vld [tilespmem:s13+$0x10];
	v39 =	vshll.u32 v59, v8;
	v50 =	vmul.f32 v35, v9;
	v54 =	vmul.f32 v35, v12  }
0x13b: {  	v48 =	vld [tilespmem:s7+$0x10];
	v47 =	vmul.f32 v32, v63;
	v7 =	vmul.f32 v7, v51;
	v51 =	vadd.s32 $0x7, v39  }
0x13c: {  	(xrf2) =	vadd.scan.msk.f32 $0xffff, v4;
	v4 =	vadd.f32 v53, v33;
	v53 =	vmul.f32 v31, v63;
	v39 =	vmul.f32 v52, v45  }
0x13d: {  	v33 =	vbroadcast v51, $0x0;
	v42 =	vadd.f32 v50, v44;
	v44 =	vmul.f32 v32, v10  }
0x13e: {  	v11 =	vmov v12;
	v43 =	vld [tilespmem:s7+$0x80];
	v32 =	vmul.f32 v32, v61;
	v6 =	vmul.f32 v6, v58  }
0x13f: {  	v27 =	vadd.f32 v3, v0;
	v56 =	vld [tilespmem:s7+$0x90];
	v0 =	vmovc v10;
	v58 =	vmul.f32 v31, v61;
	v31 =	vmul.f32 v35, v62  }
0x140: {  	(xrf2) =	vadd.scan.msk.f32 $0xffff, v2;
	v10 =	vadd.f32 v54, v53;
	v59 =	vmul.f32 v7, v9;
	v54 =	vld [tilespmem:s13+$0xFFFFFFE0];
	v2 =	vmul.f32 v48, v57  }
0x141: {  	v49, _, _ =	vpop (xrf2);
	v35 =	vld [tilespmem:s13+$0x80];
	v12 =	vadd.f32 v31, v58;
	v31 =	vmul.f32 v7, v11;
	v7 =	vmul.f32 v7, v62  }
0x142: {  	[tilespmem:v5+s24+$0x0] =	vst.idx.msk vm0, v49;
	v48 =	vld [tilespmem:s13+$0x90];
	v51 =	vmul.f32 v6, v0;
	v52 =	vmul.f32 v2, v9  }
0x143: {  	v46, _, _ =	vpop (xrf2);
	v57 =	vld [tilespmem:s13+$0xFFFFFF00];
	v37 =	vadd.f32 v59, v44;
	v53 =	vmul.f32 v6, v63;
	v59 =	vmul.f32 v2, v11  }
0x144: {  	[tilespmem:v5+s25+$0x0] =	vst.idx.msk vm0, v46;
	v46, _, _ =	vpop (xrf2);
	v44 =	vld [tilespmem:s7+$0xFFFFFF60];
	v6 =	vmul.f32 v6, v61;
	v2 =	vmul.f32 v2, v62  }
0x145: {  	v3 =	vmul.f32 v36, v9;
	v49, _, _ =	vpop (xrf2);
	v31 =	vadd.f32 v31, v47;
	v47 =	vld [tilespmem:s13+$0xFFFFFFA0]  }
0x146: {  	v5 =	vmov v9;
	[tilespmem:v33+s23+$0x0] =	vst.idx.msk vm0, v49;
	v7 =	vadd.f32 v7, v32;
	v9 =	vadd.f32 v2, v6;
	v6 =	vld [tilespmem:s7+$0xFFFFFFE0]  }
0x147: {  	v32 =	vmul.f32 v39, v0;
	v40 =	vadd.f32 v59, v53;
	v53 =	vmul.f32 v36, v11;
	v49 =	vld [tilespmem:s13+$0x20]  }
0x148: {  	v36 =	vmul.f32 v36, v62;
	v35 =	vmul.f32 v43, v35;
	v43 =	vld [tilespmem:s13+$0xFFFFFF60]  }
0x149: {  	v45 =	vmul.f32 v56, v48;
	v48 =	vadd.f32 v52, v51;
	v51 =	vld [tilespmem:s7+$0xFFFFFFA0];
	v52 =	vmul.f32 v39, v63  }
0x14a: {  	v29 =	vmul.f32 v29, v57;
	v39 =	vmul.f32 v39, v61;
	v57 =	vld [tilespmem:s7+$0x20]  }
0x14b: {  	v52 =	vadd.f32 v53, v52;
	v53 =	vld [tilespmem:s13+$0xA0]  }
0x14c: {  	v50, _, _ =	vpop (xrf2);
	v55 =	vmul.f32 v29, v0;
	v36 =	vadd.f32 v36, v39;
	v39 =	vld [tilespmem:s7+$0xA0]  }
0x14d: {  	v26 =	vadd.s32 $0x5, v26;
	v56 =	vmul.f32 v29, v63;
	[tilespmem:v33+s24+$0x0] =	vst.idx.msk vm0, v50;
	v58, _, _ =	vpop (xrf2);
	v50 =	vld [tilespmem:s13+$0xFFFFFF20]  }
0x14e: {  	v26 =	vbroadcast v26, $0x0;
	v29 =	vmul.f32 v29, v61;
	[tilespmem:v33+s25+$0x0] =	vst.idx.msk vm0, v58;
	v33 =	vld [tilespmem:s7+$0xFFFFFF20];
	v34 =	vadd.f32 v34, v55  }
0x14f: {  	v55 =	vmul.f32 v35, v0;
	v41 =	vadd.f32 v41, v56;
	v56 =	vmul.f32 v45, v5;
	v0 =	vld [tilespmem:$0x1FF60]  }
0x150: {  	v58 =	vmul.f32 v35, v63;
	v1 =	vadd.f32 v1, v29;
	v29 =	vmul.f32 v45, v11;
	v11 =	vld [tilespmem:$0x1FFA0]  }
0x151: {  	v14 =	vadd.s32 $0x1, v14;
	v35 =	vmul.f32 v35, v61;
	v45 =	vmul.f32 v45, v62;
	v2 =	vld [tilespmem:$0x1FF10]  }
0x152: {  	v14 =	vbroadcast v14, $0x0;
	v6 =	vmul.f32 v6, v54;
	v29 =	vadd.f32 v29, v58;
	v58 =	vld [tilespmem:$0x1FFE0]  }
0x153: {  	v43 =	vmul.f32 v44, v43;
	v44 =	vmul.f32 v51, v47;
	v35 =	vadd.f32 v45, v35;
	v45 =	vld [tilespmem:s13+$0xFFFFFF70]  }
0x154: {  	v49 =	vmul.f32 v57, v49;
	v47 =	vadd.f32 v56, v55;
	v56 =	vld [tilespmem:s7+$0xFFFFFF70];
	v39 =	vmul.f32 v39, v53  }
0x155: {  	(xrf2) =	vadd.scan.msk.f32 $0xffff, v25;
	v33 =	vmul.f32 v33, v50;
	v54 =	vmul.f32 v43, v0  }
0x156: {  	(xrf2) =	vadd.scan.msk.f32 $0xffff, v24;
	v24 =	vshll.u32 v30, v8;
	v57 =	vmul.f32 v43, v11;
	v25 =	vmul.f32 v49, v0  }
0x157: {  	v59 =	vld [tilespmem:s13+$0x60];
	v32 =	vadd.f32 v3, v32;
	v3 =	vmul.f32 v33, v0;
	v5 =	vmul.f32 v33, v11  }
0x158: {  	v50 =	vld [tilespmem:s7+$0x60];
	v33 =	vmul.f32 v33, v58;
	v43 =	vmul.f32 v43, v58;
	v4 =	vadd.f32 v54, v4  }
0x159: {  	v30 =	vmul.f32 v56, v45;
	v38 =	vadd.f32 v57, v38;
	v25 =	vadd.f32 v25, v48  }
0x15a: {  	(xrf2) =	vadd.scan.msk.f32 $0xffff, v23;
	v51 =	vld [tilespmem:s13+$0xFFFFFF30];
	v54 =	vmul.f32 v44, v11;
	v34 =	vadd.f32 v3, v34;
	v41 =	vadd.f32 v5, v41  }
0x15b: {  	(xrf2) =	vadd.scan.msk.f32 $0xffff, v22;
	v55 =	vld [tilespmem:s7+$0xFFFFFF30];
	v3 =	vadd.f32 v33, v1;
	v1 =	vmul.f32 v44, v0;
	v44 =	vmul.f32 v44, v58  }
0x15c: {  	(xrf2) =	vadd.scan.msk.f32 $0xffff, v21;
	v53 =	vld [tilespmem:s7+$0xFFFFFFB0];
	v5 =	vadd.f32 v43, v27;
	[tilespmem:v2+s23+$0x0] =	vst.idx.msk vm0, v46;
	v46 =	vmul.f32 v49, v58  }
0x15d: {  	v57 =	vld [tilespmem:s13+$0xFFFFFFF0];
	v27 =	vmovc v11;
	v50 =	vmul.f32 v50, v59;
	v59 =	vmul.f32 v6, v0;
	v10 =	vadd.f32 v54, v10  }
0x15e: {  	(xrf2) =	vadd.scan.msk.f32 $0xffff, v20;
	v33 =	vld [tilespmem:s13+$0xFFFFFFB0];
	v45 =	vmul.f32 v49, v27;
	v20 =	vmul.f32 v39, v27;
	v42 =	vadd.f32 v1, v42  }
0x15f: {  	v43 =	vld [tilespmem:s7+$0xFFFFFFF0];
	v1 =	vmul.f32 v6, v11;
	v6 =	vmul.f32 v6, v58;
	v11 =	vadd.f32 v44, v12  }
0x160: {  	(xrf2) =	vadd.scan.msk.f32 $0xffff, v19;
	v54 =	vld [tilespmem:s13+$0x30];
	v44 =	vmul.f32 v55, v51;
	v23 =	vadd.f32 v59, v37;
	v37 =	vmul.f32 v50, v0  }
0x161: {  	(xrf2) =	vadd.scan.msk.f32 $0xffff, v18;
	v55 =	vld [tilespmem:$0x1FFB0];
	v19 =	vadd.f32 v45, v40;
	v22 =	vadd.f32 v1, v31;
	v31 =	vmul.f32 v50, v27  }
0x162: {  	(xrf2) =	vadd.scan.msk.f32 $0xffff, v17;
	v51 =	vld [tilespmem:s7+$0x30];
	v50 =	vmul.f32 v50, v58;
	v6 =	vadd.f32 v6, v7;
	v7 =	vmul.f32 v39, v0  }
0x163: {  	(xrf2) =	vadd.scan.msk.f32 $0xffff, v16;
	v16 =	vadd.f32 v20, v29;
	v39 =	vmul.f32 v39, v58;
	v45 =	vmul.f32 v44, v60  }
0x164: {  	v20 =	vmul.f32 v44, v28;
	v43 =	vmul.f32 v43, v57;
	v57 =	vmovc v58;
	v58 =	vadd.f32 v46, v9  }
0x165: {  	v33 =	vmul.f32 v53, v33;
	v18 =	vadd.f32 v37, v32;
	v29 =	vadd.f32 v45, v34  }
0x166: {  	v49 =	vld [tilespmem:s13+$0x70];
	v31 =	vadd.f32 v31, v52;
	v17 =	vadd.f32 v50, v36;
	v50 =	vmul.f32 v44, v55  }
0x167: {  	v53 =	vld [tilespmem:s7+$0x70];
	v7 =	vadd.f32 v7, v47;
	v34, _, _ =	vpop (xrf2);
	(xrf2) =	vadd.scan.msk.f32 $0xffff, v15;
	v35 =	vadd.f32 v39, v35;
	v21 =	vmul.f32 v51, v54  }
0x168: {  	v1 =	vld [tilespmem:s7+$0xB0];
	v51 =	vmul.f32 v30, v60;
	v52 =	vmul.f32 v30, v55;
	v39, _, _ =	vpop (xrf2);
	(xrf2) =	vadd.scan.msk.f32 $0xffff, v29;
	v36 =	vadd.f32 v50, v41  }
0x169: {  	v59 =	vmov v0;
	v0 =	vld [tilespmem:s13+$0xB0];
	v30 =	vmul.f32 v30, v28;
	v54 =	vadd.f32 v20, v3;
	[tilespmem:v2+s24+$0x0] =	vst.idx.msk vm0, v34;
	v29, _, _ =	vpop (xrf2)  }
0x16a: {  	v24 =	vadd.s32 $0x6, v24;
	v20 =	vmul.f32 v33, v55;
	v37 =	vmul.f32 v43, v60;
	[tilespmem:v2+s25+$0x0] =	vst.idx.msk vm0, v39;
	v44, _, _ =	vpop (xrf2)  }
0x16b: {  	v46 =	vmul.f32 v43, v55;
	v40 =	vmul.f32 v43, v28;
	v4 =	vadd.f32 v51, v4;
	v9 =	vld [tilespmem:$0x1FF20];
	(xrf2) =	vadd.scan.msk.f32 $0xffff, v36;
	v45, _, _ =	vpop (xrf2)  }
0x16c: {  	v38 =	vadd.f32 v52, v38;
	v32 =	vmul.f32 v53, v49;
	v53 =	vmul.f32 v33, v60;
	v36, _, _ =	vpop (xrf2)  }
0x16d: {  	v43 =	vmul.f32 v21, v60;
	v23 =	vadd.f32 v37, v23;
	v22 =	vadd.f32 v46, v22;
	v47, _, _ =	vpop (xrf2)  }
0x16e: {  	v40 =	vadd.f32 v40, v6;
	v15 =	vmul.f32 v1, v0;
	v33 =	vmul.f32 v33, v28;
	v48, _, _ =	vpop (xrf2);
	(xrf2) =	vadd.scan.msk.f32 $0xffff, v54  }
0x16f: {  	v0 =	vadd.f32 v30, v5;
	v30 =	vmul.f32 v21, v55;
	v21 =	vmul.f32 v21, v28;
	v50, _, _ =	vpop (xrf2)  }
0x170: {  	v56 =	vmov v27;
	v6 =	vadd.f32 v43, v25;
	v41 =	vadd.f32 v53, v42;
	[tilespmem:v26+s23+$0x0] =	vst.idx.msk vm0, v36;
	v53, _, _ =	vpop (xrf2)  }
0x171: {  	v43 =	vadd.f32 v21, v58;
	v21 =	vbroadcast v24, $0x0;
	[tilespmem:v26+s24+$0x0] =	vst.idx.msk vm0, v47;
	(xrf2) =	vadd.scan.msk.f32 $0xffff, v4;
	v27, _, _ =	vpop (xrf2)  }
0x172: {  	v5 =	vadd.f32 v20, v10;
	v42 =	vmul.f32 v32, v60;
	[tilespmem:v26+s25+$0x0] =	vst.idx.msk vm0, v48;
	v25, _, _ =	vpop (xrf2);
	(xrf2) =	vadd.scan.msk.f32 $0xffff, v38  }
0x173: {  	v49 =	vmul.f32 v32, v55;
	v20 =	vmul.f32 v32, v28;
	[tilespmem:v9+s23+$0x0] =	vst.idx.msk vm0, v29;
	(xrf2) =	vadd.scan.msk.f32 $0xffff, v0  }
0x174: {  	v51 =	vmul.f32 v15, v60;
	v52 =	vadd.f32 v33, v11;
	[tilespmem:v9+s24+$0x0] =	vst.idx.msk vm0, v44;
	(xrf2) =	vadd.scan.msk.f32 $0xffff, v41  }
0x175: {  	s13 =	sadd.s32 $0x2, s18;
	v19 =	vadd.f32 v30, v19;
	v44 =	vadd.f32 v42, v18;
	[tilespmem:v13+s23+$0x0] =	vst.idx.msk vm0, v25;
	v18, _, _ =	vpop (xrf2);
	(xrf2) =	vadd.scan.msk.f32 $0xffff, v5  }
0x176: {  	s19 =	sadd.s32 $0x3, s18;
	v46 =	vadd.f32 v20, v17;
	[tilespmem:v13+s24+$0x0] =	vst.idx.msk vm0, v18;
	v18 =	vmov s13;
	(xrf2) =	vadd.scan.msk.f32 $0xffff, v52  }
0x177: {  	v20 =	vmov s19;
	[tilespmem:v21+s23+$0x0] =	vst.idx.msk vm0, v50;
	v18 =	vshrl.u32 v18, $0x3;
	(xrf2) =	vadd.scan.msk.f32 $0xffff, v23  }
0x178: {  	v54 =	vmul.f32 v15, v55;
	[tilespmem:v21+s24+$0x0] =	vst.idx.msk vm0, v53;
	v18 =	vshll.u32 v18, v8;
	v17, _, _ =	vpop (xrf2);
	(xrf2) =	vadd.scan.msk.f32 $0xffff, v22  }
0x179: {  	s20 =	sadd.s32 $0x4, s18;
	[tilespmem:v13+s25+$0x0] =	vst.idx.msk vm0, v17;
	v13 =	vadd.s32 $0x2, v18;
	v17 =	vshrl.u32 v20, $0x3;
	(xrf2) =	vadd.scan.msk.f32 $0xffff, v40  }
0x17a: {  	v47 =	vbroadcast v13, $0x0;
	v13 =	vshll.u32 v17, v8;
	(xrf2) =	vadd.scan.msk.f32 $0xffff, v6;
	v6 =	vmov s20  }
0x17b: {  	v48 =	vadd.f32 v51, v7;
	[tilespmem:v9+s25+$0x0] =	vst.idx.msk vm0, v45;
	v45 =	vadd.f32 v49, v31;
	v7, _, _ =	vpop (xrf2);
	v6 =	vshrl.u32 v6, $0x3  }
0x17c: {  	[tilespmem:v14+s23+$0x0] =	vst.idx.msk vm0, v7;
	v7 =	vadd.s32 $0x3, v13;
	(xrf2) =	vadd.scan.msk.f32 $0xffff, v19;
	v6 =	vshll.u32 v6, v8  }
0x17d: {  	[tilespmem:v21+s25+$0x0] =	vst.idx.msk vm0, v27;
	v7 =	vbroadcast v7, $0x0;
	v13, _, _ =	vpop (xrf2);
	(xrf2) =	vadd.scan.msk.f32 $0xffff, v43;
	v6 =	vadd.s32 $0x4, v6  }
0x17e: {  	s28 =	sadd.s32 $0x5, s18;
	v15 =	vmul.f32 v15, v28;
	[tilespmem:v14+s24+$0x0] =	vst.idx.msk vm0, v13;
	v13, _, _ =	vpop (xrf2);
	(xrf2) =	vadd.scan.msk.f32 $0xffff, v44  }
0x17f: {  	v50 =	vmov s28;
	v49 =	vadd.f32 v54, v16;
	[tilespmem:v14+s25+$0x0] =	vst.idx.msk vm0, v13;
	v13, _, _ =	vpop (xrf2);
	(xrf2) =	vadd.scan.msk.f32 $0xffff, v45  }
0x180: {  	v0 =	vshrl.u32 v50, $0x3;
	v51 =	vbroadcast v6, $0x0;
	v6, _, _ =	vpop (xrf2);
	[tilespmem:v47+s23+$0x0] =	vst.idx.msk vm0, v13;
	(xrf2) =	vadd.scan.msk.f32 $0xffff, v46  }
0x181: {  	s31 =	sadd.s32 $0x6, s18;
	v0 =	vshll.u32 v0, v8;
	v52 =	vadd.f32 v15, v35;
	v13, _, _ =	vpop (xrf2);
	[tilespmem:v47+s24+$0x0] =	vst.idx.msk vm0, v6;
	(xrf2) =	vadd.scan.msk.f32 $0xffff, v48  }
0x182: {  	v53 =	vmov s31;
	v0 =	vadd.s32 $0x5, v0;
	v6, _, _ =	vpop (xrf2);
	[tilespmem:v47+s25+$0x0] =	vst.idx.msk vm0, v13;
	(xrf2) =	vadd.scan.msk.f32 $0xffff, v49  }
0x183: {  	v54 =	vshrl.u32 v53, $0x3;
	v0 =	vbroadcast v0, $0x0;
	v58, _, _ =	vpop (xrf2);
	[tilespmem:v7+s23+$0x0] =	vst.idx.msk vm0, v6;
	(xrf2) =	vadd.scan.msk.f32 $0xffff, v52  }
0x184: {  	v1 =	vshll.u32 v54, v8;
	v32, _, _ =	vpop (xrf2);
	[tilespmem:v7+s24+$0x0] =	vst.idx.msk vm0, v58  }
0x185: {  	v1 =	vadd.s32 $0x6, v1;
	v33, _, _ =	vpop (xrf2);
	[tilespmem:v7+s25+$0x0] =	vst.idx.msk vm0, v32  }
0x186: {  	v1 =	vbroadcast v1, $0x0;
	v34, _, _ =	vpop (xrf2);
	[tilespmem:v51+s23+$0x0] =	vst.idx.msk vm0, v33  }
0x187: {  	v35, _, _ =	vpop (xrf2);
	[tilespmem:v51+s24+$0x0] =	vst.idx.msk vm0, v34  }
0x188: {  	v36, _, _ =	vpop (xrf2);
	[tilespmem:v51+s25+$0x0] =	vst.idx.msk vm0, v35  }
0x189: {  	v37, _, _ =	vpop (xrf2);
	[tilespmem:v0+s23+$0x0] =	vst.idx.msk vm0, v36  }
0x18a: {  	v38, _, _ =	vpop (xrf2);
	[tilespmem:v0+s24+$0x0] =	vst.idx.msk vm0, v37  }
0x18b: {  	v39, _, _ =	vpop (xrf2);
	[tilespmem:v0+s25+$0x0] =	vst.idx.msk vm0, v38  }
0x18c: {  	s3 =	sld [smem:$0x0];
	v40, _, _ =	vpop (xrf2);
	[tilespmem:v1+s23+$0x0] =	vst.idx.msk vm0, v39  }
0x18d: {  	s1 =	sld [smem:$0x1];
	v41, _, _ =	vpop (xrf2);
	[tilespmem:v1+s24+$0x0] =	vst.idx.msk vm0, v40  }
0x18e: {  	s9 =	sld [smem:$0x6];
	[tilespmem:v1+s25+$0x0] =	vst.idx.msk vm0, v41  }
0x18f: {  	s12 =	sld [smem:$0xB];
	v0 =	vld [tilespmem:$0xC0D0]  }
0x190: {  	s10 =	sld [smem:$0x7];
	v1 =	vld [tilespmem:$0xC150]  }
0x191: {  	s11 =	sld [smem:$0xC];
	v2 =	vld [tilespmem:$0xC1D0]  }
0x192: {  	s28 =	sld [smem:$0x5]  }
0x193: {  	s7 =	sld [smem:$0xA]  }
0x194: {  	s2 =	sld [smem:$0x9]  }
0x195: {  	s19 =	sld [smem:$0x2];
	v42 =	vmul.f32 s3, v0;
	v43 =	vmul.f32 s28, v1  }
0x196: {  	s20 =	sld [smem:$0x8];
	v44 =	vmul.f32 s7, v2;
	v45 =	vmul.f32 s1, v0  }
0x197: {  	s13 =	sld [smem:$0x3];
	v6 =	vmul.f32 s9, v1;
	v7 =	vmul.f32 s12, v2  }
0x198: {  	s31 =	sld [smem:$0x4];
	v13 =	vmul.f32 s19, v0;
	v46 =	vmul.f32 s10, v1  }
0x199: {  	s0 =	sld [smem:$0xD];
	v14 =	vmul.f32 s11, v2;
	v15 =	vmul.f32 s20, v1;
	v3 =	vadd.f32 v43, v42  }
0x19a: {  	s18 =	sld [smem:$0xE];
	v1 =	vmul.f32 s2, v1;
	v4 =	vadd.f32 v6, v45;
	v6 =	vmul.f32 s13, v0  }
0x19b: {  	v5 =	vadd.f32 v46, v13;
	v0 =	vmul.f32 s31, v0;
	v3 =	vadd.f32 v44, v3  }
0x19c: {  	v4 =	vadd.f32 v7, v4;
	v6 =	vadd.f32 v15, v6;
	v7 =	vmul.f32 s0, v2  }
0x19d: {  	v47 =	vmul.f32 s18, v2;
	v5 =	vadd.f32 v14, v5;
	v0 =	vadd.f32 v1, v0  }
0x19e: {  	v51 =	vld [tilespmem:$0xC0E0];
	v48 =	vadd.f32 v7, v6;
	v6 =	vmax.f32 v3, v4  }
0x19f: {  	v52 =	vld [tilespmem:$0xC160];
	v0 =	vadd.f32 v47, v0;
	v49 =	vmax.f32 v6, v5  }
0x1a0: {  	v1 =	vmax.f32 v49, v48  }
0x1a1: {  	v1 =	vmax.f32 v1, v0  }
0x1a2: {  	v3 =	vsub.f32 v3, v1  }
0x1a3: {  	v53 =	vmul.f32 s3, v51;
	v4 =	vsub.f32 v4, v1  }
0x1a4: {  	v54 =	vmul.f32 s28, v52;
	v3 =	vmul.f32 $1.442695020e+00, v3  }
0x1a5: {  	v32 =	vmul.f32 s1, v51;
	v50 =	vsub.f32 v5, v1;
	v4 =	vmul.f32 $1.442695020e+00, v4  }
0x1a6: {  	v33 =	vmul.f32 s9, v52;
	(erf) = vpow2.f32 v3  }
0x1a7: {  	v6 =	vld [tilespmem:$0xC1E0];
	v2 =	vsub.f32 v48, v1;
	v3 =	vmul.f32 $1.442695020e+00, v50;
	(erf) = vpow2.f32 v4  }
0x1a8: {  	v16 =	vmul.f32 s19, v51;
	v34 =	vmul.f32 s10, v52  }
0x1a9: {  	v0 =	vsub.f32 v0, v1;
	v2 =	vmul.f32 $1.442695020e+00, v2;
	(erf) = vpow2.f32 v3  }
0x1aa: {  	v35 =	vmul.f32 s13, v51;
	v18 =	vmul.f32 s20, v52  }
0x1ab: {  	v0 =	vmul.f32 $1.442695020e+00, v0;
	(erf) = vpow2.f32 v2  }
0x1ac: {  	v5 =	vmul.f32 s2, v52;
	v58 =	vmul.f32 s7, v6  }
0x1ad: {  	v1 =	vadd.f32 v54, v53;
	v15 =	vmul.f32 s12, v6;
	(erf) = vpow2.f32 v0  }
0x1ae: {  	v4 =	vmul.f32 s31, v51;
	v3 =	vadd.f32 v18, v35;
	v2 =	vadd.f32 v33, v32  }
0x1af: {  	v17 =	vmul.f32 s11, v6;
	v0 =	vadd.f32 v58, v1;
	v1 =	vadd.f32 v34, v16;
	v13 =	vpop (erf)  }
0x1b0: {  	v4 =	vadd.f32 v5, v4;
	v16 =	vmul.f32 s0, v6;
	v2 =	vadd.f32 v15, v2;
	v14 =	vpop (erf)  }
0x1b1: {  	v36 =	vmul.f32 s18, v6;
	v1 =	vadd.f32 v17, v1;
	v7 =	vadd.f32 v14, v13  }
0x1b2: {  	v3 =	vadd.f32 v16, v3;
	v6 =	vmax.f32 v0, v2;
	v15 =	vpop (erf)  }
0x1b3: {  	v4 =	vadd.f32 v36, v4;
	v37 =	vmax.f32 v6, v1;
	v7 =	vadd.f32 v7, v15  }
0x1b4: {  	v5 =	vmax.f32 v37, v3;
	v16 =	vpop (erf)  }
0x1b5: {  	v39 =	vld [tilespmem:$0xC0F0];
	v5 =	vmax.f32 v5, v4;
	v6 =	vadd.f32 v7, v16  }
0x1b6: {  	v41 =	vld [tilespmem:$0xC170];
	v0 =	vsub.f32 v0, v5;
	v17 =	vpop (erf)  }
0x1b7: {  	v6 =	vadd.f32 v6, v17  }
0x1b8: {  	v0 =	vmul.f32 $1.442695020e+00, v0  }
0x1b9: {  	v2 =	vsub.f32 v2, v5;
	(erf) = vrcp.f32 v6  }
0x1ba: {  	v22 =	vmul.f32 s19, v39;
	(erf) = vpow2.f32 v0  }
0x1bb: {  	v24 =	vmul.f32 s20, v41;
	v38 =	vsub.f32 v1, v5;
	v2 =	vmul.f32 $1.442695020e+00, v2  }
0x1bc: {  	v43 =	vmul.f32 s3, v39;
	v46 =	vmul.f32 s1, v39  }
0x1bd: {  	v40 =	vsub.f32 v3, v5;
	v0 =	vmul.f32 $1.442695020e+00, v38;
	(erf) = vpow2.f32 v2  }
0x1be: {  	v44 =	vmul.f32 s28, v41;
	v47 =	vmul.f32 s9, v41;
	v6 =	vld [tilespmem:$0xC1F0]  }
0x1bf: {  	v4 =	vsub.f32 v4, v5;
	v2 =	vmul.f32 $1.442695020e+00, v40;
	(erf) = vpow2.f32 v0  }
0x1c0: {  	v49 =	vmul.f32 s13, v39;
	v48 =	vmul.f32 s10, v41  }
0x1c1: {  	v42 =	vmul.f32 $1.442695020e+00, v4;
	(erf) = vpow2.f32 v2  }
0x1c2: {  	v1 =	vmul.f32 s31, v39;
	v3 =	vmul.f32 s2, v41;
	v20 =	vpop (erf)  }
0x1c3: {  	v2 =	vadd.f32 v44, v43;
	v45 =	vmul.f32 s7, v6;
	v18 =	vpop (erf);
	(erf) = vpow2.f32 v42  }
0x1c4: {  	v5 =	vadd.f32 v24, v49;
	v4 =	vadd.f32 v47, v46;
	v21 =	vmul.f32 s12, v6  }
0x1c5: {  	v23 =	vmul.f32 s11, v6;
	v0 =	vadd.f32 v45, v2;
	v2 =	vadd.f32 v48, v22  }
0x1c6: {  	v1 =	vadd.f32 v3, v1;
	v4 =	vadd.f32 v21, v4;
	v21 =	vmul.f32 s0, v6;
	v19 =	vpop (erf)  }
0x1c7: {  	v50 =	vmul.f32 s18, v6;
	v2 =	vadd.f32 v23, v2;
	v7 =	vadd.f32 v19, v18  }
0x1c8: {  	v5 =	vadd.f32 v21, v5;
	v6 =	vmax.f32 v0, v4;
	v22 =	vpop (erf)  }
0x1c9: {  	v1 =	vadd.f32 v50, v1;
	v51 =	vmax.f32 v6, v2;
	v7 =	vadd.f32 v7, v22  }
0x1ca: {  	v3 =	vmax.f32 v51, v5;
	v21 =	vpop (erf)  }
0x1cb: {  	v53 =	vld [tilespmem:$0xC100];
	v3 =	vmax.f32 v3, v1;
	v6 =	vadd.f32 v7, v21  }
0x1cc: {  	v0 =	vsub.f32 v0, v3;
	v23 =	vpop (erf)  }
0x1cd: {  	v58 =	vld [tilespmem:$0xC180];
	v6 =	vadd.f32 v6, v23  }
0x1ce: {  	v0 =	vmul.f32 $1.442695020e+00, v0  }
0x1cf: {  	v4 =	vsub.f32 v4, v3;
	(erf) = vrcp.f32 v6  }
0x1d0: {  	v12 =	vmov v28;
	v28 =	vmul.f32 s19, v53;
	(erf) = vpow2.f32 v0  }
0x1d1: {  	v34 =	vmul.f32 s3, v53;
	v52 =	vsub.f32 v2, v3;
	v4 =	vmul.f32 $1.442695020e+00, v4  }
0x1d2: {  	v35 =	vmul.f32 s28, v58;
	v37 =	vmul.f32 s1, v53  }
0x1d3: {  	v54 =	vsub.f32 v5, v3;
	v0 =	vmul.f32 $1.442695020e+00, v52;
	(erf) = vpow2.f32 v4  }
0x1d4: {  	v30 =	vmul.f32 s20, v58;
	v39 =	vmul.f32 s10, v58;
	v6 =	vld [tilespmem:$0xC200]  }
0x1d5: {  	v1 =	vsub.f32 v1, v3;
	v4 =	vmul.f32 $1.442695020e+00, v54;
	(erf) = vpow2.f32 v0  }
0x1d6: {  	v38 =	vmul.f32 s9, v58;
	v40 =	vmul.f32 s13, v53  }
0x1d7: {  	v33 =	vmul.f32 $1.442695020e+00, v1;
	(erf) = vpow2.f32 v4  }
0x1d8: {  	v2 =	vmul.f32 s31, v53;
	v5 =	vmul.f32 s2, v58;
	v26 =	vpop (erf)  }
0x1d9: {  	v1 =	vadd.f32 v35, v34;
	v36 =	vmul.f32 s7, v6;
	v24 =	vpop (erf);
	(erf) = vpow2.f32 v33  }
0x1da: {  	v3 =	vadd.f32 v38, v37;
	v2 =	vadd.f32 v5, v2;
	v27 =	vmul.f32 s12, v6  }
0x1db: {  	v29 =	vmul.f32 s11, v6;
	v0 =	vadd.f32 v36, v1;
	v1 =	vadd.f32 v39, v28  }
0x1dc: {  	v4 =	vadd.f32 v30, v40;
	v3 =	vadd.f32 v27, v3;
	v28 =	vmul.f32 s0, v6;
	v25 =	vpop (erf)  }
0x1dd: {  	v41 =	vmul.f32 s18, v6;
	v1 =	vadd.f32 v29, v1;
	v7 =	vadd.f32 v25, v24  }
0x1de: {  	v4 =	vadd.f32 v28, v4;
	v6 =	vmax.f32 v0, v3;
	v27 =	vpop (erf)  }
0x1df: {  	v2 =	vadd.f32 v41, v2;
	v42 =	vmax.f32 v6, v1;
	v7 =	vadd.f32 v7, v27  }
0x1e0: {  	v5 =	vmax.f32 v42, v4;
	v28 =	vpop (erf)  }
0x1e1: {  	v46 =	vld [tilespmem:$0xC190];
	v5 =	vmax.f32 v5, v2;
	v6 =	vadd.f32 v7, v28  }
0x1e2: {  	v44 =	vld [tilespmem:$0xC110];
	v0 =	vsub.f32 v0, v5;
	v29 =	vpop (erf)  }
0x1e3: {  	v6 =	vadd.f32 v6, v29  }
0x1e4: {  	v0 =	vmul.f32 $1.442695020e+00, v0  }
0x1e5: {  	v3 =	vsub.f32 v3, v5;
	(erf) = vrcp.f32 v6  }
0x1e6: {  	v49 =	vmul.f32 s28, v46;
	(erf) = vpow2.f32 v0  }
0x1e7: {  	v48 =	vmul.f32 s3, v44;
	v43 =	vsub.f32 v1, v5;
	v3 =	vmul.f32 $1.442695020e+00, v3  }
0x1e8: {  	v51 =	vmul.f32 s1, v44;
	v58 =	vmul.f32 s10, v46  }
0x1e9: {  	v45 =	vsub.f32 v4, v5;
	v0 =	vmul.f32 $1.442695020e+00, v43;
	(erf) = vpow2.f32 v3  }
0x1ea: {  	v52 =	vmul.f32 s9, v46;
	v54 =	vmul.f32 s19, v44;
	v6 =	vld [tilespmem:$0xC210]  }
0x1eb: {  	v2 =	vsub.f32 v2, v5;
	v3 =	vmul.f32 $1.442695020e+00, v45;
	(erf) = vpow2.f32 v0  }
0x1ec: {  	v41 =	vmul.f32 s13, v44;
	v42 =	vmul.f32 s20, v46  }
0x1ed: {  	v47 =	vmul.f32 $1.442695020e+00, v2;
	(erf) = vpow2.f32 v3  }
0x1ee: {  	v1 =	vmul.f32 s31, v44;
	v4 =	vmul.f32 s2, v46;
	v30 =	vpop (erf)  }
0x1ef: {  	v2 =	vadd.f32 v49, v48;
	v50 =	vmul.f32 s7, v6;
	v31 =	vpop (erf);
	(erf) = vpow2.f32 v47  }
0x1f0: {  	v5 =	vadd.f32 v42, v41;
	v3 =	vadd.f32 v52, v51;
	v53 =	vmul.f32 s12, v6  }
0x1f1: {  	v40 =	vmul.f32 s11, v6;
	v0 =	vadd.f32 v50, v2;
	v2 =	vadd.f32 v58, v54  }
0x1f2: {  	v1 =	vadd.f32 v4, v1;
	v43 =	vmul.f32 s0, v6;
	v3 =	vadd.f32 v53, v3;
	v32 =	vpop (erf)  }
0x1f3: {  	v44 =	vmul.f32 s18, v6;
	v2 =	vadd.f32 v40, v2;
	v7 =	vadd.f32 v32, v31  }
0x1f4: {  	v5 =	vadd.f32 v43, v5;
	v6 =	vmax.f32 v0, v3;
	v33 =	vpop (erf)  }
0x1f5: {  	v1 =	vadd.f32 v44, v1;
	v45 =	vmax.f32 v6, v2;
	v7 =	vadd.f32 v7, v33  }
0x1f6: {  	v4 =	vmax.f32 v45, v5;
	v34 =	vpop (erf)  }
0x1f7: {  	v4 =	vmax.f32 v4, v1;
	v6 =	vadd.f32 v7, v34  }
0x1f8: {  	v0 =	vsub.f32 v0, v4;
	v46 =	vsub.f32 v2, v4;
	v2 =	vld [tilespmem:$0xC120];
	v35 =	vpop (erf)  }
0x1f9: {  	v47 =	vsub.f32 v5, v4;
	v5 =	vld [tilespmem:$0xC1A0];
	v6 =	vadd.f32 v6, v35  }
0x1fa: {  	v0 =	vmul.f32 $1.442695020e+00, v0  }
0x1fb: {  	v3 =	vsub.f32 v3, v4;
	v1 =	vsub.f32 v1, v4;
	(erf) = vrcp.f32 v6  }
0x1fc: {  	(erf) = vpow2.f32 v0  }
0x1fd: {  	v3 =	vmul.f32 $1.442695020e+00, v3;
	v48 =	vmul.f32 $1.442695020e+00, v1  }
0x1fe: {  	v49 =	vmul.f32 s3, v2;
	v50 =	vmul.f32 s28, v5  }
0x1ff: {  	v6 =	vld [tilespmem:$0xC220];
	v0 =	vmul.f32 $1.442695020e+00, v46;
	(erf) = vpow2.f32 v3  }
0x200: {  	v52 =	vmul.f32 s1, v2;
	v53 =	vmul.f32 s9, v5  }
0x201: {  	v3 =	vmul.f32 $1.442695020e+00, v47;
	(erf) = vpow2.f32 v0  }
0x202: {  	v58 =	vmul.f32 s19, v2;
	v45 =	vmul.f32 s10, v5  }
0x203: {  	v47 =	vmul.f32 s13, v2;
	(erf) = vpow2.f32 v3  }
0x204: {  	v1 =	vadd.f32 v50, v49;
	v51 =	vmul.f32 s7, v6;
	v54 =	vmul.f32 s12, v6;
	v37 =	vpop (erf)  }
0x205: {  	v3 =	vadd.f32 v53, v52;
	v46 =	vmul.f32 s11, v6;
	v36 =	vpop (erf);
	(erf) = vpow2.f32 v48  }
0x206: {  	v0 =	vadd.f32 v51, v1;
	v1 =	vadd.f32 v45, v58;
	v48 =	vmul.f32 s20, v5  }
0x207: {  	v2 =	vmul.f32 s31, v2;
	v3 =	vadd.f32 v54, v3;
	v5 =	vmul.f32 s2, v5  }
0x208: {  	v49 =	vmul.f32 s0, v6;
	v1 =	vadd.f32 v46, v1;
	v38 =	vpop (erf);
	v4 =	vadd.f32 v48, v47  }
0x209: {  	v50 =	vmul.f32 s18, v6;
	v7 =	vadd.f32 v38, v36;
	v2 =	vadd.f32 v5, v2  }
0x20a: {  	v6 =	vmax.f32 v0, v3;
	v39 =	vpop (erf);
	v4 =	vadd.f32 v49, v4  }
0x20b: {  	v51 =	vmax.f32 v6, v1;
	v7 =	vadd.f32 v7, v39;
	v2 =	vadd.f32 v50, v2  }
0x20c: {  	v40 =	vpop (erf);
	v5 =	vmax.f32 v51, v4  }
0x20d: {  	v6 =	vadd.f32 v7, v40;
	v5 =	vmax.f32 v5, v2  }
0x20e: {  	v0 =	vsub.f32 v0, v5;
	v41 =	vpop (erf)  }
0x20f: {  	v52 =	vsub.f32 v1, v5;
	v1 =	vld [tilespmem:$0xC130];
	v6 =	vadd.f32 v6, v41  }
0x210: {  	v53 =	vsub.f32 v4, v5;
	v4 =	vld [tilespmem:$0xC1B0];
	v0 =	vmul.f32 $1.442695020e+00, v0  }
0x211: {  	v3 =	vsub.f32 v3, v5;
	v2 =	vsub.f32 v2, v5;
	(erf) = vrcp.f32 v6  }
0x212: {  	(erf) = vpow2.f32 v0  }
0x213: {  	v3 =	vmul.f32 $1.442695020e+00, v3;
	v54 =	vmul.f32 $1.442695020e+00, v2  }
0x214: {  	v0 =	vmul.f32 $1.442695020e+00, v52;
	v58 =	vmul.f32 s3, v1  }
0x215: {  	v6 =	vld [tilespmem:$0xC230];
	v48 =	vmul.f32 s28, v4;
	(erf) = vpow2.f32 v3  }
0x216: {  	v50 =	vmul.f32 s1, v1;
	v51 =	vmul.f32 s9, v4  }
0x217: {  	v3 =	vmul.f32 $1.442695020e+00, v53;
	(erf) = vpow2.f32 v0  }
0x218: {  	v46 =	vmul.f32 s19, v1;
	v52 =	vmul.f32 s10, v4  }
0x219: {  	v2 =	vadd.f32 v48, v58;
	v58 =	vmul.f32 s20, v4;
	(erf) = vpow2.f32 v3  }
0x21a: {  	v49 =	vmul.f32 s7, v6;
	v45 =	vmul.f32 s12, v6;
	v42 =	vpop (erf)  }
0x21b: {  	v3 =	vadd.f32 v51, v50;
	v53 =	vmul.f32 s11, v6;
	v43 =	vpop (erf);
	(erf) = vpow2.f32 v54  }
0x21c: {  	v0 =	vadd.f32 v49, v2;
	v2 =	vadd.f32 v52, v46;
	v54 =	vmul.f32 s13, v1  }
0x21d: {  	v4 =	vmul.f32 s2, v4;
	v3 =	vadd.f32 v45, v3;
	v1 =	vmul.f32 s31, v1  }
0x21e: {  	v48 =	vmul.f32 s0, v6;
	v2 =	vadd.f32 v53, v2;
	v44 =	vpop (erf);
	v5 =	vadd.f32 v58, v54  }
0x21f: {  	v49 =	vmul.f32 s18, v6;
	v7 =	vadd.f32 v44, v43;
	v1 =	vadd.f32 v4, v1  }
0x220: {  	v6 =	vmax.f32 v0, v3;
	v45 =	vpop (erf);
	v5 =	vadd.f32 v48, v5  }
0x221: {  	v50 =	vmax.f32 v6, v2;
	v7 =	vadd.f32 v7, v45;
	v1 =	vadd.f32 v49, v1  }
0x222: {  	v46 =	vpop (erf);
	v4 =	vmax.f32 v50, v5  }
0x223: {  	v48 =	vld [tilespmem:$0xC1C0];
	v6 =	vadd.f32 v7, v46;
	v4 =	vmax.f32 v4, v1  }
0x224: {  	v0 =	vsub.f32 v0, v4;
	v47 =	vpop (erf)  }
0x225: {  	v3 =	vsub.f32 v3, v4;
	v6 =	vadd.f32 v6, v47  }
0x226: {  	v0 =	vmul.f32 $1.442695020e+00, v0  }
0x227: {  	v7 =	vld [tilespmem:$0xC140];
	v2 =	vsub.f32 v2, v4;
	v3 =	vmul.f32 $1.442695020e+00, v3;
	(erf) = vrcp.f32 v6  }
0x228: {  	v52 =	vsub.f32 v5, v4;
	v5 =	vmul.f32 s28, v48;
	(erf) = vpow2.f32 v0  }
0x229: {  	v1 =	vsub.f32 v1, v4;
	v51 =	vmul.f32 $1.442695020e+00, v2;
	(erf) = vpow2.f32 v3  }
0x22a: {  	v58 =	vmul.f32 s10, v48;
	v53 =	vmul.f32 $1.442695020e+00, v52  }
0x22b: {  	v54 =	vmul.f32 $1.442695020e+00, v1;
	v6 =	vld [tilespmem:$0xC240];
	(erf) = vpow2.f32 v51  }
0x22c: {  	v1 =	vmul.f32 s9, v48;
	v3 =	vmul.f32 s3, v7  }
0x22d: {  	v4 =	vmul.f32 s1, v7;
	v50 =	vmul.f32 s19, v7  }
0x22e: {  	(erf) = vpow2.f32 v53;
	v3 =	vadd.f32 v5, v3;
	v5 =	vmul.f32 s13, v7  }
0x22f: {  	v53 =	vmul.f32 s20, v48;
	v7 =	vmul.f32 s31, v7  }
0x230: {  	v1 =	vadd.f32 v1, v4;
	v2 =	vmul.f32 s7, v6;
	(erf) = vpow2.f32 v54;
	v52 =	vpop (erf)  }
0x231: {  	v0 =	vadd.f32 v58, v50;
	v48 =	vmul.f32 s2, v48;
	v49 =	vmul.f32 s12, v6;
	v4 =	vpop (erf)  }
0x232: {  	v51 =	vmul.f32 s11, v6;
	v5 =	vadd.f32 v53, v5;
	v2 =	vadd.f32 v2, v3;
	v3 =	vpop (erf)  }
0x233: {  	v54 =	vmul.f32 s0, v6;
	v1 =	vadd.f32 v49, v1;
	v58 =	vadd.f32 v3, v4  }
0x234: {  	v6 =	vmul.f32 s18, v6;
	v7 =	vadd.f32 v48, v7;
	v0 =	vadd.f32 v51, v0;
	v50 =	vpop (erf)  }
0x235: {  	v5 =	vadd.f32 v54, v5;
	v49 =	vadd.f32 v58, v50;
	v58 =	vmax.f32 v2, v1  }
0x236: {  	v13 =	vmul.f32 v20, v13;
	v6 =	vadd.f32 v6, v7;
	v7 =	vmax.f32 v58, v0  }
0x237: {  	v14 =	vmul.f32 v20, v14;
	v48 =	vpop (erf);
	v7 =	vmax.f32 v7, v5  }
0x238: {  	[tilespmem:$0xC250] =	vst v13;
	v13 =	vmul.f32 v20, v15;
	v49 =	vadd.f32 v49, v48;
	v7 =	vmax.f32 v7, v6  }
0x239: {  	v15 =	vmul.f32 v20, v16;
	[tilespmem:$0xC2D0] =	vst v14;
	v14 =	vmul.f32 v20, v17;
	v51 =	vpop (erf);
	v2 =	vsub.f32 v2, v7  }
0x23a: {  	[tilespmem:$0xC350] =	vst v13;
	v13 =	vmul.f32 v26, v18;
	v49 =	vadd.f32 v49, v51;
	v1 =	vsub.f32 v1, v7  }
0x23b: {  	[tilespmem:$0xC3D0] =	vst v15;
	v15 =	vmul.f32 v26, v19;
	v2 =	vmul.f32 $1.442695020e+00, v2  }
0x23c: {  	v0 =	vsub.f32 v0, v7;
	(erf) = vrcp.f32 v49;
	v1 =	vmul.f32 $1.442695020e+00, v1  }
0x23d: {  	[tilespmem:$0xC450] =	vst v14;
	v14 =	vmul.f32 v26, v22;
	(erf) = vpow2.f32 v2  }
0x23e: {  	[tilespmem:$0xC260] =	vst v13;
	v54 =	vsub.f32 v5, v7;
	v0 =	vmul.f32 $1.442695020e+00, v0;
	(erf) = vpow2.f32 v1  }
0x23f: {  	[tilespmem:$0xC2E0] =	vst v15;
	v32 =	vmul.f32 v37, v32;
	v33 =	vmul.f32 v37, v33  }
0x240: {  	[tilespmem:$0xC360] =	vst v14;
	v53 =	vmul.f32 $1.442695020e+00, v54;
	v54 =	vsub.f32 v6, v7;
	(erf) = vpow2.f32 v0  }
0x241: {  	v34 =	vmul.f32 v37, v34;
	v35 =	vmul.f32 v37, v35;
	[tilespmem:$0xC300] =	vst v32  }
0x242: {  	[tilespmem:$0xC380] =	vst v33;
	v5 =	vmul.f32 $1.442695020e+00, v54;
	(erf) = vpow2.f32 v53  }
0x243: {  	[tilespmem:$0xC400] =	vst v34;
	v38 =	vmul.f32 v42, v38;
	v6 =	vmul.f32 v30, v25  }
0x244: {  	[tilespmem:$0xC480] =	vst v35;
	v39 =	vmul.f32 v42, v39;
	(erf) = vpow2.f32 v5  }
0x245: {  	[tilespmem:$0xC310] =	vst v38;
	v0 =	vpop (erf)  }
0x246: {  	v40 =	vmul.f32 v42, v40;
	[tilespmem:$0xC390] =	vst v39;
	v5 =	vpop (erf)  }
0x247: {  	v43 =	vmul.f32 v52, v43;
	[tilespmem:$0xC2F0] =	vst v6;
	v6 =	vpop (erf)  }
0x248: {  	[tilespmem:$0xC410] =	vst v40;
	v44 =	vmul.f32 v52, v44;
	v7 =	vadd.f32 v6, v5  }
0x249: {  	[tilespmem:$0xC2A0] =	vst v43;
	v58 =	vmul.f32 v26, v21;
	v13 =	vpop (erf)  }
0x24a: {  	v45 =	vmul.f32 v52, v45;
	[tilespmem:$0xC320] =	vst v44;
	v7 =	vadd.f32 v7, v13  }
0x24b: {  	[tilespmem:$0xC3E0] =	vst v58;
	v58 =	vmul.f32 v30, v24;
	v14 =	vpop (erf)  }
0x24c: {  	v46 =	vmul.f32 v52, v46;
	[tilespmem:$0xC3A0] =	vst v45;
	v7 =	vadd.f32 v7, v14  }
0x24d: {  	[tilespmem:$0xC270] =	vst v58;
	v58 =	vmul.f32 v37, v31;
	v15 =	vpop (erf)  }
0x24e: {  	[tilespmem:$0xC420] =	vst v46;
	v37 =	vmul.f32 v42, v36;
	v7 =	vadd.f32 v7, v15  }
0x24f: {  	v49 =	vmul.f32 v26, v23;
	[tilespmem:$0xC280] =	vst v58  }
0x250: {  	v42 =	vmul.f32 v42, v41;
	[tilespmem:$0xC290] =	vst v37;
	(erf) = vrcp.f32 v7  }
0x251: {  	[tilespmem:$0xC460] =	vst v49;
	v49 =	vmul.f32 v30, v27  }
0x252: {  	[tilespmem:$0xC490] =	vst v42;
	v54 =	vmul.f32 v30, v29  }
0x253: {  	[tilespmem:$0xC370] =	vst v49;
	v49 =	vmul.f32 v52, v47  }
0x254: {  	[tilespmem:$0xC470] =	vst v54;
	v53 =	vmul.f32 v30, v28  }
0x255: {  	[tilespmem:$0xC4A0] =	vst v49;
	v52 =	vmul.f32 v0, v4  }
0x256: {  	[tilespmem:$0xC3F0] =	vst v53;
	v53 =	vmul.f32 v0, v3  }
0x257: {  	v54 =	vmul.f32 v0, v50;
	[tilespmem:$0xC2B0] =	vst v52  }
0x258: {  	v58 =	vmul.f32 v0, v48;
	[tilespmem:$0xC330] =	vst v53  }
0x259: {  	v0 =	vmul.f32 v0, v51;
	[tilespmem:$0xC3B0] =	vst v54;
	v4 =	vpop (erf)  }
0x25a: {  	[tilespmem:$0xC430] =	vst v58;
	v32 =	vmul.f32 v4, v5  }
0x25b: {  	[tilespmem:$0xC4B0] =	vst v0;
	v33 =	vmul.f32 v4, v6  }
0x25c: {  	v34 =	vmul.f32 v4, v13;
	[tilespmem:$0xC2C0] =	vst v32  }
0x25d: {  	v35 =	vmul.f32 v4, v14;
	[tilespmem:$0xC340] =	vst v33  }
0x25e: {  	s1 =	sor.u32 s6, s17;
	v1 =	vmul.f32 v4, v15;
	[tilespmem:$0xC3C0] =	vst v34  }
0x25f: {  	s0 =	sshrl.u32 s1, $0x3;
	[tilespmem:$0xC440] =	vst v35  }
0x260: {  	p1 =	seq.s32 s14, $0x1F;
	s2 =	simm.s32 $0xC250;
	s0 =	sadd.s32 s8, s0;
	[tilespmem:$0xC4C0] =	vst v1  }
0x261: {  	[hbm4b:s0+s16] =	stream.strided.scatter [tilespmem:s2], [sflag:$0x5], $0x280, s26, s16, $0x38;
	[tilespmem:$0xC750] =	vst v63  }
0x262: {  	s1 =	simm.s32 @!p1 $0x80;
	s0 =	sadd.s32 @!p1 $0x100, s17;
	s2 =	simm.s32 @!p1 $0x4000  }
0x263: {  	[tilespmem:s2], [sflag:$0x1] =	stream.indirect.gather @!p1 [hbm4b:s4+s1], $0x40, s0, s1, $0xb8;
	[tilespmem:$0xC750] =	vst v63  }
0x264: {  	s0 =	sadd.s32 @!p1 $0x2100, s17;
	s2 =	simm.s32 @!p1 $0x8000  }
0x265: {  	[tilespmem:s2], [sflag:$0x3] =	stream.indirect.gather @!p1 [hbm4b:s5+s1], $0x40, s0, s1, $0xb8;
	[tilespmem:$0xC750] =	vst v63  }
0x266: {  	_ =	swait.ge [sflag:s29], $0x2000  }
0x267: {  	[sflag:s29] =	ssyncset.done $0x0  }
0x268: {  	[sflag:s29] =	ssyncadd.s32 $0xFFFFE000  }
0x269: {  	_ =	swait.ge [sflag:s30], $0x2000  }
0x26a: {  	[sflag:s30] =	ssyncset.done $0x0  }
0x26b: {  	s0 =	simm.s32 @!p0 $0x6;
	[sflag:s30] =	ssyncadd.s32 $0xFFFFE000  }
0x26c: {  	_ =	swait.ge @!p0 [sflag:s0], $0x280  }
0x26d: {  	[sflag:s0] =	ssyncset.done @!p0 $0x0  }
0x26e: {  	s3 =	simm.s32 $0x61F0;
	v10 =	vld [tilespmem:$0x1FF40];
	[sflag:s0] =	ssyncadd.s32 @!p0 $0xFFFFFD80  }
0x26f: {  	v36 =	vld [tilespmem:s3+$0xFFFFFFF0]  }
0x270: {  	s7 =	simm.s32 $0xA1F0;
	v37 =	vld [tilespmem:s3+$0xFFFFFFD0]  }
0x271: {  	v38 =	vld [tilespmem:s7+$0xFFFFFFD0]  }
0x272: {  	v39 =	vld [tilespmem:s3+$0xFFFFFFE0]  }
0x273: {  	v40 =	vld [tilespmem:s7+$0xFFFFFFE0]  }
0x274: {  	v41 =	vld [tilespmem:s7+$0xFFFFFFF0]  }
0x275: {  	v7 =	vld [tilespmem:s3+$0x0]  }
0x276: {  	v13 =	vld [tilespmem:s7+$0x0]  }
0x277: {  	v14 =	vld [tilespmem:s3+$0xFFFFFE20]  }
0x278: {  	v15 =	vld [tilespmem:s7+$0xFFFFFE20]  }
0x279: {  	v16 =	vld [tilespmem:s3+$0xFFFFFE50]  }
0x27a: {  	v17 =	vld [tilespmem:s7+$0xFFFFFE50]  }
0x27b: {  	v43 =	vld [tilespmem:s3+$0xFFFFFE60]  }
0x27c: {  	v44 =	vld [tilespmem:s7+$0xFFFFFE60]  }
0x27d: {  	v19 =	vld [tilespmem:s3+$0xFFFFFE90]  }
0x27e: {  	v20 =	vld [tilespmem:s7+$0xFFFFFE90]  }
0x27f: {  	v23 =	vld [tilespmem:s3+$0xFFFFFEA0]  }
0x280: {  	v24 =	vld [tilespmem:s7+$0xFFFFFEA0]  }
0x281: {  	v46 =	vld [tilespmem:s3+$0xFFFFFEE0]  }
0x282: {  	v29 =	vld [tilespmem:s7+$0xFFFFFEE0];
	v1 =	vmul.f32 v38, v37  }
0x283: {  	v9 =	vld [tilespmem:$0x1FF50];
	v42 =	vmul.f32 v40, v39;
	v0 =	vmul.f32 v41, v36  }
0x284: {  	v11 =	vld [tilespmem:$0x1FF90];
	v7 =	vmul.f32 v13, v7;
	v14 =	vmul.f32 v15, v14  }
0x285: {  	v16 =	vmul.f32 v17, v16;
	v3 =	vmul.f32 v44, v43  }
0x286: {  	v19 =	vmul.f32 v20, v19;
	v23 =	vmul.f32 v24, v23  }
0x287: {  	v4 =	vmul.f32 v29, v46;
	v45 =	vmul.f32 v1, v10  }
0x288: {  	v18 =	vmul.f32 v42, v9;
	v13 =	vmul.f32 v0, v59  }
0x289: {  	v21 =	vmul.f32 v1, v63;
	v22 =	vmul.f32 v42, v11  }
0x28a: {  	v6 =	vld [tilespmem:s7+$0xFFFFFE10];
	v15 =	vmul.f32 v7, v60;
	v25 =	vmul.f32 v0, v56  }
0x28b: {  	v26 =	vld [tilespmem:s3+$0xFFFFFED0];
	v1 =	vmul.f32 v1, v61;
	v2 =	vmul.f32 v42, v62  }
0x28c: {  	v48 =	vld [tilespmem:s3+$0xFFFFFF20];
	v27 =	vmul.f32 v7, v55;
	v0 =	vmul.f32 v0, v57  }
0x28d: {  	v49 =	vld [tilespmem:s7+$0xFFFFFF20];
	v28 =	vmul.f32 v14, v9;
	v30 =	vmul.f32 v14, v11  }
0x28e: {  	v32 =	vld [tilespmem:s3+$0xFFFFFEB0];
	v7 =	vmul.f32 v7, v12;
	v31 =	vmul.f32 v16, v10  }
0x28f: {  	v17 =	vld [tilespmem:s7+$0xFFFFFED0];
	v47 =	vmul.f32 v3, v9;
	v24 =	vmul.f32 v16, v63  }
0x290: {  	v37 =	vld [tilespmem:s7+$0xFFFFFEB0];
	v16 =	vmul.f32 v16, v61;
	v52 =	vmul.f32 v19, v10  }
0x291: {  	v50 =	vld [tilespmem:s3+$0xFFFFFF50];
	v54 =	vmul.f32 v23, v11;
	v43 =	vmul.f32 v4, v9  }
0x292: {  	v20 =	vld [tilespmem:s3+$0xFFFFFF10];
	v5 =	vadd.f32 v18, v45;
	v18 =	vmul.f32 v14, v62;
	v21 =	vadd.f32 v22, v21  }
0x293: {  	v42 =	vld [tilespmem:s3+$0xFFFFFFA0];
	v22 =	vmul.f32 v3, v11;
	v3 =	vmul.f32 v3, v62;
	v1 =	vadd.f32 v2, v1  }
0x294: {  	v14 =	vld [tilespmem:s7+$0xFFFFFF10];
	v31 =	vadd.f32 v47, v31;
	v51 =	vmul.f32 v17, v26;
	v26 =	vmul.f32 v23, v9  }
0x295: {  	v45 =	vld [tilespmem:s7+$0xFFFFFFA0];
	v23 =	vmul.f32 v23, v62;
	v32 =	vmul.f32 v37, v32;
	v5 =	vadd.f32 v13, v5  }
0x296: {  	v17 =	vld [tilespmem:s7+$0xFFFFFF50];
	v22 =	vadd.f32 v22, v24;
	v24 =	vmul.f32 v4, v11;
	v4 =	vmul.f32 v4, v62  }
0x297: {  	v46 =	vld [tilespmem:s3+$0xFFFFFE10];
	v0 =	vadd.f32 v0, v1;
	v58 =	vmul.f32 v51, v10;
	v44 =	vmul.f32 v51, v63  }
0x298: {  	v36 =	vld [tilespmem:s7+$0xFFFFFE30];
	v13 =	vadd.f32 v15, v5;
	v15 =	vadd.f32 v25, v21;
	v21 =	vmul.f32 v19, v63  }
0x299: {  	v3 =	vadd.f32 v3, v16;
	v16 =	vld [tilespmem:s3+$0xFFFFFE30];
	v19 =	vmul.f32 v19, v61;
	v5 =	vmul.f32 v51, v61  }
0x29a: {  	v20 =	vmul.f32 v14, v20;
	v33 =	vmul.f32 v45, v42;
	v14 =	vadd.f32 v27, v15  }
0x29b: {  	v53 =	vld [tilespmem:s3+$0xFFFFFF60];
	v15 =	vadd.f32 v7, v0;
	v7 =	vmul.f32 v49, v48;
	v17 =	vmul.f32 v17, v50  }
0x29c: {  	v35 =	vld [tilespmem:s3+$0xFFFFFEF0];
	v2 =	vadd.f32 v26, v52;
	v49 =	vmul.f32 v6, v46;
	v26 =	vmul.f32 v20, v10  }
0x29d: {  	v25 =	vld [tilespmem:s7+$0xFFFFFF60];
	v24 =	vadd.f32 v24, v44;
	v47 =	vmul.f32 v20, v63;
	v20 =	vmul.f32 v20, v61  }
0x29e: {  	v29 =	vld [tilespmem:s3+$0xFFFFFF90];
	v1 =	vadd.f32 v54, v21;
	v54 =	vmul.f32 v33, v9;
	v16 =	vmul.f32 v36, v16  }
0x29f: {  	v39 =	vld [tilespmem:s3+$0xFFFFFE70];
	v19 =	vadd.f32 v23, v19;
	v21 =	vmul.f32 v7, v9;
	v23 =	vmul.f32 v7, v11  }
0x2a0: {  	v27 =	vld [tilespmem:s7+$0xFFFFFF90];
	v0 =	vadd.f32 v43, v58;
	v7 =	vmul.f32 v7, v62;
	v48 =	vmul.f32 v17, v10  }
0x2a1: {  	v41 =	vld [tilespmem:s7+$0xFFFFFEF0];
	v4 =	vadd.f32 v4, v5;
	v50 =	vmul.f32 v49, v10;
	v51 =	vmul.f32 v49, v63  }
0x2a2: {  	v37 =	vld [tilespmem:s3+$0xFFFFFE40];
	v5 =	vmul.f32 v49, v61;
	v25 =	vmul.f32 v25, v53;
	v21 =	vadd.f32 v21, v26  }
0x2a3: {  	v52 =	vld [tilespmem:s3+$0xFFFFFF30];
	v26 =	vmul.f32 v17, v63;
	v23 =	vadd.f32 v23, v47;
	v7 =	vadd.f32 v7, v20  }
0x2a4: {  	v44 =	vld [tilespmem:s3+$0xFFFFFF70];
	v17 =	vmul.f32 v17, v61;
	v30 =	vadd.f32 v30, v51;
	v51 =	vmul.f32 v16, v59  }
0x2a5: {  	v46 =	vld [tilespmem:s3+$0xFFFFFF00];
	v28 =	vadd.f32 v28, v50;
	v47 =	vmul.f32 v32, v56;
	v27 =	vmul.f32 v27, v29  }
0x2a6: {  	v20 =	vld [tilespmem:s7+$0xFFFFFF30];
	v5 =	vadd.f32 v18, v5;
	v6 =	vmul.f32 v25, v9;
	v40 =	vmul.f32 v25, v11  }
0x2a7: {  	v29 =	vld [tilespmem:s7+$0xFFFFFE70];
	v25 =	vmul.f32 v25, v62;
	v28 =	vadd.f32 v51, v28;
	v1 =	vadd.f32 v47, v1  }
0x2a8: {  	v50 =	vld [tilespmem:s7+$0xFFFFFE40];
	v6 =	vadd.f32 v6, v48;
	v53 =	vmul.f32 v27, v10;
	v58 =	vmul.f32 v27, v63  }
0x2a9: {  	v49 =	vld [tilespmem:s3+$0xFFFFFFB0];
	v48 =	vmul.f32 v33, v11;
	v18 =	vmul.f32 v27, v61;
	v26 =	vadd.f32 v40, v26  }
0x2aa: {  	v63 =	vld [tilespmem:s7+$0xFFFFFF70];
	v33 =	vmul.f32 v33, v62;
	v17 =	vadd.f32 v25, v17;
	v25 =	vmul.f32 v41, v35  }
0x2ab: {  	v61 =	vld [tilespmem:s3+$0xFFFFFEC0];
	v34 =	vadd.f32 v54, v53;
	v20 =	vmul.f32 v20, v52;
	v53 =	vmul.f32 v16, v56  }
0x2ac: {  	v38 =	vadd.f32 v48, v58;
	v16 =	vmul.f32 v16, v57;
	v48 =	vld [tilespmem:s7+$0xFFFFFF00];
	v27 =	vmul.f32 v29, v39  }
0x2ad: {  	v18 =	vadd.f32 v33, v18;
	v35 =	vmul.f32 v50, v37;
	v51 =	vmul.f32 v25, v56;
	v29 =	vld [tilespmem:s7+$0xFFFFFFB0]  }
0x2ae: {  	v52 =	vld [tilespmem:s3+$0xFFFFFE80];
	v5 =	vadd.f32 v16, v5;
	v16 =	vmul.f32 v32, v59;
	v58 =	vmul.f32 v27, v59  }
0x2af: {  	s11 =	simm.s32 $0x7;
	v54 =	vld [tilespmem:s7+$0xFFFFFE80];
	v30 =	vadd.f32 v53, v30;
	v62 =	vmul.f32 v27, v56;
	v27 =	vmul.f32 v27, v57  }
0x2b0: {  	v24 =	vadd.f32 v51, v24;
	v42 =	vmul.f32 v63, v44;
	v63 =	vld [tilespmem:s7+$0xFFFFFEC0];
	v44 =	vmov s11  }
0x2b1: {  	v50 =	vld [tilespmem:s7+$0xFFFFFF40];
	v2 =	vadd.f32 v16, v2;
	v3 =	vadd.f32 v27, v3;
	v27 =	vmul.f32 v32, v57  }
0x2b2: {  	v16 =	vld [tilespmem:s3+$0xFFFFFF40];
	v31 =	vadd.f32 v58, v31;
	v33 =	vmul.f32 v48, v46;
	v29 =	vmul.f32 v29, v49  }
0x2b3: {  	v53 =	vld [tilespmem:s3+$0xFFFFFF80];
	v22 =	vadd.f32 v62, v22;
	v49 =	vmul.f32 v25, v59;
	v25 =	vmul.f32 v25, v57  }
0x2b4: {  	v58 =	vld [tilespmem:s7+$0xFFFFFF80];
	v19 =	vadd.f32 v27, v19;
	v27 =	vmul.f32 v54, v52;
	v54 =	vmul.f32 v20, v59  }
0x2b5: {  	v52 =	vmul.f32 v63, v61;
	v4 =	vadd.f32 v25, v4;
	v25 =	vmul.f32 v20, v56  }
0x2b6: {  	v0 =	vadd.f32 v49, v0;
	v20 =	vmul.f32 v20, v57;
	v61 =	vmul.f32 v42, v59  }
0x2b7: {  	(xrf2) =	vadd.scan.msk.f32 $0xffff, v13;
	v16 =	vmul.f32 v50, v16;
	v21 =	vadd.f32 v54, v21;
	v13 =	vmul.f32 v27, v55  }
0x2b8: {  	v63 =	vadd.f32 v25, v23;
	v23 =	vmul.f32 v42, v56;
	v25 =	vmul.f32 v42, v57  }
0x2b9: {  	(xrf2) =	vadd.scan.msk.f32 $0xffff, v14;
	v7 =	vadd.f32 v20, v7;
	v42 =	vmul.f32 v29, v59;
	v36 =	vmul.f32 v58, v53  }
0x2ba: {  	(xrf2) =	vadd.scan.msk.f32 $0xffff, v15;
	v6 =	vadd.f32 v61, v6;
	v14 =	vmul.f32 v52, v60;
	v15 =	vmul.f32 v52, v12  }
0x2bb: {  	s9 =	simm.s32 $0x0;
	v62 =	vld [tilespmem:s3+$0xFFFFFFC0];
	v13 =	vadd.f32 v13, v22;
	v22 =	vmul.f32 v33, v60;
	v26 =	vadd.f32 v23, v26  }
0x2bc: {  	v20 =	vld [tilespmem:s7+$0xFFFFFFC0];
	v23 =	vmul.f32 v29, v56;
	v17 =	vadd.f32 v25, v17;
	v25 =	vmov s9  }
0x2bd: {  	v29 =	vmul.f32 v29, v57;
	v2 =	vadd.f32 v14, v2;
	v14 =	vmul.f32 v16, v55  }
0x2be: {  	s10 =	simm.s32 $0x1;
	v32 =	vadd.f32 v15, v19;
	v15 =	vmul.f32 v36, v55;
	v25 =	vshrl.u32 v25, $0x3  }
0x2bf: {  	v43 =	vadd.f32 v23, v38;
	v23 =	vmov s10;
	v29 =	vadd.f32 v29, v18  }
0x2c0: {  	v18 =	vmul.f32 v35, v60;
	v25 =	vshll.u32 v25, v8;
	v23 =	vshrl.u32 v23, $0x3  }
0x2c1: {  	v20 =	vmul.f32 v20, v62;
	v45 =	vshll.u32 v23, v8;
	v23 =	vshrl.u32 v44, $0x3  }
0x2c2: {  	v18 =	vadd.f32 v18, v28;
	v28 =	vmul.f32 v35, v55;
	v23 =	vshll.u32 v23, v8  }
0x2c3: {  	v46 =	vbroadcast v25, $0x0;
	v25 =	vmul.f32 v35, v12;
	v23 =	vadd.s32 $0x7, v23  }
0x2c4: {  	v19 =	vmul.f32 v36, v12;
	v47 =	vbroadcast v23, $0x0;
	v23 =	vadd.f32 v28, v30  }
0x2c5: {  	v5 =	vadd.f32 v25, v5;
	v25 =	vmul.f32 v27, v12;
	v48 =	vmul.f32 v20, v60;
	(xrf2) =	vadd.scan.msk.f32 $0xffff, v18  }
0x2c6: {  	v34 =	vadd.f32 v42, v34;
	v49 =	vmul.f32 v20, v55;
	v50 =	vmul.f32 v20, v12;
	(xrf2) =	vadd.scan.msk.f32 $0xffff, v23  }
0x2c7: {  	v19 =	vadd.f32 v19, v17;
	v18 =	vmul.f32 v33, v55;
	v28 =	vmul.f32 v27, v60;
	(xrf2) =	vadd.scan.msk.f32 $0xffff, v5  }
0x2c8: {  	v3 =	vadd.f32 v25, v3;
	v30 =	vmul.f32 v33, v12;
	v17 =	vadd.f32 v48, v34  }
0x2c9: {  	v25 =	vadd.f32 v18, v24;
	v27 =	vadd.f32 v28, v31;
	v28 =	vmul.f32 v52, v55  }
0x2ca: {  	s12 =	simm.s32 $0x9;
	v18 =	vadd.f32 v15, v26;
	v23 =	vmul.f32 v16, v60;
	v16 =	vmul.f32 v16, v12  }
0x2cb: {  	v15 =	vadd.s32 $0x1, v45;
	v26 =	vmov s12;
	v31 =	vadd.f32 v22, v0  }
0x2cc: {  	s13 =	simm.s32 $0x63F0;
	s17 =	simm.s32 $0x8;
	v1 =	vadd.f32 v28, v1;
	v28 =	vmul.f32 v36, v60;
	(xrf2) =	vadd.scan.msk.f32 $0xffff, v27;
	v60 =	vadd.f32 v16, v7;
	v7, _, _ =	vpop (xrf2)  }
0x2cd: {  	s20 =	simm.s32 $0x4;
	v51 =	vld [tilespmem:s13+$0xFFFFFFE0];
	s7 =	simm.s32 $0xA3F0;
	v22 =	vadd.f32 v14, v63;
	v14 =	vmov s17;
	(xrf2) =	vadd.scan.msk.f32 $0xffff, v13;
	v13, _, _ =	vpop (xrf2);
	[tilespmem:v47+s23+$0x0] =	vst.idx.msk vm0, v7  }
0x2ce: {  	s28 =	simm.s32 $0x5;
	s31 =	simm.s32 $0x6;
	v54 =	vld [tilespmem:s7+$0xFFFFFFE0];
	v24 =	vadd.f32 v30, v4;
	v33 =	vbroadcast v15, $0x0;
	v52 =	vmov s20;
	v16, _, _ =	vpop (xrf2);
	[tilespmem:v47+s24+$0x0] =	vst.idx.msk vm0, v13  }
0x2cf: {  	v30 =	vmov s28;
	v55 =	vmov s31;
	v20 =	vadd.f32 v28, v6;
	v6 =	vld [tilespmem:s13+$0xFFFFFFF0];
	[tilespmem:v47+s25+$0x0] =	vst.idx.msk vm0, v16;
	v15, _, _ =	vpop (xrf2)  }
0x2d0: {  	v53 =	vshrl.u32 v14, $0x3;
	v5 =	vshrl.u32 v52, $0x3;
	v58 =	vshrl.u32 v30, $0x3;
	v7 =	vld [tilespmem:s13+$0xFFFFFFD0];
	[tilespmem:v46+s23+$0x0] =	vst.idx.msk vm0, v15;
	v14, _, _ =	vpop (xrf2)  }
0x2d1: {  	s18 =	simm.s32 $0x2;
	v30 =	vshrl.u32 v55, $0x3;
	v23 =	vadd.f32 v23, v21;
	v28 =	vld [tilespmem:s7+$0xFFFFFFD0];
	[tilespmem:v46+s24+$0x0] =	vst.idx.msk vm0, v14;
	v14 =	vshrl.u32 v26, $0x3;
	v56, _, _ =	vpop (xrf2)  }
0x2d2: {  	s19 =	simm.s32 $0x3;
	v27 =	vmov s18;
	v4 =	vshll.u32 v53, v8;
	v26 =	vld [tilespmem:s7+$0xFFFFFFF0];
	[tilespmem:v46+s25+$0x0] =	vst.idx.msk vm0, v56;
	v9 =	vshll.u32 v14, v8  }
0x2d3: {  	v27 =	vshrl.u32 v27, $0x3;
	v13 =	vmov s19;
	v15 =	vadd.f32 v50, v29;
	v29 =	vld [tilespmem:s7+$0xFFFFFE10];
	[tilespmem:$0x1FF30] =	vst v9  }
0x2d4: {  	v37 =	vshll.u32 v5, v8;
	v36 =	vmul.f32 v54, v51;
	v59 =	vshll.u32 v27, v8;
	v39 =	vld [tilespmem:s13+$0x0]  }
0x2d5: {  	v63 =	vbroadcast v4, $0x0;
	v42 =	vadd.s32 $0x2, v59;
	v57 =	vshrl.u32 v13, $0x3;
	(xrf2) =	vadd.scan.msk.f32 $0xffff, v3;
	v41 =	vld [tilespmem:s7+$0x0]  }
0x2d6: {  	v16 =	vadd.f32 v49, v43;
	v27 =	vshll.u32 v57, v8;
	v35 =	vmul.f32 v28, v7;
	(xrf2) =	vadd.scan.msk.f32 $0xffff, v2;
	v13, _, _ =	vpop (xrf2);
	v40 =	vld [tilespmem:s13+$0xFFFFFE20]  }
0x2d7: {  	s9 =	simm.s32 $0x10;
	(xrf2) =	vadd.scan.msk.f32 $0xffff, v1;
	v28, _, _ =	vpop (xrf2);
	[tilespmem:v33+s23+$0x0] =	vst.idx.msk vm0, v13;
	v38 =	vld [tilespmem:s7+$0xFFFFFE20];
	v34 =	vmul.f32 v26, v6;
	v26 =	vshll.u32 v58, v8  }
.LBB2_5:
0x2d8: {  	v0 =	vld [tilespmem:s13+$0xFFFFFE50]  }
0x2d9: {  	v9 =	vld [tilespmem:$0x1FF40]  }
0x2da: {  	v55 =	vld [tilespmem:$0x1FF50]  }
0x2db: {  	v56 =	vld [tilespmem:$0x1FF80]  }
0x2dc: {  	v57 =	vld [tilespmem:$0x1FF90]  }
0x2dd: {  	v44 =	vld [tilespmem:s13+$0xFFFFFE90]  }
0x2de: {  	v10 =	vld [tilespmem:$0x1FF70]  }
0x2df: {  	v11 =	vld [tilespmem:$0x1FFA0]  }
0x2e0: {  	v54 =	vld [tilespmem:s13+$0xFFFFFEA0]  }
0x2e1: {  	v58 =	vld [tilespmem:$0x1FFC0]  }
0x2e2: {  	v59 =	vld [tilespmem:$0x1FFD0]  }
0x2e3: {  	[tilespmem:v33+s24+$0x0] =	vst.idx.msk vm0, v28;
	v14 =	vld [tilespmem:$0x1FFE0]  }
0x2e4: {  	v3 =	vadd.s32 $0x3, v27;
	v5 =	vbroadcast v42, $0x0;
	v4 =	vld [tilespmem:s7+$0xFFFFFE50]  }
0x2e5: {  	v28 =	vbroadcast v3, $0x0;
	v21 =	vmov v63;
	v63 =	vld [tilespmem:$0x1FF60];
	v6 =	vmul.f32 v41, v39  }
0x2e6: {  	v3 =	vld [tilespmem:s13+$0xFFFFFE60];
	v62 =	vmul.f32 v38, v40;
	v1 =	vmul.f32 v35, v9  }
0x2e7: {  	v48 =	vshll.u32 v30, v8;
	v50 =	vld [tilespmem:s7+$0xFFFFFE60];
	v2 =	vmul.f32 v36, v55;
	v30 =	vmul.f32 v35, v56  }
0x2e8: {  	v47 =	vld [tilespmem:s7+$0xFFFFFEA0];
	(xrf2) =	vadd.scan.msk.f32 $0xffff, v32;
	v61 =	vmul.f32 v36, v57;
	v53 =	vmul.f32 v34, v11  }
0x2e9: {  	v12 =	vadd.s32 $0x4, v37;
	v45 =	vmul.f32 v35, v58;
	v46 =	vmul.f32 v36, v59;
	v7, _, _ =	vpop (xrf2);
	(xrf2) =	vadd.scan.msk.f32 $0xffff, v31;
	v31 =	vld [tilespmem:s7+$0xFFFFFE90]  }
0x2ea: {  	v49 =	vmul.f32 v34, v63;
	v52 =	vadd.f32 v61, v30;
	v30 =	vbroadcast v12, $0x0;
	v12 =	vld [tilespmem:$0x1FFB0]  }
0x2eb: {  	v51 =	vmul.f32 v6, v10;
	v0 =	vmul.f32 v4, v0;
	v1 =	vadd.f32 v2, v1;
	v61 =	vld [tilespmem:s7+$0xFFFFFEE0]  }
0x2ec: {  	v3 =	vmul.f32 v50, v3;
	v50 =	vmul.f32 v34, v14;
	v2 =	vadd.f32 v46, v45;
	v45 =	vld [tilespmem:s13+$0xFFFFFF20]  }
0x2ed: {  	[tilespmem:$0x1FF00] =	vst v48;
	v38 =	vmul.f32 v62, v55;
	v37 =	vmul.f32 v62, v59;
	v1 =	vadd.f32 v49, v1;
	v49 =	vld [tilespmem:s13+$0xFFFFFED0]  }
0x2ee: {  	v4 =	vmul.f32 v47, v54;
	[tilespmem:v33+s25+$0x0] =	vst.idx.msk vm0, v7;
	v48 =	vadd.f32 v53, v52;
	v52 =	vld [tilespmem:s7+$0xFFFFFED0]  }
0x2ef: {  	v46 =	vld [tilespmem:s7+$0xFFFFFF20];
	v33 =	vmul.f32 v62, v57;
	v62 =	vmul.f32 v3, v55;
	v13 =	vadd.f32 v51, v1  }
0x2f0: {  	s0 =	sadd.s32 $0x7, s17;
	v43 =	vmul.f32 v3, v57;
	v40 =	vmul.f32 v31, v44;
	v31 =	vld [tilespmem:s13+$0xFFFFFEE0]  }
0x2f1: {  	v27 =	vmov s0;
	v7, _, _ =	vpop (xrf2);
	v54 =	vmul.f32 v4, v55;
	v41 =	vmul.f32 v6, v12;
	(xrf2) =	vadd.scan.msk.f32 $0xffff, v13;
	v13 =	vld [tilespmem:$0x1FFF0]  }
0x2f2: {  	v2 =	vadd.f32 v50, v2;
	v53 =	vmul.f32 v0, v9;
	v50 =	vmul.f32 v3, v59;
	v44 =	vld [tilespmem:s7+$0xFFFFFF10]  }
0x2f3: {  	[tilespmem:v5+s23+$0x0] =	vst.idx.msk vm0, v7;
	v51, _, _ =	vpop (xrf2);
	v36 =	vadd.f32 v41, v48;
	v48 =	vld [tilespmem:s13+$0xFFFFFF10];
	v1 =	vmul.f32 v52, v49;
	v49 =	vshrl.u32 v27, $0x3  }
0x2f4: {  	v47 =	vld [tilespmem:s13+$0xFFFFFF50];
	v7, _, _ =	vpop (xrf2);
	[tilespmem:v5+s24+$0x0] =	vst.idx.msk vm0, v51;
	v45 =	vmul.f32 v46, v45;
	v32 =	vshll.u32 v49, v8  }
0x2f5: {  	[tilespmem:v5+s25+$0x0] =	vst.idx.msk vm0, v7;
	v7 =	vld [tilespmem:s7+$0xFFFFFF50];
	v51 =	vmul.f32 v40, v9;
	v52 =	vmul.f32 v4, v59;
	v32 =	vadd.s32 $0x7, v32  }
0x2f6: {  	v46 =	vld [tilespmem:s13+$0xFFFFFF90];
	(xrf2) =	vadd.scan.msk.f32 $0xffff, v36;
	v41 =	vbroadcast v32, $0x0;
	v6 =	vmul.f32 v6, v13  }
0x2f7: {  	v36 =	vmul.f32 v40, v58;
	v42 =	vmul.f32 v61, v31;
	v31 =	vadd.f32 v62, v53;
	v53 =	vld [tilespmem:s7+$0xFFFFFF60]  }
0x2f8: {  	v3 =	vmul.f32 v1, v9;
	v39 =	vmul.f32 v44, v48;
	v48 =	vld [tilespmem:s7+$0xFFFFFF90];
	v2 =	vadd.f32 v6, v2  }
0x2f9: {  	v61 =	vmul.f32 v40, v56;
	v44 =	vld [tilespmem:s13+$0xFFFFFEB0];
	v6 =	vmul.f32 v0, v56  }
0x2fa: {  	v35 =	vadd.f32 v54, v51;
	v34, _, _ =	vpop (xrf2);
	v5 =	vmul.f32 v42, v55;
	(xrf2) =	vadd.scan.msk.f32 $0xffff, v2;
	v2 =	vmul.f32 v7, v47;
	v7 =	vld [tilespmem:s13+$0xFFFFFFA0]  }
0x2fb: {  	v0 =	vmul.f32 v0, v58;
	v49 =	vmul.f32 v39, v9;
	(xrf2) =	vadd.scan.msk.f32 $0xffff, v25;
	v25 =	vadd.f32 v43, v6;
	v43 =	vld [tilespmem:s13+$0xFFFFFF60];
	v62, _, _ =	vpop (xrf2)  }
0x2fc: {  	v51 =	vmul.f32 v39, v56;
	v6 =	vmul.f32 v4, v57;
	[tilespmem:v41+s23+$0x0] =	vst.idx.msk vm0, v62;
	v62 =	vld [tilespmem:s13+$0xFFFFFE10]  }
0x2fd: {  	v40 =	vadd.f32 v5, v3;
	v32 =	vadd.f32 v50, v0;
	v5 =	vmul.f32 v48, v46;
	v48 =	vld [tilespmem:s7+$0xFFFFFEB0]  }
0x2fe: {  	v0 =	vmul.f32 v42, v57;
	v42 =	vmul.f32 v42, v59;
	(xrf2) =	vadd.scan.msk.f32 $0xffff, v24;
	v24 =	vadd.f32 v6, v61;
	v61 =	vld [tilespmem:s7+$0xFFFFFFA0]  }
0x2ff: {  	v50 =	vmul.f32 v45, v55;
	v3 =	vmul.f32 v2, v56  }
0x300: {  	v6 =	vmul.f32 v1, v56;
	v1 =	vmul.f32 v1, v58;
	v54, _, _ =	vpop (xrf2)  }
0x301: {  	[tilespmem:v41+s24+$0x0] =	vst.idx.msk vm0, v54;
	v54 =	vmul.f32 v45, v57;
	v4 =	vmul.f32 v53, v43  }
0x302: {  	v29 =	vmul.f32 v29, v62;
	v44 =	vmul.f32 v48, v44  }
0x303: {  	v36 =	vadd.f32 v52, v36;
	v52 =	vld [tilespmem:s7+$0xFFFFFE30];
	(xrf2) =	vadd.scan.msk.f32 $0xffff, v23;
	v7 =	vmul.f32 v61, v7;
	v47 =	vmul.f32 v4, v55  }
0x304: {  	v46 =	vld [tilespmem:s13+$0xFFFFFE70];
	v61 =	vmul.f32 v29, v9;
	v62 =	vmul.f32 v29, v56  }
0x305: {  	v43 =	vld [tilespmem:s13+$0xFFFFFE30];
	v56 =	vmul.f32 v5, v56;
	v23, _, _ =	vpop (xrf2);
	v55 =	vmul.f32 v7, v55  }
0x306: {  	v53 =	vld [tilespmem:s13+$0xFFFFFEF0];
	[tilespmem:v41+s25+$0x0] =	vst.idx.msk vm0, v23;
	v23 =	vadd.f32 v0, v6;
	v0 =	vmul.f32 v39, v58  }
0x307: {  	v6 =	vmul.f32 v45, v59;
	v45 =	vld [tilespmem:s7+$0xFFFFFE70];
	v39 =	vadd.f32 v42, v1;
	v1 =	vmul.f32 v2, v9  }
0x308: {  	v41 =	vadd.f32 v50, v49;
	v42 =	vadd.f32 v54, v51;
	v49 =	vmul.f32 v4, v57;
	v54 =	vld [tilespmem:s7+$0xFFFFFEF0]  }
0x309: {  	(xrf2) =	vadd.scan.msk.f32 $0xffff, v22;
	v2 =	vmul.f32 v2, v58;
	v4 =	vmul.f32 v4, v59;
	v51 =	vadd.f32 v33, v62;
	v33 =	vld [tilespmem:s7+$0xFFFFFF30]  }
0x30a: {  	v27, _, _ =	vpop (xrf2);
	(xrf2) =	vadd.scan.msk.f32 $0xffff, v60;
	v50 =	vmul.f32 v5, v9;
	v60 =	vld [tilespmem:s13+$0xFFFFFF70];
	v57 =	vmul.f32 v7, v57  }
0x30b: {  	v38 =	vadd.f32 v38, v61;
	v5 =	vmul.f32 v5, v58;
	v61 =	vld [tilespmem:s7+$0xFFFFFF70];
	v7 =	vmul.f32 v7, v59  }
0x30c: {  	v22, _, _ =	vpop (xrf2);
	(xrf2) =	vadd.scan.msk.f32 $0xffff, v20;
	v0 =	vadd.f32 v6, v0;
	v6 =	vmul.f32 v29, v58;
	v1 =	vadd.f32 v47, v1;
	v47 =	vld [tilespmem:s13+$0xFFFFFF30]  }
0x30d: {  	v62 =	vld [tilespmem:s7+$0xFFFFFFB0];
	v3 =	vadd.f32 v49, v3;
	v2 =	vadd.f32 v4, v2;
	v20, _, _ =	vpop (xrf2);
	(xrf2) =	vadd.scan.msk.f32 $0xffff, v18;
	v18 =	vmul.f32 v52, v43  }
0x30e: {  	v4 =	vld [tilespmem:s13+$0xFFFFFFB0];
	v49 =	vadd.f32 v55, v50;
	v45 =	vmul.f32 v45, v46;
	v46 =	vmul.f32 v54, v53  }
0x30f: {  	v50 =	vadd.f32 v57, v56;
	v52 =	vmul.f32 v18, v63;
	v57 =	vmul.f32 v18, v11  }
0x310: {  	v6 =	vadd.f32 v37, v6;
	v58 =	vmul.f32 v18, v14;
	v37 =	vmul.f32 v61, v60  }
0x311: {  	v5 =	vadd.f32 v7, v5;
	v61 =	vmul.f32 v44, v63;
	v47 =	vmul.f32 v33, v47  }
0x312: {  	[tilespmem:v28+s23+$0x0] =	vst.idx.msk vm0, v34;
	v18 =	vadd.s32 $0x5, v26;
	v59 =	vmul.f32 v45, v63;
	v60 =	vmul.f32 v45, v11  }
0x313: {  	v48 =	vld [tilespmem:s7+$0xFFFFFEC0];
	v52 =	vadd.f32 v52, v38;
	v45 =	vmul.f32 v45, v14;
	v4 =	vmul.f32 v62, v4  }
0x314: {  	v7 =	vld [tilespmem:s7+$0xFFFFFE40];
	v6 =	vadd.f32 v58, v6;
	v62 =	vmul.f32 v44, v11;
	v44 =	vmul.f32 v44, v14  }
0x315: {  	v43 =	vld [tilespmem:s7+$0xFFFFFE80];
	v56 =	vmul.f32 v46, v11;
	v54 =	vadd.f32 v61, v35;
	v55 =	vmul.f32 v37, v63  }
0x316: {  	v9 =	vmovc v8;
	v53 =	vld [tilespmem:s13+$0xFFFFFEC0];
	v31 =	vadd.f32 v59, v31;
	v32 =	vadd.f32 v45, v32;
	v59 =	vmul.f32 v47, v11  }
0x317: {  	v38 =	vld [tilespmem:s13+$0xFFFFFE80];
	v29, _, _ =	vpop (xrf2);
	(xrf2) =	vadd.scan.msk.f32 $0xffff, v19;
	v44 =	vadd.f32 v44, v36;
	v8 =	vmul.f32 v4, v11;
	v23 =	vadd.f32 v56, v23  }
0x318: {  	v58 =	vld [tilespmem:s13+$0xFFFFFF40];
	v33, _, _ =	vpop (xrf2);
	(xrf2) =	vadd.scan.msk.f32 $0xffff, v17;
	v17 =	vadd.f32 v57, v51;
	v51 =	vmul.f32 v46, v63;
	v46 =	vmul.f32 v46, v14  }
0x319: {  	v19 =	vld [tilespmem:s13+$0xFFFFFE40];
	v1 =	vadd.f32 v55, v1;
	v57 =	vmul.f32 v47, v63;
	v47 =	vmul.f32 v47, v14  }
0x31a: {  	v45 =	vld [tilespmem:s7+$0xFFFFFF00];
	v63 =	vmul.f32 v4, v63;
	v26, _, _ =	vpop (xrf2);
	(xrf2) =	vadd.scan.msk.f32 $0xffff, v16;
	v16 =	vadd.f32 v60, v25;
	v42 =	vadd.f32 v59, v42  }
0x31b: {  	v4 =	vmul.f32 v4, v14;
	v25 =	vld [tilespmem:s13+$0xFFFFFF00];
	v8 =	vadd.f32 v8, v50;
	v40 =	vadd.f32 v51, v40  }
0x31c: {  	v61 =	vld [tilespmem:s13+$0xFFFFFF80];
	v60 =	vmul.f32 v37, v11;
	v39 =	vadd.f32 v46, v39;
	v41 =	vadd.f32 v57, v41  }
0x31d: {  	[tilespmem:v28+s24+$0x0] =	vst.idx.msk vm0, v27;
	v51 =	vld [tilespmem:s7+$0xFFFFFF80];
	v0 =	vadd.f32 v47, v0;
	v49 =	vadd.f32 v63, v49;
	v34, _, _ =	vpop (xrf2);
	(xrf2) =	vadd.scan.msk.f32 $0xffff, v15  }
0x31e: {  	v15 =	vadd.f32 v62, v24;
	v24 =	vld [tilespmem:s7+$0xFFFFFF40];
	v62 =	vmul.f32 v37, v14;
	v7 =	vmul.f32 v7, v19  }
0x31f: {  	v4 =	vadd.f32 v4, v5;
	v19 =	vmul.f32 v43, v38;
	v43 =	vmul.f32 v48, v53  }
0x320: {  	v3 =	vadd.f32 v60, v3;
	v25 =	vmul.f32 v45, v25;
	v53 =	vmul.f32 v7, v10  }
0x321: {  	s20 =	sadd.s32 $0x4, s17;
	[tilespmem:v30+s23+$0x0] =	vst.idx.msk vm0, v20;
	v38 =	vld [tilespmem:s13+$0xFFFFFFC0];
	v56 =	vmul.f32 v7, v12;
	v7 =	vmul.f32 v7, v13  }
0x322: {  	v27 =	vmov s20;
	[tilespmem:v30+s24+$0x0] =	vst.idx.msk vm0, v29;
	v45 =	vld [tilespmem:s7+$0xFFFFFFC0];
	v59 =	vmul.f32 v19, v12;
	v60 =	vmul.f32 v43, v10  }
0x323: {  	v2 =	vadd.f32 v62, v2;
	v47 =	vmul.f32 v51, v61;
	v24 =	vmul.f32 v24, v58  }
0x324: {  	v57 =	vadd.f32 v53, v52;
	v58 =	vmul.f32 v19, v10;
	v17 =	vadd.f32 v56, v17;
	v35, _, _ =	vpop (xrf2)  }
0x325: {  	v19 =	vmul.f32 v19, v13;
	v6 =	vadd.f32 v7, v6;
	v7 =	vmul.f32 v43, v12;
	v36, _, _ =	vpop (xrf2)  }
0x326: {  	v43 =	vmul.f32 v43, v13;
	v61 =	vmul.f32 v25, v12;
	v50 =	vadd.f32 v59, v16;
	v37, _, _ =	vpop (xrf2)  }
0x327: {  	v16 =	vmul.f32 v25, v13;
	v48 =	vadd.f32 v60, v54;
	v45 =	vmul.f32 v45, v38;
	v38, _, _ =	vpop (xrf2);
	(xrf2) =	vadd.scan.msk.f32 $0xffff, v57  }
0x328: {  	v54 =	vmul.f32 v47, v12;
	v5 =	vadd.f32 v58, v31;
	v31 =	vmul.f32 v25, v10  }
0x329: {  	s19 =	sadd.s32 $0x3, s17;
	v62 =	vmul.f32 v24, v10;
	v52 =	vadd.f32 v19, v32;
	v19 =	vmul.f32 v24, v12  }
0x32a: {  	s28 =	sadd.s32 $0x5, s17;
	v14 =	vmov s19;
	[tilespmem:v30+s25+$0x0] =	vst.idx.msk vm0, v33;
	v63 =	vmul.f32 v24, v13;
	v56 =	vmul.f32 v45, v10  }
0x32b: {  	v30 =	vmov s28;
	v57 =	vmul.f32 v45, v12;
	v58 =	vmul.f32 v45, v13;
	v45 =	vld [tilespmem:$0x1FF00];
	(xrf2) =	vadd.scan.msk.f32 $0xffff, v17  }
0x32c: {  	v7 =	vadd.f32 v7, v15;
	v32 =	vadd.f32 v43, v44;
	(xrf2) =	vadd.scan.msk.f32 $0xffff, v6;
	v6 =	vbroadcast v18, $0x0  }
0x32d: {  	s18 =	sadd.s32 $0x1, s9;
	v15 =	vmul.f32 v47, v13;
	v25 =	vadd.f32 v61, v23;
	v24 =	vadd.f32 v16, v39  }
0x32e: {  	v51 =	vld [tilespmem:$0x1FF30];
	v17 =	vmul.f32 v47, v10;
	v16 =	vadd.f32 v57, v8;
	v8 =	vmov s18  }
0x32f: {  	v31 =	vadd.f32 v31, v40;
	v23 =	vadd.f32 v62, v41;
	(xrf2) =	vadd.scan.msk.f32 $0xffff, v5;
	v11 =	vshrl.u32 v8, $0x3  }
0x330: {  	[tilespmem:v28+s25+$0x0] =	vst.idx.msk vm0, v22;
	s13 =	sadd.s32 $0x200, s13;
	v20 =	vadd.f32 v17, v1;
	v10 =	vshll.u32 v11, v9;
	v1 =	vadd.s32 $0x6, v45  }
0x331: {  	v55 =	vld [tilespmem:s13+$0xFFFFFFE0];
	v22 =	vadd.f32 v19, v42;
	[tilespmem:$0x1FF30] =	vst v10;
	v46 =	vbroadcast v1, $0x0;
	v42, _, _ =	vpop (xrf2);
	(xrf2) =	vadd.scan.msk.f32 $0xffff, v50  }
0x332: {  	s7 =	sadd.s32 $0x200, s7;
	v59 =	vmov s9;
	v60 =	vadd.f32 v63, v0;
	v19 =	vadd.f32 v15, v2;
	v47 =	vld [tilespmem:s13+$0xFFFFFFF0];
	[tilespmem:v6+s23+$0x0] =	vst.idx.msk vm0, v26  }
0x333: {  	s1 =	sadd.s32 $0x2, s17;
	v18 =	vadd.f32 v54, v3;
	v15 =	vadd.f32 v58, v4;
	v4 =	vadd.s32 $0x1, v51;
	v8 =	vld [tilespmem:s7+$0xFFFFFFF0];
	[tilespmem:v6+s24+$0x0] =	vst.idx.msk vm0, v34  }
0x334: {  	v28 =	vld [tilespmem:s7+$0xFFFFFFE0];
	v54 =	vmov s1;
	v57 =	vshrl.u32 v14, $0x3;
	v33 =	vbroadcast v4, $0x0;
	[tilespmem:v6+s25+$0x0] =	vst.idx.msk vm0, v35  }
0x335: {  	s31 =	sadd.s32 $0x6, s17;
	v58 =	vshrl.u32 v27, $0x3;
	v17 =	vadd.f32 v56, v49;
	v49 =	vshrl.u32 v59, $0x3;
	v26 =	vld [tilespmem:s7+$0xFFFFFFD0];
	[tilespmem:v21+s23+$0x0] =	vst.idx.msk vm0, v42;
	v53, _, _ =	vpop (xrf2)  }
0x336: {  	p0 =	slt.u32 s9, $0x78;
	v56 =	vmov s31;
	v4 =	vshrl.u32 v54, $0x3;
	v27 =	vshll.u32 v57, v9;
	v50 =	vld [tilespmem:s13+$0xFFFFFFD0];
	[tilespmem:v21+s24+$0x0] =	vst.idx.msk vm0, v53  }
.Ltmp1:
0x337: {  	v39 =	vld [tilespmem:s13+$0x0];
	v59 =	vshrl.u32 v30, $0x3;
	v2 =	vshll.u32 v49, v9;
	v4 =	vshll.u32 v4, v9;
	v29, _, _ =	vpop (xrf2);
	[tilespmem:v46+s23+$0x0] =	vst.idx.msk vm0, v36;
	(pc) =	sbr.rel @p0 .LBB2_5-.Ltmp1, $4  }
0x338: {  	v41 =	vld [tilespmem:s7+$0x0];
	v30 =	vshrl.u32 v56, $0x3;
	v63 =	vbroadcast v2, $0x0;
	v34 =	vmul.f32 v8, v47;
	[tilespmem:v21+s25+$0x0] =	vst.idx.msk vm0, v29  }
0x339: {  	v8 =	vmov v9;
	(xrf2) =	vadd.scan.msk.f32 $0xffff, v52;
	v42 =	vadd.s32 $0x2, v4;
	v6, _, _ =	vpop (xrf2);
	[tilespmem:v46+s24+$0x0] =	vst.idx.msk vm0, v37;
	v29 =	vld [tilespmem:s7+$0xFFFFFE10]  }
0x33a: {  	(xrf2) =	vadd.scan.msk.f32 $0xffff, v48;
	v36 =	vmul.f32 v28, v55;
	v37 =	vshll.u32 v58, v9;
	[tilespmem:v33+s23+$0x0] =	vst.idx.msk vm0, v6;
	v40 =	vld [tilespmem:s13+$0xFFFFFE20]  }
0x33b: {  	s17 =	smov.u32 s9;
	s9 =	sadd.s32 $0x8, s9;
	(xrf2) =	vadd.scan.msk.f32 $0xffff, v7;
	[tilespmem:v46+s25+$0x0] =	vst.idx.msk vm0, v38;
	v38 =	vld [tilespmem:s7+$0xFFFFFE20];
	v35 =	vmul.f32 v26, v50;
	v26 =	vshll.u32 v59, v9;
	v28, _, _ =	vpop (xrf2)  }
0x33c: {  	v0 =	vld [tilespmem:s13+$0xFFFFFE50]  }
0x33d: {  	v56 =	vld [tilespmem:$0x1FF40]  }
0x33e: {  	v57 =	vld [tilespmem:$0x1FF50]  }
0x33f: {  	v4 =	vld [tilespmem:s7+$0xFFFFFE50]  }
0x340: {  	v48 =	vld [tilespmem:s13+$0xFFFFFE60]  }
0x341: {  	v59 =	vld [tilespmem:$0x1FF60]  }
0x342: {  	v7 =	vld [tilespmem:s7+$0xFFFFFE60]  }
0x343: {  	v58 =	vld [tilespmem:$0x1FF80]  }
0x344: {  	v21 =	vld [tilespmem:$0x1FF90]  }
0x345: {  	v51 =	vld [tilespmem:s13+$0xFFFFFE90]  }
0x346: {  	v10 =	vld [tilespmem:$0x1FF70]  }
0x347: {  	v53 =	vld [tilespmem:s7+$0xFFFFFE90]  }
0x348: {  	v3 =	vadd.s32 $0x3, v27;
	v5 =	vbroadcast v42, $0x0;
	[tilespmem:v33+s24+$0x0] =	vst.idx.msk vm0, v28;
	v55 =	vld [tilespmem:s13+$0xFFFFFEA0]  }
0x349: {  	v37 =	vadd.s32 $0x4, v37;
	v27 =	vbroadcast v3, $0x0;
	v6 =	vmul.f32 v41, v39;
	v11 =	vld [tilespmem:$0x1FFA0]  }
0x34a: {  	v28 =	vbroadcast v37, $0x0;
	v61 =	vld [tilespmem:$0x1FFC0];
	v38 =	vmul.f32 v38, v40  }
0x34b: {  	v62 =	vld [tilespmem:$0x1FFD0];
	v1 =	vmul.f32 v35, v56;
	v2 =	vmul.f32 v36, v57  }
0x34c: {  	v14 =	vld [tilespmem:$0x1FFE0];
	v49 =	vmul.f32 v34, v59;
	v8 =	vmul.f32 v35, v58  }
0x34d: {  	v45 =	vld [tilespmem:s7+$0xFFFFFEA0];
	v50 =	vmul.f32 v36, v21;
	v52 =	vmul.f32 v6, v10  }
0x34e: {  	(xrf2) =	vadd.scan.msk.f32 $0xffff, v32;
	v0 =	vmul.f32 v4, v0;
	v3 =	vmul.f32 v7, v48  }
0x34f: {  	v47 =	vld [tilespmem:s13+$0xFFFFFED0];
	(xrf2) =	vadd.scan.msk.f32 $0xffff, v31;
	v31 =	vmul.f32 v53, v51;
	v54 =	vmul.f32 v34, v11  }
0x350: {  	v12 =	vld [tilespmem:$0x1FFB0];
	v43 =	vmul.f32 v35, v61;
	v44 =	vmul.f32 v36, v62  }
0x351: {  	v13 =	vld [tilespmem:$0x1FFF0];
	v7 =	vmul.f32 v34, v14;
	v34 =	vmul.f32 v38, v57  }
0x352: {  	v48 =	vld [tilespmem:s7+$0xFFFFFED0];
	v39 =	vmul.f32 v38, v21;
	v35 =	vmul.f32 v45, v55;
	v1 =	vadd.f32 v2, v1  }
0x353: {  	v8 =	vadd.f32 v50, v8;
	v50 =	vmul.f32 v0, v56;
	v53 =	vmul.f32 v0, v58  }
0x354: {  	v0 =	vmul.f32 v0, v61;
	v2 =	vadd.f32 v44, v43;
	v43 =	vmul.f32 v31, v56  }
0x355: {  	v42 =	vld [tilespmem:s13+$0xFFFFFF20];
	v1 =	vadd.f32 v49, v1;
	v46 =	vadd.f32 v54, v8;
	v8 =	vmul.f32 v6, v12  }
0x356: {  	v55 =	vld [tilespmem:s13+$0xFFFFFF60];
	v49, _, _ =	vpop (xrf2);
	v6 =	vmul.f32 v6, v13;
	v54 =	vmul.f32 v3, v21;
	v2 =	vadd.f32 v7, v2  }
0x357: {  	v7 =	vld [tilespmem:s7+$0xFFFFFEE0];
	[tilespmem:v33+s25+$0x0] =	vst.idx.msk vm0, v49;
	v32 =	vmul.f32 v48, v47;
	v49 =	vmul.f32 v35, v57  }
0x358: {  	s0 =	sadd.s32 $0x7, s17;
	v51, _, _ =	vpop (xrf2);
	v1 =	vadd.f32 v52, v1;
	v4 =	vadd.f32 v8, v46;
	v8 =	vld [tilespmem:s13+$0xFFFFFEE0];
	v52 =	vmul.f32 v3, v57  }
0x359: {  	[tilespmem:v5+s23+$0x0] =	vst.idx.msk vm0, v51;
	v46 =	vmov s0;
	v3 =	vmul.f32 v3, v62;
	v2 =	vadd.f32 v6, v2;
	v6 =	vld [tilespmem:s7+$0xFFFFFF10]  }
0x35a: {  	v37 =	vadd.f32 v54, v53;
	v51 =	vmul.f32 v35, v21;
	(xrf2) =	vadd.scan.msk.f32 $0xffff, v1;
	v1 =	vmul.f32 v38, v62;
	v38 =	vld [tilespmem:s13+$0xFFFFFF10]  }
0x35b: {  	v53 =	vmul.f32 v31, v61;
	v54 =	vmul.f32 v35, v62;
	(xrf2) =	vadd.scan.msk.f32 $0xffff, v4;
	v4 =	vadd.f32 v52, v50;
	v52 =	vld [tilespmem:s7+$0xFFFFFF60]  }
0x35c: {  	v47 =	vshrl.u32 v46, $0x3;
	v41 =	vadd.f32 v49, v43;
	v43 =	vmul.f32 v32, v56;
	(xrf2) =	vadd.scan.msk.f32 $0xffff, v2;
	v2 =	vld [tilespmem:s7+$0xFFFFFF20]  }
0x35d: {  	v44 =	vld [tilespmem:s13+$0xFFFFFF50];
	v48, _, _ =	vpop (xrf2);
	v46 =	vmul.f32 v32, v58;
	v32 =	vmul.f32 v32, v61;
	v36 =	vshll.u32 v47, v9  }
0x35e: {  	v45, _, _ =	vpop (xrf2);
	[tilespmem:v5+s24+$0x0] =	vst.idx.msk vm0, v48;
	v50 =	vmul.f32 v31, v58;
	v7 =	vmul.f32 v7, v8;
	v8 =	vadd.s32 $0x7, v36;
	v36 =	vld [tilespmem:s7+$0xFFFFFF50]  }
0x35f: {  	v35 =	vld [tilespmem:s13+$0xFFFFFF90];
	[tilespmem:v5+s25+$0x0] =	vst.idx.msk vm0, v45;
	v0 =	vadd.f32 v3, v0;
	v8 =	vbroadcast v8, $0x0;
	v6 =	vmul.f32 v6, v38  }
0x360: {  	v47 =	vld [tilespmem:s13+$0xFFFFFFA0];
	v3 =	vadd.f32 v54, v53;
	v31 =	vmul.f32 v7, v21;
	v33 =	vmul.f32 v52, v55  }
0x361: {  	v53 =	vld [tilespmem:s13+$0xFFFFFEF0];
	v5 =	vadd.f32 v51, v50;
	v2 =	vmul.f32 v2, v42;
	v50 =	vmul.f32 v6, v56  }
0x362: {  	v42 =	vld [tilespmem:s7+$0xFFFFFF90];
	v52 =	vmul.f32 v6, v58;
	v6 =	vmul.f32 v6, v61  }
0x363: {  	v45, _, _ =	vpop (xrf2);
	v31 =	vadd.f32 v31, v46;
	v46 =	vld [tilespmem:s13+$0xFFFFFEB0];
	v36 =	vmul.f32 v36, v44;
	v51 =	vmul.f32 v2, v57  }
0x364: {  	v44 =	vld [tilespmem:s7+$0xFFFFFFA0];
	v55 =	vmul.f32 v2, v21;
	v2 =	vmul.f32 v2, v62;
	v48, _, _ =	vpop (xrf2)  }
0x365: {  	v40 =	vmul.f32 v7, v57;
	v7 =	vmul.f32 v7, v62;
	[tilespmem:v8+s23+$0x0] =	vst.idx.msk vm0, v48;
	v48 =	vld [tilespmem:s13+$0xFFFFFE10]  }
0x366: {  	v49, _, _ =	vpop (xrf2);
	v2 =	vadd.f32 v2, v6;
	v6 =	vld [tilespmem:s7+$0xFFFFFEF0]  }
0x367: {  	v7 =	vadd.f32 v7, v32;
	[tilespmem:v8+s24+$0x0] =	vst.idx.msk vm0, v49;
	v38, _, _ =	vpop (xrf2);
	v49 =	vld [tilespmem:s13+$0xFFFFFE30]  }
0x368: {  	v32 =	vmul.f32 v36, v56;
	v35 =	vmul.f32 v42, v35;
	v42 =	vld [tilespmem:s13+$0xFFFFFE70];
	[tilespmem:v8+s25+$0x0] =	vst.idx.msk vm0, v38  }
0x369: {  	v8 =	vld [tilespmem:s7+$0xFFFFFE30];
	v38 =	vadd.f32 v40, v43;
	v44 =	vmul.f32 v44, v47;
	v47 =	vadd.f32 v51, v50  }
0x36a: {  	v43 =	vld [tilespmem:s7+$0xFFFFFE70];
	v40 =	vadd.f32 v55, v52;
	v51 =	vmul.f32 v36, v58;
	v52 =	vmul.f32 v33, v21  }
0x36b: {  	v50 =	vld [tilespmem:s7+$0xFFFFFEB0];
	v36 =	vmul.f32 v36, v61;
	v29 =	vmul.f32 v29, v48  }
0x36c: {  	v48 =	vmul.f32 v33, v57;
	v33 =	vmul.f32 v33, v62  }
0x36d: {  	v6 =	vmul.f32 v6, v53;
	v54 =	vmul.f32 v29, v56  }
0x36e: {  	v51 =	vadd.f32 v52, v51;
	v55 =	vmul.f32 v29, v58;
	v29 =	vmul.f32 v29, v61  }
0x36f: {  	v52 =	vld [tilespmem:s13+$0xFFFFFFB0];
	v32 =	vadd.f32 v48, v32;
	v8 =	vmul.f32 v8, v49;
	v42 =	vmul.f32 v43, v42  }
0x370: {  	v48 =	vld [tilespmem:s13+$0xFFFFFF30];
	v43 =	vmul.f32 v50, v46;
	v33 =	vadd.f32 v33, v36;
	v34 =	vadd.f32 v34, v54  }
0x371: {  	v49 =	vld [tilespmem:s7+$0xFFFFFF70];
	v54 =	vmul.f32 v35, v56;
	v39 =	vadd.f32 v39, v55;
	v55 =	vmul.f32 v44, v57  }
0x372: {  	v36 =	vld [tilespmem:s7+$0xFFFFFFB0];
	v57 =	vmul.f32 v35, v58;
	v1 =	vadd.f32 v1, v29;
	v29 =	vmul.f32 v44, v21  }
0x373: {  	(xrf2) =	vadd.scan.msk.f32 $0xffff, v25;
	v50 =	vld [tilespmem:s13+$0xFFFFFE40];
	v35 =	vmul.f32 v35, v61;
	v44 =	vmul.f32 v44, v62  }
0x374: {  	(xrf2) =	vadd.scan.msk.f32 $0xffff, v24;
	v24 =	vshll.u32 v30, v9;
	v56 =	vld [tilespmem:s7+$0xFFFFFF30];
	v21 =	vmul.f32 v8, v59;
	v61 =	vmul.f32 v8, v11  }
0x375: {  	v58 =	vld [tilespmem:s13+$0xFFFFFF70];
	v8 =	vmul.f32 v8, v14;
	v46 =	vadd.f32 v55, v54;
	v29 =	vadd.f32 v29, v57  }
0x376: {  	v62 =	vmul.f32 v42, v59;
	v54 =	vld [tilespmem:s7+$0xFFFFFE40];
	v35 =	vadd.f32 v44, v35;
	v34 =	vadd.f32 v21, v34  }
0x377: {  	v44 =	vld [tilespmem:s13+$0xFFFFFE80];
	v39 =	vadd.f32 v61, v39;
	v21 =	vmul.f32 v42, v11;
	v42 =	vmul.f32 v42, v14  }
0x378: {  	v55 =	vld [tilespmem:s7+$0xFFFFFE80];
	v61 =	vmul.f32 v43, v59;
	v4 =	vadd.f32 v62, v4;
	v62 =	vmul.f32 v43, v11  }
0x379: {  	v1 =	vadd.f32 v8, v1;
	v8 =	vld [tilespmem:s13+$0xFFFFFEC0];
	v43 =	vmul.f32 v43, v14;
	v57 =	vmul.f32 v6, v11  }
0x37a: {  	v36 =	vmul.f32 v36, v52;
	v52 =	vld [tilespmem:s7+$0xFFFFFEC0];
	v37 =	vadd.f32 v21, v37;
	v21 =	vmul.f32 v6, v59  }
0x37b: {  	v0 =	vadd.f32 v42, v0;
	v42 =	vld [tilespmem:s7+$0xFFFFFF00];
	v6 =	vmul.f32 v6, v14;
	v48 =	vmul.f32 v56, v48  }
0x37c: {  	(xrf2) =	vadd.scan.msk.f32 $0xffff, v23;
	v41 =	vadd.f32 v61, v41;
	v5 =	vadd.f32 v62, v5;
	v61 =	vld [tilespmem:s13+$0xFFFFFF40];
	v49 =	vmul.f32 v49, v58  }
0x37d: {  	(xrf2) =	vadd.scan.msk.f32 $0xffff, v22;
	v56 =	vld [tilespmem:s13+$0xFFFFFF00];
	v6 =	vadd.f32 v6, v7;
	v7 =	vmul.f32 v36, v59;
	v25 =	vmul.f32 v48, v59  }
0x37e: {  	(xrf2) =	vadd.scan.msk.f32 $0xffff, v60;
	v3 =	vadd.f32 v43, v3;
	v62 =	vld [tilespmem:s7+$0xFFFFFF40];
	v43 =	vmul.f32 v54, v50;
	v30 =	vmul.f32 v55, v44  }
0x37f: {  	[tilespmem:v27+s23+$0x0] =	vst.idx.msk vm0, v45;
	(xrf2) =	vadd.scan.msk.f32 $0xffff, v20;
	v44 =	vmul.f32 v48, v11;
	v45 =	vmul.f32 v48, v14  }
0x380: {  	(xrf2) =	vadd.scan.msk.f32 $0xffff, v18;
	v23 =	vadd.f32 v21, v38;
	v38 =	vmul.f32 v49, v59;
	v58 =	vmul.f32 v49, v11  }
0x381: {  	(xrf2) =	vadd.scan.msk.f32 $0xffff, v19;
	v48 =	vld [tilespmem:s13+$0xFFFFFF80];
	v49 =	vmul.f32 v49, v14;
	v54 =	vmul.f32 v43, v10  }
0x382: {  	(xrf2) =	vadd.scan.msk.f32 $0xffff, v17;
	v22 =	vadd.f32 v57, v31;
	v8 =	vmul.f32 v52, v8;
	v42 =	vmul.f32 v42, v56;
	v56 =	vld [tilespmem:s7+$0xFFFFFF80]  }
0x383: {  	(xrf2) =	vadd.scan.msk.f32 $0xffff, v16;
	v21 =	vmul.f32 v62, v61;
	v55 =	vmul.f32 v43, v12;
	v57 =	vadd.f32 v54, v34  }
0x384: {  	v53 =	vld [tilespmem:s7+$0xFFFFFFC0];
	v62 =	vmul.f32 v36, v11;
	v25 =	vadd.f32 v25, v47;
	v19 =	vadd.f32 v38, v32;
	v34, _, _ =	vpop (xrf2);
	(xrf2) =	vadd.scan.msk.f32 $0xffff, v15  }
0x385: {  	v61 =	vld [tilespmem:s13+$0xFFFFFFC0];
	v36 =	vmul.f32 v36, v14;
	v17 =	vadd.f32 v49, v33;
	v33 =	vadd.f32 v55, v39;
	v38, _, _ =	vpop (xrf2);
	(xrf2) =	vadd.scan.msk.f32 $0xffff, v57  }
0x386: {  	v31 =	vadd.f32 v58, v51;
	v58 =	vmul.f32 v30, v10;
	v16 =	vadd.f32 v62, v29;
	v29, _, _ =	vpop (xrf2)  }
0x387: {  	v18 =	vadd.f32 v44, v40;
	v32 =	vmul.f32 v56, v48;
	v56 =	vmul.f32 v43, v13;
	v43, _, _ =	vpop (xrf2)  }
0x388: {  	v2 =	vadd.f32 v45, v2;
	v59 =	vmul.f32 v30, v12;
	v30 =	vmul.f32 v30, v13;
	v44, _, _ =	vpop (xrf2)  }
0x389: {  	v60 =	vmul.f32 v8, v10;
	v35 =	vadd.f32 v36, v35;
	v4 =	vadd.f32 v58, v4;
	(xrf2) =	vadd.scan.msk.f32 $0xffff, v33;
	v33, _, _ =	vpop (xrf2)  }
0x38a: {  	v37 =	vadd.f32 v59, v37;
	v15 =	vmul.f32 v53, v61;
	v61 =	vmul.f32 v8, v12;
	v53, _, _ =	vpop (xrf2)  }
0x38b: {  	v52 =	vmul.f32 v21, v12;
	v36 =	vmul.f32 v42, v10;
	[tilespmem:v27+s24+$0x0] =	vst.idx.msk vm0, v34;
	v55, _, _ =	vpop (xrf2)  }
0x38c: {  	v45 =	vmul.f32 v42, v12;
	v62 =	vmul.f32 v42, v13;
	[tilespmem:v27+s25+$0x0] =	vst.idx.msk vm0, v38;
	v57, _, _ =	vpop (xrf2)  }
0x38d: {  	v26 =	vadd.s32 $0x5, v26;
	v8 =	vmul.f32 v8, v13;
	[tilespmem:v28+s23+$0x0] =	vst.idx.msk vm0, v29;
	v1 =	vadd.f32 v56, v1;
	v59, _, _ =	vpop (xrf2)  }
0x38e: {  	v24 =	vadd.s32 $0x6, v24;
	v42 =	vmul.f32 v21, v10;
	v5 =	vadd.f32 v61, v5;
	[tilespmem:v28+s24+$0x0] =	vst.idx.msk vm0, v43;
	v61, _, _ =	vpop (xrf2)  }
0x38f: {  	v3 =	vadd.f32 v8, v3;
	v8 =	vbroadcast v26, $0x0;
	[tilespmem:v28+s25+$0x0] =	vst.idx.msk vm0, v44;
	(xrf2) =	vadd.scan.msk.f32 $0xffff, v1;
	v14, _, _ =	vpop (xrf2)  }
0x390: {  	v62 =	vadd.f32 v62, v6;
	v6 =	vadd.f32 v42, v25;
	v25 =	vbroadcast v24, $0x0;
	[tilespmem:v63+s23+$0x0] =	vst.idx.msk vm0, v14  }
0x391: {  	v7 =	vadd.f32 v7, v46;
	v58 =	vmul.f32 v15, v10;
	v54 =	vmul.f32 v32, v10;
	v10 =	vld [tilespmem:$0x1FF30]  }
0x392: {  	v0 =	vadd.f32 v30, v0;
	v21 =	vmul.f32 v21, v13;
	v39 =	vadd.f32 v60, v41;
	(xrf2) =	vadd.scan.msk.f32 $0xffff, v4  }
0x393: {  	v18 =	vadd.f32 v52, v18;
	v23 =	vadd.f32 v36, v23;
	(xrf2) =	vadd.scan.msk.f32 $0xffff, v37  }
0x394: {  	v22 =	vadd.f32 v45, v22;
	v2 =	vadd.f32 v21, v2;
	(xrf2) =	vadd.scan.msk.f32 $0xffff, v0  }
0x395: {  	v60 =	vmul.f32 v15, v12;
	v48 =	vmul.f32 v32, v12;
	[tilespmem:v8+s23+$0x0] =	vst.idx.msk vm0, v33;
	(xrf2) =	vadd.scan.msk.f32 $0xffff, v39  }
0x396: {  	s18 =	sadd.s32 $0x2, s17;
	v56 =	vmul.f32 v32, v13;
	v30, _, _ =	vpop (xrf2);
	[tilespmem:v25+s23+$0x0] =	vst.idx.msk vm0, v57;
	(xrf2) =	vadd.scan.msk.f32 $0xffff, v5;
	v29 =	vadd.s32 $0x1, v10  }
0x397: {  	v33 =	vmov s18;
	[tilespmem:v63+s24+$0x0] =	vst.idx.msk vm0, v30;
	(xrf2) =	vadd.scan.msk.f32 $0xffff, v3;
	v14 =	vbroadcast v29, $0x0  }
0x398: {  	s19 =	sadd.s32 $0x3, s17;
	v28 =	vadd.f32 v54, v19;
	[tilespmem:v8+s24+$0x0] =	vst.idx.msk vm0, v53;
	v19 =	vshrl.u32 v33, $0x3;
	(xrf2) =	vadd.scan.msk.f32 $0xffff, v23  }
0x399: {  	v39 =	vmov s19;
	[tilespmem:v8+s25+$0x0] =	vst.idx.msk vm0, v55;
	v8 =	vshll.u32 v19, v9;
	v38, _, _ =	vpop (xrf2);
	(xrf2) =	vadd.scan.msk.f32 $0xffff, v22  }
0x39a: {  	s20 =	sadd.s32 $0x4, s17;
	v40 =	vshrl.u32 v39, $0x3;
	[tilespmem:v25+s24+$0x0] =	vst.idx.msk vm0, v59;
	v8 =	vadd.s32 $0x2, v8;
	(xrf2) =	vadd.scan.msk.f32 $0xffff, v62  }
0x39b: {  	v41 =	vbroadcast v8, $0x0;
	v8 =	vshll.u32 v40, v9;
	(xrf2) =	vadd.scan.msk.f32 $0xffff, v6;
	v6 =	vmov s20  }
0x39c: {  	v42 =	vadd.f32 v58, v7;
	v36 =	vadd.f32 v48, v31;
	[tilespmem:v25+s25+$0x0] =	vst.idx.msk vm0, v61;
	v7, _, _ =	vpop (xrf2);
	v6 =	vshrl.u32 v6, $0x3  }
0x39d: {  	(xrf2) =	vadd.scan.msk.f32 $0xffff, v18;
	v6 =	vshll.u32 v6, v9;
	[tilespmem:v14+s23+$0x0] =	vst.idx.msk vm0, v7;
	v7 =	vadd.s32 $0x3, v8  }
0x39e: {  	[tilespmem:v63+s25+$0x0] =	vst.idx.msk vm0, v38;
	v6 =	vadd.s32 $0x4, v6;
	v8, _, _ =	vpop (xrf2);
	(xrf2) =	vadd.scan.msk.f32 $0xffff, v2;
	v7 =	vbroadcast v7, $0x0  }
0x39f: {  	s28 =	sadd.s32 $0x5, s17;
	v15 =	vmul.f32 v15, v13;
	v37 =	vadd.f32 v56, v17;
	[tilespmem:v14+s24+$0x0] =	vst.idx.msk vm0, v8;
	v8, _, _ =	vpop (xrf2);
	(xrf2) =	vadd.scan.msk.f32 $0xffff, v28  }
0x3a0: {  	v44 =	vmov s28;
	v43 =	vadd.f32 v60, v16;
	[tilespmem:v14+s25+$0x0] =	vst.idx.msk vm0, v8;
	v8, _, _ =	vpop (xrf2);
	(xrf2) =	vadd.scan.msk.f32 $0xffff, v36  }
0x3a1: {  	v0 =	vshrl.u32 v44, $0x3;
	v45 =	vbroadcast v6, $0x0;
	v6, _, _ =	vpop (xrf2);
	[tilespmem:v41+s23+$0x0] =	vst.idx.msk vm0, v8;
	(xrf2) =	vadd.scan.msk.f32 $0xffff, v37  }
0x3a2: {  	s31 =	sadd.s32 $0x6, s17;
	v46 =	vadd.f32 v15, v35;
	v0 =	vshll.u32 v0, v9;
	v8, _, _ =	vpop (xrf2);
	[tilespmem:v41+s24+$0x0] =	vst.idx.msk vm0, v6;
	(xrf2) =	vadd.scan.msk.f32 $0xffff, v42  }
0x3a3: {  	v47 =	vmov s31;
	v0 =	vadd.s32 $0x5, v0;
	v6, _, _ =	vpop (xrf2);
	[tilespmem:v41+s25+$0x0] =	vst.idx.msk vm0, v8;
	(xrf2) =	vadd.scan.msk.f32 $0xffff, v43  }
0x3a4: {  	v48 =	vshrl.u32 v47, $0x3;
	v0 =	vbroadcast v0, $0x0;
	v49, _, _ =	vpop (xrf2);
	(xrf2) =	vadd.scan.msk.f32 $0xffff, v46;
	[tilespmem:v7+s23+$0x0] =	vst.idx.msk vm0, v6  }
0x3a5: {  	v1 =	vshll.u32 v48, v9;
	v50, _, _ =	vpop (xrf2);
	[tilespmem:v7+s24+$0x0] =	vst.idx.msk vm0, v49  }
0x3a6: {  	v1 =	vadd.s32 $0x6, v1;
	v51, _, _ =	vpop (xrf2);
	[tilespmem:v7+s25+$0x0] =	vst.idx.msk vm0, v50  }
0x3a7: {  	v1 =	vbroadcast v1, $0x0;
	v52, _, _ =	vpop (xrf2);
	[tilespmem:v45+s23+$0x0] =	vst.idx.msk vm0, v51  }
0x3a8: {  	v53, _, _ =	vpop (xrf2);
	[tilespmem:v45+s24+$0x0] =	vst.idx.msk vm0, v52  }
0x3a9: {  	v54, _, _ =	vpop (xrf2);
	[tilespmem:v45+s25+$0x0] =	vst.idx.msk vm0, v53  }
0x3aa: {  	v55, _, _ =	vpop (xrf2);
	[tilespmem:v0+s23+$0x0] =	vst.idx.msk vm0, v54  }
0x3ab: {  	v56, _, _ =	vpop (xrf2);
	[tilespmem:v0+s24+$0x0] =	vst.idx.msk vm0, v55  }
0x3ac: {  	v57, _, _ =	vpop (xrf2);
	[tilespmem:v0+s25+$0x0] =	vst.idx.msk vm0, v56  }
0x3ad: {  	s9 =	sld [smem:$0x0];
	v58, _, _ =	vpop (xrf2);
	[tilespmem:v1+s23+$0x0] =	vst.idx.msk vm0, v57  }
0x3ae: {  	s10 =	sld [smem:$0x5];
	v59, _, _ =	vpop (xrf2);
	[tilespmem:v1+s24+$0x0] =	vst.idx.msk vm0, v58  }
0x3af: {  	s12 =	sld [smem:$0x1];
	[tilespmem:v1+s25+$0x0] =	vst.idx.msk vm0, v59  }
0x3b0: {  	s2 =	sld [smem:$0x2];
	v0 =	vld [tilespmem:$0xC0D0]  }
0x3b1: {  	s17 =	sld [smem:$0x7];
	v1 =	vld [tilespmem:$0xC150]  }
0x3b2: {  	s11 =	sld [smem:$0x8];
	v2 =	vld [tilespmem:$0xC1D0]  }
0x3b3: {  	s0 =	sld [smem:$0xA]  }
0x3b4: {  	s13 =	sld [smem:$0xB]  }
0x3b5: {  	s19 =	sld [smem:$0x6]  }
0x3b6: {  	s1 =	sld [smem:$0x9];
	v60 =	vmul.f32 s9, v0;
	v61 =	vmul.f32 s10, v1  }
0x3b7: {  	s31 =	sld [smem:$0xC];
	v62 =	vmul.f32 s0, v2;
	v63 =	vmul.f32 s12, v0  }
0x3b8: {  	s18 =	sld [smem:$0x3];
	v6 =	vmul.f32 s19, v1;
	v7 =	vmul.f32 s13, v2  }
0x3b9: {  	s3 =	sld [smem:$0x4];
	v8 =	vmul.f32 s2, v0;
	v16 =	vmul.f32 s17, v1  }
0x3ba: {  	s20 =	sld [smem:$0xD];
	v17 =	vmul.f32 s31, v2;
	v18 =	vmul.f32 s11, v1;
	v3 =	vadd.f32 v61, v60  }
0x3bb: {  	s28 =	sld [smem:$0xE];
	v1 =	vmul.f32 s1, v1;
	v4 =	vadd.f32 v6, v63;
	v6 =	vmul.f32 s18, v0  }
0x3bc: {  	v5 =	vadd.f32 v16, v8;
	v0 =	vmul.f32 s3, v0;
	v3 =	vadd.f32 v62, v3  }
0x3bd: {  	v4 =	vadd.f32 v7, v4;
	v6 =	vadd.f32 v18, v6;
	v7 =	vmul.f32 s20, v2  }
0x3be: {  	v19 =	vmul.f32 s28, v2;
	v5 =	vadd.f32 v17, v5;
	v0 =	vadd.f32 v1, v0  }
0x3bf: {  	v23 =	vld [tilespmem:$0xC0E0];
	v20 =	vadd.f32 v7, v6;
	v6 =	vmax.f32 v3, v4  }
0x3c0: {  	v24 =	vld [tilespmem:$0xC160];
	v0 =	vadd.f32 v19, v0;
	v21 =	vmax.f32 v6, v5  }
0x3c1: {  	v1 =	vmax.f32 v21, v20  }
0x3c2: {  	v1 =	vmax.f32 v1, v0  }
0x3c3: {  	v3 =	vsub.f32 v3, v1  }
0x3c4: {  	v25 =	vmul.f32 s9, v23;
	v4 =	vsub.f32 v4, v1  }
0x3c5: {  	v26 =	vmul.f32 s10, v24;
	v3 =	vmul.f32 $1.442695020e+00, v3  }
0x3c6: {  	v28 =	vmul.f32 s12, v23;
	v22 =	vsub.f32 v5, v1;
	v4 =	vmul.f32 $1.442695020e+00, v4  }
0x3c7: {  	v29 =	vmul.f32 s19, v24;
	(erf) = vpow2.f32 v3  }
0x3c8: {  	v6 =	vld [tilespmem:$0xC1E0];
	v2 =	vsub.f32 v20, v1;
	v3 =	vmul.f32 $1.442695020e+00, v22;
	(erf) = vpow2.f32 v4  }
0x3c9: {  	v30 =	vmul.f32 s2, v23;
	v31 =	vmul.f32 s17, v24  }
0x3ca: {  	v0 =	vsub.f32 v0, v1;
	v2 =	vmul.f32 $1.442695020e+00, v2;
	(erf) = vpow2.f32 v3  }
0x3cb: {  	v33 =	vmul.f32 s18, v23;
	v34 =	vmul.f32 s11, v24  }
0x3cc: {  	v0 =	vmul.f32 $1.442695020e+00, v0;
	(erf) = vpow2.f32 v2  }
0x3cd: {  	v5 =	vmul.f32 s1, v24;
	v27 =	vmul.f32 s0, v6  }
0x3ce: {  	v1 =	vadd.f32 v26, v25;
	v8 =	vmul.f32 s13, v6;
	(erf) = vpow2.f32 v0  }
0x3cf: {  	v4 =	vmul.f32 s3, v23;
	v3 =	vadd.f32 v34, v33;
	v2 =	vadd.f32 v29, v28  }
0x3d0: {  	v32 =	vmul.f32 s31, v6;
	v0 =	vadd.f32 v27, v1;
	v1 =	vadd.f32 v31, v30;
	v13 =	vpop (erf)  }
0x3d1: {  	v4 =	vadd.f32 v5, v4;
	v2 =	vadd.f32 v8, v2;
	v8 =	vmul.f32 s20, v6;
	v14 =	vpop (erf)  }
0x3d2: {  	v35 =	vmul.f32 s28, v6;
	v1 =	vadd.f32 v32, v1;
	v7 =	vadd.f32 v14, v13  }
0x3d3: {  	v3 =	vadd.f32 v8, v3;
	v6 =	vmax.f32 v0, v2;
	v15 =	vpop (erf)  }
0x3d4: {  	v4 =	vadd.f32 v35, v4;
	v36 =	vmax.f32 v6, v1;
	v7 =	vadd.f32 v7, v15  }
0x3d5: {  	v5 =	vmax.f32 v36, v3;
	v16 =	vpop (erf)  }
0x3d6: {  	v38 =	vld [tilespmem:$0xC0F0];
	v5 =	vmax.f32 v5, v4;
	v6 =	vadd.f32 v7, v16  }
0x3d7: {  	v40 =	vld [tilespmem:$0xC170];
	v0 =	vsub.f32 v0, v5;
	v17 =	vpop (erf)  }
0x3d8: {  	v6 =	vadd.f32 v6, v17  }
0x3d9: {  	v0 =	vmul.f32 $1.442695020e+00, v0  }
0x3da: {  	v2 =	vsub.f32 v2, v5;
	(erf) = vrcp.f32 v6  }
0x3db: {  	v42 =	vmul.f32 s9, v38;
	(erf) = vpow2.f32 v0  }
0x3dc: {  	v43 =	vmul.f32 s10, v40;
	v37 =	vsub.f32 v1, v5;
	v2 =	vmul.f32 $1.442695020e+00, v2  }
0x3dd: {  	v45 =	vmul.f32 s12, v38;
	v46 =	vmul.f32 s19, v40  }
0x3de: {  	v39 =	vsub.f32 v3, v5;
	v0 =	vmul.f32 $1.442695020e+00, v37;
	(erf) = vpow2.f32 v2  }
0x3df: {  	v47 =	vmul.f32 s2, v38;
	v48 =	vmul.f32 s17, v40;
	v6 =	vld [tilespmem:$0xC1F0]  }
0x3e0: {  	v4 =	vsub.f32 v4, v5;
	v2 =	vmul.f32 $1.442695020e+00, v39;
	(erf) = vpow2.f32 v0  }
0x3e1: {  	v50 =	vmul.f32 s18, v38;
	v51 =	vmul.f32 s11, v40  }
0x3e2: {  	v41 =	vmul.f32 $1.442695020e+00, v4;
	(erf) = vpow2.f32 v2  }
0x3e3: {  	v1 =	vmul.f32 s3, v38;
	v3 =	vmul.f32 s1, v40;
	v20 =	vpop (erf)  }
0x3e4: {  	v2 =	vadd.f32 v43, v42;
	v44 =	vmul.f32 s0, v6;
	v19 =	vpop (erf);
	(erf) = vpow2.f32 v41  }
0x3e5: {  	v5 =	vadd.f32 v51, v50;
	v4 =	vadd.f32 v46, v45;
	v8 =	vmul.f32 s13, v6  }
0x3e6: {  	v49 =	vmul.f32 s31, v6;
	v0 =	vadd.f32 v44, v2;
	v2 =	vadd.f32 v48, v47  }
0x3e7: {  	v1 =	vadd.f32 v3, v1;
	v4 =	vadd.f32 v8, v4;
	v8 =	vmul.f32 s20, v6;
	v18 =	vpop (erf)  }
0x3e8: {  	v52 =	vmul.f32 s28, v6;
	v2 =	vadd.f32 v49, v2;
	v7 =	vadd.f32 v18, v19  }
0x3e9: {  	v5 =	vadd.f32 v8, v5;
	v6 =	vmax.f32 v0, v4;
	v21 =	vpop (erf)  }
0x3ea: {  	v1 =	vadd.f32 v52, v1;
	v53 =	vmax.f32 v6, v2;
	v7 =	vadd.f32 v7, v21  }
0x3eb: {  	v3 =	vmax.f32 v53, v5;
	v22 =	vpop (erf)  }
0x3ec: {  	v55 =	vld [tilespmem:$0xC100];
	v3 =	vmax.f32 v3, v1;
	v6 =	vadd.f32 v7, v22  }
0x3ed: {  	v0 =	vsub.f32 v0, v3;
	v23 =	vpop (erf)  }
0x3ee: {  	v57 =	vld [tilespmem:$0xC180];
	v6 =	vadd.f32 v6, v23  }
0x3ef: {  	v0 =	vmul.f32 $1.442695020e+00, v0  }
0x3f0: {  	v4 =	vsub.f32 v4, v3;
	(erf) = vrcp.f32 v6  }
0x3f1: {  	v59 =	vmul.f32 s9, v55;
	(erf) = vpow2.f32 v0  }
0x3f2: {  	v12 =	vmul.f32 s2, v55;
	v54 =	vsub.f32 v2, v3;
	v4 =	vmul.f32 $1.442695020e+00, v4  }
0x3f3: {  	v60 =	vmul.f32 s10, v57;
	v63 =	vmul.f32 s19, v57  }
0x3f4: {  	v56 =	vsub.f32 v5, v3;
	v0 =	vmul.f32 $1.442695020e+00, v54;
	(erf) = vpow2.f32 v4  }
0x3f5: {  	v62 =	vmul.f32 s12, v55;
	v34 =	vmul.f32 s18, v55;
	v6 =	vld [tilespmem:$0xC200]  }
0x3f6: {  	v1 =	vsub.f32 v1, v3;
	v4 =	vmul.f32 $1.442695020e+00, v56;
	(erf) = vpow2.f32 v0  }
0x3f7: {  	v35 =	vmul.f32 s11, v57;
	v32 =	vmul.f32 s17, v57  }
0x3f8: {  	v58 =	vmul.f32 $1.442695020e+00, v1;
	(erf) = vpow2.f32 v4  }
0x3f9: {  	v2 =	vmul.f32 s3, v55;
	v5 =	vmul.f32 s1, v57;
	v26 =	vpop (erf)  }
0x3fa: {  	v1 =	vadd.f32 v60, v59;
	v61 =	vmul.f32 s0, v6;
	v24 =	vpop (erf);
	(erf) = vpow2.f32 v58  }
0x3fb: {  	v3 =	vadd.f32 v63, v62;
	v2 =	vadd.f32 v5, v2;
	v8 =	vmul.f32 s13, v6  }
0x3fc: {  	v33 =	vmul.f32 s31, v6;
	v0 =	vadd.f32 v61, v1;
	v1 =	vadd.f32 v32, v12  }
0x3fd: {  	v4 =	vadd.f32 v35, v34;
	v3 =	vadd.f32 v8, v3;
	v8 =	vmul.f32 s20, v6;
	v25 =	vpop (erf)  }
0x3fe: {  	v36 =	vmul.f32 s28, v6;
	v1 =	vadd.f32 v33, v1;
	v7 =	vadd.f32 v25, v24  }
0x3ff: {  	v4 =	vadd.f32 v8, v4;
	v6 =	vmax.f32 v0, v3;
	v27 =	vpop (erf)  }
0x400: {  	v2 =	vadd.f32 v36, v2;
	v37 =	vmax.f32 v6, v1;
	v7 =	vadd.f32 v7, v27  }
0x401: {  	v5 =	vmax.f32 v37, v4;
	v28 =	vpop (erf)  }
0x402: {  	v39 =	vld [tilespmem:$0xC110];
	v5 =	vmax.f32 v5, v2;
	v6 =	vadd.f32 v7, v28  }
0x403: {  	v0 =	vsub.f32 v0, v5;
	v29 =	vpop (erf)  }
0x404: {  	v6 =	vadd.f32 v6, v29  }
0x405: {  	v0 =	vmul.f32 $1.442695020e+00, v0  }
0x406: {  	v41 =	vld [tilespmem:$0xC190];
	v3 =	vsub.f32 v3, v5;
	(erf) = vrcp.f32 v6  }
0x407: {  	v43 =	vmul.f32 s9, v39;
	(erf) = vpow2.f32 v0  }
0x408: {  	v46 =	vmul.f32 s12, v39;
	v38 =	vsub.f32 v1, v5;
	v3 =	vmul.f32 $1.442695020e+00, v3  }
0x409: {  	v48 =	vmul.f32 s2, v39;
	v51 =	vmul.f32 s18, v39  }
0x40a: {  	v40 =	vsub.f32 v4, v5;
	v0 =	vmul.f32 $1.442695020e+00, v38;
	(erf) = vpow2.f32 v3  }
0x40b: {  	v44 =	vmul.f32 s10, v41;
	v47 =	vmul.f32 s19, v41;
	v6 =	vld [tilespmem:$0xC210]  }
0x40c: {  	v2 =	vsub.f32 v2, v5;
	v3 =	vmul.f32 $1.442695020e+00, v40;
	(erf) = vpow2.f32 v0  }
0x40d: {  	v49 =	vmul.f32 s17, v41;
	v52 =	vmul.f32 s11, v41  }
0x40e: {  	v42 =	vmul.f32 $1.442695020e+00, v2;
	(erf) = vpow2.f32 v3  }
0x40f: {  	v1 =	vmul.f32 s3, v39;
	v4 =	vmul.f32 s1, v41;
	v32 =	vpop (erf)  }
0x410: {  	v2 =	vadd.f32 v44, v43;
	v45 =	vmul.f32 s0, v6;
	v30 =	vpop (erf);
	(erf) = vpow2.f32 v42  }
0x411: {  	v5 =	vadd.f32 v52, v51;
	v3 =	vadd.f32 v47, v46;
	v8 =	vmul.f32 s13, v6  }
0x412: {  	v50 =	vmul.f32 s31, v6;
	v0 =	vadd.f32 v45, v2;
	v2 =	vadd.f32 v49, v48  }
0x413: {  	v1 =	vadd.f32 v4, v1;
	v3 =	vadd.f32 v8, v3;
	v8 =	vmul.f32 s20, v6;
	v31 =	vpop (erf)  }
0x414: {  	v53 =	vmul.f32 s28, v6;
	v2 =	vadd.f32 v50, v2;
	v7 =	vadd.f32 v31, v30  }
0x415: {  	v5 =	vadd.f32 v8, v5;
	v6 =	vmax.f32 v0, v3;
	v33 =	vpop (erf)  }
0x416: {  	v1 =	vadd.f32 v53, v1;
	v54 =	vmax.f32 v6, v2;
	v7 =	vadd.f32 v7, v33  }
0x417: {  	v4 =	vmax.f32 v54, v5;
	v34 =	vpop (erf)  }
0x418: {  	v56 =	vld [tilespmem:$0xC120];
	v4 =	vmax.f32 v4, v1;
	v6 =	vadd.f32 v7, v34  }
0x419: {  	v0 =	vsub.f32 v0, v4;
	v35 =	vpop (erf)  }
0x41a: {  	v58 =	vld [tilespmem:$0xC1A0];
	v6 =	vadd.f32 v6, v35  }
0x41b: {  	v0 =	vmul.f32 $1.442695020e+00, v0  }
0x41c: {  	v3 =	vsub.f32 v3, v4;
	(erf) = vrcp.f32 v6  }
0x41d: {  	v60 =	vmul.f32 s9, v56;
	(erf) = vpow2.f32 v0  }
0x41e: {  	v63 =	vmul.f32 s12, v56;
	v55 =	vsub.f32 v2, v4;
	v3 =	vmul.f32 $1.442695020e+00, v3  }
0x41f: {  	v61 =	vmul.f32 s10, v58;
	v12 =	vmul.f32 s19, v58  }
0x420: {  	v57 =	vsub.f32 v5, v4;
	v0 =	vmul.f32 $1.442695020e+00, v55;
	(erf) = vpow2.f32 v3  }
0x421: {  	v44 =	vmul.f32 s2, v56;
	v47 =	vmul.f32 s18, v56;
	v6 =	vld [tilespmem:$0xC220]  }
0x422: {  	v1 =	vsub.f32 v1, v4;
	v3 =	vmul.f32 $1.442695020e+00, v57;
	(erf) = vpow2.f32 v0  }
0x423: {  	v45 =	vmul.f32 s17, v58;
	v48 =	vmul.f32 s11, v58  }
0x424: {  	v59 =	vmul.f32 $1.442695020e+00, v1;
	(erf) = vpow2.f32 v3  }
0x425: {  	v2 =	vmul.f32 s3, v56;
	v5 =	vmul.f32 s1, v58;
	v37 =	vpop (erf)  }
0x426: {  	v1 =	vadd.f32 v61, v60;
	v62 =	vmul.f32 s0, v6;
	v36 =	vpop (erf);
	(erf) = vpow2.f32 v59  }
0x427: {  	v4 =	vadd.f32 v48, v47;
	v3 =	vadd.f32 v12, v63;
	v8 =	vmul.f32 s13, v6  }
0x428: {  	v46 =	vmul.f32 s31, v6;
	v0 =	vadd.f32 v62, v1;
	v1 =	vadd.f32 v45, v44  }
0x429: {  	v2 =	vadd.f32 v5, v2;
	v3 =	vadd.f32 v8, v3;
	v8 =	vmul.f32 s20, v6;
	v38 =	vpop (erf)  }
0x42a: {  	v49 =	vmul.f32 s28, v6;
	v1 =	vadd.f32 v46, v1;
	v7 =	vadd.f32 v38, v36  }
0x42b: {  	v4 =	vadd.f32 v8, v4;
	v6 =	vmax.f32 v0, v3;
	v39 =	vpop (erf)  }
0x42c: {  	v2 =	vadd.f32 v49, v2;
	v50 =	vmax.f32 v6, v1;
	v7 =	vadd.f32 v7, v39  }
0x42d: {  	v52 =	vld [tilespmem:$0xC130];
	v5 =	vmax.f32 v50, v4;
	v40 =	vpop (erf)  }
0x42e: {  	v5 =	vmax.f32 v5, v2;
	v6 =	vadd.f32 v7, v40  }
0x42f: {  	v54 =	vld [tilespmem:$0xC1B0];
	v0 =	vsub.f32 v0, v5;
	v41 =	vpop (erf)  }
0x430: {  	v6 =	vadd.f32 v6, v41  }
0x431: {  	v0 =	vmul.f32 $1.442695020e+00, v0  }
0x432: {  	v56 =	vmul.f32 s9, v52;
	v3 =	vsub.f32 v3, v5;
	(erf) = vrcp.f32 v6  }
0x433: {  	v61 =	vmul.f32 s2, v52;
	(erf) = vpow2.f32 v0  }
0x434: {  	v60 =	vmul.f32 s19, v54;
	v51 =	vsub.f32 v1, v5;
	v3 =	vmul.f32 $1.442695020e+00, v3  }
0x435: {  	v48 =	vmul.f32 s11, v54;
	v57 =	vmul.f32 s10, v54  }
0x436: {  	v53 =	vsub.f32 v4, v5;
	v6 =	vld [tilespmem:$0xC230];
	v0 =	vmul.f32 $1.442695020e+00, v51;
	(erf) = vpow2.f32 v3  }
0x437: {  	v12 =	vmul.f32 s18, v52;
	v62 =	vmul.f32 s17, v54  }
0x438: {  	v2 =	vsub.f32 v2, v5;
	v3 =	vmul.f32 $1.442695020e+00, v53;
	(erf) = vpow2.f32 v0  }
0x439: {  	v59 =	vmul.f32 s12, v52;
	v1 =	vmul.f32 s3, v52  }
0x43a: {  	v55 =	vmul.f32 $1.442695020e+00, v2;
	(erf) = vpow2.f32 v3  }
0x43b: {  	v4 =	vmul.f32 s1, v54;
	v2 =	vadd.f32 v57, v56;
	v58 =	vmul.f32 s0, v6;
	v42 =	vpop (erf)  }
0x43c: {  	v3 =	vadd.f32 v60, v59;
	v8 =	vmul.f32 s13, v6;
	v43 =	vpop (erf);
	(erf) = vpow2.f32 v55  }
0x43d: {  	v63 =	vmul.f32 s31, v6;
	v0 =	vadd.f32 v58, v2;
	v2 =	vadd.f32 v62, v61  }
0x43e: {  	v5 =	vadd.f32 v48, v12;
	v3 =	vadd.f32 v8, v3;
	v8 =	vmul.f32 s20, v6  }
0x43f: {  	v1 =	vadd.f32 v4, v1;
	v49 =	vmul.f32 s28, v6;
	v2 =	vadd.f32 v63, v2;
	v44 =	vpop (erf)  }
0x440: {  	v5 =	vadd.f32 v8, v5;
	v6 =	vmax.f32 v0, v3;
	v7 =	vadd.f32 v44, v43  }
0x441: {  	v1 =	vadd.f32 v49, v1;
	v50 =	vmax.f32 v6, v2;
	v45 =	vpop (erf)  }
0x442: {  	v4 =	vmax.f32 v50, v5;
	v7 =	vadd.f32 v7, v45  }
0x443: {  	v46 =	vpop (erf);
	v4 =	vmax.f32 v4, v1  }
0x444: {  	v0 =	vsub.f32 v0, v4;
	v6 =	vadd.f32 v7, v46  }
0x445: {  	v3 =	vsub.f32 v3, v4;
	v2 =	vsub.f32 v2, v4;
	v7 =	vld [tilespmem:$0xC140];
	v47 =	vpop (erf)  }
0x446: {  	v5 =	vsub.f32 v5, v4;
	v0 =	vmul.f32 $1.442695020e+00, v0;
	v6 =	vadd.f32 v6, v47  }
0x447: {  	v1 =	vsub.f32 v1, v4;
	v3 =	vmul.f32 $1.442695020e+00, v3;
	v51 =	vmul.f32 $1.442695020e+00, v2  }
0x448: {  	v52 =	vmul.f32 $1.442695020e+00, v5;
	(erf) = vrcp.f32 v6;
	v6 =	vld [tilespmem:$0xC1C0]  }
0x449: {  	v53 =	vmul.f32 $1.442695020e+00, v1;
	(erf) = vpow2.f32 v0  }
0x44a: {  	v54 =	vmul.f32 s9, v7;
	(erf) = vpow2.f32 v3;
	v3 =	vld [tilespmem:$0xC240]  }
0x44b: {  	v56 =	vmul.f32 s12, v7;
	(erf) = vpow2.f32 v51  }
0x44c: {  	v62 =	vmul.f32 s2, v7;
	(erf) = vpow2.f32 v52  }
0x44d: {  	v55 =	vmul.f32 s10, v6;
	v57 =	vmul.f32 s19, v6  }
0x44e: {  	(erf) = vpow2.f32 v53;
	v63 =	vmul.f32 s17, v6  }
0x44f: {  	v58 =	vadd.f32 v55, v54;
	v59 =	vmul.f32 s0, v3;
	v61 =	vmul.f32 s13, v3  }
0x450: {  	v60 =	vadd.f32 v57, v56;
	v12 =	vmul.f32 s31, v3;
	v54 =	vmul.f32 s18, v7  }
0x451: {  	v55 =	vmul.f32 s11, v6;
	v1 =	vadd.f32 v63, v62;
	v6 =	vmul.f32 s1, v6;
	v8 =	vpop (erf)  }
0x452: {  	v56 =	vmul.f32 s3, v7;
	v0 =	vadd.f32 v59, v58;
	v2 =	vadd.f32 v61, v60;
	v49 =	vpop (erf)  }
0x453: {  	v57 =	vmul.f32 s20, v3;
	v4 =	vadd.f32 v55, v54;
	v1 =	vadd.f32 v12, v1;
	v51 =	vpop (erf)  }
0x454: {  	v3 =	vmul.f32 s28, v3;
	v5 =	vadd.f32 v6, v56;
	v7 =	vadd.f32 v51, v49  }
0x455: {  	v15 =	vmul.f32 v20, v15;
	v4 =	vadd.f32 v57, v4;
	v58 =	vmax.f32 v0, v2;
	v6 =	vpop (erf)  }
0x456: {  	v3 =	vadd.f32 v3, v5;
	v59 =	vmax.f32 v58, v1;
	v7 =	vadd.f32 v7, v6  }
0x457: {  	v13 =	vmul.f32 v20, v13;
	v14 =	vmul.f32 v20, v14;
	v60 =	vpop (erf);
	v5 =	vmax.f32 v59, v4  }
0x458: {  	[tilespmem:$0xC5D0] =	vst v15;
	v15 =	vmul.f32 v26, v19;
	v5 =	vmax.f32 v5, v3;
	v7 =	vadd.f32 v7, v60  }
0x459: {  	v19 =	vmul.f32 v26, v23;
	v23 =	vmul.f32 v32, v27;
	v61 =	vpop (erf);
	v0 =	vsub.f32 v0, v5  }
0x45a: {  	[tilespmem:$0xC4D0] =	vst v13;
	v35 =	vmul.f32 v37, v35;
	v2 =	vsub.f32 v2, v5;
	v7 =	vadd.f32 v7, v61  }
0x45b: {  	[tilespmem:$0xC550] =	vst v14;
	v36 =	vmul.f32 v42, v36;
	v0 =	vmul.f32 $1.442695020e+00, v0  }
0x45c: {  	[tilespmem:$0xC4E0] =	vst v15;
	v1 =	vsub.f32 v1, v5;
	v2 =	vmul.f32 $1.442695020e+00, v2;
	(erf) = vrcp.f32 v7  }
0x45d: {  	[tilespmem:$0xC6E0] =	vst v19;
	v40 =	vmul.f32 v42, v40;
	(erf) = vpow2.f32 v0  }
0x45e: {  	[tilespmem:$0xC5F0] =	vst v23;
	v4 =	vsub.f32 v4, v5;
	v1 =	vmul.f32 $1.442695020e+00, v1;
	(erf) = vpow2.f32 v2  }
0x45f: {  	[tilespmem:$0xC700] =	vst v35;
	v62 =	vmul.f32 v20, v16;
	v63 =	vmul.f32 v20, v17  }
0x460: {  	[tilespmem:$0xC510] =	vst v36;
	v20 =	vsub.f32 v3, v5;
	v4 =	vmul.f32 $1.442695020e+00, v4;
	(erf) = vpow2.f32 v1  }
0x461: {  	[tilespmem:$0xC690] =	vst v40;
	v16 =	vmul.f32 v26, v18  }
0x462: {  	[tilespmem:$0xC650] =	vst v62;
	v1 =	vmul.f32 $1.442695020e+00, v20;
	(erf) = vpow2.f32 v4  }
0x463: {  	v17 =	vmul.f32 v26, v21;
	[tilespmem:$0xC6D0] =	vst v63  }
0x464: {  	v18 =	vmul.f32 v26, v22;
	[tilespmem:$0xC560] =	vst v16;
	(erf) = vpow2.f32 v1  }
0x465: {  	v21 =	vmul.f32 v32, v24;
	[tilespmem:$0xC5E0] =	vst v17;
	v26 =	vpop (erf)  }
0x466: {  	v22 =	vmul.f32 v32, v25;
	v24 =	vmul.f32 v32, v28;
	[tilespmem:$0xC660] =	vst v18;
	v27 =	vpop (erf)  }
0x467: {  	v25 =	vmul.f32 v32, v29;
	[tilespmem:$0xC4F0] =	vst v21;
	v7 =	vmul.f32 v37, v34;
	v29 =	vpop (erf)  }
0x468: {  	v28 =	vmul.f32 v37, v30;
	[tilespmem:$0xC570] =	vst v22;
	v32 =	vadd.f32 v29, v27  }
0x469: {  	v30 =	vmul.f32 v37, v31;
	v31 =	vmul.f32 v37, v33;
	[tilespmem:$0xC670] =	vst v24;
	v33 =	vpop (erf)  }
0x46a: {  	[tilespmem:$0xC6F0] =	vst v25;
	v5 =	vadd.f32 v32, v33  }
0x46b: {  	[tilespmem:$0xC680] =	vst v7;
	v7 =	vpop (erf)  }
0x46c: {  	[tilespmem:$0xC500] =	vst v28;
	v43 =	vmul.f32 v8, v43;
	v5 =	vadd.f32 v5, v7  }
0x46d: {  	[tilespmem:$0xC580] =	vst v30;
	v37 =	vmul.f32 v42, v38;
	v38 =	vmul.f32 v42, v39;
	v39 =	vpop (erf)  }
0x46e: {  	[tilespmem:$0xC600] =	vst v31;
	v52 =	vmul.f32 v8, v44;
	v5 =	vadd.f32 v5, v39  }
0x46f: {  	v53 =	vmul.f32 v8, v45;
	[tilespmem:$0xC520] =	vst v43  }
0x470: {  	v54 =	vmul.f32 v8, v46;
	[tilespmem:$0xC5A0] =	vst v52;
	(erf) = vrcp.f32 v5  }
0x471: {  	v55 =	vmul.f32 v8, v47;
	[tilespmem:$0xC620] =	vst v53  }
0x472: {  	[tilespmem:$0xC6A0] =	vst v54  }
0x473: {  	[tilespmem:$0xC720] =	vst v55  }
0x474: {  	v42 =	vmul.f32 v42, v41;
	[tilespmem:$0xC590] =	vst v37  }
0x475: {  	[tilespmem:$0xC610] =	vst v38;
	v56 =	vmul.f32 v26, v49  }
0x476: {  	[tilespmem:$0xC710] =	vst v42;
	v57 =	vmul.f32 v26, v51  }
0x477: {  	v58 =	vmul.f32 v26, v6;
	[tilespmem:$0xC530] =	vst v56  }
0x478: {  	v59 =	vmul.f32 v26, v60;
	[tilespmem:$0xC5B0] =	vst v57  }
0x479: {  	v2 =	vmul.f32 v26, v61;
	[tilespmem:$0xC630] =	vst v58;
	v60 =	vpop (erf)  }
0x47a: {  	[tilespmem:$0xC6B0] =	vst v59;
	v0 =	vmul.f32 v60, v27  }
0x47b: {  	s14 =	sadd.s32 $0x1, s14;
	[tilespmem:$0xC730] =	vst v2;
	v1 =	vmul.f32 v60, v29  }
0x47c: {  	p0 =	sne.s32 s14, $0x20;
	v61 =	vmul.f32 v60, v33;
	[tilespmem:$0xC540] =	vst v0  }
.Ltmp2:
0x47d: {  	v62 =	vmul.f32 v60, v7;
	[tilespmem:$0xC5C0] =	vst v1;
	(pc) =	sbr.rel @p0 .LBB2_2-.Ltmp2, $4  }
0x47e: {  	s28 =	sor.u32 s6, s15;
	v63 =	vmul.f32 v60, v39;
	[tilespmem:$0xC640] =	vst v61  }
0x47f: {  	s0 =	sshrl.u32 s28, $0x3;
	[tilespmem:$0xC6C0] =	vst v62  }
0x480: {  	s31 =	simm.s32 $0xC4D0;
	s0 =	sadd.s32 s8, s0;
	[tilespmem:$0xC740] =	vst v63  }
0x481: {  	v8 =	vmov v9;
	[hbm4b:s0+s16] =	stream.strided.scatter [tilespmem:s31], [sflag:$0x6], $0x280, s26, s16, $0x38;
	[tilespmem:$0xC750] =	vst v63  }
0x482: {  	s0 =	simm.s32 $0x5  }
0x483: {  	_ =	swait.ge [sflag:s0], $0x280  }
0x484: {  	[sflag:s0] =	ssyncset.done $0x0  }
0x485: {  	s1 =	simm.s32 $0x6;
	[sflag:s0] =	ssyncadd.s32 $0xFFFFFD80  }
0x486: {  	_ =	swait.ge [sflag:s1], $0x280  }
0x487: {  	s2 =	rddreg [dreg:$0x9]  }
0x488: {  	s31 =	rddreg [dreg:$0x8];
	s2 =	sadd.s32 $0x1, s2  }
0x489: {  	p0 =	sne.s32 s2, s31  }
.Ltmp3:
0x48a: {  	_ = 	snop;
	(pc) =	sbr.rel @p0 .LBB2_1-.Ltmp3, $3  }
0x48b: {  	_ =	sdelay $0x1  }
0x48c: {  	[sflag:s1] =	ssyncset.done $0x0  }
0x48d: {  	[sflag:s1] =	ssyncadd.s32 $0xFFFFFD80  }
0x48e: {  	_ =	sfence.sel $0x180000  }
0x48f: {  	[bflag:$0x0] =	sbarrier.arrive $0xFFFF  }
0x490: {  	_ =	strace $0x90000047  }
0x491: {  	s0 =	stileid.u32;
	[bflag:$0x2] =	sbarrier.arrive $0xFFFF  }
0x492: {  	p0 =	sne.s32 s0, $0x0;
	s0 =	rddreg [dreg:$0x4]  }
0x493: {  	s0 =	sadd.s32 @!p0 $0x100000, s0  }
0x494: {  	[sflag:s0] =	ssyncadd.tile.s32 @!p0 $0x1;
	_ =	shalt  }
.Lfunc_end2:
_tile_overlayer_lowered:
.L_overlay_start_2:
0x495: {  	(tag) =	ssettag $0x2  }
0x496: {  	s0 =	rddreg [dreg:$0x0];
	s2 =	stileid.u32  }
0x497: {  	s1 =	rddreg [dreg:$0x1];
	p0 =	sne.s32 s2, $0x0  }
0x498: {  	s3 =	rddreg [dreg:$0x2];
	[bflag:$0x3] =	sbarrier.arrive $0xFFFF;
	s2 =	simm.s32 @!p0 $0x1C07  }
0x499: {  	[timem:s3], [sflag:s2] =	dma.local @!p0 [hbm:s0], s1  }
0x49a: {  	s0 =	simm.s32 @!p0 $0x7  }
0x49b: {  	_ =	swait.ge @!p0 [sflag:s0], s1  }
0x49c: {  	s1 =	ssub.s32 @!p0 $0x0, s1;
	[sflag:s0] =	ssyncset.done @!p0 $0x0  }
0x49d: {  	[sflag:s0] =	ssyncadd.s32 @!p0 s1  }
0x49e: {  	[bflag:$0x3] =	sbarrier.arrive $0xFFFF  }
0x49f: {  	_ =	shalt  }

</sc_bundles>
